<compile_context>
chip_gen: v7x
topology: tpu7x:2x2x1
jax: 0.10.2.dev20260603
libtpu: 0.0.44.dev20260713+nightly
codegen_flags: <defaults>
</compile_context>

<pallas_src>
import functools

import jax
import jax.numpy as jnp
from jax import lax
from jax.experimental import pallas as pl
from jax.experimental.pallas import tpu as pltpu
from jax.experimental.pallas import tpu_sc as plsc

_N = 10000
_E = 320000
_NC = 2
_NS = 16
_NW = _NC * _NS
_CH = 40
_CHC = 80
_RQ = 624
_RT = _N - _NS * _RQ

_F32 = jnp.float32



def _sc_edge_pass(col_split: bool):
    mesh = plsc.VectorSubcoreMesh(core_axis_name="c", subcore_axis_name="s",
                                  num_cores=_NC, num_subcores=_NS)

    out_type = [jax.ShapeDtypeStruct((_NC * _N, 128), _F32)]
    scratch = (
        [pltpu.VMEM((_CH,), jnp.int32)] * 10
        + [pltpu.VMEM((_CH, 128), _F32)] * 8
        + [pltpu.VMEM_SHARED((_N, 128), _F32)]
        + [pltpu.SemaphoreType.DMA] * 12
    )
    if col_split:
        edges_per_worker = _E // _NS
    else:
        edges_per_worker = _E // _NW
    n_chunks = edges_per_worker // _CH
    assert n_chunks % 2 == 0

    def body(a_hbm, b_hbm, pe_hbm, src_hbm, dst_hbm, z128_hbm, s_out, *rest):
        srcv, dstv, gidx, gsrc, sdst = (rest[0:2], rest[2:4], rest[4:6],
                                        rest[6:8], rest[8:10])
        av, bv, pev, hv = rest[10:12], rest[12:14], rest[14:16], rest[16:18]
        s_sh = rest[18]
        sema, semb, semp = rest[19:21], rest[21:23], rest[23:25]
        semsc, semis, semid = rest[25:27], rest[27:29], rest[29:31]

        cid = lax.axis_index("c")
        sid = lax.axis_index("s")

        row0 = sid * _RQ
        pltpu.sync_copy(z128_hbm.at[pl.ds(row0, _RQ)],
                        s_sh.at[pl.ds(row0, _RQ)])

        @pl.when(sid == _NS - 1)
        def _tail_zero():
            pltpu.sync_copy(z128_hbm.at[pl.ds(_NS * _RQ, _RT)],
                            s_sh.at[pl.ds(_NS * _RQ, _RT)])

        plsc.subcore_barrier()

        if col_split:
            ebase = sid * edges_per_worker
        else:
            ebase = (sid * _NC + cid) * edges_per_worker

        def idx_fire(jj, p):
            base = ebase + jj * _CH
            pltpu.async_copy(src_hbm.at[pl.ds(base, _CH)], srcv[p], semis[p])
            pltpu.async_copy(dst_hbm.at[pl.ds(base, _CH)], dstv[p], semid[p])

        def idx_wait(p):
            pltpu.make_async_copy(src_hbm.at[pl.ds(0, _CH)], srcv[p],
                                  semis[p]).wait()
            pltpu.make_async_copy(dst_hbm.at[pl.ds(0, _CH)], dstv[p],
                                  semid[p]).wait()

        def gathers_fire(jj, p):
            if col_split:
                for off in (0, 16, 24):
                    sl = pl.ds(off, 16)
                    gidx[p][sl] = dstv[p][sl] + cid * _N
                    gsrc[p][sl] = srcv[p][sl] + cid * _N
                ia, ib = gidx[p], gsrc[p]
                pe_base = cid * _E + ebase + jj * _CH
            else:
                ia, ib = dstv[p], srcv[p]
                pe_base = ebase + jj * _CH
            pltpu.async_copy(a_hbm.at[ia], av[p], sema[p])
            pltpu.async_copy(b_hbm.at[ib], bv[p], semb[p])
            pltpu.async_copy(pe_hbm.at[pl.ds(pe_base, _CH)], pev[p], semp[p])

        def gathers_wait(p):
            ia = gidx[p] if col_split else dstv[p]
            ib = gsrc[p] if col_split else srcv[p]
            pltpu.make_async_copy(a_hbm.at[ia], av[p], sema[p]).wait()
            pltpu.make_async_copy(b_hbm.at[ib], bv[p], semb[p]).wait()
            pltpu.make_async_copy(pe_hbm.at[pl.ds(0, _CH)], pev[p],
                                  semp[p]).wait()

        pltpu.sync_copy(src_hbm.at[pl.ds(ebase, _CH)], srcv[0])
        pltpu.sync_copy(dst_hbm.at[pl.ds(ebase, _CH)], dstv[0])
        gathers_fire(0, 0)
        idx_fire(1, 1)

        @pl.loop(0, n_chunks, step=2)
        def _macro(j):
            for p in (0, 1):
                jj = j + p
                q = 1 - p
                gathers_wait(p)

                @pl.when(jj + 1 < n_chunks)
                def _fire_next():
                    idx_wait(q)
                    gathers_fire(jj + 1, q)

                @pl.when(jj >= 2)
                def _drain_scatter():
                    pltpu.make_async_copy(hv[p], s_sh.at[sdst[p]],
                                          semsc[p]).wait()

                for off in (0, 16, 24):
                    sl = pl.ds(off, 16)
                    sdst[p][sl] = dstv[p][sl]

                @pl.loop(0, _CH)
                def _compute(r):
                    for cc in range(8):
                        sl = pl.ds(cc * 16, 16)
                        hv[p][r, sl] = jnp.maximum(
                            av[p][r, sl] + bv[p][r, sl] + pev[p][r, sl], 0.0)

                @pl.when(jj + 2 < n_chunks)
                def _prefetch_idx():
                    idx_fire(jj + 2, p)

                pltpu.async_copy(hv[p], s_sh.at[sdst[p]], semsc[p], add=True)

        for p in (0, 1):
            pltpu.make_async_copy(hv[p], s_sh.at[sdst[p]], semsc[p]).wait()

        plsc.subcore_barrier()

        pltpu.sync_copy(s_sh.at[pl.ds(row0, _RQ)],
                        s_out.at[pl.ds(cid * _N + row0, _RQ)])

        @pl.when(sid == _NS - 1)
        def _tail_wb():
            pltpu.sync_copy(s_sh.at[pl.ds(_NS * _RQ, _RT)],
                            s_out.at[pl.ds(cid * _N + _NS * _RQ, _RT)])

    return pl.kernel(body, out_type=out_type, mesh=mesh,
                     scratch_types=scratch)


_sc_pass1 = _sc_edge_pass(col_split=True)
_sc_pass23 = _sc_edge_pass(col_split=False)


def _sc_counts_build():
    mesh = plsc.VectorSubcoreMesh(core_axis_name="c", subcore_axis_name="s",
                                  num_cores=_NC, num_subcores=_NS)
    out_type = [jax.ShapeDtypeStruct((_NC * _N, 16), _F32)]
    scratch = [
        pltpu.VMEM((_CHC,), jnp.int32),
        pltpu.VMEM((_CHC, 16), _F32),
        pltpu.VMEM_SHARED((_N, 16), _F32),
    ]
    epw = _E // _NW
    n_chunks = epw // _CHC

    def body(dst_hbm, z16_hbm, ones_hbm, cnt_out, dstv, onesv, cnt_sh):
        cid = lax.axis_index("c")
        sid = lax.axis_index("s")
        row0 = sid * _RQ
        pltpu.sync_copy(ones_hbm, onesv)
        pltpu.sync_copy(z16_hbm.at[pl.ds(row0, _RQ)],
                        cnt_sh.at[pl.ds(row0, _RQ)])

        @pl.when(sid == _NS - 1)
        def _tail_zero():
            pltpu.sync_copy(z16_hbm.at[pl.ds(_NS * _RQ, _RT)],
                            cnt_sh.at[pl.ds(_NS * _RQ, _RT)])

        plsc.subcore_barrier()
        ebase = (sid * _NC + cid) * epw

        @pl.loop(0, n_chunks)
        def _chunk(j):
            pltpu.sync_copy(dst_hbm.at[pl.ds(ebase + j * _CHC, _CHC)], dstv)
            pltpu.sync_copy(onesv, cnt_sh.at[dstv], add=True)

        plsc.subcore_barrier()
        pltpu.sync_copy(cnt_sh.at[pl.ds(row0, _RQ)],
                        cnt_out.at[pl.ds(cid * _N + row0, _RQ)])

        @pl.when(sid == _NS - 1)
        def _tail_wb():
            pltpu.sync_copy(cnt_sh.at[pl.ds(_NS * _RQ, _RT)],
                            cnt_out.at[pl.ds(cid * _N + _NS * _RQ, _RT)])

    return pl.kernel(body, out_type=out_type, mesh=mesh,
                     scratch_types=scratch)


_sc_counts = _sc_counts_build()



def _proj_body(g_ref, w_ref, b_ref, o_ref):
    o_ref[0] = (jnp.dot(g_ref[...], w_ref[0],
                        preferred_element_type=_F32)
                + b_ref[0])


def _proj(g, wstack, bstack, bn):
    k, d, _ = wstack.shape
    n = g.shape[0]
    bstack = bstack.reshape(k, 1, 128)
    return pl.pallas_call(
        _proj_body,
        grid=(k, n // bn),
        in_specs=[
            pl.BlockSpec((bn, d), lambda kk, i: (i, 0)),
            pl.BlockSpec((1, d, 128), lambda kk, i: (kk, 0, 0)),
            pl.BlockSpec((1, 1, 128), lambda kk, i: (kk, 0, 0)),
        ],
        out_specs=pl.BlockSpec((1, bn, 128), lambda kk, i: (kk, i, 0)),
        out_shape=jax.ShapeDtypeStruct((k, n, 128), _F32),
    )(g, wstack, bstack)


def _post_body(col_split, final, h, *refs):
    if final:
        (s_ref, cnt_ref, w2_ref, b2_ref, g_ref, bt_ref,
         x_ref, fw1, fb1, fw2, fb2, fw3, fb3, fw4, fb4, o_ref) = refs
    else:
        s_ref, cnt_ref, w2_ref, b2_ref, g_ref, bt_ref, o_ref = refs
    if col_split:
        s = jnp.concatenate([s_ref[0], s_ref[1]], axis=-1)
    else:
        s = s_ref[0] + s_ref[1]
    cnt = cnt_ref[0, :, 0:1] + cnt_ref[1, :, 0:1]
    u = jnp.dot(s, w2_ref[...], preferred_element_type=_F32)
    u = u + cnt * b2_ref[0][None, :]
    u = jnp.maximum(u, 0.0)
    mu = jnp.mean(u, axis=-1, keepdims=True)
    var = jnp.mean((u - mu) ** 2, axis=-1, keepdims=True)
    y = (u - mu) / jnp.sqrt(var + 1e-5) * g_ref[0][None, :] + bt_ref[0][None, :]
    if final:
        f = jnp.maximum(jnp.dot(x_ref[...], fw1[...],
                                preferred_element_type=_F32) + fb1[0], 0.0)
        f = jnp.maximum(jnp.dot(f, fw2[...],
                                preferred_element_type=_F32) + fb2[0], 0.0)
        f = jnp.maximum(jnp.dot(f, fw3[...],
                                preferred_element_type=_F32) + fb3[0], 0.0)
        f = jnp.dot(f, fw4[...], preferred_element_type=_F32) + fb4[0]
        y = (y + f) * 0.5
    o_ref[...] = y


def _post_proj_body(col_split, h, refs):
    (s_ref, cnt_ref, w2_ref, b2_ref, g_ref, bt_ref,
     wn_ref, bn_ref, o_ref) = refs
    if col_split:
        s = jnp.concatenate([s_ref[0], s_ref[1]], axis=-1)
    else:
        s = s_ref[0] + s_ref[1]
    cnt = cnt_ref[0, :, 0:1] + cnt_ref[1, :, 0:1]
    u = jnp.dot(s, w2_ref[...], preferred_element_type=_F32)
    u = u + cnt * b2_ref[0][None, :]
    u = jnp.maximum(u, 0.0)
    mu = jnp.mean(u, axis=-1, keepdims=True)
    var = jnp.mean((u - mu) ** 2, axis=-1, keepdims=True)
    y = (u - mu) / jnp.sqrt(var + 1e-5) * g_ref[0][None, :] + bt_ref[0][None, :]
    for k in range(2):
        o_ref[k] = (jnp.dot(y, wn_ref[k], preferred_element_type=_F32)
                    + bn_ref[k])


def _post_proj(s, cnt, w2t, b2, g, bt, wnext, bnext, bn, col_split):
    h = 256 if col_split else 128
    n = s.shape[1]
    full = lambda shape: pl.BlockSpec(shape, lambda i: tuple(0 for _ in shape))
    in_specs = [
        pl.BlockSpec((2, bn, 128), lambda i: (0, i, 0)),
        pl.BlockSpec((2, bn, 16), lambda i: (0, i, 0)),
        full(w2t.shape),
        full((1, h)),
        full((1, h)),
        full((1, h)),
        full(wnext.shape),
        full((2, 1, 128)),
    ]
    args = [s, cnt, w2t, b2.reshape(1, h), g.reshape(1, h), bt.reshape(1, h),
            wnext, bnext.reshape(2, 1, 128)]
    return pl.pallas_call(
        lambda *refs: _post_proj_body(col_split, h, refs),
        grid=(n // bn,),
        in_specs=in_specs,
        out_specs=pl.BlockSpec((2, bn, 128), lambda i: (0, i, 0)),
        out_shape=jax.ShapeDtypeStruct((2, n, 128), _F32),
    )(*args)


def _post(s, cnt, w2t, b2, g, bt, bn, col_split, final=False, ff=None):
    h = 256 if col_split else 128
    n = s.shape[1]
    full = lambda shape: pl.BlockSpec(shape, lambda i: tuple(0 for _ in shape))
    in_specs = [
        pl.BlockSpec((2, bn, 128), lambda i: (0, i, 0)),
        pl.BlockSpec((2, bn, 16), lambda i: (0, i, 0)),
        full(w2t.shape),
        full((1, h)),
        full((1, h)),
        full((1, h)),
    ]
    args = [s, cnt, w2t, b2.reshape(1, h), g.reshape(1, h), bt.reshape(1, h)]
    if final:
        x, f1t, f1b, f2t, f2b, f3t, f3b, f4t, f4b = ff
        in_specs += [pl.BlockSpec((bn, 128), lambda i: (i, 0)),
                     full(f1t.shape), full((1, 256)),
                     full(f2t.shape), full((1, 256)),
                     full(f3t.shape), full((1, 128)),
                     full(f4t.shape), full((1, 128))]
        args += [x, f1t, f1b.reshape(1, 256), f2t, f2b.reshape(1, 256),
                 f3t, f3b.reshape(1, 128), f4t, f4b.reshape(1, 128)]
    return pl.pallas_call(
        functools.partial(_post_body, col_split, final, h),
        grid=(n // bn,),
        in_specs=in_specs,
        out_specs=pl.BlockSpec((bn, h), lambda i: (i, 0)),
        out_shape=jax.ShapeDtypeStruct((n, h), _F32),
    )(*args)



def kernel(x, edge_index, edge_attr,
           c1_w1, c1_b1, c1_w2, c1_b2, n1_g, n1_b,
           c2_w1, c2_b1, c2_w2, c2_b2, n2_g, n2_b,
           c3_w1, c3_b1, c3_w2, c3_b2, n3_g, n3_b,
           f1_w, f1_b, f2_w, f2_b, f3_w, f3_b, f4_w, f4_b):
    src = edge_index[0]
    dst = edge_index[1]
    zeros128 = jnp.zeros((128,), _F32)
    z128 = jnp.zeros((_N, 128), _F32)
    z16 = jnp.zeros((_N, 16), _F32)
    ones16 = jnp.ones((_CHC, 16), _F32)
    cnt = _sc_counts(dst, z16, ones16)[0].reshape(2, _N, 16)

    we_stack = jnp.stack([
        c1_w1[0:128, 256:272].T, c1_w1[128:256, 256:272].T,
        c2_w1[:, 512:528].T, c3_w1[:, 256:272].T,
    ])
    pe_all = _proj(edge_attr, we_stack,
                   jnp.zeros((4, 128), _F32), bn=8000)
    pe1 = pe_all[0:2].reshape(2 * _E, 128)
    pe2 = pe_all[2]
    pe3 = pe_all[3]

    w1_stack = jnp.stack([
        c1_w1[0:128, 0:128].T, c1_w1[128:256, 0:128].T,
        c1_w1[0:128, 128:256].T, c1_w1[128:256, 128:256].T,
    ])
    b1_stack = jnp.stack([c1_b1[:128], c1_b1[128:], zeros128, zeros128])
    ab1 = _proj(x, w1_stack, b1_stack, bn=2000)
    a1 = ab1[0:2].reshape(2 * _N, 128)
    b1 = ab1[2:4].reshape(2 * _N, 128)

    s1 = _sc_pass1(a1, b1, pe1, src, dst, z128)[0]

    w2_stack = jnp.stack([c2_w1[:, 0:256].T, c2_w1[:, 256:512].T])
    b2_stack = jnp.stack([c2_b1, zeros128])
    ab2 = _post_proj(s1.reshape(2, _N, 128), cnt, c1_w2.T, c1_b2, n1_g, n1_b,
                     w2_stack, b2_stack, bn=2000, col_split=True)
    s2 = _sc_pass23(ab2[0], ab2[1], pe2, src, dst, z128)[0]

    w3_stack = jnp.stack([c3_w1[:, 0:128].T, c3_w1[:, 128:256].T])
    b3_stack = jnp.stack([c3_b1, zeros128])
    ab3 = _post_proj(s2.reshape(2, _N, 128), cnt, c2_w2.T, c2_b2, n2_g, n2_b,
                     w3_stack, b3_stack, bn=2000, col_split=False)
    s3 = _sc_pass23(ab3[0], ab3[1], pe3, src, dst, z128)[0]
    out = _post(s3.reshape(2, _N, 128), cnt, c3_w2.T, c3_b2, n3_g, n3_b,
                bn=2000, col_split=False, final=True,
                ff=(x, f1_w.T, f1_b, f2_w.T, f2_b,
                    f3_w.T, f3_b, f4_w.T, f4_b))
    return out

# --- scband reference (transcript-rebuilt; emitter-appended) ---
"""Pipeline reference for scband-gnn-17609365913719 (READ-ONLY COPY).

The authoritative reference and input builder live on the scoring server;
editing this copy changes nothing except your own understanding.
"""

import jax, jax.numpy as jnp
import numpy as np

N = 10000
E = 320000
D_IN = 128
D_H = 256
D_OUT = 128
D_E = 16

def _layer_norm(h, g, b):
    mu = jnp.mean(h, axis=-1, keepdims=True)
    var = jnp.var(h, axis=-1, keepdims=True)
    return (h - mu) / jnp.sqrt(var + 1e-5) * g + b

def _conv(x, src, dst, ea, w1, b1, w2, b2):
    m = jnp.concatenate([x[dst], x[src], ea], axis=1)
    h = jax.nn.relu(m @ w1.T + b1) @ w2.T + b2
    return jax.ops.segment_sum(h, dst, num_segments=N)

def setup_inputs(seed: int = 0):
    key = jax.random.key(seed)
    keys = iter(jax.random.split(key, 40))
    def rn(shape, scale=0.05):
        return jax.random.normal(next(keys), shape, dtype=jnp.float32) * scale
    inp = {}
    inp["x"] = rn((N, D_IN), 1.0)
    inp["edge_index"] = jax.random.randint(next(keys), (2, E), 0, N, dtype=jnp.int32)
    inp["edge_attr"] = rn((E, D_E), 1.0)
    inp["c1_w1"] = rn((D_H, 2 * D_IN + D_E)); inp["c1_b1"] = jnp.zeros((D_H,), jnp.float32)
    inp["c1_w2"] = rn((D_H, D_H)); inp["c1_b2"] = jnp.zeros((D_H,), jnp.float32)
    inp["n1_g"] = jnp.ones((D_H,), jnp.float32); inp["n1_b"] = jnp.zeros((D_H,), jnp.float32)
    inp["c2_w1"] = rn((D_H // 2, 2 * D_H + D_E)); inp["c2_b1"] = jnp.zeros((D_H // 2,), jnp.float32)
    inp["c2_w2"] = rn((D_H // 2, D_H // 2)); inp["c2_b2"] = jnp.zeros((D_H // 2,), jnp.float32)
    inp["n2_g"] = jnp.ones((D_H // 2,), jnp.float32); inp["n2_b"] = jnp.zeros((D_H // 2,), jnp.float32)
    inp["c3_w1"] = rn((D_OUT, 2 * (D_H // 2) + D_E)); inp["c3_b1"] = jnp.zeros((D_OUT,), jnp.float32)
    inp["c3_w2"] = rn((D_OUT, D_OUT)); inp["c3_b2"] = jnp.zeros((D_OUT,), jnp.float32)
    inp["n3_g"] = jnp.ones((D_OUT,), jnp.float32); inp["n3_b"] = jnp.zeros((D_OUT,), jnp.float32)
    inp["f1_w"] = rn((D_H, D_IN)); inp["f1_b"] = jnp.zeros((D_H,), jnp.float32)
    inp["f2_w"] = rn((D_H, D_H)); inp["f2_b"] = jnp.zeros((D_H,), jnp.float32)
    inp["f3_w"] = rn((D_H // 2, D_H)); inp["f3_b"] = jnp.zeros((D_H // 2,), jnp.float32)
    inp["f4_w"] = rn((D_OUT, D_H // 2)); inp["f4_b"] = jnp.zeros((D_OUT,), jnp.float32)
    return inp

def reference(x, edge_index, edge_attr, c1_w1, c1_b1, c1_w2, c1_b2, n1_g, n1_b, c2_w1, c2_b1, c2_w2, c2_b2, n2_g, n2_b, c3_w1, c3_b1, c3_w2, c3_b2, n3_g, n3_b, f1_w, f1_b, f2_w, f2_b, f3_w, f3_b, f4_w, f4_b):
    src = edge_index[0]
    dst = edge_index[1]
    g = _conv(x, src, dst, edge_attr, c1_w1, c1_b1, c1_w2, c1_b2)
    g = jax.nn.relu(g)
    g = _layer_norm(g, n1_g, n1_b)
    g = _conv(g, src, dst, edge_attr, c2_w1, c2_b1, c2_w2, c2_b2)
    g = jax.nn.relu(g)
    g = _layer_norm(g, n2_g, n2_b)
    g = _conv(g, src, dst, edge_attr, c3_w1, c3_b1, c3_w2, c3_b2)
    g = jax.nn.relu(g)
    g = _layer_norm(g, n3_g, n3_b)
    f = jax.nn.relu(x @ f1_w.T + f1_b)
    f = jax.nn.relu(f @ f2_w.T + f2_b)
    f = jax.nn.relu(f @ f3_w.T + f3_b)
    f = f @ f4_w.T + f4_b
    return (g + f) / 2.0

if __name__ == "__main__":
    import jax
    _d = setup_inputs()
    print(jax.jit(kernel)(*tuple(_d.values())))

</pallas_src>

<mosaic_0001>
#map = affine_map<(d0, d1) -> (0, 0)>
#map1 = affine_map<(d0, d1) -> (0)>
module attributes {stable_mosaic.version = 14 : i64} {
  func.func @body(%arg0: i32, %arg1: i32, %arg2: memref<10000x128xf32, #tpu.memory_space<hbm>>, %arg3: memref<10000x128xf32, #tpu.memory_space<hbm>>, %arg4: memref<320000x128xf32, #tpu.memory_space<hbm>>, %arg5: memref<320000xi32, #tpu.memory_space<hbm>>, %arg6: memref<320000xi32, #tpu.memory_space<hbm>>, %arg7: memref<10000x128xf32, #tpu.memory_space<hbm>>, %arg8: memref<20000x128xf32, #tpu.memory_space<hbm>>, %arg9: memref<40xi32, #tpu.memory_space<vmem>>, %arg10: memref<40xi32, #tpu.memory_space<vmem>>, %arg11: memref<40xi32, #tpu.memory_space<vmem>>, %arg12: memref<40xi32, #tpu.memory_space<vmem>>, %arg13: memref<40xi32, #tpu.memory_space<vmem>>, %arg14: memref<40xi32, #tpu.memory_space<vmem>>, %arg15: memref<40xi32, #tpu.memory_space<vmem>>, %arg16: memref<40xi32, #tpu.memory_space<vmem>>, %arg17: memref<40xi32, #tpu.memory_space<vmem>>, %arg18: memref<40xi32, #tpu.memory_space<vmem>>, %arg19: memref<40x128xf32, #tpu.memory_space<vmem>>, %arg20: memref<40x128xf32, #tpu.memory_space<vmem>>, %arg21: memref<40x128xf32, #tpu.memory_space<vmem>>, %arg22: memref<40x128xf32, #tpu.memory_space<vmem>>, %arg23: memref<40x128xf32, #tpu.memory_space<vmem>>, %arg24: memref<40x128xf32, #tpu.memory_space<vmem>>, %arg25: memref<40x128xf32, #tpu.memory_space<vmem>>, %arg26: memref<40x128xf32, #tpu.memory_space<vmem>>, %arg27: memref<10000x128xf32, #tpu.memory_space<vmem_shared>>, %arg28: memref<!tpu.dma_semaphore, #tpu.memory_space<semaphore_mem>>, %arg29: memref<!tpu.dma_semaphore, #tpu.memory_space<semaphore_mem>>, %arg30: memref<!tpu.dma_semaphore, #tpu.memory_space<semaphore_mem>>, %arg31: memref<!tpu.dma_semaphore, #tpu.memory_space<semaphore_mem>>, %arg32: memref<!tpu.dma_semaphore, #tpu.memory_space<semaphore_mem>>, %arg33: memref<!tpu.dma_semaphore, #tpu.memory_space<semaphore_mem>>, %arg34: memref<!tpu.dma_semaphore, #tpu.memory_space<semaphore_mem>>, %arg35: memref<!tpu.dma_semaphore, #tpu.memory_space<semaphore_mem>>, %arg36: memref<!tpu.dma_semaphore, #tpu.memory_space<semaphore_mem>>, %arg37: memref<!tpu.dma_semaphore, #tpu.memory_space<semaphore_mem>>, %arg38: memref<!tpu.dma_semaphore, #tpu.memory_space<semaphore_mem>>, %arg39: memref<!tpu.dma_semaphore, #tpu.memory_space<semaphore_mem>>) attributes {dimension_semantics = [#tpu.dimension_semantics<core_parallel>, #tpu.dimension_semantics<subcore_parallel>], iteration_bounds = array<i64: 2, 16>, scalar_prefetch = 0 : i64, scratch_operands = 31 : i64, tpu.core_type = #tpu.core_type<sc_vector_subcore>, window_params = [{transform_indices = #map}, {transform_indices = #map}, {transform_indices = #map}, {transform_indices = #map1}, {transform_indices = #map1}, {transform_indices = #map}, {transform_indices = #map}]} {
    %mul3A = arith.constant 624 : i32
    %mul3A_0 = arith.muli %arg1, %mul3A : i32
    "tpu.region"() ({
      %run_scoped3A = tpu.sem_alloc : memref<!tpu.dma_semaphore, #tpu.memory_space<semaphore_mem>>
      %dma_start3A_42 = arith.constant 0 : i32
      %dma_start3A_43 = tpu.memref_slice %arg27[%mul3A_0, %dma_start3A_42] : memref<10000x128xf32, #tpu.memory_space<vmem_shared>> -> memref<624x128xf32, #tpu.memory_space<vmem_shared>>
      %dma_start3A_44 = arith.constant 0 : i32
      %dma_start3A_45 = tpu.memref_slice %arg7[%mul3A_0, %dma_start3A_44] : memref<10000x128xf32, #tpu.memory_space<hbm>> -> memref<624x128xf32, #tpu.memory_space<hbm>>
      tpu.enqueue_dma source(%dma_start3A_45 : memref<624x128xf32, #tpu.memory_space<hbm>>) target(%dma_start3A_43 : memref<624x128xf32, #tpu.memory_space<vmem_shared>>) target_semaphore(%run_scoped3A : memref<!tpu.dma_semaphore, #tpu.memory_space<semaphore_mem>>)
      %dma_wait3A_46 = arith.constant 0 : i32
      %dma_wait3A_47 = tpu.memref_slice %arg27[%mul3A_0, %dma_wait3A_46] : memref<10000x128xf32, #tpu.memory_space<vmem_shared>> -> memref<624x128xf32, #tpu.memory_space<vmem_shared>>
      %dma_wait3A_48 = arith.constant 0 : i32
      %dma_wait3A_49 = tpu.memref_slice %arg7[%mul3A_0, %dma_wait3A_48] : memref<10000x128xf32, #tpu.memory_space<hbm>> -> memref<624x128xf32, #tpu.memory_space<hbm>>
      tpu.wait_dma2 semaphore(%run_scoped3A : memref<!tpu.dma_semaphore, #tpu.memory_space<semaphore_mem>>) src(%dma_wait3A_49 : memref<624x128xf32, #tpu.memory_space<hbm>>) dst(%dma_wait3A_47 : memref<624x128xf32, #tpu.memory_space<vmem_shared>>)
      tpu.yield
    }) : () -> ()
    %eq3A = arith.constant 15 : i32
    %eq3A_1 = arith.cmpi eq, %arg1, %eq3A : i32
    %convert_element_type3A = arith.extui %eq3A_1 : i1 to i32
    %cond3A = arith.constant 0 : i32
    %cond3A_2 = arith.cmpi ne, %convert_element_type3A, %cond3A : i32
    scf.if %cond3A_2 {
      "tpu.region"() ({
        %run_scoped3A = tpu.sem_alloc : memref<!tpu.dma_semaphore, #tpu.memory_space<semaphore_mem>>
        %dma_start3A_42 = arith.constant 9984 : i32
        %dma_start3A_43 = arith.constant 0 : i32
        %dma_start3A_44 = tpu.memref_slice %arg27[%dma_start3A_42, %dma_start3A_43] : memref<10000x128xf32, #tpu.memory_space<vmem_shared>> -> memref<16x128xf32, #tpu.memory_space<vmem_shared>>
        %dma_start3A_45 = arith.constant 9984 : i32
        %dma_start3A_46 = arith.constant 0 : i32
        %dma_start3A_47 = tpu.memref_slice %arg7[%dma_start3A_45, %dma_start3A_46] : memref<10000x128xf32, #tpu.memory_space<hbm>> -> memref<16x128xf32, #tpu.memory_space<hbm>>
        tpu.enqueue_dma source(%dma_start3A_47 : memref<16x128xf32, #tpu.memory_space<hbm>>) target(%dma_start3A_44 : memref<16x128xf32, #tpu.memory_space<vmem_shared>>) target_semaphore(%run_scoped3A : memref<!tpu.dma_semaphore, #tpu.memory_space<semaphore_mem>>)
        %dma_wait3A_48 = arith.constant 9984 : i32
        %dma_wait3A_49 = arith.constant 0 : i32
        %dma_wait3A_50 = tpu.memref_slice %arg27[%dma_wait3A_48, %dma_wait3A_49] : memref<10000x128xf32, #tpu.memory_space<vmem_shared>> -> memref<16x128xf32, #tpu.memory_space<vmem_shared>>
        %dma_wait3A_51 = arith.constant 9984 : i32
        %dma_wait3A_52 = arith.constant 0 : i32
        %dma_wait3A_53 = tpu.memref_slice %arg7[%dma_wait3A_51, %dma_wait3A_52] : memref<10000x128xf32, #tpu.memory_space<hbm>> -> memref<16x128xf32, #tpu.memory_space<hbm>>
        tpu.wait_dma2 semaphore(%run_scoped3A : memref<!tpu.dma_semaphore, #tpu.memory_space<semaphore_mem>>) src(%dma_wait3A_53 : memref<16x128xf32, #tpu.memory_space<hbm>>) dst(%dma_wait3A_50 : memref<16x128xf32, #tpu.memory_space<vmem_shared>>)
        tpu.yield
      }) : () -> ()
    } else {
    }
    %barrier3A = arith.constant 0 : index
    tpu.barrier barrier_id(%barrier3A)
    %mul3A_3 = arith.constant 2 : i32
    %mul3A_4 = arith.muli %arg1, %mul3A_3 : i32
    %add3A = arith.addi %mul3A_4, %arg0 : i32
    %mul3A_5 = arith.constant 10000 : i32
    %mul3A_6 = arith.muli %add3A, %mul3A_5 : i32
    "tpu.region"() ({
      %run_scoped3A = tpu.sem_alloc : memref<!tpu.dma_semaphore, #tpu.memory_space<semaphore_mem>>
      %dma_start3A_42 = tpu.memref_slice %arg5[%mul3A_6] : memref<320000xi32, #tpu.memory_space<hbm>> -> memref<40xi32, #tpu.memory_space<hbm>>
      %dma_start3A_43 = tpu.memref_slice %arg5[%mul3A_6] : memref<320000xi32, #tpu.memory_space<hbm>> -> memref<40xi32, #tpu.memory_space<hbm>>
      tpu.enqueue_dma source(%dma_start3A_43 : memref<40xi32, #tpu.memory_space<hbm>>) target(%arg9 : memref<40xi32, #tpu.memory_space<vmem>>) target_semaphore(%run_scoped3A : memref<!tpu.dma_semaphore, #tpu.memory_space<semaphore_mem>>)
      %dma_wait3A_44 = tpu.memref_slice %arg5[%mul3A_6] : memref<320000xi32, #tpu.memory_space<hbm>> -> memref<40xi32, #tpu.memory_space<hbm>>
      %dma_wait3A_45 = tpu.memref_slice %arg5[%mul3A_6] : memref<320000xi32, #tpu.memory_space<hbm>> -> memref<40xi32, #tpu.memory_space<hbm>>
      tpu.wait_dma2 semaphore(%run_scoped3A : memref<!tpu.dma_semaphore, #tpu.memory_space<semaphore_mem>>) src(%dma_wait3A_45 : memref<40xi32, #tpu.memory_space<hbm>>) dst(%arg9 : memref<40xi32, #tpu.memory_space<vmem>>)
      tpu.yield
    }) : () -> ()
    "tpu.region"() ({
      %run_scoped3A = tpu.sem_alloc : memref<!tpu.dma_semaphore, #tpu.memory_space<semaphore_mem>>
      %dma_start3A_42 = tpu.memref_slice %arg6[%mul3A_6] : memref<320000xi32, #tpu.memory_space<hbm>> -> memref<40xi32, #tpu.memory_space<hbm>>
      %dma_start3A_43 = tpu.memref_slice %arg6[%mul3A_6] : memref<320000xi32, #tpu.memory_space<hbm>> -> memref<40xi32, #tpu.memory_space<hbm>>
      tpu.enqueue_dma source(%dma_start3A_43 : memref<40xi32, #tpu.memory_space<hbm>>) target(%arg11 : memref<40xi32, #tpu.memory_space<vmem>>) target_semaphore(%run_scoped3A : memref<!tpu.dma_semaphore, #tpu.memory_space<semaphore_mem>>)
      %dma_wait3A_44 = tpu.memref_slice %arg6[%mul3A_6] : memref<320000xi32, #tpu.memory_space<hbm>> -> memref<40xi32, #tpu.memory_space<hbm>>
      %dma_wait3A_45 = tpu.memref_slice %arg6[%mul3A_6] : memref<320000xi32, #tpu.memory_space<hbm>> -> memref<40xi32, #tpu.memory_space<hbm>>
      tpu.wait_dma2 semaphore(%run_scoped3A : memref<!tpu.dma_semaphore, #tpu.memory_space<semaphore_mem>>) src(%dma_wait3A_45 : memref<40xi32, #tpu.memory_space<hbm>>) dst(%arg11 : memref<40xi32, #tpu.memory_space<vmem>>)
      tpu.yield
    }) : () -> ()
    %add3A_7 = arith.constant 0 : i32
    %add3A_8 = arith.addi %mul3A_6, %add3A_7 : i32
    %dma_start3A = arith.constant 0 : i32
    %dma_start3A_9 = arith.constant 0 : i32
    %dma_start3A_10 = tpu.memref_slice %arg2[%dma_start3A, %dma_start3A_9] : memref<10000x128xf32, #tpu.memory_space<hbm>> -> memref<10000x128xf32, #tpu.memory_space<hbm>>
    tpu.enqueue_indirect_dma source(%dma_start3A_10 : memref<10000x128xf32, #tpu.memory_space<hbm>>) target(%arg19 : memref<40x128xf32, #tpu.memory_space<vmem>>) offsets(%arg11 : memref<40xi32, #tpu.memory_space<vmem>>) semaphore(%arg28 : memref<!tpu.dma_semaphore, #tpu.memory_space<semaphore_mem>>)
    %dma_start3A_11 = arith.constant 0 : i32
    %dma_start3A_12 = arith.constant 0 : i32
    %dma_start3A_13 = tpu.memref_slice %arg3[%dma_start3A_11, %dma_start3A_12] : memref<10000x128xf32, #tpu.memory_space<hbm>> -> memref<10000x128xf32, #tpu.memory_space<hbm>>
    tpu.enqueue_indirect_dma source(%dma_start3A_13 : memref<10000x128xf32, #tpu.memory_space<hbm>>) target(%arg21 : memref<40x128xf32, #tpu.memory_space<vmem>>) offsets(%arg9 : memref<40xi32, #tpu.memory_space<vmem>>) semaphore(%arg30 : memref<!tpu.dma_semaphore, #tpu.memory_space<semaphore_mem>>)
    %dma_start3A_14 = arith.constant 0 : i32
    %dma_start3A_15 = tpu.memref_slice %arg4[%add3A_8, %dma_start3A_14] : memref<320000x128xf32, #tpu.memory_space<hbm>> -> memref<40x128xf32, #tpu.memory_space<hbm>>
    %dma_start3A_16 = arith.constant 0 : i32
    %dma_start3A_17 = tpu.memref_slice %arg4[%add3A_8, %dma_start3A_16] : memref<320000x128xf32, #tpu.memory_space<hbm>> -> memref<40x128xf32, #tpu.memory_space<hbm>>
    tpu.enqueue_dma source(%dma_start3A_17 : memref<40x128xf32, #tpu.memory_space<hbm>>) target(%arg23 : memref<40x128xf32, #tpu.memory_space<vmem>>) target_semaphore(%arg32 : memref<!tpu.dma_semaphore, #tpu.memory_space<semaphore_mem>>)
    %add3A_18 = arith.constant 40 : i32
    %add3A_19 = arith.addi %mul3A_6, %add3A_18 : i32
    %dma_start3A_20 = tpu.memref_slice %arg5[%add3A_19] : memref<320000xi32, #tpu.memory_space<hbm>> -> memref<40xi32, #tpu.memory_space<hbm>>
    %dma_start3A_21 = tpu.memref_slice %arg5[%add3A_19] : memref<320000xi32, #tpu.memory_space<hbm>> -> memref<40xi32, #tpu.memory_space<hbm>>
    tpu.enqueue_dma source(%dma_start3A_21 : memref<40xi32, #tpu.memory_space<hbm>>) target(%arg10 : memref<40xi32, #tpu.memory_space<vmem>>) target_semaphore(%arg37 : memref<!tpu.dma_semaphore, #tpu.memory_space<semaphore_mem>>)
    %dma_start3A_22 = tpu.memref_slice %arg6[%add3A_19] : memref<320000xi32, #tpu.memory_space<hbm>> -> memref<40xi32, #tpu.memory_space<hbm>>
    %dma_start3A_23 = tpu.memref_slice %arg6[%add3A_19] : memref<320000xi32, #tpu.memory_space<hbm>> -> memref<40xi32, #tpu.memory_space<hbm>>
    tpu.enqueue_dma source(%dma_start3A_23 : memref<40xi32, #tpu.memory_space<hbm>>) target(%arg12 : memref<40xi32, #tpu.memory_space<vmem>>) target_semaphore(%arg39 : memref<!tpu.dma_semaphore, #tpu.memory_space<semaphore_mem>>)
    %scan3A = arith.constant 0 : i32
    %scan3A_24 = arith.constant 125 : i32
    %scan3A_25 = arith.addi %scan3A, %scan3A_24 : i32
    %scan3A_26 = arith.constant 1 : i32
    scf.for %scan3A_42 = %scan3A to %scan3A_25 step %scan3A_26  : i32 {
      %mul3A_43 = arith.constant 2 : i32
      %mul3A_44 = arith.muli %scan3A_42, %mul3A_43 : i32
      %add3A_45 = arith.constant 0 : i32
      %add3A_46 = arith.addi %add3A_45, %mul3A_44 : i32
      %add3A_47 = arith.constant 0 : i32
      %add3A_48 = arith.addi %add3A_46, %add3A_47 : i32
      %dma_wait3A_49 = arith.constant 0 : i32
      %dma_wait3A_50 = arith.constant 0 : i32
      %dma_wait3A_51 = tpu.memref_slice %arg2[%dma_wait3A_49, %dma_wait3A_50] : memref<10000x128xf32, #tpu.memory_space<hbm>> -> memref<10000x128xf32, #tpu.memory_space<hbm>>
      tpu.wait_indirect_dma semaphore(%arg28 : memref<!tpu.dma_semaphore, #tpu.memory_space<semaphore_mem>>) src(%dma_wait3A_51 : memref<10000x128xf32, #tpu.memory_space<hbm>>) dst(%arg19 : memref<40x128xf32, #tpu.memory_space<vmem>>)
      %dma_wait3A_52 = arith.constant 0 : i32
      %dma_wait3A_53 = arith.constant 0 : i32
      %dma_wait3A_54 = tpu.memref_slice %arg3[%dma_wait3A_52, %dma_wait3A_53] : memref<10000x128xf32, #tpu.memory_space<hbm>> -> memref<10000x128xf32, #tpu.memory_space<hbm>>
      tpu.wait_indirect_dma semaphore(%arg30 : memref<!tpu.dma_semaphore, #tpu.memory_space<semaphore_mem>>) src(%dma_wait3A_54 : memref<10000x128xf32, #tpu.memory_space<hbm>>) dst(%arg21 : memref<40x128xf32, #tpu.memory_space<vmem>>)
      %dma_wait3A_55 = arith.constant 0 : i32
      %dma_wait3A_56 = arith.constant 0 : i32
      %dma_wait3A_57 = tpu.memref_slice %arg4[%dma_wait3A_55, %dma_wait3A_56] : memref<320000x128xf32, #tpu.memory_space<hbm>> -> memref<40x128xf32, #tpu.memory_space<hbm>>
      %dma_wait3A_58 = arith.constant 0 : i32
      %dma_wait3A_59 = arith.constant 0 : i32
      %dma_wait3A_60 = tpu.memref_slice %arg4[%dma_wait3A_58, %dma_wait3A_59] : memref<320000x128xf32, #tpu.memory_space<hbm>> -> memref<40x128xf32, #tpu.memory_space<hbm>>
      tpu.wait_dma2 semaphore(%arg32 : memref<!tpu.dma_semaphore, #tpu.memory_space<semaphore_mem>>) src(%dma_wait3A_60 : memref<40x128xf32, #tpu.memory_space<hbm>>) dst(%arg23 : memref<40x128xf32, #tpu.memory_space<vmem>>)
      %add3A_61 = arith.constant 1 : i32
      %add3A_62 = arith.addi %add3A_48, %add3A_61 : i32
      %lt3A = arith.constant 250 : i32
      %lt3A_63 = arith.cmpi slt, %add3A_62, %lt3A : i32
      %convert_element_type3A_64 = arith.extui %lt3A_63 : i1 to i32
      %cond3A_65 = arith.constant 0 : i32
      %cond3A_66 = arith.cmpi ne, %convert_element_type3A_64, %cond3A_65 : i32
      scf.if %cond3A_66 {
        %dma_wait3A_167 = arith.constant 0 : i32
        %dma_wait3A_168 = tpu.memref_slice %arg5[%dma_wait3A_167] : memref<320000xi32, #tpu.memory_space<hbm>> -> memref<40xi32, #tpu.memory_space<hbm>>
        %dma_wait3A_169 = arith.constant 0 : i32
        %dma_wait3A_170 = tpu.memref_slice %arg5[%dma_wait3A_169] : memref<320000xi32, #tpu.memory_space<hbm>> -> memref<40xi32, #tpu.memory_space<hbm>>
        tpu.wait_dma2 semaphore(%arg37 : memref<!tpu.dma_semaphore, #tpu.memory_space<semaphore_mem>>) src(%dma_wait3A_170 : memref<40xi32, #tpu.memory_space<hbm>>) dst(%arg10 : memref<40xi32, #tpu.memory_space<vmem>>)
        %dma_wait3A_171 = arith.constant 0 : i32
        %dma_wait3A_172 = tpu.memref_slice %arg6[%dma_wait3A_171] : memref<320000xi32, #tpu.memory_space<hbm>> -> memref<40xi32, #tpu.memory_space<hbm>>
        %dma_wait3A_173 = arith.constant 0 : i32
        %dma_wait3A_174 = tpu.memref_slice %arg6[%dma_wait3A_173] : memref<320000xi32, #tpu.memory_space<hbm>> -> memref<40xi32, #tpu.memory_space<hbm>>
        tpu.wait_dma2 semaphore(%arg39 : memref<!tpu.dma_semaphore, #tpu.memory_space<semaphore_mem>>) src(%dma_wait3A_174 : memref<40xi32, #tpu.memory_space<hbm>>) dst(%arg12 : memref<40xi32, #tpu.memory_space<vmem>>)
        %add3A_175 = arith.constant 1 : i32
        %add3A_176 = arith.addi %add3A_48, %add3A_175 : i32
        %mul3A_177 = arith.constant 40 : i32
        %mul3A_178 = arith.muli %add3A_176, %mul3A_177 : i32
        %add3A_179 = arith.addi %mul3A_6, %mul3A_178 : i32
        %dma_start3A_180 = arith.constant 0 : i32
        %dma_start3A_181 = arith.constant 0 : i32
        %dma_start3A_182 = tpu.memref_slice %arg2[%dma_start3A_180, %dma_start3A_181] : memref<10000x128xf32, #tpu.memory_space<hbm>> -> memref<10000x128xf32, #tpu.memory_space<hbm>>
        tpu.enqueue_indirect_dma source(%dma_start3A_182 : memref<10000x128xf32, #tpu.memory_space<hbm>>) target(%arg20 : memref<40x128xf32, #tpu.memory_space<vmem>>) offsets(%arg12 : memref<40xi32, #tpu.memory_space<vmem>>) semaphore(%arg29 : memref<!tpu.dma_semaphore, #tpu.memory_space<semaphore_mem>>)
        %dma_start3A_183 = arith.constant 0 : i32
        %dma_start3A_184 = arith.constant 0 : i32
        %dma_start3A_185 = tpu.memref_slice %arg3[%dma_start3A_183, %dma_start3A_184] : memref<10000x128xf32, #tpu.memory_space<hbm>> -> memref<10000x128xf32, #tpu.memory_space<hbm>>
        tpu.enqueue_indirect_dma source(%dma_start3A_185 : memref<10000x128xf32, #tpu.memory_space<hbm>>) target(%arg22 : memref<40x128xf32, #tpu.memory_space<vmem>>) offsets(%arg10 : memref<40xi32, #tpu.memory_space<vmem>>) semaphore(%arg31 : memref<!tpu.dma_semaphore, #tpu.memory_space<semaphore_mem>>)
        %dma_start3A_186 = arith.constant 0 : i32
        %dma_start3A_187 = tpu.memref_slice %arg4[%add3A_179, %dma_start3A_186] : memref<320000x128xf32, #tpu.memory_space<hbm>> -> memref<40x128xf32, #tpu.memory_space<hbm>>
        %dma_start3A_188 = arith.constant 0 : i32
        %dma_start3A_189 = tpu.memref_slice %arg4[%add3A_179, %dma_start3A_188] : memref<320000x128xf32, #tpu.memory_space<hbm>> -> memref<40x128xf32, #tpu.memory_space<hbm>>
        tpu.enqueue_dma source(%dma_start3A_189 : memref<40x128xf32, #tpu.memory_space<hbm>>) target(%arg24 : memref<40x128xf32, #tpu.memory_space<vmem>>) target_semaphore(%arg33 : memref<!tpu.dma_semaphore, #tpu.memory_space<semaphore_mem>>)
      } else {
      }
      %ge3A = arith.constant 2 : i32
      %ge3A_67 = arith.cmpi sge, %add3A_48, %ge3A : i32
      %convert_element_type3A_68 = arith.extui %ge3A_67 : i1 to i32
      %cond3A_69 = arith.constant 0 : i32
      %cond3A_70 = arith.cmpi ne, %convert_element_type3A_68, %cond3A_69 : i32
      scf.if %cond3A_70 {
        %dma_wait3A_167 = arith.constant 0 : i32
        %dma_wait3A_168 = arith.constant 0 : i32
        %dma_wait3A_169 = tpu.memref_slice %arg27[%dma_wait3A_167, %dma_wait3A_168] : memref<10000x128xf32, #tpu.memory_space<vmem_shared>> -> memref<10000x128xf32, #tpu.memory_space<vmem_shared>>
        tpu.wait_indirect_dma semaphore(%arg34 : memref<!tpu.dma_semaphore, #tpu.memory_space<semaphore_mem>>) src(%arg25 : memref<40x128xf32, #tpu.memory_space<vmem>>) dst(%dma_wait3A_169 : memref<10000x128xf32, #tpu.memory_space<vmem_shared>>)
      } else {
      }
      %get3A = arith.constant 0 : index
      %get3A_71 = tpu.vector_load %arg11[%get3A] {strides = array<i32>} : memref<40xi32, #tpu.memory_space<vmem>>, vector<16xi32>,
      %get3A_72 = vector.shape_cast %get3A_71 : vector<16xi32> to vector<16xi32>
      %swap3A = arith.constant 0 : index
      %swap3A_73 = tpu.vector_load %arg17[%swap3A] {strides = array<i32>} : memref<40xi32, #tpu.memory_space<vmem>>, vector<16xi32>,
      %swap3A_74 = vector.shape_cast %swap3A_73 : vector<16xi32> to vector<16xi32>
      %swap3A_75 = vector.shape_cast %get3A_72 : vector<16xi32> to vector<16xi32>
      tpu.vector_store %arg17[%swap3A], %swap3A_75 {strides = array<i32>} : memref<40xi32, #tpu.memory_space<vmem>>, vector<16xi32>,
      %get3A_76 = arith.constant 16 : index
      %get3A_77 = tpu.vector_load %arg11[%get3A_76] {strides = array<i32>} : memref<40xi32, #tpu.memory_space<vmem>>, vector<16xi32>,
      %get3A_78 = vector.shape_cast %get3A_77 : vector<16xi32> to vector<16xi32>
      %swap3A_79 = arith.constant 16 : index
      %swap3A_80 = tpu.vector_load %arg17[%swap3A_79] {strides = array<i32>} : memref<40xi32, #tpu.memory_space<vmem>>, vector<16xi32>,
      %swap3A_81 = vector.shape_cast %swap3A_80 : vector<16xi32> to vector<16xi32>
      %swap3A_82 = vector.shape_cast %get3A_78 : vector<16xi32> to vector<16xi32>
      tpu.vector_store %arg17[%swap3A_79], %swap3A_82 {strides = array<i32>} : memref<40xi32, #tpu.memory_space<vmem>>, vector<16xi32>,
      %get3A_83 = arith.constant 24 : index
      %get3A_84 = tpu.vector_load %arg11[%get3A_83] {strides = array<i32>} : memref<40xi32, #tpu.memory_space<vmem>>, vector<16xi32>,
      %get3A_85 = vector.shape_cast %get3A_84 : vector<16xi32> to vector<16xi32>
      %swap3A_86 = arith.constant 24 : index
      %swap3A_87 = tpu.vector_load %arg17[%swap3A_86] {strides = array<i32>} : memref<40xi32, #tpu.memory_space<vmem>>, vector<16xi32>,
      %swap3A_88 = vector.shape_cast %swap3A_87 : vector<16xi32> to vector<16xi32>
      %swap3A_89 = vector.shape_cast %get3A_85 : vector<16xi32> to vector<16xi32>
      tpu.vector_store %arg17[%swap3A_86], %swap3A_89 {strides = array<i32>} : memref<40xi32, #tpu.memory_space<vmem>>, vector<16xi32>,
      %scan3A_90 = arith.constant 0 : i32
      %scan3A_91 = arith.constant 40 : i32
      %scan3A_92 = arith.addi %scan3A_90, %scan3A_91 : i32
      %scan3A_93 = arith.constant 1 : i32
      scf.for %scan3A_167 = %scan3A_90 to %scan3A_92 step %scan3A_93  : i32 {
        %mul3A_168 = arith.constant 1 : i32
        %mul3A_169 = arith.muli %scan3A_167, %mul3A_168 : i32
        %add3A_170 = arith.constant 0 : i32
        %add3A_171 = arith.addi %add3A_170, %mul3A_169 : i32
        %get3A_172 = arith.index_cast %add3A_171 : i32 to index
        %get3A_173 = arith.constant 0 : index
        %get3A_174 = tpu.vector_load %arg19[%get3A_172, %get3A_173] {strides = array<i32>} : memref<40x128xf32, #tpu.memory_space<vmem>>, vector<1x16xf32>,
        %get3A_175 = vector.shape_cast %get3A_174 : vector<1x16xf32> to vector<16xf32>
        %get3A_176 = arith.index_cast %add3A_171 : i32 to index
        %get3A_177 = arith.constant 0 : index
        %get3A_178 = tpu.vector_load %arg21[%get3A_176, %get3A_177] {strides = array<i32>} : memref<40x128xf32, #tpu.memory_space<vmem>>, vector<1x16xf32>,
        %get3A_179 = vector.shape_cast %get3A_178 : vector<1x16xf32> to vector<16xf32>
        %add3A_180 = arith.addf %get3A_175, %get3A_179 : vector<16xf32>
        %get3A_181 = arith.index_cast %add3A_171 : i32 to index
        %get3A_182 = arith.constant 0 : index
        %get3A_183 = tpu.vector_load %arg23[%get3A_181, %get3A_182] {strides = array<i32>} : memref<40x128xf32, #tpu.memory_space<vmem>>, vector<1x16xf32>,
        %get3A_184 = vector.shape_cast %get3A_183 : vector<1x16xf32> to vector<16xf32>
        %add3A_185 = arith.addf %add3A_180, %get3A_184 : vector<16xf32>
        %max3A = arith.constant 0.000000e+00 : f32
        %max3A_186 = vector.broadcast %max3A : f32 to vector<16xf32>
        %max3A_187 = arith.maximumf %add3A_185, %max3A_186 : vector<16xf32>
        %swap3A_188 = arith.index_cast %add3A_171 : i32 to index
        %swap3A_189 = arith.constant 0 : index
        %swap3A_190 = tpu.vector_load %arg25[%swap3A_188, %swap3A_189] {strides = array<i32>} : memref<40x128xf32, #tpu.memory_space<vmem>>, vector<1x16xf32>,
        %swap3A_191 = vector.shape_cast %swap3A_190 : vector<1x16xf32> to vector<16xf32>
        %swap3A_192 = vector.shape_cast %max3A_187 : vector<16xf32> to vector<1x16xf32>
        tpu.vector_store %arg25[%swap3A_188, %swap3A_189], %swap3A_192 {strides = array<i32>} : memref<40x128xf32, #tpu.memory_space<vmem>>, vector<1x16xf32>,
        %get3A_193 = arith.index_cast %add3A_171 : i32 to index
        %get3A_194 = arith.constant 16 : index
        %get3A_195 = tpu.vector_load %arg19[%get3A_193, %get3A_194] {strides = array<i32>} : memref<40x128xf32, #tpu.memory_space<vmem>>, vector<1x16xf32>,
        %get3A_196 = vector.shape_cast %get3A_195 : vector<1x16xf32> to vector<16xf32>
        %get3A_197 = arith.index_cast %add3A_171 : i32 to index
        %get3A_198 = arith.constant 16 : index
        %get3A_199 = tpu.vector_load %arg21[%get3A_197, %get3A_198] {strides = array<i32>} : memref<40x128xf32, #tpu.memory_space<vmem>>, vector<1x16xf32>,
        %get3A_200 = vector.shape_cast %get3A_199 : vector<1x16xf32> to vector<16xf32>
        %add3A_201 = arith.addf %get3A_196, %get3A_200 : vector<16xf32>
        %get3A_202 = arith.index_cast %add3A_171 : i32 to index
        %get3A_203 = arith.constant 16 : index
        %get3A_204 = tpu.vector_load %arg23[%get3A_202, %get3A_203] {strides = array<i32>} : memref<40x128xf32, #tpu.memory_space<vmem>>, vector<1x16xf32>,
        %get3A_205 = vector.shape_cast %get3A_204 : vector<1x16xf32> to vector<16xf32>
        %add3A_206 = arith.addf %add3A_201, %get3A_205 : vector<16xf32>
        %max3A_207 = arith.constant 0.000000e+00 : f32
        %max3A_208 = vector.broadcast %max3A_207 : f32 to vector<16xf32>
        %max3A_209 = arith.maximumf %add3A_206, %max3A_208 : vector<16xf32>
        %swap3A_210 = arith.index_cast %add3A_171 : i32 to index
        %swap3A_211 = arith.constant 16 : index
        %swap3A_212 = tpu.vector_load %arg25[%swap3A_210, %swap3A_211] {strides = array<i32>} : memref<40x128xf32, #tpu.memory_space<vmem>>, vector<1x16xf32>,
        %swap3A_213 = vector.shape_cast %swap3A_212 : vector<1x16xf32> to vector<16xf32>
        %swap3A_214 = vector.shape_cast %max3A_209 : vector<16xf32> to vector<1x16xf32>
        tpu.vector_store %arg25[%swap3A_210, %swap3A_211], %swap3A_214 {strides = array<i32>} : memref<40x128xf32, #tpu.memory_space<vmem>>, vector<1x16xf32>,
        %get3A_215 = arith.index_cast %add3A_171 : i32 to index
        %get3A_216 = arith.constant 32 : index
        %get3A_217 = tpu.vector_load %arg19[%get3A_215, %get3A_216] {strides = array<i32>} : memref<40x128xf32, #tpu.memory_space<vmem>>, vector<1x16xf32>,
        %get3A_218 = vector.shape_cast %get3A_217 : vector<1x16xf32> to vector<16xf32>
        %get3A_219 = arith.index_cast %add3A_171 : i32 to index
        %get3A_220 = arith.constant 32 : index
        %get3A_221 = tpu.vector_load %arg21[%get3A_219, %get3A_220] {strides = array<i32>} : memref<40x128xf32, #tpu.memory_space<vmem>>, vector<1x16xf32>,
        %get3A_222 = vector.shape_cast %get3A_221 : vector<1x16xf32> to vector<16xf32>
        %add3A_223 = arith.addf %get3A_218, %get3A_222 : vector<16xf32>
        %get3A_224 = arith.index_cast %add3A_171 : i32 to index
        %get3A_225 = arith.constant 32 : index
        %get3A_226 = tpu.vector_load %arg23[%get3A_224, %get3A_225] {strides = array<i32>} : memref<40x128xf32, #tpu.memory_space<vmem>>, vector<1x16xf32>,
        %get3A_227 = vector.shape_cast %get3A_226 : vector<1x16xf32> to vector<16xf32>
        %add3A_228 = arith.addf %add3A_223, %get3A_227 : vector<16xf32>
        %max3A_229 = arith.constant 0.000000e+00 : f32
        %max3A_230 = vector.broadcast %max3A_229 : f32 to vector<16xf32>
        %max3A_231 = arith.maximumf %add3A_228, %max3A_230 : vector<16xf32>
        %swap3A_232 = arith.index_cast %add3A_171 : i32 to index
        %swap3A_233 = arith.constant 32 : index
        %swap3A_234 = tpu.vector_load %arg25[%swap3A_232, %swap3A_233] {strides = array<i32>} : memref<40x128xf32, #tpu.memory_space<vmem>>, vector<1x16xf32>,
        %swap3A_235 = vector.shape_cast %swap3A_234 : vector<1x16xf32> to vector<16xf32>
        %swap3A_236 = vector.shape_cast %max3A_231 : vector<16xf32> to vector<1x16xf32>
        tpu.vector_store %arg25[%swap3A_232, %swap3A_233], %swap3A_236 {strides = array<i32>} : memref<40x128xf32, #tpu.memory_space<vmem>>, vector<1x16xf32>,
        %get3A_237 = arith.index_cast %add3A_171 : i32 to index
        %get3A_238 = arith.constant 48 : index
        %get3A_239 = tpu.vector_load %arg19[%get3A_237, %get3A_238] {strides = array<i32>} : memref<40x128xf32, #tpu.memory_space<vmem>>, vector<1x16xf32>,
        %get3A_240 = vector.shape_cast %get3A_239 : vector<1x16xf32> to vector<16xf32>
        %get3A_241 = arith.index_cast %add3A_171 : i32 to index
        %get3A_242 = arith.constant 48 : index
        %get3A_243 = tpu.vector_load %arg21[%get3A_241, %get3A_242] {strides = array<i32>} : memref<40x128xf32, #tpu.memory_space<vmem>>, vector<1x16xf32>,
        %get3A_244 = vector.shape_cast %get3A_243 : vector<1x16xf32> to vector<16xf32>
        %add3A_245 = arith.addf %get3A_240, %get3A_244 : vector<16xf32>
        %get3A_246 = arith.index_cast %add3A_171 : i32 to index
        %get3A_247 = arith.constant 48 : index
        %get3A_248 = tpu.vector_load %arg23[%get3A_246, %get3A_247] {strides = array<i32>} : memref<40x128xf32, #tpu.memory_space<vmem>>, vector<1x16xf32>,
        %get3A_249 = vector.shape_cast %get3A_248 : vector<1x16xf32> to vector<16xf32>
        %add3A_250 = arith.addf %add3A_245, %get3A_249 : vector<16xf32>
        %max3A_251 = arith.constant 0.000000e+00 : f32
        %max3A_252 = vector.broadcast %max3A_251 : f32 to vector<16xf32>
        %max3A_253 = arith.maximumf %add3A_250, %max3A_252 : vector<16xf32>
        %swap3A_254 = arith.index_cast %add3A_171 : i32 to index
        %swap3A_255 = arith.constant 48 : index
        %swap3A_256 = tpu.vector_load %arg25[%swap3A_254, %swap3A_255] {strides = array<i32>} : memref<40x128xf32, #tpu.memory_space<vmem>>, vector<1x16xf32>,
        %swap3A_257 = vector.shape_cast %swap3A_256 : vector<1x16xf32> to vector<16xf32>
        %swap3A_258 = vector.shape_cast %max3A_253 : vector<16xf32> to vector<1x16xf32>
        tpu.vector_store %arg25[%swap3A_254, %swap3A_255], %swap3A_258 {strides = array<i32>} : memref<40x128xf32, #tpu.memory_space<vmem>>, vector<1x16xf32>,
        %get3A_259 = arith.index_cast %add3A_171 : i32 to index
        %get3A_260 = arith.constant 64 : index
        %get3A_261 = tpu.vector_load %arg19[%get3A_259, %get3A_260] {strides = array<i32>} : memref<40x128xf32, #tpu.memory_space<vmem>>, vector<1x16xf32>,
        %get3A_262 = vector.shape_cast %get3A_261 : vector<1x16xf32> to vector<16xf32>
        %get3A_263 = arith.index_cast %add3A_171 : i32 to index
        %get3A_264 = arith.constant 64 : index
        %get3A_265 = tpu.vector_load %arg21[%get3A_263, %get3A_264] {strides = array<i32>} : memref<40x128xf32, #tpu.memory_space<vmem>>, vector<1x16xf32>,
        %get3A_266 = vector.shape_cast %get3A_265 : vector<1x16xf32> to vector<16xf32>
        %add3A_267 = arith.addf %get3A_262, %get3A_266 : vector<16xf32>
        %get3A_268 = arith.index_cast %add3A_171 : i32 to index
        %get3A_269 = arith.constant 64 : index
        %get3A_270 = tpu.vector_load %arg23[%get3A_268, %get3A_269] {strides = array<i32>} : memref<40x128xf32, #tpu.memory_space<vmem>>, vector<1x16xf32>,
        %get3A_271 = vector.shape_cast %get3A_270 : vector<1x16xf32> to vector<16xf32>
        %add3A_272 = arith.addf %add3A_267, %get3A_271 : vector<16xf32>
        %max3A_273 = arith.constant 0.000000e+00 : f32
        %max3A_274 = vector.broadcast %max3A_273 : f32 to vector<16xf32>
        %max3A_275 = arith.maximumf %add3A_272, %max3A_274 : vector<16xf32>
        %swap3A_276 = arith.index_cast %add3A_171 : i32 to index
        %swap3A_277 = arith.constant 64 : index
        %swap3A_278 = tpu.vector_load %arg25[%swap3A_276, %swap3A_277] {strides = array<i32>} : memref<40x128xf32, #tpu.memory_space<vmem>>, vector<1x16xf32>,
        %swap3A_279 = vector.shape_cast %swap3A_278 : vector<1x16xf32> to vector<16xf32>
        %swap3A_280 = vector.shape_cast %max3A_275 : vector<16xf32> to vector<1x16xf32>
        tpu.vector_store %arg25[%swap3A_276, %swap3A_277], %swap3A_280 {strides = array<i32>} : memref<40x128xf32, #tpu.memory_space<vmem>>, vector<1x16xf32>,
        %get3A_281 = arith.index_cast %add3A_171 : i32 to index
        %get3A_282 = arith.constant 80 : index
        %get3A_283 = tpu.vector_load %arg19[%get3A_281, %get3A_282] {strides = array<i32>} : memref<40x128xf32, #tpu.memory_space<vmem>>, vector<1x16xf32>,
        %get3A_284 = vector.shape_cast %get3A_283 : vector<1x16xf32> to vector<16xf32>
        %get3A_285 = arith.index_cast %add3A_171 : i32 to index
        %get3A_286 = arith.constant 80 : index
        %get3A_287 = tpu.vector_load %arg21[%get3A_285, %get3A_286] {strides = array<i32>} : memref<40x128xf32, #tpu.memory_space<vmem>>, vector<1x16xf32>,
        %get3A_288 = vector.shape_cast %get3A_287 : vector<1x16xf32> to vector<16xf32>
        %add3A_289 = arith.addf %get3A_284, %get3A_288 : vector<16xf32>
        %get3A_290 = arith.index_cast %add3A_171 : i32 to index
        %get3A_291 = arith.constant 80 : index
        %get3A_292 = tpu.vector_load %arg23[%get3A_290, %get3A_291] {strides = array<i32>} : memref<40x128xf32, #tpu.memory_space<vmem>>, vector<1x16xf32>,
        %get3A_293 = vector.shape_cast %get3A_292 : vector<1x16xf32> to vector<16xf32>
        %add3A_294 = arith.addf %add3A_289, %get3A_293 : vector<16xf32>
        %max3A_295 = arith.constant 0.000000e+00 : f32
        %max3A_296 = vector.broadcast %max3A_295 : f32 to vector<16xf32>
        %max3A_297 = arith.maximumf %add3A_294, %max3A_296 : vector<16xf32>
        %swap3A_298 = arith.index_cast %add3A_171 : i32 to index
        %swap3A_299 = arith.constant 80 : index
        %swap3A_300 = tpu.vector_load %arg25[%swap3A_298, %swap3A_299] {strides = array<i32>} : memref<40x128xf32, #tpu.memory_space<vmem>>, vector<1x16xf32>,
        %swap3A_301 = vector.shape_cast %swap3A_300 : vector<1x16xf32> to vector<16xf32>
        %swap3A_302 = vector.shape_cast %max3A_297 : vector<16xf32> to vector<1x16xf32>
        tpu.vector_store %arg25[%swap3A_298, %swap3A_299], %swap3A_302 {strides = array<i32>} : memref<40x128xf32, #tpu.memory_space<vmem>>, vector<1x16xf32>,
        %get3A_303 = arith.index_cast %add3A_171 : i32 to index
        %get3A_304 = arith.constant 96 : index
        %get3A_305 = tpu.vector_load %arg19[%get3A_303, %get3A_304] {strides = array<i32>} : memref<40x128xf32, #tpu.memory_space<vmem>>, vector<1x16xf32>,
        %get3A_306 = vector.shape_cast %get3A_305 : vector<1x16xf32> to vector<16xf32>
        %get3A_307 = arith.index_cast %add3A_171 : i32 to index
        %get3A_308 = arith.constant 96 : index
        %get3A_309 = tpu.vector_load %arg21[%get3A_307, %get3A_308] {strides = array<i32>} : memref<40x128xf32, #tpu.memory_space<vmem>>, vector<1x16xf32>,
        %get3A_310 = vector.shape_cast %get3A_309 : vector<1x16xf32> to vector<16xf32>
        %add3A_311 = arith.addf %get3A_306, %get3A_310 : vector<16xf32>
        %get3A_312 = arith.index_cast %add3A_171 : i32 to index
        %get3A_313 = arith.constant 96 : index
        %get3A_314 = tpu.vector_load %arg23[%get3A_312, %get3A_313] {strides = array<i32>} : memref<40x128xf32, #tpu.memory_space<vmem>>, vector<1x16xf32>,
        %get3A_315 = vector.shape_cast %get3A_314 : vector<1x16xf32> to vector<16xf32>
        %add3A_316 = arith.addf %add3A_311, %get3A_315 : vector<16xf32>
        %max3A_317 = arith.constant 0.000000e+00 : f32
        %max3A_318 = vector.broadcast %max3A_317 : f32 to vector<16xf32>
        %max3A_319 = arith.maximumf %add3A_316, %max3A_318 : vector<16xf32>
        %swap3A_320 = arith.index_cast %add3A_171 : i32 to index
        %swap3A_321 = arith.constant 96 : index
        %swap3A_322 = tpu.vector_load %arg25[%swap3A_320, %swap3A_321] {strides = array<i32>} : memref<40x128xf32, #tpu.memory_space<vmem>>, vector<1x16xf32>,
        %swap3A_323 = vector.shape_cast %swap3A_322 : vector<1x16xf32> to vector<16xf32>
        %swap3A_324 = vector.shape_cast %max3A_319 : vector<16xf32> to vector<1x16xf32>
        tpu.vector_store %arg25[%swap3A_320, %swap3A_321], %swap3A_324 {strides = array<i32>} : memref<40x128xf32, #tpu.memory_space<vmem>>, vector<1x16xf32>,
        %get3A_325 = arith.index_cast %add3A_171 : i32 to index
        %get3A_326 = arith.constant 112 : index
        %get3A_327 = tpu.vector_load %arg19[%get3A_325, %get3A_326] {strides = array<i32>} : memref<40x128xf32, #tpu.memory_space<vmem>>, vector<1x16xf32>,
        %get3A_328 = vector.shape_cast %get3A_327 : vector<1x16xf32> to vector<16xf32>
        %get3A_329 = arith.index_cast %add3A_171 : i32 to index
        %get3A_330 = arith.constant 112 : index
        %get3A_331 = tpu.vector_load %arg21[%get3A_329, %get3A_330] {strides = array<i32>} : memref<40x128xf32, #tpu.memory_space<vmem>>, vector<1x16xf32>,
        %get3A_332 = vector.shape_cast %get3A_331 : vector<1x16xf32> to vector<16xf32>
        %add3A_333 = arith.addf %get3A_328, %get3A_332 : vector<16xf32>
        %get3A_334 = arith.index_cast %add3A_171 : i32 to index
        %get3A_335 = arith.constant 112 : index
        %get3A_336 = tpu.vector_load %arg23[%get3A_334, %get3A_335] {strides = array<i32>} : memref<40x128xf32, #tpu.memory_space<vmem>>, vector<1x16xf32>,
        %get3A_337 = vector.shape_cast %get3A_336 : vector<1x16xf32> to vector<16xf32>
        %add3A_338 = arith.addf %add3A_333, %get3A_337 : vector<16xf32>
        %max3A_339 = arith.constant 0.000000e+00 : f32
        %max3A_340 = vector.broadcast %max3A_339 : f32 to vector<16xf32>
        %max3A_341 = arith.maximumf %add3A_338, %max3A_340 : vector<16xf32>
        %swap3A_342 = arith.index_cast %add3A_171 : i32 to index
        %swap3A_343 = arith.constant 112 : index
        %swap3A_344 = tpu.vector_load %arg25[%swap3A_342, %swap3A_343] {strides = array<i32>} : memref<40x128xf32, #tpu.memory_space<vmem>>, vector<1x16xf32>,
        %swap3A_345 = vector.shape_cast %swap3A_344 : vector<1x16xf32> to vector<16xf32>
        %swap3A_346 = vector.shape_cast %max3A_341 : vector<16xf32> to vector<1x16xf32>
        tpu.vector_store %arg25[%swap3A_342, %swap3A_343], %swap3A_346 {strides = array<i32>} : memref<40x128xf32, #tpu.memory_space<vmem>>, vector<1x16xf32>,
      }
      %scan3A_94 = arith.constant 40 : i32
      %add3A_95 = arith.constant 2 : i32
      %add3A_96 = arith.addi %add3A_48, %add3A_95 : i32
      %lt3A_97 = arith.constant 250 : i32
      %lt3A_98 = arith.cmpi slt, %add3A_96, %lt3A_97 : i32
      %convert_element_type3A_99 = arith.extui %lt3A_98 : i1 to i32
      %cond3A_100 = arith.constant 0 : i32
      %cond3A_101 = arith.cmpi ne, %convert_element_type3A_99, %cond3A_100 : i32
      scf.if %cond3A_101 {
        %add3A_167 = arith.constant 2 : i32
        %add3A_168 = arith.addi %add3A_48, %add3A_167 : i32
        %mul3A_169 = arith.constant 40 : i32
        %mul3A_170 = arith.muli %add3A_168, %mul3A_169 : i32
        %add3A_171 = arith.addi %mul3A_6, %mul3A_170 : i32
        %dma_start3A_172 = tpu.memref_slice %arg5[%add3A_171] : memref<320000xi32, #tpu.memory_space<hbm>> -> memref<40xi32, #tpu.memory_space<hbm>>
        %dma_start3A_173 = tpu.memref_slice %arg5[%add3A_171] : memref<320000xi32, #tpu.memory_space<hbm>> -> memref<40xi32, #tpu.memory_space<hbm>>
        tpu.enqueue_dma source(%dma_start3A_173 : memref<40xi32, #tpu.memory_space<hbm>>) target(%arg9 : memref<40xi32, #tpu.memory_space<vmem>>) target_semaphore(%arg36 : memref<!tpu.dma_semaphore, #tpu.memory_space<semaphore_mem>>)
        %dma_start3A_174 = tpu.memref_slice %arg6[%add3A_171] : memref<320000xi32, #tpu.memory_space<hbm>> -> memref<40xi32, #tpu.memory_space<hbm>>
        %dma_start3A_175 = tpu.memref_slice %arg6[%add3A_171] : memref<320000xi32, #tpu.memory_space<hbm>> -> memref<40xi32, #tpu.memory_space<hbm>>
        tpu.enqueue_dma source(%dma_start3A_175 : memref<40xi32, #tpu.memory_space<hbm>>) target(%arg11 : memref<40xi32, #tpu.memory_space<vmem>>) target_semaphore(%arg38 : memref<!tpu.dma_semaphore, #tpu.memory_space<semaphore_mem>>)
      } else {
      }
      %dma_start3A_102 = arith.constant 0 : i32
      %dma_start3A_103 = arith.constant 0 : i32
      %dma_start3A_104 = tpu.memref_slice %arg27[%dma_start3A_102, %dma_start3A_103] : memref<10000x128xf32, #tpu.memory_space<vmem_shared>> -> memref<10000x128xf32, #tpu.memory_space<vmem_shared>>
      tpu.enqueue_indirect_dma source(%arg25 : memref<40x128xf32, #tpu.memory_space<vmem>>) target(%dma_start3A_104 : memref<10000x128xf32, #tpu.memory_space<vmem_shared>>) offsets(%arg17 : memref<40xi32, #tpu.memory_space<vmem>>) semaphore(%arg34 : memref<!tpu.dma_semaphore, #tpu.memory_space<semaphore_mem>>) {add = true}
      %add3A_105 = arith.constant 1 : i32
      %add3A_106 = arith.addi %add3A_46, %add3A_105 : i32
      %dma_wait3A_107 = arith.constant 0 : i32
      %dma_wait3A_108 = arith.constant 0 : i32
      %dma_wait3A_109 = tpu.memref_slice %arg2[%dma_wait3A_107, %dma_wait3A_108] : memref<10000x128xf32, #tpu.memory_space<hbm>> -> memref<10000x128xf32, #tpu.memory_space<hbm>>
      tpu.wait_indirect_dma semaphore(%arg29 : memref<!tpu.dma_semaphore, #tpu.memory_space<semaphore_mem>>) src(%dma_wait3A_109 : memref<10000x128xf32, #tpu.memory_space<hbm>>) dst(%arg20 : memref<40x128xf32, #tpu.memory_space<vmem>>)
      %dma_wait3A_110 = arith.constant 0 : i32
      %dma_wait3A_111 = arith.constant 0 : i32
      %dma_wait3A_112 = tpu.memref_slice %arg3[%dma_wait3A_110, %dma_wait3A_111] : memref<10000x128xf32, #tpu.memory_space<hbm>> -> memref<10000x128xf32, #tpu.memory_space<hbm>>
      tpu.wait_indirect_dma semaphore(%arg31 : memref<!tpu.dma_semaphore, #tpu.memory_space<semaphore_mem>>) src(%dma_wait3A_112 : memref<10000x128xf32, #tpu.memory_space<hbm>>) dst(%arg22 : memref<40x128xf32, #tpu.memory_space<vmem>>)
      %dma_wait3A_113 = arith.constant 0 : i32
      %dma_wait3A_114 = arith.constant 0 : i32
      %dma_wait3A_115 = tpu.memref_slice %arg4[%dma_wait3A_113, %dma_wait3A_114] : memref<320000x128xf32, #tpu.memory_space<hbm>> -> memref<40x128xf32, #tpu.memory_space<hbm>>
      %dma_wait3A_116 = arith.constant 0 : i32
      %dma_wait3A_117 = arith.constant 0 : i32
      %dma_wait3A_118 = tpu.memref_slice %arg4[%dma_wait3A_116, %dma_wait3A_117] : memref<320000x128xf32, #tpu.memory_space<hbm>> -> memref<40x128xf32, #tpu.memory_space<hbm>>
      tpu.wait_dma2 semaphore(%arg33 : memref<!tpu.dma_semaphore, #tpu.memory_space<semaphore_mem>>) src(%dma_wait3A_118 : memref<40x128xf32, #tpu.memory_space<hbm>>) dst(%arg24 : memref<40x128xf32, #tpu.memory_space<vmem>>)
      %add3A_119 = arith.constant 1 : i32
      %add3A_120 = arith.addi %add3A_106, %add3A_119 : i32
      %lt3A_121 = arith.constant 250 : i32
      %lt3A_122 = arith.cmpi slt, %add3A_120, %lt3A_121 : i32
      %convert_element_type3A_123 = arith.extui %lt3A_122 : i1 to i32
      %cond3A_124 = arith.constant 0 : i32
      %cond3A_125 = arith.cmpi ne, %convert_element_type3A_123, %cond3A_124 : i32
      scf.if %cond3A_125 {
        %dma_wait3A_167 = arith.constant 0 : i32
        %dma_wait3A_168 = tpu.memref_slice %arg5[%dma_wait3A_167] : memref<320000xi32, #tpu.memory_space<hbm>> -> memref<40xi32, #tpu.memory_space<hbm>>
        %dma_wait3A_169 = arith.constant 0 : i32
        %dma_wait3A_170 = tpu.memref_slice %arg5[%dma_wait3A_169] : memref<320000xi32, #tpu.memory_space<hbm>> -> memref<40xi32, #tpu.memory_space<hbm>>
        tpu.wait_dma2 semaphore(%arg36 : memref<!tpu.dma_semaphore, #tpu.memory_space<semaphore_mem>>) src(%dma_wait3A_170 : memref<40xi32, #tpu.memory_space<hbm>>) dst(%arg9 : memref<40xi32, #tpu.memory_space<vmem>>)
        %dma_wait3A_171 = arith.constant 0 : i32
        %dma_wait3A_172 = tpu.memref_slice %arg6[%dma_wait3A_171] : memref<320000xi32, #tpu.memory_space<hbm>> -> memref<40xi32, #tpu.memory_space<hbm>>
        %dma_wait3A_173 = arith.constant 0 : i32
        %dma_wait3A_174 = tpu.memref_slice %arg6[%dma_wait3A_173] : memref<320000xi32, #tpu.memory_space<hbm>> -> memref<40xi32, #tpu.memory_space<hbm>>
        tpu.wait_dma2 semaphore(%arg38 : memref<!tpu.dma_semaphore, #tpu.memory_space<semaphore_mem>>) src(%dma_wait3A_174 : memref<40xi32, #tpu.memory_space<hbm>>) dst(%arg11 : memref<40xi32, #tpu.memory_space<vmem>>)
        %add3A_175 = arith.constant 1 : i32
        %add3A_176 = arith.addi %add3A_106, %add3A_175 : i32
        %mul3A_177 = arith.constant 40 : i32
        %mul3A_178 = arith.muli %add3A_176, %mul3A_177 : i32
        %add3A_179 = arith.addi %mul3A_6, %mul3A_178 : i32
        %dma_start3A_180 = arith.constant 0 : i32
        %dma_start3A_181 = arith.constant 0 : i32
        %dma_start3A_182 = tpu.memref_slice %arg2[%dma_start3A_180, %dma_start3A_181] : memref<10000x128xf32, #tpu.memory_space<hbm>> -> memref<10000x128xf32, #tpu.memory_space<hbm>>
        tpu.enqueue_indirect_dma source(%dma_start3A_182 : memref<10000x128xf32, #tpu.memory_space<hbm>>) target(%arg19 : memref<40x128xf32, #tpu.memory_space<vmem>>) offsets(%arg11 : memref<40xi32, #tpu.memory_space<vmem>>) semaphore(%arg28 : memref<!tpu.dma_semaphore, #tpu.memory_space<semaphore_mem>>)
        %dma_start3A_183 = arith.constant 0 : i32
        %dma_start3A_184 = arith.constant 0 : i32
        %dma_start3A_185 = tpu.memref_slice %arg3[%dma_start3A_183, %dma_start3A_184] : memref<10000x128xf32, #tpu.memory_space<hbm>> -> memref<10000x128xf32, #tpu.memory_space<hbm>>
        tpu.enqueue_indirect_dma source(%dma_start3A_185 : memref<10000x128xf32, #tpu.memory_space<hbm>>) target(%arg21 : memref<40x128xf32, #tpu.memory_space<vmem>>) offsets(%arg9 : memref<40xi32, #tpu.memory_space<vmem>>) semaphore(%arg30 : memref<!tpu.dma_semaphore, #tpu.memory_space<semaphore_mem>>)
        %dma_start3A_186 = arith.constant 0 : i32
        %dma_start3A_187 = tpu.memref_slice %arg4[%add3A_179, %dma_start3A_186] : memref<320000x128xf32, #tpu.memory_space<hbm>> -> memref<40x128xf32, #tpu.memory_space<hbm>>
        %dma_start3A_188 = arith.constant 0 : i32
        %dma_start3A_189 = tpu.memref_slice %arg4[%add3A_179, %dma_start3A_188] : memref<320000x128xf32, #tpu.memory_space<hbm>> -> memref<40x128xf32, #tpu.memory_space<hbm>>
        tpu.enqueue_dma source(%dma_start3A_189 : memref<40x128xf32, #tpu.memory_space<hbm>>) target(%arg23 : memref<40x128xf32, #tpu.memory_space<vmem>>) target_semaphore(%arg32 : memref<!tpu.dma_semaphore, #tpu.memory_space<semaphore_mem>>)
      } else {
      }
      %ge3A_126 = arith.constant 2 : i32
      %ge3A_127 = arith.cmpi sge, %add3A_106, %ge3A_126 : i32
      %convert_element_type3A_128 = arith.extui %ge3A_127 : i1 to i32
      %cond3A_129 = arith.constant 0 : i32
      %cond3A_130 = arith.cmpi ne, %convert_element_type3A_128, %cond3A_129 : i32
      scf.if %cond3A_130 {
        %dma_wait3A_167 = arith.constant 0 : i32
        %dma_wait3A_168 = arith.constant 0 : i32
        %dma_wait3A_169 = tpu.memref_slice %arg27[%dma_wait3A_167, %dma_wait3A_168] : memref<10000x128xf32, #tpu.memory_space<vmem_shared>> -> memref<10000x128xf32, #tpu.memory_space<vmem_shared>>
        tpu.wait_indirect_dma semaphore(%arg35 : memref<!tpu.dma_semaphore, #tpu.memory_space<semaphore_mem>>) src(%arg26 : memref<40x128xf32, #tpu.memory_space<vmem>>) dst(%dma_wait3A_169 : memref<10000x128xf32, #tpu.memory_space<vmem_shared>>)
      } else {
      }
      %get3A_131 = arith.constant 0 : index
      %get3A_132 = tpu.vector_load %arg12[%get3A_131] {strides = array<i32>} : memref<40xi32, #tpu.memory_space<vmem>>, vector<16xi32>,
      %get3A_133 = vector.shape_cast %get3A_132 : vector<16xi32> to vector<16xi32>
      %swap3A_134 = arith.constant 0 : index
      %swap3A_135 = tpu.vector_load %arg18[%swap3A_134] {strides = array<i32>} : memref<40xi32, #tpu.memory_space<vmem>>, vector<16xi32>,
      %swap3A_136 = vector.shape_cast %swap3A_135 : vector<16xi32> to vector<16xi32>
      %swap3A_137 = vector.shape_cast %get3A_133 : vector<16xi32> to vector<16xi32>
      tpu.vector_store %arg18[%swap3A_134], %swap3A_137 {strides = array<i32>} : memref<40xi32, #tpu.memory_space<vmem>>, vector<16xi32>,
      %get3A_138 = arith.constant 16 : index
      %get3A_139 = tpu.vector_load %arg12[%get3A_138] {strides = array<i32>} : memref<40xi32, #tpu.memory_space<vmem>>, vector<16xi32>,
      %get3A_140 = vector.shape_cast %get3A_139 : vector<16xi32> to vector<16xi32>
      %swap3A_141 = arith.constant 16 : index
      %swap3A_142 = tpu.vector_load %arg18[%swap3A_141] {strides = array<i32>} : memref<40xi32, #tpu.memory_space<vmem>>, vector<16xi32>,
      %swap3A_143 = vector.shape_cast %swap3A_142 : vector<16xi32> to vector<16xi32>
      %swap3A_144 = vector.shape_cast %get3A_140 : vector<16xi32> to vector<16xi32>
      tpu.vector_store %arg18[%swap3A_141], %swap3A_144 {strides = array<i32>} : memref<40xi32, #tpu.memory_space<vmem>>, vector<16xi32>,
      %get3A_145 = arith.constant 24 : index
      %get3A_146 = tpu.vector_load %arg12[%get3A_145] {strides = array<i32>} : memref<40xi32, #tpu.memory_space<vmem>>, vector<16xi32>,
      %get3A_147 = vector.shape_cast %get3A_146 : vector<16xi32> to vector<16xi32>
      %swap3A_148 = arith.constant 24 : index
      %swap3A_149 = tpu.vector_load %arg18[%swap3A_148] {strides = array<i32>} : memref<40xi32, #tpu.memory_space<vmem>>, vector<16xi32>,
      %swap3A_150 = vector.shape_cast %swap3A_149 : vector<16xi32> to vector<16xi32>
      %swap3A_151 = vector.shape_cast %get3A_147 : vector<16xi32> to vector<16xi32>
      tpu.vector_store %arg18[%swap3A_148], %swap3A_151 {strides = array<i32>} : memref<40xi32, #tpu.memory_space<vmem>>, vector<16xi32>,
      %scan3A_152 = arith.constant 0 : i32
      %scan3A_153 = arith.constant 40 : i32
      %scan3A_154 = arith.addi %scan3A_152, %scan3A_153 : i32
      %scan3A_155 = arith.constant 1 : i32
      scf.for %scan3A_167 = %scan3A_152 to %scan3A_154 step %scan3A_155  : i32 {
        %mul3A_168 = arith.constant 1 : i32
        %mul3A_169 = arith.muli %scan3A_167, %mul3A_168 : i32
        %add3A_170 = arith.constant 0 : i32
        %add3A_171 = arith.addi %add3A_170, %mul3A_169 : i32
        %get3A_172 = arith.index_cast %add3A_171 : i32 to index
        %get3A_173 = arith.constant 0 : index
        %get3A_174 = tpu.vector_load %arg20[%get3A_172, %get3A_173] {strides = array<i32>} : memref<40x128xf32, #tpu.memory_space<vmem>>, vector<1x16xf32>,
        %get3A_175 = vector.shape_cast %get3A_174 : vector<1x16xf32> to vector<16xf32>
        %get3A_176 = arith.index_cast %add3A_171 : i32 to index
        %get3A_177 = arith.constant 0 : index
        %get3A_178 = tpu.vector_load %arg22[%get3A_176, %get3A_177] {strides = array<i32>} : memref<40x128xf32, #tpu.memory_space<vmem>>, vector<1x16xf32>,
        %get3A_179 = vector.shape_cast %get3A_178 : vector<1x16xf32> to vector<16xf32>
        %add3A_180 = arith.addf %get3A_175, %get3A_179 : vector<16xf32>
        %get3A_181 = arith.index_cast %add3A_171 : i32 to index
        %get3A_182 = arith.constant 0 : index
        %get3A_183 = tpu.vector_load %arg24[%get3A_181, %get3A_182] {strides = array<i32>} : memref<40x128xf32, #tpu.memory_space<vmem>>, vector<1x16xf32>,
        %get3A_184 = vector.shape_cast %get3A_183 : vector<1x16xf32> to vector<16xf32>
        %add3A_185 = arith.addf %add3A_180, %get3A_184 : vector<16xf32>
        %max3A = arith.constant 0.000000e+00 : f32
        %max3A_186 = vector.broadcast %max3A : f32 to vector<16xf32>
        %max3A_187 = arith.maximumf %add3A_185, %max3A_186 : vector<16xf32>
        %swap3A_188 = arith.index_cast %add3A_171 : i32 to index
        %swap3A_189 = arith.constant 0 : index
        %swap3A_190 = tpu.vector_load %arg26[%swap3A_188, %swap3A_189] {strides = array<i32>} : memref<40x128xf32, #tpu.memory_space<vmem>>, vector<1x16xf32>,
        %swap3A_191 = vector.shape_cast %swap3A_190 : vector<1x16xf32> to vector<16xf32>
        %swap3A_192 = vector.shape_cast %max3A_187 : vector<16xf32> to vector<1x16xf32>
        tpu.vector_store %arg26[%swap3A_188, %swap3A_189], %swap3A_192 {strides = array<i32>} : memref<40x128xf32, #tpu.memory_space<vmem>>, vector<1x16xf32>,
        %get3A_193 = arith.index_cast %add3A_171 : i32 to index
        %get3A_194 = arith.constant 16 : index
        %get3A_195 = tpu.vector_load %arg20[%get3A_193, %get3A_194] {strides = array<i32>} : memref<40x128xf32, #tpu.memory_space<vmem>>, vector<1x16xf32>,
        %get3A_196 = vector.shape_cast %get3A_195 : vector<1x16xf32> to vector<16xf32>
        %get3A_197 = arith.index_cast %add3A_171 : i32 to index
        %get3A_198 = arith.constant 16 : index
        %get3A_199 = tpu.vector_load %arg22[%get3A_197, %get3A_198] {strides = array<i32>} : memref<40x128xf32, #tpu.memory_space<vmem>>, vector<1x16xf32>,
        %get3A_200 = vector.shape_cast %get3A_199 : vector<1x16xf32> to vector<16xf32>
        %add3A_201 = arith.addf %get3A_196, %get3A_200 : vector<16xf32>
        %get3A_202 = arith.index_cast %add3A_171 : i32 to index
        %get3A_203 = arith.constant 16 : index
        %get3A_204 = tpu.vector_load %arg24[%get3A_202, %get3A_203] {strides = array<i32>} : memref<40x128xf32, #tpu.memory_space<vmem>>, vector<1x16xf32>,
        %get3A_205 = vector.shape_cast %get3A_204 : vector<1x16xf32> to vector<16xf32>
        %add3A_206 = arith.addf %add3A_201, %get3A_205 : vector<16xf32>
        %max3A_207 = arith.constant 0.000000e+00 : f32
        %max3A_208 = vector.broadcast %max3A_207 : f32 to vector<16xf32>
        %max3A_209 = arith.maximumf %add3A_206, %max3A_208 : vector<16xf32>
        %swap3A_210 = arith.index_cast %add3A_171 : i32 to index
        %swap3A_211 = arith.constant 16 : index
        %swap3A_212 = tpu.vector_load %arg26[%swap3A_210, %swap3A_211] {strides = array<i32>} : memref<40x128xf32, #tpu.memory_space<vmem>>, vector<1x16xf32>,
        %swap3A_213 = vector.shape_cast %swap3A_212 : vector<1x16xf32> to vector<16xf32>
        %swap3A_214 = vector.shape_cast %max3A_209 : vector<16xf32> to vector<1x16xf32>
        tpu.vector_store %arg26[%swap3A_210, %swap3A_211], %swap3A_214 {strides = array<i32>} : memref<40x128xf32, #tpu.memory_space<vmem>>, vector<1x16xf32>,
        %get3A_215 = arith.index_cast %add3A_171 : i32 to index
        %get3A_216 = arith.constant 32 : index
        %get3A_217 = tpu.vector_load %arg20[%get3A_215, %get3A_216] {strides = array<i32>} : memref<40x128xf32, #tpu.memory_space<vmem>>, vector<1x16xf32>,
        %get3A_218 = vector.shape_cast %get3A_217 : vector<1x16xf32> to vector<16xf32>
        %get3A_219 = arith.index_cast %add3A_171 : i32 to index
        %get3A_220 = arith.constant 32 : index
        %get3A_221 = tpu.vector_load %arg22[%get3A_219, %get3A_220] {strides = array<i32>} : memref<40x128xf32, #tpu.memory_space<vmem>>, vector<1x16xf32>,
        %get3A_222 = vector.shape_cast %get3A_221 : vector<1x16xf32> to vector<16xf32>
        %add3A_223 = arith.addf %get3A_218, %get3A_222 : vector<16xf32>
        %get3A_224 = arith.index_cast %add3A_171 : i32 to index
        %get3A_225 = arith.constant 32 : index
        %get3A_226 = tpu.vector_load %arg24[%get3A_224, %get3A_225] {strides = array<i32>} : memref<40x128xf32, #tpu.memory_space<vmem>>, vector<1x16xf32>,
        %get3A_227 = vector.shape_cast %get3A_226 : vector<1x16xf32> to vector<16xf32>
        %add3A_228 = arith.addf %add3A_223, %get3A_227 : vector<16xf32>
        %max3A_229 = arith.constant 0.000000e+00 : f32
        %max3A_230 = vector.broadcast %max3A_229 : f32 to vector<16xf32>
        %max3A_231 = arith.maximumf %add3A_228, %max3A_230 : vector<16xf32>
        %swap3A_232 = arith.index_cast %add3A_171 : i32 to index
        %swap3A_233 = arith.constant 32 : index
        %swap3A_234 = tpu.vector_load %arg26[%swap3A_232, %swap3A_233] {strides = array<i32>} : memref<40x128xf32, #tpu.memory_space<vmem>>, vector<1x16xf32>,
        %swap3A_235 = vector.shape_cast %swap3A_234 : vector<1x16xf32> to vector<16xf32>
        %swap3A_236 = vector.shape_cast %max3A_231 : vector<16xf32> to vector<1x16xf32>
        tpu.vector_store %arg26[%swap3A_232, %swap3A_233], %swap3A_236 {strides = array<i32>} : memref<40x128xf32, #tpu.memory_space<vmem>>, vector<1x16xf32>,
        %get3A_237 = arith.index_cast %add3A_171 : i32 to index
        %get3A_238 = arith.constant 48 : index
        %get3A_239 = tpu.vector_load %arg20[%get3A_237, %get3A_238] {strides = array<i32>} : memref<40x128xf32, #tpu.memory_space<vmem>>, vector<1x16xf32>,
        %get3A_240 = vector.shape_cast %get3A_239 : vector<1x16xf32> to vector<16xf32>
        %get3A_241 = arith.index_cast %add3A_171 : i32 to index
        %get3A_242 = arith.constant 48 : index
        %get3A_243 = tpu.vector_load %arg22[%get3A_241, %get3A_242] {strides = array<i32>} : memref<40x128xf32, #tpu.memory_space<vmem>>, vector<1x16xf32>,
        %get3A_244 = vector.shape_cast %get3A_243 : vector<1x16xf32> to vector<16xf32>
        %add3A_245 = arith.addf %get3A_240, %get3A_244 : vector<16xf32>
        %get3A_246 = arith.index_cast %add3A_171 : i32 to index
        %get3A_247 = arith.constant 48 : index
        %get3A_248 = tpu.vector_load %arg24[%get3A_246, %get3A_247] {strides = array<i32>} : memref<40x128xf32, #tpu.memory_space<vmem>>, vector<1x16xf32>,
        %get3A_249 = vector.shape_cast %get3A_248 : vector<1x16xf32> to vector<16xf32>
        %add3A_250 = arith.addf %add3A_245, %get3A_249 : vector<16xf32>
        %max3A_251 = arith.constant 0.000000e+00 : f32
        %max3A_252 = vector.broadcast %max3A_251 : f32 to vector<16xf32>
        %max3A_253 = arith.maximumf %add3A_250, %max3A_252 : vector<16xf32>
        %swap3A_254 = arith.index_cast %add3A_171 : i32 to index
        %swap3A_255 = arith.constant 48 : index
        %swap3A_256 = tpu.vector_load %arg26[%swap3A_254, %swap3A_255] {strides = array<i32>} : memref<40x128xf32, #tpu.memory_space<vmem>>, vector<1x16xf32>,
        %swap3A_257 = vector.shape_cast %swap3A_256 : vector<1x16xf32> to vector<16xf32>
        %swap3A_258 = vector.shape_cast %max3A_253 : vector<16xf32> to vector<1x16xf32>
        tpu.vector_store %arg26[%swap3A_254, %swap3A_255], %swap3A_258 {strides = array<i32>} : memref<40x128xf32, #tpu.memory_space<vmem>>, vector<1x16xf32>,
        %get3A_259 = arith.index_cast %add3A_171 : i32 to index
        %get3A_260 = arith.constant 64 : index
        %get3A_261 = tpu.vector_load %arg20[%get3A_259, %get3A_260] {strides = array<i32>} : memref<40x128xf32, #tpu.memory_space<vmem>>, vector<1x16xf32>,
        %get3A_262 = vector.shape_cast %get3A_261 : vector<1x16xf32> to vector<16xf32>
        %get3A_263 = arith.index_cast %add3A_171 : i32 to index
        %get3A_264 = arith.constant 64 : index
        %get3A_265 = tpu.vector_load %arg22[%get3A_263, %get3A_264] {strides = array<i32>} : memref<40x128xf32, #tpu.memory_space<vmem>>, vector<1x16xf32>,
        %get3A_266 = vector.shape_cast %get3A_265 : vector<1x16xf32> to vector<16xf32>
        %add3A_267 = arith.addf %get3A_262, %get3A_266 : vector<16xf32>
        %get3A_268 = arith.index_cast %add3A_171 : i32 to index
        %get3A_269 = arith.constant 64 : index
        %get3A_270 = tpu.vector_load %arg24[%get3A_268, %get3A_269] {strides = array<i32>} : memref<40x128xf32, #tpu.memory_space<vmem>>, vector<1x16xf32>,
        %get3A_271 = vector.shape_cast %get3A_270 : vector<1x16xf32> to vector<16xf32>
        %add3A_272 = arith.addf %add3A_267, %get3A_271 : vector<16xf32>
        %max3A_273 = arith.constant 0.000000e+00 : f32
        %max3A_274 = vector.broadcast %max3A_273 : f32 to vector<16xf32>
        %max3A_275 = arith.maximumf %add3A_272, %max3A_274 : vector<16xf32>
        %swap3A_276 = arith.index_cast %add3A_171 : i32 to index
        %swap3A_277 = arith.constant 64 : index
        %swap3A_278 = tpu.vector_load %arg26[%swap3A_276, %swap3A_277] {strides = array<i32>} : memref<40x128xf32, #tpu.memory_space<vmem>>, vector<1x16xf32>,
        %swap3A_279 = vector.shape_cast %swap3A_278 : vector<1x16xf32> to vector<16xf32>
        %swap3A_280 = vector.shape_cast %max3A_275 : vector<16xf32> to vector<1x16xf32>
        tpu.vector_store %arg26[%swap3A_276, %swap3A_277], %swap3A_280 {strides = array<i32>} : memref<40x128xf32, #tpu.memory_space<vmem>>, vector<1x16xf32>,
        %get3A_281 = arith.index_cast %add3A_171 : i32 to index
        %get3A_282 = arith.constant 80 : index
        %get3A_283 = tpu.vector_load %arg20[%get3A_281, %get3A_282] {strides = array<i32>} : memref<40x128xf32, #tpu.memory_space<vmem>>, vector<1x16xf32>,
        %get3A_284 = vector.shape_cast %get3A_283 : vector<1x16xf32> to vector<16xf32>
        %get3A_285 = arith.index_cast %add3A_171 : i32 to index
        %get3A_286 = arith.constant 80 : index
        %get3A_287 = tpu.vector_load %arg22[%get3A_285, %get3A_286] {strides = array<i32>} : memref<40x128xf32, #tpu.memory_space<vmem>>, vector<1x16xf32>,
        %get3A_288 = vector.shape_cast %get3A_287 : vector<1x16xf32> to vector<16xf32>
        %add3A_289 = arith.addf %get3A_284, %get3A_288 : vector<16xf32>
        %get3A_290 = arith.index_cast %add3A_171 : i32 to index
        %get3A_291 = arith.constant 80 : index
        %get3A_292 = tpu.vector_load %arg24[%get3A_290, %get3A_291] {strides = array<i32>} : memref<40x128xf32, #tpu.memory_space<vmem>>, vector<1x16xf32>,
        %get3A_293 = vector.shape_cast %get3A_292 : vector<1x16xf32> to vector<16xf32>
        %add3A_294 = arith.addf %add3A_289, %get3A_293 : vector<16xf32>
        %max3A_295 = arith.constant 0.000000e+00 : f32
        %max3A_296 = vector.broadcast %max3A_295 : f32 to vector<16xf32>
        %max3A_297 = arith.maximumf %add3A_294, %max3A_296 : vector<16xf32>
        %swap3A_298 = arith.index_cast %add3A_171 : i32 to index
        %swap3A_299 = arith.constant 80 : index
        %swap3A_300 = tpu.vector_load %arg26[%swap3A_298, %swap3A_299] {strides = array<i32>} : memref<40x128xf32, #tpu.memory_space<vmem>>, vector<1x16xf32>,
        %swap3A_301 = vector.shape_cast %swap3A_300 : vector<1x16xf32> to vector<16xf32>
        %swap3A_302 = vector.shape_cast %max3A_297 : vector<16xf32> to vector<1x16xf32>
        tpu.vector_store %arg26[%swap3A_298, %swap3A_299], %swap3A_302 {strides = array<i32>} : memref<40x128xf32, #tpu.memory_space<vmem>>, vector<1x16xf32>,
        %get3A_303 = arith.index_cast %add3A_171 : i32 to index
        %get3A_304 = arith.constant 96 : index
        %get3A_305 = tpu.vector_load %arg20[%get3A_303, %get3A_304] {strides = array<i32>} : memref<40x128xf32, #tpu.memory_space<vmem>>, vector<1x16xf32>,
        %get3A_306 = vector.shape_cast %get3A_305 : vector<1x16xf32> to vector<16xf32>
        %get3A_307 = arith.index_cast %add3A_171 : i32 to index
        %get3A_308 = arith.constant 96 : index
        %get3A_309 = tpu.vector_load %arg22[%get3A_307, %get3A_308] {strides = array<i32>} : memref<40x128xf32, #tpu.memory_space<vmem>>, vector<1x16xf32>,
        %get3A_310 = vector.shape_cast %get3A_309 : vector<1x16xf32> to vector<16xf32>
        %add3A_311 = arith.addf %get3A_306, %get3A_310 : vector<16xf32>
        %get3A_312 = arith.index_cast %add3A_171 : i32 to index
        %get3A_313 = arith.constant 96 : index
        %get3A_314 = tpu.vector_load %arg24[%get3A_312, %get3A_313] {strides = array<i32>} : memref<40x128xf32, #tpu.memory_space<vmem>>, vector<1x16xf32>,
        %get3A_315 = vector.shape_cast %get3A_314 : vector<1x16xf32> to vector<16xf32>
        %add3A_316 = arith.addf %add3A_311, %get3A_315 : vector<16xf32>
        %max3A_317 = arith.constant 0.000000e+00 : f32
        %max3A_318 = vector.broadcast %max3A_317 : f32 to vector<16xf32>
        %max3A_319 = arith.maximumf %add3A_316, %max3A_318 : vector<16xf32>
        %swap3A_320 = arith.index_cast %add3A_171 : i32 to index
        %swap3A_321 = arith.constant 96 : index
        %swap3A_322 = tpu.vector_load %arg26[%swap3A_320, %swap3A_321] {strides = array<i32>} : memref<40x128xf32, #tpu.memory_space<vmem>>, vector<1x16xf32>,
        %swap3A_323 = vector.shape_cast %swap3A_322 : vector<1x16xf32> to vector<16xf32>
        %swap3A_324 = vector.shape_cast %max3A_319 : vector<16xf32> to vector<1x16xf32>
        tpu.vector_store %arg26[%swap3A_320, %swap3A_321], %swap3A_324 {strides = array<i32>} : memref<40x128xf32, #tpu.memory_space<vmem>>, vector<1x16xf32>,
        %get3A_325 = arith.index_cast %add3A_171 : i32 to index
        %get3A_326 = arith.constant 112 : index
        %get3A_327 = tpu.vector_load %arg20[%get3A_325, %get3A_326] {strides = array<i32>} : memref<40x128xf32, #tpu.memory_space<vmem>>, vector<1x16xf32>,
        %get3A_328 = vector.shape_cast %get3A_327 : vector<1x16xf32> to vector<16xf32>
        %get3A_329 = arith.index_cast %add3A_171 : i32 to index
        %get3A_330 = arith.constant 112 : index
        %get3A_331 = tpu.vector_load %arg22[%get3A_329, %get3A_330] {strides = array<i32>} : memref<40x128xf32, #tpu.memory_space<vmem>>, vector<1x16xf32>,
        %get3A_332 = vector.shape_cast %get3A_331 : vector<1x16xf32> to vector<16xf32>
        %add3A_333 = arith.addf %get3A_328, %get3A_332 : vector<16xf32>
        %get3A_334 = arith.index_cast %add3A_171 : i32 to index
        %get3A_335 = arith.constant 112 : index
        %get3A_336 = tpu.vector_load %arg24[%get3A_334, %get3A_335] {strides = array<i32>} : memref<40x128xf32, #tpu.memory_space<vmem>>, vector<1x16xf32>,
        %get3A_337 = vector.shape_cast %get3A_336 : vector<1x16xf32> to vector<16xf32>
        %add3A_338 = arith.addf %add3A_333, %get3A_337 : vector<16xf32>
        %max3A_339 = arith.constant 0.000000e+00 : f32
        %max3A_340 = vector.broadcast %max3A_339 : f32 to vector<16xf32>
        %max3A_341 = arith.maximumf %add3A_338, %max3A_340 : vector<16xf32>
        %swap3A_342 = arith.index_cast %add3A_171 : i32 to index
        %swap3A_343 = arith.constant 112 : index
        %swap3A_344 = tpu.vector_load %arg26[%swap3A_342, %swap3A_343] {strides = array<i32>} : memref<40x128xf32, #tpu.memory_space<vmem>>, vector<1x16xf32>,
        %swap3A_345 = vector.shape_cast %swap3A_344 : vector<1x16xf32> to vector<16xf32>
        %swap3A_346 = vector.shape_cast %max3A_341 : vector<16xf32> to vector<1x16xf32>
        tpu.vector_store %arg26[%swap3A_342, %swap3A_343], %swap3A_346 {strides = array<i32>} : memref<40x128xf32, #tpu.memory_space<vmem>>, vector<1x16xf32>,
      }
      %scan3A_156 = arith.constant 40 : i32
      %add3A_157 = arith.constant 2 : i32
      %add3A_158 = arith.addi %add3A_106, %add3A_157 : i32
      %lt3A_159 = arith.constant 250 : i32
      %lt3A_160 = arith.cmpi slt, %add3A_158, %lt3A_159 : i32
      %convert_element_type3A_161 = arith.extui %lt3A_160 : i1 to i32
      %cond3A_162 = arith.constant 0 : i32
      %cond3A_163 = arith.cmpi ne, %convert_element_type3A_161, %cond3A_162 : i32
      scf.if %cond3A_163 {
        %add3A_167 = arith.constant 2 : i32
        %add3A_168 = arith.addi %add3A_106, %add3A_167 : i32
        %mul3A_169 = arith.constant 40 : i32
        %mul3A_170 = arith.muli %add3A_168, %mul3A_169 : i32
        %add3A_171 = arith.addi %mul3A_6, %mul3A_170 : i32
        %dma_start3A_172 = tpu.memref_slice %arg5[%add3A_171] : memref<320000xi32, #tpu.memory_space<hbm>> -> memref<40xi32, #tpu.memory_space<hbm>>
        %dma_start3A_173 = tpu.memref_slice %arg5[%add3A_171] : memref<320000xi32, #tpu.memory_space<hbm>> -> memref<40xi32, #tpu.memory_space<hbm>>
        tpu.enqueue_dma source(%dma_start3A_173 : memref<40xi32, #tpu.memory_space<hbm>>) target(%arg10 : memref<40xi32, #tpu.memory_space<vmem>>) target_semaphore(%arg37 : memref<!tpu.dma_semaphore, #tpu.memory_space<semaphore_mem>>)
        %dma_start3A_174 = tpu.memref_slice %arg6[%add3A_171] : memref<320000xi32, #tpu.memory_space<hbm>> -> memref<40xi32, #tpu.memory_space<hbm>>
        %dma_start3A_175 = tpu.memref_slice %arg6[%add3A_171] : memref<320000xi32, #tpu.memory_space<hbm>> -> memref<40xi32, #tpu.memory_space<hbm>>
        tpu.enqueue_dma source(%dma_start3A_175 : memref<40xi32, #tpu.memory_space<hbm>>) target(%arg12 : memref<40xi32, #tpu.memory_space<vmem>>) target_semaphore(%arg39 : memref<!tpu.dma_semaphore, #tpu.memory_space<semaphore_mem>>)
      } else {
      }
      %dma_start3A_164 = arith.constant 0 : i32
      %dma_start3A_165 = arith.constant 0 : i32
      %dma_start3A_166 = tpu.memref_slice %arg27[%dma_start3A_164, %dma_start3A_165] : memref<10000x128xf32, #tpu.memory_space<vmem_shared>> -> memref<10000x128xf32, #tpu.memory_space<vmem_shared>>
      tpu.enqueue_indirect_dma source(%arg26 : memref<40x128xf32, #tpu.memory_space<vmem>>) target(%dma_start3A_166 : memref<10000x128xf32, #tpu.memory_space<vmem_shared>>) offsets(%arg18 : memref<40xi32, #tpu.memory_space<vmem>>) semaphore(%arg35 : memref<!tpu.dma_semaphore, #tpu.memory_space<semaphore_mem>>) {add = true}
    }
    %scan3A_27 = arith.constant 125 : i32
    %dma_wait3A = arith.constant 0 : i32
    %dma_wait3A_28 = arith.constant 0 : i32
    %dma_wait3A_29 = tpu.memref_slice %arg27[%dma_wait3A, %dma_wait3A_28] : memref<10000x128xf32, #tpu.memory_space<vmem_shared>> -> memref<10000x128xf32, #tpu.memory_space<vmem_shared>>
    tpu.wait_indirect_dma semaphore(%arg34 : memref<!tpu.dma_semaphore, #tpu.memory_space<semaphore_mem>>) src(%arg25 : memref<40x128xf32, #tpu.memory_space<vmem>>) dst(%dma_wait3A_29 : memref<10000x128xf32, #tpu.memory_space<vmem_shared>>)
    %dma_wait3A_30 = arith.constant 0 : i32
    %dma_wait3A_31 = arith.constant 0 : i32
    %dma_wait3A_32 = tpu.memref_slice %arg27[%dma_wait3A_30, %dma_wait3A_31] : memref<10000x128xf32, #tpu.memory_space<vmem_shared>> -> memref<10000x128xf32, #tpu.memory_space<vmem_shared>>
    tpu.wait_indirect_dma semaphore(%arg35 : memref<!tpu.dma_semaphore, #tpu.memory_space<semaphore_mem>>) src(%arg26 : memref<40x128xf32, #tpu.memory_space<vmem>>) dst(%dma_wait3A_32 : memref<10000x128xf32, #tpu.memory_space<vmem_shared>>)
    %barrier3A_33 = arith.constant 0 : index
    tpu.barrier barrier_id(%barrier3A_33)
    %mul3A_34 = arith.constant 10000 : i32
    %mul3A_35 = arith.muli %arg0, %mul3A_34 : i32
    %add3A_36 = arith.addi %mul3A_35, %mul3A_0 : i32
    "tpu.region"() ({
      %run_scoped3A = tpu.sem_alloc : memref<!tpu.dma_semaphore, #tpu.memory_space<semaphore_mem>>
      %dma_start3A_42 = arith.constant 0 : i32
      %dma_start3A_43 = tpu.memref_slice %arg8[%add3A_36, %dma_start3A_42] : memref<20000x128xf32, #tpu.memory_space<hbm>> -> memref<624x128xf32, #tpu.memory_space<hbm>>
      %dma_start3A_44 = arith.constant 0 : i32
      %dma_start3A_45 = tpu.memref_slice %arg27[%mul3A_0, %dma_start3A_44] : memref<10000x128xf32, #tpu.memory_space<vmem_shared>> -> memref<624x128xf32, #tpu.memory_space<vmem_shared>>
      tpu.enqueue_dma source(%dma_start3A_45 : memref<624x128xf32, #tpu.memory_space<vmem_shared>>) target(%dma_start3A_43 : memref<624x128xf32, #tpu.memory_space<hbm>>) target_semaphore(%run_scoped3A : memref<!tpu.dma_semaphore, #tpu.memory_space<semaphore_mem>>)
      %dma_wait3A_46 = arith.constant 0 : i32
      %dma_wait3A_47 = tpu.memref_slice %arg8[%add3A_36, %dma_wait3A_46] : memref<20000x128xf32, #tpu.memory_space<hbm>> -> memref<624x128xf32, #tpu.memory_space<hbm>>
      %dma_wait3A_48 = arith.constant 0 : i32
      %dma_wait3A_49 = tpu.memref_slice %arg27[%mul3A_0, %dma_wait3A_48] : memref<10000x128xf32, #tpu.memory_space<vmem_shared>> -> memref<624x128xf32, #tpu.memory_space<vmem_shared>>
      tpu.wait_dma2 semaphore(%run_scoped3A : memref<!tpu.dma_semaphore, #tpu.memory_space<semaphore_mem>>) src(%dma_wait3A_49 : memref<624x128xf32, #tpu.memory_space<vmem_shared>>) dst(%dma_wait3A_47 : memref<624x128xf32, #tpu.memory_space<hbm>>)
      tpu.yield
    }) : () -> ()
    %eq3A_37 = arith.constant 15 : i32
    %eq3A_38 = arith.cmpi eq, %arg1, %eq3A_37 : i32
    %convert_element_type3A_39 = arith.extui %eq3A_38 : i1 to i32
    %cond3A_40 = arith.constant 0 : i32
    %cond3A_41 = arith.cmpi ne, %convert_element_type3A_39, %cond3A_40 : i32
    scf.if %cond3A_41 {
      %mul3A_42 = arith.constant 10000 : i32
      %mul3A_43 = arith.muli %arg0, %mul3A_42 : i32
      %add3A_44 = arith.constant 9984 : i32
      %add3A_45 = arith.addi %mul3A_43, %add3A_44 : i32
      "tpu.region"() ({
        %run_scoped3A = tpu.sem_alloc : memref<!tpu.dma_semaphore, #tpu.memory_space<semaphore_mem>>
        %dma_start3A_46 = arith.constant 0 : i32
        %dma_start3A_47 = tpu.memref_slice %arg8[%add3A_45, %dma_start3A_46] : memref<20000x128xf32, #tpu.memory_space<hbm>> -> memref<16x128xf32, #tpu.memory_space<hbm>>
        %dma_start3A_48 = arith.constant 9984 : i32
        %dma_start3A_49 = arith.constant 0 : i32
        %dma_start3A_50 = tpu.memref_slice %arg27[%dma_start3A_48, %dma_start3A_49] : memref<10000x128xf32, #tpu.memory_space<vmem_shared>> -> memref<16x128xf32, #tpu.memory_space<vmem_shared>>
        tpu.enqueue_dma source(%dma_start3A_50 : memref<16x128xf32, #tpu.memory_space<vmem_shared>>) target(%dma_start3A_47 : memref<16x128xf32, #tpu.memory_space<hbm>>) target_semaphore(%run_scoped3A : memref<!tpu.dma_semaphore, #tpu.memory_space<semaphore_mem>>)
        %dma_wait3A_51 = arith.constant 0 : i32
        %dma_wait3A_52 = tpu.memref_slice %arg8[%add3A_45, %dma_wait3A_51] : memref<20000x128xf32, #tpu.memory_space<hbm>> -> memref<16x128xf32, #tpu.memory_space<hbm>>
        %dma_wait3A_53 = arith.constant 9984 : i32
        %dma_wait3A_54 = arith.constant 0 : i32
        %dma_wait3A_55 = tpu.memref_slice %arg27[%dma_wait3A_53, %dma_wait3A_54] : memref<10000x128xf32, #tpu.memory_space<vmem_shared>> -> memref<16x128xf32, #tpu.memory_space<vmem_shared>>
        tpu.wait_dma2 semaphore(%run_scoped3A : memref<!tpu.dma_semaphore, #tpu.memory_space<semaphore_mem>>) src(%dma_wait3A_55 : memref<16x128xf32, #tpu.memory_space<vmem_shared>>) dst(%dma_wait3A_52 : memref<16x128xf32, #tpu.memory_space<hbm>>)
        tpu.yield
      }) : () -> ()
    } else {
    }
    return
  }
}

#map = affine_map<(d0, d1) -> (0, 0)>
#map1 = affine_map<(d0, d1) -> (0)>
module attributes {stable_mosaic.version = 14 : i64} {
  func.func @body(%arg0: i32, %arg1: i32, %arg2: memref<10000x128xf32, #tpu.memory_space<hbm>>, %arg3: memref<10000x128xf32, #tpu.memory_space<hbm>>, %arg4: memref<320000x128xf32, #tpu.memory_space<hbm>>, %arg5: memref<320000xi32, #tpu.memory_space<hbm>>, %arg6: memref<320000xi32, #tpu.memory_space<hbm>>, %arg7: memref<10000x128xf32, #tpu.memory_space<hbm>>, %arg8: memref<20000x128xf32, #tpu.memory_space<hbm>>, %arg9: memref<40xi32, #tpu.memory_space<vmem>>, %arg10: memref<40xi32, #tpu.memory_space<vmem>>, %arg11: memref<40xi32, #tpu.memory_space<vmem>>, %arg12: memref<40xi32, #tpu.memory_space<vmem>>, %arg13: memref<40xi32, #tpu.memory_space<vmem>>, %arg14: memref<40xi32, #tpu.memory_space<vmem>>, %arg15: memref<40xi32, #tpu.memory_space<vmem>>, %arg16: memref<40xi32, #tpu.memory_space<vmem>>, %arg17: memref<40xi32, #tpu.memory_space<vmem>>, %arg18: memref<40xi32, #tpu.memory_space<vmem>>, %arg19: memref<40x128xf32, #tpu.memory_space<vmem>>, %arg20: memref<40x128xf32, #tpu.memory_space<vmem>>, %arg21: memref<40x128xf32, #tpu.memory_space<vmem>>, %arg22: memref<40x128xf32, #tpu.memory_space<vmem>>, %arg23: memref<40x128xf32, #tpu.memory_space<vmem>>, %arg24: memref<40x128xf32, #tpu.memory_space<vmem>>, %arg25: memref<40x128xf32, #tpu.memory_space<vmem>>, %arg26: memref<40x128xf32, #tpu.memory_space<vmem>>, %arg27: memref<10000x128xf32, #tpu.memory_space<vmem_shared>>, %arg28: memref<!tpu.dma_semaphore, #tpu.memory_space<semaphore_mem>>, %arg29: memref<!tpu.dma_semaphore, #tpu.memory_space<semaphore_mem>>, %arg30: memref<!tpu.dma_semaphore, #tpu.memory_space<semaphore_mem>>, %arg31: memref<!tpu.dma_semaphore, #tpu.memory_space<semaphore_mem>>, %arg32: memref<!tpu.dma_semaphore, #tpu.memory_space<semaphore_mem>>, %arg33: memref<!tpu.dma_semaphore, #tpu.memory_space<semaphore_mem>>, %arg34: memref<!tpu.dma_semaphore, #tpu.memory_space<semaphore_mem>>, %arg35: memref<!tpu.dma_semaphore, #tpu.memory_space<semaphore_mem>>, %arg36: memref<!tpu.dma_semaphore, #tpu.memory_space<semaphore_mem>>, %arg37: memref<!tpu.dma_semaphore, #tpu.memory_space<semaphore_mem>>, %arg38: memref<!tpu.dma_semaphore, #tpu.memory_space<semaphore_mem>>, %arg39: memref<!tpu.dma_semaphore, #tpu.memory_space<semaphore_mem>>) attributes {dimension_semantics = [#tpu.dimension_semantics<core_parallel>, #tpu.dimension_semantics<subcore_parallel>], iteration_bounds = array<i64: 2, 16>, scalar_prefetch = 0 : i64, scratch_operands = 31 : i64, tpu.core_type = #tpu.core_type<sc_vector_subcore>, window_params = [{transform_indices = #map}, {transform_indices = #map}, {transform_indices = #map}, {transform_indices = #map1}, {transform_indices = #map1}, {transform_indices = #map}, {transform_indices = #map}]} {
    %mul3A = arith.constant 624 : i32
    %mul3A_0 = arith.muli %arg1, %mul3A : i32
    "tpu.region"() ({
      %run_scoped3A = tpu.sem_alloc : memref<!tpu.dma_semaphore, #tpu.memory_space<semaphore_mem>>
      %dma_start3A_42 = arith.constant 0 : i32
      %dma_start3A_43 = tpu.memref_slice %arg27[%mul3A_0, %dma_start3A_42] : memref<10000x128xf32, #tpu.memory_space<vmem_shared>> -> memref<624x128xf32, #tpu.memory_space<vmem_shared>>
      %dma_start3A_44 = arith.constant 0 : i32
      %dma_start3A_45 = tpu.memref_slice %arg7[%mul3A_0, %dma_start3A_44] : memref<10000x128xf32, #tpu.memory_space<hbm>> -> memref<624x128xf32, #tpu.memory_space<hbm>>
      tpu.enqueue_dma source(%dma_start3A_45 : memref<624x128xf32, #tpu.memory_space<hbm>>) target(%dma_start3A_43 : memref<624x128xf32, #tpu.memory_space<vmem_shared>>) target_semaphore(%run_scoped3A : memref<!tpu.dma_semaphore, #tpu.memory_space<semaphore_mem>>)
      %dma_wait3A_46 = arith.constant 0 : i32
      %dma_wait3A_47 = tpu.memref_slice %arg27[%mul3A_0, %dma_wait3A_46] : memref<10000x128xf32, #tpu.memory_space<vmem_shared>> -> memref<624x128xf32, #tpu.memory_space<vmem_shared>>
      %dma_wait3A_48 = arith.constant 0 : i32
      %dma_wait3A_49 = tpu.memref_slice %arg7[%mul3A_0, %dma_wait3A_48] : memref<10000x128xf32, #tpu.memory_space<hbm>> -> memref<624x128xf32, #tpu.memory_space<hbm>>
      tpu.wait_dma2 semaphore(%run_scoped3A : memref<!tpu.dma_semaphore, #tpu.memory_space<semaphore_mem>>) src(%dma_wait3A_49 : memref<624x128xf32, #tpu.memory_space<hbm>>) dst(%dma_wait3A_47 : memref<624x128xf32, #tpu.memory_space<vmem_shared>>)
      tpu.yield
    }) : () -> ()
    %eq3A = arith.constant 15 : i32
    %eq3A_1 = arith.cmpi eq, %arg1, %eq3A : i32
    %convert_element_type3A = arith.extui %eq3A_1 : i1 to i32
    %cond3A = arith.constant 0 : i32
    %cond3A_2 = arith.cmpi ne, %convert_element_type3A, %cond3A : i32
    scf.if %cond3A_2 {
      "tpu.region"() ({
        %run_scoped3A = tpu.sem_alloc : memref<!tpu.dma_semaphore, #tpu.memory_space<semaphore_mem>>
        %dma_start3A_42 = arith.constant 9984 : i32
        %dma_start3A_43 = arith.constant 0 : i32
        %dma_start3A_44 = tpu.memref_slice %arg27[%dma_start3A_42, %dma_start3A_43] : memref<10000x128xf32, #tpu.memory_space<vmem_shared>> -> memref<16x128xf32, #tpu.memory_space<vmem_shared>>
        %dma_start3A_45 = arith.constant 9984 : i32
        %dma_start3A_46 = arith.constant 0 : i32
        %dma_start3A_47 = tpu.memref_slice %arg7[%dma_start3A_45, %dma_start3A_46] : memref<10000x128xf32, #tpu.memory_space<hbm>> -> memref<16x128xf32, #tpu.memory_space<hbm>>
        tpu.enqueue_dma source(%dma_start3A_47 : memref<16x128xf32, #tpu.memory_space<hbm>>) target(%dma_start3A_44 : memref<16x128xf32, #tpu.memory_space<vmem_shared>>) target_semaphore(%run_scoped3A : memref<!tpu.dma_semaphore, #tpu.memory_space<semaphore_mem>>)
        %dma_wait3A_48 = arith.constant 9984 : i32
        %dma_wait3A_49 = arith.constant 0 : i32
        %dma_wait3A_50 = tpu.memref_slice %arg27[%dma_wait3A_48, %dma_wait3A_49] : memref<10000x128xf32, #tpu.memory_space<vmem_shared>> -> memref<16x128xf32, #tpu.memory_space<vmem_shared>>
        %dma_wait3A_51 = arith.constant 9984 : i32
        %dma_wait3A_52 = arith.constant 0 : i32
        %dma_wait3A_53 = tpu.memref_slice %arg7[%dma_wait3A_51, %dma_wait3A_52] : memref<10000x128xf32, #tpu.memory_space<hbm>> -> memref<16x128xf32, #tpu.memory_space<hbm>>
        tpu.wait_dma2 semaphore(%run_scoped3A : memref<!tpu.dma_semaphore, #tpu.memory_space<semaphore_mem>>) src(%dma_wait3A_53 : memref<16x128xf32, #tpu.memory_space<hbm>>) dst(%dma_wait3A_50 : memref<16x128xf32, #tpu.memory_space<vmem_shared>>)
        tpu.yield
      }) : () -> ()
    } else {
    }
    %barrier3A = arith.constant 0 : index
    tpu.barrier barrier_id(%barrier3A)
    %mul3A_3 = arith.constant 2 : i32
    %mul3A_4 = arith.muli %arg1, %mul3A_3 : i32
    %add3A = arith.addi %mul3A_4, %arg0 : i32
    %mul3A_5 = arith.constant 10000 : i32
    %mul3A_6 = arith.muli %add3A, %mul3A_5 : i32
    "tpu.region"() ({
      %run_scoped3A = tpu.sem_alloc : memref<!tpu.dma_semaphore, #tpu.memory_space<semaphore_mem>>
      %dma_start3A_42 = tpu.memref_slice %arg5[%mul3A_6] : memref<320000xi32, #tpu.memory_space<hbm>> -> memref<40xi32, #tpu.memory_space<hbm>>
      %dma_start3A_43 = tpu.memref_slice %arg5[%mul3A_6] : memref<320000xi32, #tpu.memory_space<hbm>> -> memref<40xi32, #tpu.memory_space<hbm>>
      tpu.enqueue_dma source(%dma_start3A_43 : memref<40xi32, #tpu.memory_space<hbm>>) target(%arg9 : memref<40xi32, #tpu.memory_space<vmem>>) target_semaphore(%run_scoped3A : memref<!tpu.dma_semaphore, #tpu.memory_space<semaphore_mem>>)
      %dma_wait3A_44 = tpu.memref_slice %arg5[%mul3A_6] : memref<320000xi32, #tpu.memory_space<hbm>> -> memref<40xi32, #tpu.memory_space<hbm>>
      %dma_wait3A_45 = tpu.memref_slice %arg5[%mul3A_6] : memref<320000xi32, #tpu.memory_space<hbm>> -> memref<40xi32, #tpu.memory_space<hbm>>
      tpu.wait_dma2 semaphore(%run_scoped3A : memref<!tpu.dma_semaphore, #tpu.memory_space<semaphore_mem>>) src(%dma_wait3A_45 : memref<40xi32, #tpu.memory_space<hbm>>) dst(%arg9 : memref<40xi32, #tpu.memory_space<vmem>>)
      tpu.yield
    }) : () -> ()
    "tpu.region"() ({
      %run_scoped3A = tpu.sem_alloc : memref<!tpu.dma_semaphore, #tpu.memory_space<semaphore_mem>>
      %dma_start3A_42 = tpu.memref_slice %arg6[%mul3A_6] : memref<320000xi32, #tpu.memory_space<hbm>> -> memref<40xi32, #tpu.memory_space<hbm>>
      %dma_start3A_43 = tpu.memref_slice %arg6[%mul3A_6] : memref<320000xi32, #tpu.memory_space<hbm>> -> memref<40xi32, #tpu.memory_space<hbm>>
      tpu.enqueue_dma source(%dma_start3A_43 : memref<40xi32, #tpu.memory_space<hbm>>) target(%arg11 : memref<40xi32, #tpu.memory_space<vmem>>) target_semaphore(%run_scoped3A : memref<!tpu.dma_semaphore, #tpu.memory_space<semaphore_mem>>)
      %dma_wait3A_44 = tpu.memref_slice %arg6[%mul3A_6] : memref<320000xi32, #tpu.memory_space<hbm>> -> memref<40xi32, #tpu.memory_space<hbm>>
      %dma_wait3A_45 = tpu.memref_slice %arg6[%mul3A_6] : memref<320000xi32, #tpu.memory_space<hbm>> -> memref<40xi32, #tpu.memory_space<hbm>>
      tpu.wait_dma2 semaphore(%run_scoped3A : memref<!tpu.dma_semaphore, #tpu.memory_space<semaphore_mem>>) src(%dma_wait3A_45 : memref<40xi32, #tpu.memory_space<hbm>>) dst(%arg11 : memref<40xi32, #tpu.memory_space<vmem>>)
      tpu.yield
    }) : () -> ()
    %add3A_7 = arith.constant 0 : i32
    %add3A_8 = arith.addi %mul3A_6, %add3A_7 : i32
    %dma_start3A = arith.constant 0 : i32
    %dma_start3A_9 = arith.constant 0 : i32
    %dma_start3A_10 = tpu.memref_slice %arg2[%dma_start3A, %dma_start3A_9] : memref<10000x128xf32, #tpu.memory_space<hbm>> -> memref<10000x128xf32, #tpu.memory_space<hbm>>
    tpu.enqueue_indirect_dma source(%dma_start3A_10 : memref<10000x128xf32, #tpu.memory_space<hbm>>) target(%arg19 : memref<40x128xf32, #tpu.memory_space<vmem>>) offsets(%arg11 : memref<40xi32, #tpu.memory_space<vmem>>) semaphore(%arg28 : memref<!tpu.dma_semaphore, #tpu.memory_space<semaphore_mem>>)
    %dma_start3A_11 = arith.constant 0 : i32
    %dma_start3A_12 = arith.constant 0 : i32
    %dma_start3A_13 = tpu.memref_slice %arg3[%dma_start3A_11, %dma_start3A_12] : memref<10000x128xf32, #tpu.memory_space<hbm>> -> memref<10000x128xf32, #tpu.memory_space<hbm>>
    tpu.enqueue_indirect_dma source(%dma_start3A_13 : memref<10000x128xf32, #tpu.memory_space<hbm>>) target(%arg21 : memref<40x128xf32, #tpu.memory_space<vmem>>) offsets(%arg9 : memref<40xi32, #tpu.memory_space<vmem>>) semaphore(%arg30 : memref<!tpu.dma_semaphore, #tpu.memory_space<semaphore_mem>>)
    %dma_start3A_14 = arith.constant 0 : i32
    %dma_start3A_15 = tpu.memref_slice %arg4[%add3A_8, %dma_start3A_14] : memref<320000x128xf32, #tpu.memory_space<hbm>> -> memref<40x128xf32, #tpu.memory_space<hbm>>
    %dma_start3A_16 = arith.constant 0 : i32
    %dma_start3A_17 = tpu.memref_slice %arg4[%add3A_8, %dma_start3A_16] : memref<320000x128xf32, #tpu.memory_space<hbm>> -> memref<40x128xf32, #tpu.memory_space<hbm>>
    tpu.enqueue_dma source(%dma_start3A_17 : memref<40x128xf32, #tpu.memory_space<hbm>>) target(%arg23 : memref<40x128xf32, #tpu.memory_space<vmem>>) target_semaphore(%arg32 : memref<!tpu.dma_semaphore, #tpu.memory_space<semaphore_mem>>)
    %add3A_18 = arith.constant 40 : i32
    %add3A_19 = arith.addi %mul3A_6, %add3A_18 : i32
    %dma_start3A_20 = tpu.memref_slice %arg5[%add3A_19] : memref<320000xi32, #tpu.memory_space<hbm>> -> memref<40xi32, #tpu.memory_space<hbm>>
    %dma_start3A_21 = tpu.memref_slice %arg5[%add3A_19] : memref<320000xi32, #tpu.memory_space<hbm>> -> memref<40xi32, #tpu.memory_space<hbm>>
    tpu.enqueue_dma source(%dma_start3A_21 : memref<40xi32, #tpu.memory_space<hbm>>) target(%arg10 : memref<40xi32, #tpu.memory_space<vmem>>) target_semaphore(%arg37 : memref<!tpu.dma_semaphore, #tpu.memory_space<semaphore_mem>>)
    %dma_start3A_22 = tpu.memref_slice %arg6[%add3A_19] : memref<320000xi32, #tpu.memory_space<hbm>> -> memref<40xi32, #tpu.memory_space<hbm>>
    %dma_start3A_23 = tpu.memref_slice %arg6[%add3A_19] : memref<320000xi32, #tpu.memory_space<hbm>> -> memref<40xi32, #tpu.memory_space<hbm>>
    tpu.enqueue_dma source(%dma_start3A_23 : memref<40xi32, #tpu.memory_space<hbm>>) target(%arg12 : memref<40xi32, #tpu.memory_space<vmem>>) target_semaphore(%arg39 : memref<!tpu.dma_semaphore, #tpu.memory_space<semaphore_mem>>)
    %scan3A = arith.constant 0 : i32
    %scan3A_24 = arith.constant 125 : i32
    %scan3A_25 = arith.addi %scan3A, %scan3A_24 : i32
    %scan3A_26 = arith.constant 1 : i32
    scf.for %scan3A_42 = %scan3A to %scan3A_25 step %scan3A_26  : i32 {
      %mul3A_43 = arith.constant 2 : i32
      %mul3A_44 = arith.muli %scan3A_42, %mul3A_43 : i32
      %add3A_45 = arith.constant 0 : i32
      %add3A_46 = arith.addi %add3A_45, %mul3A_44 : i32
      %add3A_47 = arith.constant 0 : i32
      %add3A_48 = arith.addi %add3A_46, %add3A_47 : i32
      %dma_wait3A_49 = arith.constant 0 : i32
      %dma_wait3A_50 = arith.constant 0 : i32
      %dma_wait3A_51 = tpu.memref_slice %arg2[%dma_wait3A_49, %dma_wait3A_50] : memref<10000x128xf32, #tpu.memory_space<hbm>> -> memref<10000x128xf32, #tpu.memory_space<hbm>>
      tpu.wait_indirect_dma semaphore(%arg28 : memref<!tpu.dma_semaphore, #tpu.memory_space<semaphore_mem>>) src(%dma_wait3A_51 : memref<10000x128xf32, #tpu.memory_space<hbm>>) dst(%arg19 : memref<40x128xf32, #tpu.memory_space<vmem>>)
      %dma_wait3A_52 = arith.constant 0 : i32
      %dma_wait3A_53 = arith.constant 0 : i32
      %dma_wait3A_54 = tpu.memref_slice %arg3[%dma_wait3A_52, %dma_wait3A_53] : memref<10000x128xf32, #tpu.memory_space<hbm>> -> memref<10000x128xf32, #tpu.memory_space<hbm>>
      tpu.wait_indirect_dma semaphore(%arg30 : memref<!tpu.dma_semaphore, #tpu.memory_space<semaphore_mem>>) src(%dma_wait3A_54 : memref<10000x128xf32, #tpu.memory_space<hbm>>) dst(%arg21 : memref<40x128xf32, #tpu.memory_space<vmem>>)
      %dma_wait3A_55 = arith.constant 0 : i32
      %dma_wait3A_56 = arith.constant 0 : i32
      %dma_wait3A_57 = tpu.memref_slice %arg4[%dma_wait3A_55, %dma_wait3A_56] : memref<320000x128xf32, #tpu.memory_space<hbm>> -> memref<40x128xf32, #tpu.memory_space<hbm>>
      %dma_wait3A_58 = arith.constant 0 : i32
      %dma_wait3A_59 = arith.constant 0 : i32
      %dma_wait3A_60 = tpu.memref_slice %arg4[%dma_wait3A_58, %dma_wait3A_59] : memref<320000x128xf32, #tpu.memory_space<hbm>> -> memref<40x128xf32, #tpu.memory_space<hbm>>
      tpu.wait_dma2 semaphore(%arg32 : memref<!tpu.dma_semaphore, #tpu.memory_space<semaphore_mem>>) src(%dma_wait3A_60 : memref<40x128xf32, #tpu.memory_space<hbm>>) dst(%arg23 : memref<40x128xf32, #tpu.memory_space<vmem>>)
      %add3A_61 = arith.constant 1 : i32
      %add3A_62 = arith.addi %add3A_48, %add3A_61 : i32
      %lt3A = arith.constant 250 : i32
      %lt3A_63 = arith.cmpi slt, %add3A_62, %lt3A : i32
      %convert_element_type3A_64 = arith.extui %lt3A_63 : i1 to i32
      %cond3A_65 = arith.constant 0 : i32
      %cond3A_66 = arith.cmpi ne, %convert_element_type3A_64, %cond3A_65 : i32
      scf.if %cond3A_66 {
        %dma_wait3A_167 = arith.constant 0 : i32
        %dma_wait3A_168 = tpu.memref_slice %arg5[%dma_wait3A_167] : memref<320000xi32, #tpu.memory_space<hbm>> -> memref<40xi32, #tpu.memory_space<hbm>>
        %dma_wait3A_169 = arith.constant 0 : i32
        %dma_wait3A_170 = tpu.memref_slice %arg5[%dma_wait3A_169] : memref<320000xi32, #tpu.memory_space<hbm>> -> memref<40xi32, #tpu.memory_space<hbm>>
        tpu.wait_dma2 semaphore(%arg37 : memref<!tpu.dma_semaphore, #tpu.memory_space<semaphore_mem>>) src(%dma_wait3A_170 : memref<40xi32, #tpu.memory_space<hbm>>) dst(%arg10 : memref<40xi32, #tpu.memory_space<vmem>>)
        %dma_wait3A_171 = arith.constant 0 : i32
        %dma_wait3A_172 = tpu.memref_slice %arg6[%dma_wait3A_171] : memref<320000xi32, #tpu.memory_space<hbm>> -> memref<40xi32, #tpu.memory_space<hbm>>
        %dma_wait3A_173 = arith.constant 0 : i32
        %dma_wait3A_174 = tpu.memref_slice %arg6[%dma_wait3A_173] : memref<320000xi32, #tpu.memory_space<hbm>> -> memref<40xi32, #tpu.memory_space<hbm>>
        tpu.wait_dma2 semaphore(%arg39 : memref<!tpu.dma_semaphore, #tpu.memory_space<semaphore_mem>>) src(%dma_wait3A_174 : memref<40xi32, #tpu.memory_space<hbm>>) dst(%arg12 : memref<40xi32, #tpu.memory_space<vmem>>)
        %add3A_175 = arith.constant 1 : i32
        %add3A_176 = arith.addi %add3A_48, %add3A_175 : i32
        %mul3A_177 = arith.constant 40 : i32
        %mul3A_178 = arith.muli %add3A_176, %mul3A_177 : i32
        %add3A_179 = arith.addi %mul3A_6, %mul3A_178 : i32
        %dma_start3A_180 = arith.constant 0 : i32
        %dma_start3A_181 = arith.constant 0 : i32
        %dma_start3A_182 = tpu.memref_slice %arg2[%dma_start3A_180, %dma_start3A_181] : memref<10000x128xf32, #tpu.memory_space<hbm>> -> memref<10000x128xf32, #tpu.memory_space<hbm>>
        tpu.enqueue_indirect_dma source(%dma_start3A_182 : memref<10000x128xf32, #tpu.memory_space<hbm>>) target(%arg20 : memref<40x128xf32, #tpu.memory_space<vmem>>) offsets(%arg12 : memref<40xi32, #tpu.memory_space<vmem>>) semaphore(%arg29 : memref<!tpu.dma_semaphore, #tpu.memory_space<semaphore_mem>>)
        %dma_start3A_183 = arith.constant 0 : i32
        %dma_start3A_184 = arith.constant 0 : i32
        %dma_start3A_185 = tpu.memref_slice %arg3[%dma_start3A_183, %dma_start3A_184] : memref<10000x128xf32, #tpu.memory_space<hbm>> -> memref<10000x128xf32, #tpu.memory_space<hbm>>
        tpu.enqueue_indirect_dma source(%dma_start3A_185 : memref<10000x128xf32, #tpu.memory_space<hbm>>) target(%arg22 : memref<40x128xf32, #tpu.memory_space<vmem>>) offsets(%arg10 : memref<40xi32, #tpu.memory_space<vmem>>) semaphore(%arg31 : memref<!tpu.dma_semaphore, #tpu.memory_space<semaphore_mem>>)
        %dma_start3A_186 = arith.constant 0 : i32
        %dma_start3A_187 = tpu.memref_slice %arg4[%add3A_179, %dma_start3A_186] : memref<320000x128xf32, #tpu.memory_space<hbm>> -> memref<40x128xf32, #tpu.memory_space<hbm>>
        %dma_start3A_188 = arith.constant 0 : i32
        %dma_start3A_189 = tpu.memref_slice %arg4[%add3A_179, %dma_start3A_188] : memref<320000x128xf32, #tpu.memory_space<hbm>> -> memref<40x128xf32, #tpu.memory_space<hbm>>
        tpu.enqueue_dma source(%dma_start3A_189 : memref<40x128xf32, #tpu.memory_space<hbm>>) target(%arg24 : memref<40x128xf32, #tpu.memory_space<vmem>>) target_semaphore(%arg33 : memref<!tpu.dma_semaphore, #tpu.memory_space<semaphore_mem>>)
      } else {
      }
      %ge3A = arith.constant 2 : i32
      %ge3A_67 = arith.cmpi sge, %add3A_48, %ge3A : i32
      %convert_element_type3A_68 = arith.extui %ge3A_67 : i1 to i32
      %cond3A_69 = arith.constant 0 : i32
      %cond3A_70 = arith.cmpi ne, %convert_element_type3A_68, %cond3A_69 : i32
      scf.if %cond3A_70 {
        %dma_wait3A_167 = arith.constant 0 : i32
        %dma_wait3A_168 = arith.constant 0 : i32
        %dma_wait3A_169 = tpu.memref_slice %arg27[%dma_wait3A_167, %dma_wait3A_168] : memref<10000x128xf32, #tpu.memory_space<vmem_shared>> -> memref<10000x128xf32, #tpu.memory_space<vmem_shared>>
        tpu.wait_indirect_dma semaphore(%arg34 : memref<!tpu.dma_semaphore, #tpu.memory_space<semaphore_mem>>) src(%arg25 : memref<40x128xf32, #tpu.memory_space<vmem>>) dst(%dma_wait3A_169 : memref<10000x128xf32, #tpu.memory_space<vmem_shared>>)
      } else {
      }
      %get3A = arith.constant 0 : index
      %get3A_71 = tpu.vector_load %arg11[%get3A] {strides = array<i32>} : memref<40xi32, #tpu.memory_space<vmem>>, vector<16xi32>,
      %get3A_72 = vector.shape_cast %get3A_71 : vector<16xi32> to vector<16xi32>
      %swap3A = arith.constant 0 : index
      %swap3A_73 = tpu.vector_load %arg17[%swap3A] {strides = array<i32>} : memref<40xi32, #tpu.memory_space<vmem>>, vector<16xi32>,
      %swap3A_74 = vector.shape_cast %swap3A_73 : vector<16xi32> to vector<16xi32>
      %swap3A_75 = vector.shape_cast %get3A_72 : vector<16xi32> to vector<16xi32>
      tpu.vector_store %arg17[%swap3A], %swap3A_75 {strides = array<i32>} : memref<40xi32, #tpu.memory_space<vmem>>, vector<16xi32>,
      %get3A_76 = arith.constant 16 : index
      %get3A_77 = tpu.vector_load %arg11[%get3A_76] {strides = array<i32>} : memref<40xi32, #tpu.memory_space<vmem>>, vector<16xi32>,
      %get3A_78 = vector.shape_cast %get3A_77 : vector<16xi32> to vector<16xi32>
      %swap3A_79 = arith.constant 16 : index
      %swap3A_80 = tpu.vector_load %arg17[%swap3A_79] {strides = array<i32>} : memref<40xi32, #tpu.memory_space<vmem>>, vector<16xi32>,
      %swap3A_81 = vector.shape_cast %swap3A_80 : vector<16xi32> to vector<16xi32>
      %swap3A_82 = vector.shape_cast %get3A_78 : vector<16xi32> to vector<16xi32>
      tpu.vector_store %arg17[%swap3A_79], %swap3A_82 {strides = array<i32>} : memref<40xi32, #tpu.memory_space<vmem>>, vector<16xi32>,
      %get3A_83 = arith.constant 24 : index
      %get3A_84 = tpu.vector_load %arg11[%get3A_83] {strides = array<i32>} : memref<40xi32, #tpu.memory_space<vmem>>, vector<16xi32>,
      %get3A_85 = vector.shape_cast %get3A_84 : vector<16xi32> to vector<16xi32>
      %swap3A_86 = arith.constant 24 : index
      %swap3A_87 = tpu.vector_load %arg17[%swap3A_86] {strides = array<i32>} : memref<40xi32, #tpu.memory_space<vmem>>, vector<16xi32>,
      %swap3A_88 = vector.shape_cast %swap3A_87 : vector<16xi32> to vector<16xi32>
      %swap3A_89 = vector.shape_cast %get3A_85 : vector<16xi32> to vector<16xi32>
      tpu.vector_store %arg17[%swap3A_86], %swap3A_89 {strides = array<i32>} : memref<40xi32, #tpu.memory_space<vmem>>, vector<16xi32>,
      %scan3A_90 = arith.constant 0 : i32
      %scan3A_91 = arith.constant 40 : i32
      %scan3A_92 = arith.addi %scan3A_90, %scan3A_91 : i32
      %scan3A_93 = arith.constant 1 : i32
      scf.for %scan3A_167 = %scan3A_90 to %scan3A_92 step %scan3A_93  : i32 {
        %mul3A_168 = arith.constant 1 : i32
        %mul3A_169 = arith.muli %scan3A_167, %mul3A_168 : i32
        %add3A_170 = arith.constant 0 : i32
        %add3A_171 = arith.addi %add3A_170, %mul3A_169 : i32
        %get3A_172 = arith.index_cast %add3A_171 : i32 to index
        %get3A_173 = arith.constant 0 : index
        %get3A_174 = tpu.vector_load %arg19[%get3A_172, %get3A_173] {strides = array<i32>} : memref<40x128xf32, #tpu.memory_space<vmem>>, vector<1x16xf32>,
        %get3A_175 = vector.shape_cast %get3A_174 : vector<1x16xf32> to vector<16xf32>
        %get3A_176 = arith.index_cast %add3A_171 : i32 to index
        %get3A_177 = arith.constant 0 : index
        %get3A_178 = tpu.vector_load %arg21[%get3A_176, %get3A_177] {strides = array<i32>} : memref<40x128xf32, #tpu.memory_space<vmem>>, vector<1x16xf32>,
        %get3A_179 = vector.shape_cast %get3A_178 : vector<1x16xf32> to vector<16xf32>
        %add3A_180 = arith.addf %get3A_175, %get3A_179 : vector<16xf32>
        %get3A_181 = arith.index_cast %add3A_171 : i32 to index
        %get3A_182 = arith.constant 0 : index
        %get3A_183 = tpu.vector_load %arg23[%get3A_181, %get3A_182] {strides = array<i32>} : memref<40x128xf32, #tpu.memory_space<vmem>>, vector<1x16xf32>,
        %get3A_184 = vector.shape_cast %get3A_183 : vector<1x16xf32> to vector<16xf32>
        %add3A_185 = arith.addf %add3A_180, %get3A_184 : vector<16xf32>
        %max3A = arith.constant 0.000000e+00 : f32
        %max3A_186 = vector.broadcast %max3A : f32 to vector<16xf32>
        %max3A_187 = arith.maximumf %add3A_185, %max3A_186 : vector<16xf32>
        %swap3A_188 = arith.index_cast %add3A_171 : i32 to index
        %swap3A_189 = arith.constant 0 : index
        %swap3A_190 = tpu.vector_load %arg25[%swap3A_188, %swap3A_189] {strides = array<i32>} : memref<40x128xf32, #tpu.memory_space<vmem>>, vector<1x16xf32>,
        %swap3A_191 = vector.shape_cast %swap3A_190 : vector<1x16xf32> to vector<16xf32>
        %swap3A_192 = vector.shape_cast %max3A_187 : vector<16xf32> to vector<1x16xf32>
        tpu.vector_store %arg25[%swap3A_188, %swap3A_189], %swap3A_192 {strides = array<i32>} : memref<40x128xf32, #tpu.memory_space<vmem>>, vector<1x16xf32>,
        %get3A_193 = arith.index_cast %add3A_171 : i32 to index
        %get3A_194 = arith.constant 16 : index
        %get3A_195 = tpu.vector_load %arg19[%get3A_193, %get3A_194] {strides = array<i32>} : memref<40x128xf32, #tpu.memory_space<vmem>>, vector<1x16xf32>,
        %get3A_196 = vector.shape_cast %get3A_195 : vector<1x16xf32> to vector<16xf32>
        %get3A_197 = arith.index_cast %add3A_171 : i32 to index
        %get3A_198 = arith.constant 16 : index
        %get3A_199 = tpu.vector_load %arg21[%get3A_197, %get3A_198] {strides = array<i32>} : memref<40x128xf32, #tpu.memory_space<vmem>>, vector<1x16xf32>,
        %get3A_200 = vector.shape_cast %get3A_199 : vector<1x16xf32> to vector<16xf32>
        %add3A_201 = arith.addf %get3A_196, %get3A_200 : vector<16xf32>
        %get3A_202 = arith.index_cast %add3A_171 : i32 to index
        %get3A_203 = arith.constant 16 : index
        %get3A_204 = tpu.vector_load %arg23[%get3A_202, %get3A_203] {strides = array<i32>} : memref<40x128xf32, #tpu.memory_space<vmem>>, vector<1x16xf32>,
        %get3A_205 = vector.shape_cast %get3A_204 : vector<1x16xf32> to vector<16xf32>
        %add3A_206 = arith.addf %add3A_201, %get3A_205 : vector<16xf32>
        %max3A_207 = arith.constant 0.000000e+00 : f32
        %max3A_208 = vector.broadcast %max3A_207 : f32 to vector<16xf32>
        %max3A_209 = arith.maximumf %add3A_206, %max3A_208 : vector<16xf32>
        %swap3A_210 = arith.index_cast %add3A_171 : i32 to index
        %swap3A_211 = arith.constant 16 : index
        %swap3A_212 = tpu.vector_load %arg25[%swap3A_210, %swap3A_211] {strides = array<i32>} : memref<40x128xf32, #tpu.memory_space<vmem>>, vector<1x16xf32>,
        %swap3A_213 = vector.shape_cast %swap3A_212 : vector<1x16xf32> to vector<16xf32>
        %swap3A_214 = vector.shape_cast %max3A_209 : vector<16xf32> to vector<1x16xf32>
        tpu.vector_store %arg25[%swap3A_210, %swap3A_211], %swap3A_214 {strides = array<i32>} : memref<40x128xf32, #tpu.memory_space<vmem>>, vector<1x16xf32>,
        %get3A_215 = arith.index_cast %add3A_171 : i32 to index
        %get3A_216 = arith.constant 32 : index
        %get3A_217 = tpu.vector_load %arg19[%get3A_215, %get3A_216] {strides = array<i32>} : memref<40x128xf32, #tpu.memory_space<vmem>>, vector<1x16xf32>,
        %get3A_218 = vector.shape_cast %get3A_217 : vector<1x16xf32> to vector<16xf32>
        %get3A_219 = arith.index_cast %add3A_171 : i32 to index
        %get3A_220 = arith.constant 32 : index
        %get3A_221 = tpu.vector_load %arg21[%get3A_219, %get3A_220] {strides = array<i32>} : memref<40x128xf32, #tpu.memory_space<vmem>>, vector<1x16xf32>,
        %get3A_222 = vector.shape_cast %get3A_221 : vector<1x16xf32> to vector<16xf32>
        %add3A_223 = arith.addf %get3A_218, %get3A_222 : vector<16xf32>
        %get3A_224 = arith.index_cast %add3A_171 : i32 to index
        %get3A_225 = arith.constant 32 : index
        %get3A_226 = tpu.vector_load %arg23[%get3A_224, %get3A_225] {strides = array<i32>} : memref<40x128xf32, #tpu.memory_space<vmem>>, vector<1x16xf32>,
        %get3A_227 = vector.shape_cast %get3A_226 : vector<1x16xf32> to vector<16xf32>
        %add3A_228 = arith.addf %add3A_223, %get3A_227 : vector<16xf32>
        %max3A_229 = arith.constant 0.000000e+00 : f32
        %max3A_230 = vector.broadcast %max3A_229 : f32 to vector<16xf32>
        %max3A_231 = arith.maximumf %add3A_228, %max3A_230 : vector<16xf32>
        %swap3A_232 = arith.index_cast %add3A_171 : i32 to index
        %swap3A_233 = arith.constant 32 : index
        %swap3A_234 = tpu.vector_load %arg25[%swap3A_232, %swap3A_233] {strides = array<i32>} : memref<40x128xf32, #tpu.memory_space<vmem>>, vector<1x16xf32>,
        %swap3A_235 = vector.shape_cast %swap3A_234 : vector<1x16xf32> to vector<16xf32>
        %swap3A_236 = vector.shape_cast %max3A_231 : vector<16xf32> to vector<1x16xf32>
        tpu.vector_store %arg25[%swap3A_232, %swap3A_233], %swap3A_236 {strides = array<i32>} : memref<40x128xf32, #tpu.memory_space<vmem>>, vector<1x16xf32>,
        %get3A_237 = arith.index_cast %add3A_171 : i32 to index
        %get3A_238 = arith.constant 48 : index
        %get3A_239 = tpu.vector_load %arg19[%get3A_237, %get3A_238] {strides = array<i32>} : memref<40x128xf32, #tpu.memory_space<vmem>>, vector<1x16xf32>,
        %get3A_240 = vector.shape_cast %get3A_239 : vector<1x16xf32> to vector<16xf32>
        %get3A_241 = arith.index_cast %add3A_171 : i32 to index
        %get3A_242 = arith.constant 48 : index
        %get3A_243 = tpu.vector_load %arg21[%get3A_241, %get3A_242] {strides = array<i32>} : memref<40x128xf32, #tpu.memory_space<vmem>>, vector<1x16xf32>,
        %get3A_244 = vector.shape_cast %get3A_243 : vector<1x16xf32> to vector<16xf32>
        %add3A_245 = arith.addf %get3A_240, %get3A_244 : vector<16xf32>
        %get3A_246 = arith.index_cast %add3A_171 : i32 to index
        %get3A_247 = arith.constant 48 : index
        %get3A_248 = tpu.vector_load %arg23[%get3A_246, %get3A_247] {strides = array<i32>} : memref<40x128xf32, #tpu.memory_space<vmem>>, vector<1x16xf32>,
        %get3A_249 = vector.shape_cast %get3A_248 : vector<1x16xf32> to vector<16xf32>
        %add3A_250 = arith.addf %add3A_245, %get3A_249 : vector<16xf32>
        %max3A_251 = arith.constant 0.000000e+00 : f32
        %max3A_252 = vector.broadcast %max3A_251 : f32 to vector<16xf32>
        %max3A_253 = arith.maximumf %add3A_250, %max3A_252 : vector<16xf32>
        %swap3A_254 = arith.index_cast %add3A_171 : i32 to index
        %swap3A_255 = arith.constant 48 : index
        %swap3A_256 = tpu.vector_load %arg25[%swap3A_254, %swap3A_255] {strides = array<i32>} : memref<40x128xf32, #tpu.memory_space<vmem>>, vector<1x16xf32>,
        %swap3A_257 = vector.shape_cast %swap3A_256 : vector<1x16xf32> to vector<16xf32>
        %swap3A_258 = vector.shape_cast %max3A_253 : vector<16xf32> to vector<1x16xf32>
        tpu.vector_store %arg25[%swap3A_254, %swap3A_255], %swap3A_258 {strides = array<i32>} : memref<40x128xf32, #tpu.memory_space<vmem>>, vector<1x16xf32>,
        %get3A_259 = arith.index_cast %add3A_171 : i32 to index
        %get3A_260 = arith.constant 64 : index
        %get3A_261 = tpu.vector_load %arg19[%get3A_259, %get3A_260] {strides = array<i32>} : memref<40x128xf32, #tpu.memory_space<vmem>>, vector<1x16xf32>,
        %get3A_262 = vector.shape_cast %get3A_261 : vector<1x16xf32> to vector<16xf32>
        %get3A_263 = arith.index_cast %add3A_171 : i32 to index
        %get3A_264 = arith.constant 64 : index
        %get3A_265 = tpu.vector_load %arg21[%get3A_263, %get3A_264] {strides = array<i32>} : memref<40x128xf32, #tpu.memory_space<vmem>>, vector<1x16xf32>,
        %get3A_266 = vector.shape_cast %get3A_265 : vector<1x16xf32> to vector<16xf32>
        %add3A_267 = arith.addf %get3A_262, %get3A_266 : vector<16xf32>
        %get3A_268 = arith.index_cast %add3A_171 : i32 to index
        %get3A_269 = arith.constant 64 : index
        %get3A_270 = tpu.vector_load %arg23[%get3A_268, %get3A_269] {strides = array<i32>} : memref<40x128xf32, #tpu.memory_space<vmem>>, vector<1x16xf32>,
        %get3A_271 = vector.shape_cast %get3A_270 : vector<1x16xf32> to vector<16xf32>
        %add3A_272 = arith.addf %add3A_267, %get3A_271 : vector<16xf32>
        %max3A_273 = arith.constant 0.000000e+00 : f32
        %max3A_274 = vector.broadcast %max3A_273 : f32 to vector<16xf32>
        %max3A_275 = arith.maximumf %add3A_272, %max3A_274 : vector<16xf32>
        %swap3A_276 = arith.index_cast %add3A_171 : i32 to index
        %swap3A_277 = arith.constant 64 : index
        %swap3A_278 = tpu.vector_load %arg25[%swap3A_276, %swap3A_277] {strides = array<i32>} : memref<40x128xf32, #tpu.memory_space<vmem>>, vector<1x16xf32>,
        %swap3A_279 = vector.shape_cast %swap3A_278 : vector<1x16xf32> to vector<16xf32>
        %swap3A_280 = vector.shape_cast %max3A_275 : vector<16xf32> to vector<1x16xf32>
        tpu.vector_store %arg25[%swap3A_276, %swap3A_277], %swap3A_280 {strides = array<i32>} : memref<40x128xf32, #tpu.memory_space<vmem>>, vector<1x16xf32>,
        %get3A_281 = arith.index_cast %add3A_171 : i32 to index
        %get3A_282 = arith.constant 80 : index
        %get3A_283 = tpu.vector_load %arg19[%get3A_281, %get3A_282] {strides = array<i32>} : memref<40x128xf32, #tpu.memory_space<vmem>>, vector<1x16xf32>,
        %get3A_284 = vector.shape_cast %get3A_283 : vector<1x16xf32> to vector<16xf32>
        %get3A_285 = arith.index_cast %add3A_171 : i32 to index
        %get3A_286 = arith.constant 80 : index
        %get3A_287 = tpu.vector_load %arg21[%get3A_285, %get3A_286] {strides = array<i32>} : memref<40x128xf32, #tpu.memory_space<vmem>>, vector<1x16xf32>,
        %get3A_288 = vector.shape_cast %get3A_287 : vector<1x16xf32> to vector<16xf32>
        %add3A_289 = arith.addf %get3A_284, %get3A_288 : vector<16xf32>
        %get3A_290 = arith.index_cast %add3A_171 : i32 to index
        %get3A_291 = arith.constant 80 : index
        %get3A_292 = tpu.vector_load %arg23[%get3A_290, %get3A_291] {strides = array<i32>} : memref<40x128xf32, #tpu.memory_space<vmem>>, vector<1x16xf32>,
        %get3A_293 = vector.shape_cast %get3A_292 : vector<1x16xf32> to vector<16xf32>
        %add3A_294 = arith.addf %add3A_289, %get3A_293 : vector<16xf32>
        %max3A_295 = arith.constant 0.000000e+00 : f32
        %max3A_296 = vector.broadcast %max3A_295 : f32 to vector<16xf32>
        %max3A_297 = arith.maximumf %add3A_294, %max3A_296 : vector<16xf32>
        %swap3A_298 = arith.index_cast %add3A_171 : i32 to index
        %swap3A_299 = arith.constant 80 : index
        %swap3A_300 = tpu.vector_load %arg25[%swap3A_298, %swap3A_299] {strides = array<i32>} : memref<40x128xf32, #tpu.memory_space<vmem>>, vector<1x16xf32>,
        %swap3A_301 = vector.shape_cast %swap3A_300 : vector<1x16xf32> to vector<16xf32>
        %swap3A_302 = vector.shape_cast %max3A_297 : vector<16xf32> to vector<1x16xf32>
        tpu.vector_store %arg25[%swap3A_298, %swap3A_299], %swap3A_302 {strides = array<i32>} : memref<40x128xf32, #tpu.memory_space<vmem>>, vector<1x16xf32>,
        %get3A_303 = arith.index_cast %add3A_171 : i32 to index
        %get3A_304 = arith.constant 96 : index
        %get3A_305 = tpu.vector_load %arg19[%get3A_303, %get3A_304] {strides = array<i32>} : memref<40x128xf32, #tpu.memory_space<vmem>>, vector<1x16xf32>,
        %get3A_306 = vector.shape_cast %get3A_305 : vector<1x16xf32> to vector<16xf32>
        %get3A_307 = arith.index_cast %add3A_171 : i32 to index
        %get3A_308 = arith.constant 96 : index
        %get3A_309 = tpu.vector_load %arg21[%get3A_307, %get3A_308] {strides = array<i32>} : memref<40x128xf32, #tpu.memory_space<vmem>>, vector<1x16xf32>,
        %get3A_310 = vector.shape_cast %get3A_309 : vector<1x16xf32> to vector<16xf32>
        %add3A_311 = arith.addf %get3A_306, %get3A_310 : vector<16xf32>
        %get3A_312 = arith.index_cast %add3A_171 : i32 to index
        %get3A_313 = arith.constant 96 : index
        %get3A_314 = tpu.vector_load %arg23[%get3A_312, %get3A_313] {strides = array<i32>} : memref<40x128xf32, #tpu.memory_space<vmem>>, vector<1x16xf32>,
        %get3A_315 = vector.shape_cast %get3A_314 : vector<1x16xf32> to vector<16xf32>
        %add3A_316 = arith.addf %add3A_311, %get3A_315 : vector<16xf32>
        %max3A_317 = arith.constant 0.000000e+00 : f32
        %max3A_318 = vector.broadcast %max3A_317 : f32 to vector<16xf32>
        %max3A_319 = arith.maximumf %add3A_316, %max3A_318 : vector<16xf32>
        %swap3A_320 = arith.index_cast %add3A_171 : i32 to index
        %swap3A_321 = arith.constant 96 : index
        %swap3A_322 = tpu.vector_load %arg25[%swap3A_320, %swap3A_321] {strides = array<i32>} : memref<40x128xf32, #tpu.memory_space<vmem>>, vector<1x16xf32>,
        %swap3A_323 = vector.shape_cast %swap3A_322 : vector<1x16xf32> to vector<16xf32>
        %swap3A_324 = vector.shape_cast %max3A_319 : vector<16xf32> to vector<1x16xf32>
        tpu.vector_store %arg25[%swap3A_320, %swap3A_321], %swap3A_324 {strides = array<i32>} : memref<40x128xf32, #tpu.memory_space<vmem>>, vector<1x16xf32>,
        %get3A_325 = arith.index_cast %add3A_171 : i32 to index
        %get3A_326 = arith.constant 112 : index
        %get3A_327 = tpu.vector_load %arg19[%get3A_325, %get3A_326] {strides = array<i32>} : memref<40x128xf32, #tpu.memory_space<vmem>>, vector<1x16xf32>,
        %get3A_328 = vector.shape_cast %get3A_327 : vector<1x16xf32> to vector<16xf32>
        %get3A_329 = arith.index_cast %add3A_171 : i32 to index
        %get3A_330 = arith.constant 112 : index
        %get3A_331 = tpu.vector_load %arg21[%get3A_329, %get3A_330] {strides = array<i32>} : memref<40x128xf32, #tpu.memory_space<vmem>>, vector<1x16xf32>,
        %get3A_332 = vector.shape_cast %get3A_331 : vector<1x16xf32> to vector<16xf32>
        %add3A_333 = arith.addf %get3A_328, %get3A_332 : vector<16xf32>
        %get3A_334 = arith.index_cast %add3A_171 : i32 to index
        %get3A_335 = arith.constant 112 : index
        %get3A_336 = tpu.vector_load %arg23[%get3A_334, %get3A_335] {strides = array<i32>} : memref<40x128xf32, #tpu.memory_space<vmem>>, vector<1x16xf32>,
        %get3A_337 = vector.shape_cast %get3A_336 : vector<1x16xf32> to vector<16xf32>
        %add3A_338 = arith.addf %add3A_333, %get3A_337 : vector<16xf32>
        %max3A_339 = arith.constant 0.000000e+00 : f32
        %max3A_340 = vector.broadcast %max3A_339 : f32 to vector<16xf32>
        %max3A_341 = arith.maximumf %add3A_338, %max3A_340 : vector<16xf32>
        %swap3A_342 = arith.index_cast %add3A_171 : i32 to index
        %swap3A_343 = arith.constant 112 : index
        %swap3A_344 = tpu.vector_load %arg25[%swap3A_342, %swap3A_343] {strides = array<i32>} : memref<40x128xf32, #tpu.memory_space<vmem>>, vector<1x16xf32>,
        %swap3A_345 = vector.shape_cast %swap3A_344 : vector<1x16xf32> to vector<16xf32>
        %swap3A_346 = vector.shape_cast %max3A_341 : vector<16xf32> to vector<1x16xf32>
        tpu.vector_store %arg25[%swap3A_342, %swap3A_343], %swap3A_346 {strides = array<i32>} : memref<40x128xf32, #tpu.memory_space<vmem>>, vector<1x16xf32>,
      }
      %scan3A_94 = arith.constant 40 : i32
      %add3A_95 = arith.constant 2 : i32
      %add3A_96 = arith.addi %add3A_48, %add3A_95 : i32
      %lt3A_97 = arith.constant 250 : i32
      %lt3A_98 = arith.cmpi slt, %add3A_96, %lt3A_97 : i32
      %convert_element_type3A_99 = arith.extui %lt3A_98 : i1 to i32
      %cond3A_100 = arith.constant 0 : i32
      %cond3A_101 = arith.cmpi ne, %convert_element_type3A_99, %cond3A_100 : i32
      scf.if %cond3A_101 {
        %add3A_167 = arith.constant 2 : i32
        %add3A_168 = arith.addi %add3A_48, %add3A_167 : i32
        %mul3A_169 = arith.constant 40 : i32
        %mul3A_170 = arith.muli %add3A_168, %mul3A_169 : i32
        %add3A_171 = arith.addi %mul3A_6, %mul3A_170 : i32
        %dma_start3A_172 = tpu.memref_slice %arg5[%add3A_171] : memref<320000xi32, #tpu.memory_space<hbm>> -> memref<40xi32, #tpu.memory_space<hbm>>
        %dma_start3A_173 = tpu.memref_slice %arg5[%add3A_171] : memref<320000xi32, #tpu.memory_space<hbm>> -> memref<40xi32, #tpu.memory_space<hbm>>
        tpu.enqueue_dma source(%dma_start3A_173 : memref<40xi32, #tpu.memory_space<hbm>>) target(%arg9 : memref<40xi32, #tpu.memory_space<vmem>>) target_semaphore(%arg36 : memref<!tpu.dma_semaphore, #tpu.memory_space<semaphore_mem>>)
        %dma_start3A_174 = tpu.memref_slice %arg6[%add3A_171] : memref<320000xi32, #tpu.memory_space<hbm>> -> memref<40xi32, #tpu.memory_space<hbm>>
        %dma_start3A_175 = tpu.memref_slice %arg6[%add3A_171] : memref<320000xi32, #tpu.memory_space<hbm>> -> memref<40xi32, #tpu.memory_space<hbm>>
        tpu.enqueue_dma source(%dma_start3A_175 : memref<40xi32, #tpu.memory_space<hbm>>) target(%arg11 : memref<40xi32, #tpu.memory_space<vmem>>) target_semaphore(%arg38 : memref<!tpu.dma_semaphore, #tpu.memory_space<semaphore_mem>>)
      } else {
      }
      %dma_start3A_102 = arith.constant 0 : i32
      %dma_start3A_103 = arith.constant 0 : i32
      %dma_start3A_104 = tpu.memref_slice %arg27[%dma_start3A_102, %dma_start3A_103] : memref<10000x128xf32, #tpu.memory_space<vmem_shared>> -> memref<10000x128xf32, #tpu.memory_space<vmem_shared>>
      tpu.enqueue_indirect_dma source(%arg25 : memref<40x128xf32, #tpu.memory_space<vmem>>) target(%dma_start3A_104 : memref<10000x128xf32, #tpu.memory_space<vmem_shared>>) offsets(%arg17 : memref<40xi32, #tpu.memory_space<vmem>>) semaphore(%arg34 : memref<!tpu.dma_semaphore, #tpu.memory_space<semaphore_mem>>) {add = true}
      %add3A_105 = arith.constant 1 : i32
      %add3A_106 = arith.addi %add3A_46, %add3A_105 : i32
      %dma_wait3A_107 = arith.constant 0 : i32
      %dma_wait3A_108 = arith.constant 0 : i32
      %dma_wait3A_109 = tpu.memref_slice %arg2[%dma_wait3A_107, %dma_wait3A_108] : memref<10000x128xf32, #tpu.memory_space<hbm>> -> memref<10000x128xf32, #tpu.memory_space<hbm>>
      tpu.wait_indirect_dma semaphore(%arg29 : memref<!tpu.dma_semaphore, #tpu.memory_space<semaphore_mem>>) src(%dma_wait3A_109 : memref<10000x128xf32, #tpu.memory_space<hbm>>) dst(%arg20 : memref<40x128xf32, #tpu.memory_space<vmem>>)
      %dma_wait3A_110 = arith.constant 0 : i32
      %dma_wait3A_111 = arith.constant 0 : i32
      %dma_wait3A_112 = tpu.memref_slice %arg3[%dma_wait3A_110, %dma_wait3A_111] : memref<10000x128xf32, #tpu.memory_space<hbm>> -> memref<10000x128xf32, #tpu.memory_space<hbm>>
      tpu.wait_indirect_dma semaphore(%arg31 : memref<!tpu.dma_semaphore, #tpu.memory_space<semaphore_mem>>) src(%dma_wait3A_112 : memref<10000x128xf32, #tpu.memory_space<hbm>>) dst(%arg22 : memref<40x128xf32, #tpu.memory_space<vmem>>)
      %dma_wait3A_113 = arith.constant 0 : i32
      %dma_wait3A_114 = arith.constant 0 : i32
      %dma_wait3A_115 = tpu.memref_slice %arg4[%dma_wait3A_113, %dma_wait3A_114] : memref<320000x128xf32, #tpu.memory_space<hbm>> -> memref<40x128xf32, #tpu.memory_space<hbm>>
      %dma_wait3A_116 = arith.constant 0 : i32
      %dma_wait3A_117 = arith.constant 0 : i32
      %dma_wait3A_118 = tpu.memref_slice %arg4[%dma_wait3A_116, %dma_wait3A_117] : memref<320000x128xf32, #tpu.memory_space<hbm>> -> memref<40x128xf32, #tpu.memory_space<hbm>>
      tpu.wait_dma2 semaphore(%arg33 : memref<!tpu.dma_semaphore, #tpu.memory_space<semaphore_mem>>) src(%dma_wait3A_118 : memref<40x128xf32, #tpu.memory_space<hbm>>) dst(%arg24 : memref<40x128xf32, #tpu.memory_space<vmem>>)
      %add3A_119 = arith.constant 1 : i32
      %add3A_120 = arith.addi %add3A_106, %add3A_119 : i32
      %lt3A_121 = arith.constant 250 : i32
      %lt3A_122 = arith.cmpi slt, %add3A_120, %lt3A_121 : i32
      %convert_element_type3A_123 = arith.extui %lt3A_122 : i1 to i32
      %cond3A_124 = arith.constant 0 : i32
      %cond3A_125 = arith.cmpi ne, %convert_element_type3A_123, %cond3A_124 : i32
      scf.if %cond3A_125 {
        %dma_wait3A_167 = arith.constant 0 : i32
        %dma_wait3A_168 = tpu.memref_slice %arg5[%dma_wait3A_167] : memref<320000xi32, #tpu.memory_space<hbm>> -> memref<40xi32, #tpu.memory_space<hbm>>
        %dma_wait3A_169 = arith.constant 0 : i32
        %dma_wait3A_170 = tpu.memref_slice %arg5[%dma_wait3A_169] : memref<320000xi32, #tpu.memory_space<hbm>> -> memref<40xi32, #tpu.memory_space<hbm>>
        tpu.wait_dma2 semaphore(%arg36 : memref<!tpu.dma_semaphore, #tpu.memory_space<semaphore_mem>>) src(%dma_wait3A_170 : memref<40xi32, #tpu.memory_space<hbm>>) dst(%arg9 : memref<40xi32, #tpu.memory_space<vmem>>)
        %dma_wait3A_171 = arith.constant 0 : i32
        %dma_wait3A_172 = tpu.memref_slice %arg6[%dma_wait3A_171] : memref<320000xi32, #tpu.memory_space<hbm>> -> memref<40xi32, #tpu.memory_space<hbm>>
        %dma_wait3A_173 = arith.constant 0 : i32
        %dma_wait3A_174 = tpu.memref_slice %arg6[%dma_wait3A_173] : memref<320000xi32, #tpu.memory_space<hbm>> -> memref<40xi32, #tpu.memory_space<hbm>>
        tpu.wait_dma2 semaphore(%arg38 : memref<!tpu.dma_semaphore, #tpu.memory_space<semaphore_mem>>) src(%dma_wait3A_174 : memref<40xi32, #tpu.memory_space<hbm>>) dst(%arg11 : memref<40xi32, #tpu.memory_space<vmem>>)
        %add3A_175 = arith.constant 1 : i32
        %add3A_176 = arith.addi %add3A_106, %add3A_175 : i32
        %mul3A_177 = arith.constant 40 : i32
        %mul3A_178 = arith.muli %add3A_176, %mul3A_177 : i32
        %add3A_179 = arith.addi %mul3A_6, %mul3A_178 : i32
        %dma_start3A_180 = arith.constant 0 : i32
        %dma_start3A_181 = arith.constant 0 : i32
        %dma_start3A_182 = tpu.memref_slice %arg2[%dma_start3A_180, %dma_start3A_181] : memref<10000x128xf32, #tpu.memory_space<hbm>> -> memref<10000x128xf32, #tpu.memory_space<hbm>>
        tpu.enqueue_indirect_dma source(%dma_start3A_182 : memref<10000x128xf32, #tpu.memory_space<hbm>>) target(%arg19 : memref<40x128xf32, #tpu.memory_space<vmem>>) offsets(%arg11 : memref<40xi32, #tpu.memory_space<vmem>>) semaphore(%arg28 : memref<!tpu.dma_semaphore, #tpu.memory_space<semaphore_mem>>)
        %dma_start3A_183 = arith.constant 0 : i32
        %dma_start3A_184 = arith.constant 0 : i32
        %dma_start3A_185 = tpu.memref_slice %arg3[%dma_start3A_183, %dma_start3A_184] : memref<10000x128xf32, #tpu.memory_space<hbm>> -> memref<10000x128xf32, #tpu.memory_space<hbm>>
        tpu.enqueue_indirect_dma source(%dma_start3A_185 : memref<10000x128xf32, #tpu.memory_space<hbm>>) target(%arg21 : memref<40x128xf32, #tpu.memory_space<vmem>>) offsets(%arg9 : memref<40xi32, #tpu.memory_space<vmem>>) semaphore(%arg30 : memref<!tpu.dma_semaphore, #tpu.memory_space<semaphore_mem>>)
        %dma_start3A_186 = arith.constant 0 : i32
        %dma_start3A_187 = tpu.memref_slice %arg4[%add3A_179, %dma_start3A_186] : memref<320000x128xf32, #tpu.memory_space<hbm>> -> memref<40x128xf32, #tpu.memory_space<hbm>>
        %dma_start3A_188 = arith.constant 0 : i32
        %dma_start3A_189 = tpu.memref_slice %arg4[%add3A_179, %dma_start3A_188] : memref<320000x128xf32, #tpu.memory_space<hbm>> -> memref<40x128xf32, #tpu.memory_space<hbm>>
        tpu.enqueue_dma source(%dma_start3A_189 : memref<40x128xf32, #tpu.memory_space<hbm>>) target(%arg23 : memref<40x128xf32, #tpu.memory_space<vmem>>) target_semaphore(%arg32 : memref<!tpu.dma_semaphore, #tpu.memory_space<semaphore_mem>>)
      } else {
      }
      %ge3A_126 = arith.constant 2 : i32
      %ge3A_127 = arith.cmpi sge, %add3A_106, %ge3A_126 : i32
      %convert_element_type3A_128 = arith.extui %ge3A_127 : i1 to i32
      %cond3A_129 = arith.constant 0 : i32
      %cond3A_130 = arith.cmpi ne, %convert_element_type3A_128, %cond3A_129 : i32
      scf.if %cond3A_130 {
        %dma_wait3A_167 = arith.constant 0 : i32
        %dma_wait3A_168 = arith.constant 0 : i32
        %dma_wait3A_169 = tpu.memref_slice %arg27[%dma_wait3A_167, %dma_wait3A_168] : memref<10000x128xf32, #tpu.memory_space<vmem_shared>> -> memref<10000x128xf32, #tpu.memory_space<vmem_shared>>
        tpu.wait_indirect_dma semaphore(%arg35 : memref<!tpu.dma_semaphore, #tpu.memory_space<semaphore_mem>>) src(%arg26 : memref<40x128xf32, #tpu.memory_space<vmem>>) dst(%dma_wait3A_169 : memref<10000x128xf32, #tpu.memory_space<vmem_shared>>)
      } else {
      }
      %get3A_131 = arith.constant 0 : index
      %get3A_132 = tpu.vector_load %arg12[%get3A_131] {strides = array<i32>} : memref<40xi32, #tpu.memory_space<vmem>>, vector<16xi32>,
      %get3A_133 = vector.shape_cast %get3A_132 : vector<16xi32> to vector<16xi32>
      %swap3A_134 = arith.constant 0 : index
      %swap3A_135 = tpu.vector_load %arg18[%swap3A_134] {strides = array<i32>} : memref<40xi32, #tpu.memory_space<vmem>>, vector<16xi32>,
      %swap3A_136 = vector.shape_cast %swap3A_135 : vector<16xi32> to vector<16xi32>
      %swap3A_137 = vector.shape_cast %get3A_133 : vector<16xi32> to vector<16xi32>
      tpu.vector_store %arg18[%swap3A_134], %swap3A_137 {strides = array<i32>} : memref<40xi32, #tpu.memory_space<vmem>>, vector<16xi32>,
      %get3A_138 = arith.constant 16 : index
      %get3A_139 = tpu.vector_load %arg12[%get3A_138] {strides = array<i32>} : memref<40xi32, #tpu.memory_space<vmem>>, vector<16xi32>,
      %get3A_140 = vector.shape_cast %get3A_139 : vector<16xi32> to vector<16xi32>
      %swap3A_141 = arith.constant 16 : index
      %swap3A_142 = tpu.vector_load %arg18[%swap3A_141] {strides = array<i32>} : memref<40xi32, #tpu.memory_space<vmem>>, vector<16xi32>,
      %swap3A_143 = vector.shape_cast %swap3A_142 : vector<16xi32> to vector<16xi32>
      %swap3A_144 = vector.shape_cast %get3A_140 : vector<16xi32> to vector<16xi32>
      tpu.vector_store %arg18[%swap3A_141], %swap3A_144 {strides = array<i32>} : memref<40xi32, #tpu.memory_space<vmem>>, vector<16xi32>,
      %get3A_145 = arith.constant 24 : index
      %get3A_146 = tpu.vector_load %arg12[%get3A_145] {strides = array<i32>} : memref<40xi32, #tpu.memory_space<vmem>>, vector<16xi32>,
      %get3A_147 = vector.shape_cast %get3A_146 : vector<16xi32> to vector<16xi32>
      %swap3A_148 = arith.constant 24 : index
      %swap3A_149 = tpu.vector_load %arg18[%swap3A_148] {strides = array<i32>} : memref<40xi32, #tpu.memory_space<vmem>>, vector<16xi32>,
      %swap3A_150 = vector.shape_cast %swap3A_149 : vector<16xi32> to vector<16xi32>
      %swap3A_151 = vector.shape_cast %get3A_147 : vector<16xi32> to vector<16xi32>
      tpu.vector_store %arg18[%swap3A_148], %swap3A_151 {strides = array<i32>} : memref<40xi32, #tpu.memory_space<vmem>>, vector<16xi32>,
      %scan3A_152 = arith.constant 0 : i32
      %scan3A_153 = arith.constant 40 : i32
      %scan3A_154 = arith.addi %scan3A_152, %scan3A_153 : i32
      %scan3A_155 = arith.constant 1 : i32
      scf.for %scan3A_167 = %scan3A_152 to %scan3A_154 step %scan3A_155  : i32 {
        %mul3A_168 = arith.constant 1 : i32
        %mul3A_169 = arith.muli %scan3A_167, %mul3A_168 : i32
        %add3A_170 = arith.constant 0 : i32
        %add3A_171 = arith.addi %add3A_170, %mul3A_169 : i32
        %get3A_172 = arith.index_cast %add3A_171 : i32 to index
        %get3A_173 = arith.constant 0 : index
        %get3A_174 = tpu.vector_load %arg20[%get3A_172, %get3A_173] {strides = array<i32>} : memref<40x128xf32, #tpu.memory_space<vmem>>, vector<1x16xf32>,
        %get3A_175 = vector.shape_cast %get3A_174 : vector<1x16xf32> to vector<16xf32>
        %get3A_176 = arith.index_cast %add3A_171 : i32 to index
        %get3A_177 = arith.constant 0 : index
        %get3A_178 = tpu.vector_load %arg22[%get3A_176, %get3A_177] {strides = array<i32>} : memref<40x128xf32, #tpu.memory_space<vmem>>, vector<1x16xf32>,
        %get3A_179 = vector.shape_cast %get3A_178 : vector<1x16xf32> to vector<16xf32>
        %add3A_180 = arith.addf %get3A_175, %get3A_179 : vector<16xf32>
        %get3A_181 = arith.index_cast %add3A_171 : i32 to index
        %get3A_182 = arith.constant 0 : index
        %get3A_183 = tpu.vector_load %arg24[%get3A_181, %get3A_182] {strides = array<i32>} : memref<40x128xf32, #tpu.memory_space<vmem>>, vector<1x16xf32>,
        %get3A_184 = vector.shape_cast %get3A_183 : vector<1x16xf32> to vector<16xf32>
        %add3A_185 = arith.addf %add3A_180, %get3A_184 : vector<16xf32>
        %max3A = arith.constant 0.000000e+00 : f32
        %max3A_186 = vector.broadcast %max3A : f32 to vector<16xf32>
        %max3A_187 = arith.maximumf %add3A_185, %max3A_186 : vector<16xf32>
        %swap3A_188 = arith.index_cast %add3A_171 : i32 to index
        %swap3A_189 = arith.constant 0 : index
        %swap3A_190 = tpu.vector_load %arg26[%swap3A_188, %swap3A_189] {strides = array<i32>} : memref<40x128xf32, #tpu.memory_space<vmem>>, vector<1x16xf32>,
        %swap3A_191 = vector.shape_cast %swap3A_190 : vector<1x16xf32> to vector<16xf32>
        %swap3A_192 = vector.shape_cast %max3A_187 : vector<16xf32> to vector<1x16xf32>
        tpu.vector_store %arg26[%swap3A_188, %swap3A_189], %swap3A_192 {strides = array<i32>} : memref<40x128xf32, #tpu.memory_space<vmem>>, vector<1x16xf32>,
        %get3A_193 = arith.index_cast %add3A_171 : i32 to index
        %get3A_194 = arith.constant 16 : index
        %get3A_195 = tpu.vector_load %arg20[%get3A_193, %get3A_194] {strides = array<i32>} : memref<40x128xf32, #tpu.memory_space<vmem>>, vector<1x16xf32>,
        %get3A_196 = vector.shape_cast %get3A_195 : vector<1x16xf32> to vector<16xf32>
        %get3A_197 = arith.index_cast %add3A_171 : i32 to index
        %get3A_198 = arith.constant 16 : index
        %get3A_199 = tpu.vector_load %arg22[%get3A_197, %get3A_198] {strides = array<i32>} : memref<40x128xf32, #tpu.memory_space<vmem>>, vector<1x16xf32>,
        %get3A_200 = vector.shape_cast %get3A_199 : vector<1x16xf32> to vector<16xf32>
        %add3A_201 = arith.addf %get3A_196, %get3A_200 : vector<16xf32>
        %get3A_202 = arith.index_cast %add3A_171 : i32 to index
        %get3A_203 = arith.constant 16 : index
        %get3A_204 = tpu.vector_load %arg24[%get3A_202, %get3A_203] {strides = array<i32>} : memref<40x128xf32, #tpu.memory_space<vmem>>, vector<1x16xf32>,
        %get3A_205 = vector.shape_cast %get3A_204 : vector<1x16xf32> to vector<16xf32>
        %add3A_206 = arith.addf %add3A_201, %get3A_205 : vector<16xf32>
        %max3A_207 = arith.constant 0.000000e+00 : f32
        %max3A_208 = vector.broadcast %max3A_207 : f32 to vector<16xf32>
        %max3A_209 = arith.maximumf %add3A_206, %max3A_208 : vector<16xf32>
        %swap3A_210 = arith.index_cast %add3A_171 : i32 to index
        %swap3A_211 = arith.constant 16 : index
        %swap3A_212 = tpu.vector_load %arg26[%swap3A_210, %swap3A_211] {strides = array<i32>} : memref<40x128xf32, #tpu.memory_space<vmem>>, vector<1x16xf32>,
        %swap3A_213 = vector.shape_cast %swap3A_212 : vector<1x16xf32> to vector<16xf32>
        %swap3A_214 = vector.shape_cast %max3A_209 : vector<16xf32> to vector<1x16xf32>
        tpu.vector_store %arg26[%swap3A_210, %swap3A_211], %swap3A_214 {strides = array<i32>} : memref<40x128xf32, #tpu.memory_space<vmem>>, vector<1x16xf32>,
        %get3A_215 = arith.index_cast %add3A_171 : i32 to index
        %get3A_216 = arith.constant 32 : index
        %get3A_217 = tpu.vector_load %arg20[%get3A_215, %get3A_216] {strides = array<i32>} : memref<40x128xf32, #tpu.memory_space<vmem>>, vector<1x16xf32>,
        %get3A_218 = vector.shape_cast %get3A_217 : vector<1x16xf32> to vector<16xf32>
        %get3A_219 = arith.index_cast %add3A_171 : i32 to index
        %get3A_220 = arith.constant 32 : index
        %get3A_221 = tpu.vector_load %arg22[%get3A_219, %get3A_220] {strides = array<i32>} : memref<40x128xf32, #tpu.memory_space<vmem>>, vector<1x16xf32>,
        %get3A_222 = vector.shape_cast %get3A_221 : vector<1x16xf32> to vector<16xf32>
        %add3A_223 = arith.addf %get3A_218, %get3A_222 : vector<16xf32>
        %get3A_224 = arith.index_cast %add3A_171 : i32 to index
        %get3A_225 = arith.constant 32 : index
        %get3A_226 = tpu.vector_load %arg24[%get3A_224, %get3A_225] {strides = array<i32>} : memref<40x128xf32, #tpu.memory_space<vmem>>, vector<1x16xf32>,
        %get3A_227 = vector.shape_cast %get3A_226 : vector<1x16xf32> to vector<16xf32>
        %add3A_228 = arith.addf %add3A_223, %get3A_227 : vector<16xf32>
        %max3A_229 = arith.constant 0.000000e+00 : f32
        %max3A_230 = vector.broadcast %max3A_229 : f32 to vector<16xf32>
        %max3A_231 = arith.maximumf %add3A_228, %max3A_230 : vector<16xf32>
        %swap3A_232 = arith.index_cast %add3A_171 : i32 to index
        %swap3A_233 = arith.constant 32 : index
        %swap3A_234 = tpu.vector_load %arg26[%swap3A_232, %swap3A_233] {strides = array<i32>} : memref<40x128xf32, #tpu.memory_space<vmem>>, vector<1x16xf32>,
        %swap3A_235 = vector.shape_cast %swap3A_234 : vector<1x16xf32> to vector<16xf32>
        %swap3A_236 = vector.shape_cast %max3A_231 : vector<16xf32> to vector<1x16xf32>
        tpu.vector_store %arg26[%swap3A_232, %swap3A_233], %swap3A_236 {strides = array<i32>} : memref<40x128xf32, #tpu.memory_space<vmem>>, vector<1x16xf32>,
        %get3A_237 = arith.index_cast %add3A_171 : i32 to index
        %get3A_238 = arith.constant 48 : index
        %get3A_239 = tpu.vector_load %arg20[%get3A_237, %get3A_238] {strides = array<i32>} : memref<40x128xf32, #tpu.memory_space<vmem>>, vector<1x16xf32>,
        %get3A_240 = vector.shape_cast %get3A_239 : vector<1x16xf32> to vector<16xf32>
        %get3A_241 = arith.index_cast %add3A_171 : i32 to index
        %get3A_242 = arith.constant 48 : index
        %get3A_243 = tpu.vector_load %arg22[%get3A_241, %get3A_242] {strides = array<i32>} : memref<40x128xf32, #tpu.memory_space<vmem>>, vector<1x16xf32>,
        %get3A_244 = vector.shape_cast %get3A_243 : vector<1x16xf32> to vector<16xf32>
        %add3A_245 = arith.addf %get3A_240, %get3A_244 : vector<16xf32>
        %get3A_246 = arith.index_cast %add3A_171 : i32 to index
        %get3A_247 = arith.constant 48 : index
        %get3A_248 = tpu.vector_load %arg24[%get3A_246, %get3A_247] {strides = array<i32>} : memref<40x128xf32, #tpu.memory_space<vmem>>, vector<1x16xf32>,
        %get3A_249 = vector.shape_cast %get3A_248 : vector<1x16xf32> to vector<16xf32>
        %add3A_250 = arith.addf %add3A_245, %get3A_249 : vector<16xf32>
        %max3A_251 = arith.constant 0.000000e+00 : f32
        %max3A_252 = vector.broadcast %max3A_251 : f32 to vector<16xf32>
        %max3A_253 = arith.maximumf %add3A_250, %max3A_252 : vector<16xf32>
        %swap3A_254 = arith.index_cast %add3A_171 : i32 to index
        %swap3A_255 = arith.constant 48 : index
        %swap3A_256 = tpu.vector_load %arg26[%swap3A_254, %swap3A_255] {strides = array<i32>} : memref<40x128xf32, #tpu.memory_space<vmem>>, vector<1x16xf32>,
        %swap3A_257 = vector.shape_cast %swap3A_256 : vector<1x16xf32> to vector<16xf32>
        %swap3A_258 = vector.shape_cast %max3A_253 : vector<16xf32> to vector<1x16xf32>
        tpu.vector_store %arg26[%swap3A_254, %swap3A_255], %swap3A_258 {strides = array<i32>} : memref<40x128xf32, #tpu.memory_space<vmem>>, vector<1x16xf32>,
        %get3A_259 = arith.index_cast %add3A_171 : i32 to index
        %get3A_260 = arith.constant 64 : index
        %get3A_261 = tpu.vector_load %arg20[%get3A_259, %get3A_260] {strides = array<i32>} : memref<40x128xf32, #tpu.memory_space<vmem>>, vector<1x16xf32>,
        %get3A_262 = vector.shape_cast %get3A_261 : vector<1x16xf32> to vector<16xf32>
        %get3A_263 = arith.index_cast %add3A_171 : i32 to index
        %get3A_264 = arith.constant 64 : index
        %get3A_265 = tpu.vector_load %arg22[%get3A_263, %get3A_264] {strides = array<i32>} : memref<40x128xf32, #tpu.memory_space<vmem>>, vector<1x16xf32>,
        %get3A_266 = vector.shape_cast %get3A_265 : vector<1x16xf32> to vector<16xf32>
        %add3A_267 = arith.addf %get3A_262, %get3A_266 : vector<16xf32>
        %get3A_268 = arith.index_cast %add3A_171 : i32 to index
        %get3A_269 = arith.constant 64 : index
        %get3A_270 = tpu.vector_load %arg24[%get3A_268, %get3A_269] {strides = array<i32>} : memref<40x128xf32, #tpu.memory_space<vmem>>, vector<1x16xf32>,
        %get3A_271 = vector.shape_cast %get3A_270 : vector<1x16xf32> to vector<16xf32>
        %add3A_272 = arith.addf %add3A_267, %get3A_271 : vector<16xf32>
        %max3A_273 = arith.constant 0.000000e+00 : f32
        %max3A_274 = vector.broadcast %max3A_273 : f32 to vector<16xf32>
        %max3A_275 = arith.maximumf %add3A_272, %max3A_274 : vector<16xf32>
        %swap3A_276 = arith.index_cast %add3A_171 : i32 to index
        %swap3A_277 = arith.constant 64 : index
        %swap3A_278 = tpu.vector_load %arg26[%swap3A_276, %swap3A_277] {strides = array<i32>} : memref<40x128xf32, #tpu.memory_space<vmem>>, vector<1x16xf32>,
        %swap3A_279 = vector.shape_cast %swap3A_278 : vector<1x16xf32> to vector<16xf32>
        %swap3A_280 = vector.shape_cast %max3A_275 : vector<16xf32> to vector<1x16xf32>
        tpu.vector_store %arg26[%swap3A_276, %swap3A_277], %swap3A_280 {strides = array<i32>} : memref<40x128xf32, #tpu.memory_space<vmem>>, vector<1x16xf32>,
        %get3A_281 = arith.index_cast %add3A_171 : i32 to index
        %get3A_282 = arith.constant 80 : index
        %get3A_283 = tpu.vector_load %arg20[%get3A_281, %get3A_282] {strides = array<i32>} : memref<40x128xf32, #tpu.memory_space<vmem>>, vector<1x16xf32>,
        %get3A_284 = vector.shape_cast %get3A_283 : vector<1x16xf32> to vector<16xf32>
        %get3A_285 = arith.index_cast %add3A_171 : i32 to index
        %get3A_286 = arith.constant 80 : index
        %get3A_287 = tpu.vector_load %arg22[%get3A_285, %get3A_286] {strides = array<i32>} : memref<40x128xf32, #tpu.memory_space<vmem>>, vector<1x16xf32>,
        %get3A_288 = vector.shape_cast %get3A_287 : vector<1x16xf32> to vector<16xf32>
        %add3A_289 = arith.addf %get3A_284, %get3A_288 : vector<16xf32>
        %get3A_290 = arith.index_cast %add3A_171 : i32 to index
        %get3A_291 = arith.constant 80 : index
        %get3A_292 = tpu.vector_load %arg24[%get3A_290, %get3A_291] {strides = array<i32>} : memref<40x128xf32, #tpu.memory_space<vmem>>, vector<1x16xf32>,
        %get3A_293 = vector.shape_cast %get3A_292 : vector<1x16xf32> to vector<16xf32>
        %add3A_294 = arith.addf %add3A_289, %get3A_293 : vector<16xf32>
        %max3A_295 = arith.constant 0.000000e+00 : f32
        %max3A_296 = vector.broadcast %max3A_295 : f32 to vector<16xf32>
        %max3A_297 = arith.maximumf %add3A_294, %max3A_296 : vector<16xf32>
        %swap3A_298 = arith.index_cast %add3A_171 : i32 to index
        %swap3A_299 = arith.constant 80 : index
        %swap3A_300 = tpu.vector_load %arg26[%swap3A_298, %swap3A_299] {strides = array<i32>} : memref<40x128xf32, #tpu.memory_space<vmem>>, vector<1x16xf32>,
        %swap3A_301 = vector.shape_cast %swap3A_300 : vector<1x16xf32> to vector<16xf32>
        %swap3A_302 = vector.shape_cast %max3A_297 : vector<16xf32> to vector<1x16xf32>
        tpu.vector_store %arg26[%swap3A_298, %swap3A_299], %swap3A_302 {strides = array<i32>} : memref<40x128xf32, #tpu.memory_space<vmem>>, vector<1x16xf32>,
        %get3A_303 = arith.index_cast %add3A_171 : i32 to index
        %get3A_304 = arith.constant 96 : index
        %get3A_305 = tpu.vector_load %arg20[%get3A_303, %get3A_304] {strides = array<i32>} : memref<40x128xf32, #tpu.memory_space<vmem>>, vector<1x16xf32>,
        %get3A_306 = vector.shape_cast %get3A_305 : vector<1x16xf32> to vector<16xf32>
        %get3A_307 = arith.index_cast %add3A_171 : i32 to index
        %get3A_308 = arith.constant 96 : index
        %get3A_309 = tpu.vector_load %arg22[%get3A_307, %get3A_308] {strides = array<i32>} : memref<40x128xf32, #tpu.memory_space<vmem>>, vector<1x16xf32>,
        %get3A_310 = vector.shape_cast %get3A_309 : vector<1x16xf32> to vector<16xf32>
        %add3A_311 = arith.addf %get3A_306, %get3A_310 : vector<16xf32>
        %get3A_312 = arith.index_cast %add3A_171 : i32 to index
        %get3A_313 = arith.constant 96 : index
        %get3A_314 = tpu.vector_load %arg24[%get3A_312, %get3A_313] {strides = array<i32>} : memref<40x128xf32, #tpu.memory_space<vmem>>, vector<1x16xf32>,
        %get3A_315 = vector.shape_cast %get3A_314 : vector<1x16xf32> to vector<16xf32>
        %add3A_316 = arith.addf %add3A_311, %get3A_315 : vector<16xf32>
        %max3A_317 = arith.constant 0.000000e+00 : f32
        %max3A_318 = vector.broadcast %max3A_317 : f32 to vector<16xf32>
        %max3A_319 = arith.maximumf %add3A_316, %max3A_318 : vector<16xf32>
        %swap3A_320 = arith.index_cast %add3A_171 : i32 to index
        %swap3A_321 = arith.constant 96 : index
        %swap3A_322 = tpu.vector_load %arg26[%swap3A_320, %swap3A_321] {strides = array<i32>} : memref<40x128xf32, #tpu.memory_space<vmem>>, vector<1x16xf32>,
        %swap3A_323 = vector.shape_cast %swap3A_322 : vector<1x16xf32> to vector<16xf32>
        %swap3A_324 = vector.shape_cast %max3A_319 : vector<16xf32> to vector<1x16xf32>
        tpu.vector_store %arg26[%swap3A_320, %swap3A_321], %swap3A_324 {strides = array<i32>} : memref<40x128xf32, #tpu.memory_space<vmem>>, vector<1x16xf32>,
        %get3A_325 = arith.index_cast %add3A_171 : i32 to index
        %get3A_326 = arith.constant 112 : index
        %get3A_327 = tpu.vector_load %arg20[%get3A_325, %get3A_326] {strides = array<i32>} : memref<40x128xf32, #tpu.memory_space<vmem>>, vector<1x16xf32>,
        %get3A_328 = vector.shape_cast %get3A_327 : vector<1x16xf32> to vector<16xf32>
        %get3A_329 = arith.index_cast %add3A_171 : i32 to index
        %get3A_330 = arith.constant 112 : index
        %get3A_331 = tpu.vector_load %arg22[%get3A_329, %get3A_330] {strides = array<i32>} : memref<40x128xf32, #tpu.memory_space<vmem>>, vector<1x16xf32>,
        %get3A_332 = vector.shape_cast %get3A_331 : vector<1x16xf32> to vector<16xf32>
        %add3A_333 = arith.addf %get3A_328, %get3A_332 : vector<16xf32>
        %get3A_334 = arith.index_cast %add3A_171 : i32 to index
        %get3A_335 = arith.constant 112 : index
        %get3A_336 = tpu.vector_load %arg24[%get3A_334, %get3A_335] {strides = array<i32>} : memref<40x128xf32, #tpu.memory_space<vmem>>, vector<1x16xf32>,
        %get3A_337 = vector.shape_cast %get3A_336 : vector<1x16xf32> to vector<16xf32>
        %add3A_338 = arith.addf %add3A_333, %get3A_337 : vector<16xf32>
        %max3A_339 = arith.constant 0.000000e+00 : f32
        %max3A_340 = vector.broadcast %max3A_339 : f32 to vector<16xf32>
        %max3A_341 = arith.maximumf %add3A_338, %max3A_340 : vector<16xf32>
        %swap3A_342 = arith.index_cast %add3A_171 : i32 to index
        %swap3A_343 = arith.constant 112 : index
        %swap3A_344 = tpu.vector_load %arg26[%swap3A_342, %swap3A_343] {strides = array<i32>} : memref<40x128xf32, #tpu.memory_space<vmem>>, vector<1x16xf32>,
        %swap3A_345 = vector.shape_cast %swap3A_344 : vector<1x16xf32> to vector<16xf32>
        %swap3A_346 = vector.shape_cast %max3A_341 : vector<16xf32> to vector<1x16xf32>
        tpu.vector_store %arg26[%swap3A_342, %swap3A_343], %swap3A_346 {strides = array<i32>} : memref<40x128xf32, #tpu.memory_space<vmem>>, vector<1x16xf32>,
      }
      %scan3A_156 = arith.constant 40 : i32
      %add3A_157 = arith.constant 2 : i32
      %add3A_158 = arith.addi %add3A_106, %add3A_157 : i32
      %lt3A_159 = arith.constant 250 : i32
      %lt3A_160 = arith.cmpi slt, %add3A_158, %lt3A_159 : i32
      %convert_element_type3A_161 = arith.extui %lt3A_160 : i1 to i32
      %cond3A_162 = arith.constant 0 : i32
      %cond3A_163 = arith.cmpi ne, %convert_element_type3A_161, %cond3A_162 : i32
      scf.if %cond3A_163 {
        %add3A_167 = arith.constant 2 : i32
        %add3A_168 = arith.addi %add3A_106, %add3A_167 : i32
        %mul3A_169 = arith.constant 40 : i32
        %mul3A_170 = arith.muli %add3A_168, %mul3A_169 : i32
        %add3A_171 = arith.addi %mul3A_6, %mul3A_170 : i32
        %dma_start3A_172 = tpu.memref_slice %arg5[%add3A_171] : memref<320000xi32, #tpu.memory_space<hbm>> -> memref<40xi32, #tpu.memory_space<hbm>>
        %dma_start3A_173 = tpu.memref_slice %arg5[%add3A_171] : memref<320000xi32, #tpu.memory_space<hbm>> -> memref<40xi32, #tpu.memory_space<hbm>>
        tpu.enqueue_dma source(%dma_start3A_173 : memref<40xi32, #tpu.memory_space<hbm>>) target(%arg10 : memref<40xi32, #tpu.memory_space<vmem>>) target_semaphore(%arg37 : memref<!tpu.dma_semaphore, #tpu.memory_space<semaphore_mem>>)
        %dma_start3A_174 = tpu.memref_slice %arg6[%add3A_171] : memref<320000xi32, #tpu.memory_space<hbm>> -> memref<40xi32, #tpu.memory_space<hbm>>
        %dma_start3A_175 = tpu.memref_slice %arg6[%add3A_171] : memref<320000xi32, #tpu.memory_space<hbm>> -> memref<40xi32, #tpu.memory_space<hbm>>
        tpu.enqueue_dma source(%dma_start3A_175 : memref<40xi32, #tpu.memory_space<hbm>>) target(%arg12 : memref<40xi32, #tpu.memory_space<vmem>>) target_semaphore(%arg39 : memref<!tpu.dma_semaphore, #tpu.memory_space<semaphore_mem>>)
      } else {
      }
      %dma_start3A_164 = arith.constant 0 : i32
      %dma_start3A_165 = arith.constant 0 : i32
      %dma_start3A_166 = tpu.memref_slice %arg27[%dma_start3A_164, %dma_start3A_165] : memref<10000x128xf32, #tpu.memory_space<vmem_shared>> -> memref<10000x128xf32, #tpu.memory_space<vmem_shared>>
      tpu.enqueue_indirect_dma source(%arg26 : memref<40x128xf32, #tpu.memory_space<vmem>>) target(%dma_start3A_166 : memref<10000x128xf32, #tpu.memory_space<vmem_shared>>) offsets(%arg18 : memref<40xi32, #tpu.memory_space<vmem>>) semaphore(%arg35 : memref<!tpu.dma_semaphore, #tpu.memory_space<semaphore_mem>>) {add = true}
    }
    %scan3A_27 = arith.constant 125 : i32
    %dma_wait3A = arith.constant 0 : i32
    %dma_wait3A_28 = arith.constant 0 : i32
    %dma_wait3A_29 = tpu.memref_slice %arg27[%dma_wait3A, %dma_wait3A_28] : memref<10000x128xf32, #tpu.memory_space<vmem_shared>> -> memref<10000x128xf32, #tpu.memory_space<vmem_shared>>
    tpu.wait_indirect_dma semaphore(%arg34 : memref<!tpu.dma_semaphore, #tpu.memory_space<semaphore_mem>>) src(%arg25 : memref<40x128xf32, #tpu.memory_space<vmem>>) dst(%dma_wait3A_29 : memref<10000x128xf32, #tpu.memory_space<vmem_shared>>)
    %dma_wait3A_30 = arith.constant 0 : i32
    %dma_wait3A_31 = arith.constant 0 : i32
    %dma_wait3A_32 = tpu.memref_slice %arg27[%dma_wait3A_30, %dma_wait3A_31] : memref<10000x128xf32, #tpu.memory_space<vmem_shared>> -> memref<10000x128xf32, #tpu.memory_space<vmem_shared>>
    tpu.wait_indirect_dma semaphore(%arg35 : memref<!tpu.dma_semaphore, #tpu.memory_space<semaphore_mem>>) src(%arg26 : memref<40x128xf32, #tpu.memory_space<vmem>>) dst(%dma_wait3A_32 : memref<10000x128xf32, #tpu.memory_space<vmem_shared>>)
    %barrier3A_33 = arith.constant 0 : index
    tpu.barrier barrier_id(%barrier3A_33)
    %mul3A_34 = arith.constant 10000 : i32
    %mul3A_35 = arith.muli %arg0, %mul3A_34 : i32
    %add3A_36 = arith.addi %mul3A_35, %mul3A_0 : i32
    "tpu.region"() ({
      %run_scoped3A = tpu.sem_alloc : memref<!tpu.dma_semaphore, #tpu.memory_space<semaphore_mem>>
      %dma_start3A_42 = arith.constant 0 : i32
      %dma_start3A_43 = tpu.memref_slice %arg8[%add3A_36, %dma_start3A_42] : memref<20000x128xf32, #tpu.memory_space<hbm>> -> memref<624x128xf32, #tpu.memory_space<hbm>>
      %dma_start3A_44 = arith.constant 0 : i32
      %dma_start3A_45 = tpu.memref_slice %arg27[%mul3A_0, %dma_start3A_44] : memref<10000x128xf32, #tpu.memory_space<vmem_shared>> -> memref<624x128xf32, #tpu.memory_space<vmem_shared>>
      tpu.enqueue_dma source(%dma_start3A_45 : memref<624x128xf32, #tpu.memory_space<vmem_shared>>) target(%dma_start3A_43 : memref<624x128xf32, #tpu.memory_space<hbm>>) target_semaphore(%run_scoped3A : memref<!tpu.dma_semaphore, #tpu.memory_space<semaphore_mem>>)
      %dma_wait3A_46 = arith.constant 0 : i32
      %dma_wait3A_47 = tpu.memref_slice %arg8[%add3A_36, %dma_wait3A_46] : memref<20000x128xf32, #tpu.memory_space<hbm>> -> memref<624x128xf32, #tpu.memory_space<hbm>>
      %dma_wait3A_48 = arith.constant 0 : i32
      %dma_wait3A_49 = tpu.memref_slice %arg27[%mul3A_0, %dma_wait3A_48] : memref<10000x128xf32, #tpu.memory_space<vmem_shared>> -> memref<624x128xf32, #tpu.memory_space<vmem_shared>>
      tpu.wait_dma2 semaphore(%run_scoped3A : memref<!tpu.dma_semaphore, #tpu.memory_space<semaphore_mem>>) src(%dma_wait3A_49 : memref<624x128xf32, #tpu.memory_space<vmem_shared>>) dst(%dma_wait3A_47 : memref<624x128xf32, #tpu.memory_space<hbm>>)
      tpu.yield
    }) : () -> ()
    %eq3A_37 = arith.constant 15 : i32
    %eq3A_38 = arith.cmpi eq, %arg1, %eq3A_37 : i32
    %convert_element_type3A_39 = arith.extui %eq3A_38 : i1 to i32
    %cond3A_40 = arith.constant 0 : i32
    %cond3A_41 = arith.cmpi ne, %convert_element_type3A_39, %cond3A_40 : i32
    scf.if %cond3A_41 {
      %mul3A_42 = arith.constant 10000 : i32
      %mul3A_43 = arith.muli %arg0, %mul3A_42 : i32
      %add3A_44 = arith.constant 9984 : i32
      %add3A_45 = arith.addi %mul3A_43, %add3A_44 : i32
      "tpu.region"() ({
        %run_scoped3A = tpu.sem_alloc : memref<!tpu.dma_semaphore, #tpu.memory_space<semaphore_mem>>
        %dma_start3A_46 = arith.constant 0 : i32
        %dma_start3A_47 = tpu.memref_slice %arg8[%add3A_45, %dma_start3A_46] : memref<20000x128xf32, #tpu.memory_space<hbm>> -> memref<16x128xf32, #tpu.memory_space<hbm>>
        %dma_start3A_48 = arith.constant 9984 : i32
        %dma_start3A_49 = arith.constant 0 : i32
        %dma_start3A_50 = tpu.memref_slice %arg27[%dma_start3A_48, %dma_start3A_49] : memref<10000x128xf32, #tpu.memory_space<vmem_shared>> -> memref<16x128xf32, #tpu.memory_space<vmem_shared>>
        tpu.enqueue_dma source(%dma_start3A_50 : memref<16x128xf32, #tpu.memory_space<vmem_shared>>) target(%dma_start3A_47 : memref<16x128xf32, #tpu.memory_space<hbm>>) target_semaphore(%run_scoped3A : memref<!tpu.dma_semaphore, #tpu.memory_space<semaphore_mem>>)
        %dma_wait3A_51 = arith.constant 0 : i32
        %dma_wait3A_52 = tpu.memref_slice %arg8[%add3A_45, %dma_wait3A_51] : memref<20000x128xf32, #tpu.memory_space<hbm>> -> memref<16x128xf32, #tpu.memory_space<hbm>>
        %dma_wait3A_53 = arith.constant 9984 : i32
        %dma_wait3A_54 = arith.constant 0 : i32
        %dma_wait3A_55 = tpu.memref_slice %arg27[%dma_wait3A_53, %dma_wait3A_54] : memref<10000x128xf32, #tpu.memory_space<vmem_shared>> -> memref<16x128xf32, #tpu.memory_space<vmem_shared>>
        tpu.wait_dma2 semaphore(%run_scoped3A : memref<!tpu.dma_semaphore, #tpu.memory_space<semaphore_mem>>) src(%dma_wait3A_55 : memref<16x128xf32, #tpu.memory_space<vmem_shared>>) dst(%dma_wait3A_52 : memref<16x128xf32, #tpu.memory_space<hbm>>)
        tpu.yield
      }) : () -> ()
    } else {
    }
    return
  }
}

#map = affine_map<(d0, d1) -> (0, 0)>
#map1 = affine_map<(d0, d1) -> (0)>
module attributes {stable_mosaic.version = 14 : i64} {
  func.func @body(%arg0: i32, %arg1: i32, %arg2: memref<20000x128xf32, #tpu.memory_space<hbm>>, %arg3: memref<20000x128xf32, #tpu.memory_space<hbm>>, %arg4: memref<640000x128xf32, #tpu.memory_space<hbm>>, %arg5: memref<320000xi32, #tpu.memory_space<hbm>>, %arg6: memref<320000xi32, #tpu.memory_space<hbm>>, %arg7: memref<10000x128xf32, #tpu.memory_space<hbm>>, %arg8: memref<20000x128xf32, #tpu.memory_space<hbm>>, %arg9: memref<40xi32, #tpu.memory_space<vmem>>, %arg10: memref<40xi32, #tpu.memory_space<vmem>>, %arg11: memref<40xi32, #tpu.memory_space<vmem>>, %arg12: memref<40xi32, #tpu.memory_space<vmem>>, %arg13: memref<40xi32, #tpu.memory_space<vmem>>, %arg14: memref<40xi32, #tpu.memory_space<vmem>>, %arg15: memref<40xi32, #tpu.memory_space<vmem>>, %arg16: memref<40xi32, #tpu.memory_space<vmem>>, %arg17: memref<40xi32, #tpu.memory_space<vmem>>, %arg18: memref<40xi32, #tpu.memory_space<vmem>>, %arg19: memref<40x128xf32, #tpu.memory_space<vmem>>, %arg20: memref<40x128xf32, #tpu.memory_space<vmem>>, %arg21: memref<40x128xf32, #tpu.memory_space<vmem>>, %arg22: memref<40x128xf32, #tpu.memory_space<vmem>>, %arg23: memref<40x128xf32, #tpu.memory_space<vmem>>, %arg24: memref<40x128xf32, #tpu.memory_space<vmem>>, %arg25: memref<40x128xf32, #tpu.memory_space<vmem>>, %arg26: memref<40x128xf32, #tpu.memory_space<vmem>>, %arg27: memref<10000x128xf32, #tpu.memory_space<vmem_shared>>, %arg28: memref<!tpu.dma_semaphore, #tpu.memory_space<semaphore_mem>>, %arg29: memref<!tpu.dma_semaphore, #tpu.memory_space<semaphore_mem>>, %arg30: memref<!tpu.dma_semaphore, #tpu.memory_space<semaphore_mem>>, %arg31: memref<!tpu.dma_semaphore, #tpu.memory_space<semaphore_mem>>, %arg32: memref<!tpu.dma_semaphore, #tpu.memory_space<semaphore_mem>>, %arg33: memref<!tpu.dma_semaphore, #tpu.memory_space<semaphore_mem>>, %arg34: memref<!tpu.dma_semaphore, #tpu.memory_space<semaphore_mem>>, %arg35: memref<!tpu.dma_semaphore, #tpu.memory_space<semaphore_mem>>, %arg36: memref<!tpu.dma_semaphore, #tpu.memory_space<semaphore_mem>>, %arg37: memref<!tpu.dma_semaphore, #tpu.memory_space<semaphore_mem>>, %arg38: memref<!tpu.dma_semaphore, #tpu.memory_space<semaphore_mem>>, %arg39: memref<!tpu.dma_semaphore, #tpu.memory_space<semaphore_mem>>) attributes {dimension_semantics = [#tpu.dimension_semantics<core_parallel>, #tpu.dimension_semantics<subcore_parallel>], iteration_bounds = array<i64: 2, 16>, scalar_prefetch = 0 : i64, scratch_operands = 31 : i64, tpu.core_type = #tpu.core_type<sc_vector_subcore>, window_params = [{transform_indices = #map}, {transform_indices = #map}, {transform_indices = #map}, {transform_indices = #map1}, {transform_indices = #map1}, {transform_indices = #map}, {transform_indices = #map}]} {
    %mul3A = arith.constant 624 : i32
    %mul3A_0 = arith.muli %arg1, %mul3A : i32
    "tpu.region"() ({
      %run_scoped3A = tpu.sem_alloc : memref<!tpu.dma_semaphore, #tpu.memory_space<semaphore_mem>>
      %dma_start3A_106 = arith.constant 0 : i32
      %dma_start3A_107 = tpu.memref_slice %arg27[%mul3A_0, %dma_start3A_106] : memref<10000x128xf32, #tpu.memory_space<vmem_shared>> -> memref<624x128xf32, #tpu.memory_space<vmem_shared>>
      %dma_start3A_108 = arith.constant 0 : i32
      %dma_start3A_109 = tpu.memref_slice %arg7[%mul3A_0, %dma_start3A_108] : memref<10000x128xf32, #tpu.memory_space<hbm>> -> memref<624x128xf32, #tpu.memory_space<hbm>>
      tpu.enqueue_dma source(%dma_start3A_109 : memref<624x128xf32, #tpu.memory_space<hbm>>) target(%dma_start3A_107 : memref<624x128xf32, #tpu.memory_space<vmem_shared>>) target_semaphore(%run_scoped3A : memref<!tpu.dma_semaphore, #tpu.memory_space<semaphore_mem>>)
      %dma_wait3A_110 = arith.constant 0 : i32
      %dma_wait3A_111 = tpu.memref_slice %arg27[%mul3A_0, %dma_wait3A_110] : memref<10000x128xf32, #tpu.memory_space<vmem_shared>> -> memref<624x128xf32, #tpu.memory_space<vmem_shared>>
      %dma_wait3A_112 = arith.constant 0 : i32
      %dma_wait3A_113 = tpu.memref_slice %arg7[%mul3A_0, %dma_wait3A_112] : memref<10000x128xf32, #tpu.memory_space<hbm>> -> memref<624x128xf32, #tpu.memory_space<hbm>>
      tpu.wait_dma2 semaphore(%run_scoped3A : memref<!tpu.dma_semaphore, #tpu.memory_space<semaphore_mem>>) src(%dma_wait3A_113 : memref<624x128xf32, #tpu.memory_space<hbm>>) dst(%dma_wait3A_111 : memref<624x128xf32, #tpu.memory_space<vmem_shared>>)
      tpu.yield
    }) : () -> ()
    %eq3A = arith.constant 15 : i32
    %eq3A_1 = arith.cmpi eq, %arg1, %eq3A : i32
    %convert_element_type3A = arith.extui %eq3A_1 : i1 to i32
    %cond3A = arith.constant 0 : i32
    %cond3A_2 = arith.cmpi ne, %convert_element_type3A, %cond3A : i32
    scf.if %cond3A_2 {
      "tpu.region"() ({
        %run_scoped3A = tpu.sem_alloc : memref<!tpu.dma_semaphore, #tpu.memory_space<semaphore_mem>>
        %dma_start3A_106 = arith.constant 9984 : i32
        %dma_start3A_107 = arith.constant 0 : i32
        %dma_start3A_108 = tpu.memref_slice %arg27[%dma_start3A_106, %dma_start3A_107] : memref<10000x128xf32, #tpu.memory_space<vmem_shared>> -> memref<16x128xf32, #tpu.memory_space<vmem_shared>>
        %dma_start3A_109 = arith.constant 9984 : i32
        %dma_start3A_110 = arith.constant 0 : i32
        %dma_start3A_111 = tpu.memref_slice %arg7[%dma_start3A_109, %dma_start3A_110] : memref<10000x128xf32, #tpu.memory_space<hbm>> -> memref<16x128xf32, #tpu.memory_space<hbm>>
        tpu.enqueue_dma source(%dma_start3A_111 : memref<16x128xf32, #tpu.memory_space<hbm>>) target(%dma_start3A_108 : memref<16x128xf32, #tpu.memory_space<vmem_shared>>) target_semaphore(%run_scoped3A : memref<!tpu.dma_semaphore, #tpu.memory_space<semaphore_mem>>)
        %dma_wait3A_112 = arith.constant 9984 : i32
        %dma_wait3A_113 = arith.constant 0 : i32
        %dma_wait3A_114 = tpu.memref_slice %arg27[%dma_wait3A_112, %dma_wait3A_113] : memref<10000x128xf32, #tpu.memory_space<vmem_shared>> -> memref<16x128xf32, #tpu.memory_space<vmem_shared>>
        %dma_wait3A_115 = arith.constant 9984 : i32
        %dma_wait3A_116 = arith.constant 0 : i32
        %dma_wait3A_117 = tpu.memref_slice %arg7[%dma_wait3A_115, %dma_wait3A_116] : memref<10000x128xf32, #tpu.memory_space<hbm>> -> memref<16x128xf32, #tpu.memory_space<hbm>>
        tpu.wait_dma2 semaphore(%run_scoped3A : memref<!tpu.dma_semaphore, #tpu.memory_space<semaphore_mem>>) src(%dma_wait3A_117 : memref<16x128xf32, #tpu.memory_space<hbm>>) dst(%dma_wait3A_114 : memref<16x128xf32, #tpu.memory_space<vmem_shared>>)
        tpu.yield
      }) : () -> ()
    } else {
    }
    %barrier3A = arith.constant 0 : index
    tpu.barrier barrier_id(%barrier3A)
    %mul3A_3 = arith.constant 20000 : i32
    %mul3A_4 = arith.muli %arg1, %mul3A_3 : i32
    "tpu.region"() ({
      %run_scoped3A = tpu.sem_alloc : memref<!tpu.dma_semaphore, #tpu.memory_space<semaphore_mem>>
      %dma_start3A_106 = tpu.memref_slice %arg5[%mul3A_4] : memref<320000xi32, #tpu.memory_space<hbm>> -> memref<40xi32, #tpu.memory_space<hbm>>
      %dma_start3A_107 = tpu.memref_slice %arg5[%mul3A_4] : memref<320000xi32, #tpu.memory_space<hbm>> -> memref<40xi32, #tpu.memory_space<hbm>>
      tpu.enqueue_dma source(%dma_start3A_107 : memref<40xi32, #tpu.memory_space<hbm>>) target(%arg9 : memref<40xi32, #tpu.memory_space<vmem>>) target_semaphore(%run_scoped3A : memref<!tpu.dma_semaphore, #tpu.memory_space<semaphore_mem>>)
      %dma_wait3A_108 = tpu.memref_slice %arg5[%mul3A_4] : memref<320000xi32, #tpu.memory_space<hbm>> -> memref<40xi32, #tpu.memory_space<hbm>>
      %dma_wait3A_109 = tpu.memref_slice %arg5[%mul3A_4] : memref<320000xi32, #tpu.memory_space<hbm>> -> memref<40xi32, #tpu.memory_space<hbm>>
      tpu.wait_dma2 semaphore(%run_scoped3A : memref<!tpu.dma_semaphore, #tpu.memory_space<semaphore_mem>>) src(%dma_wait3A_109 : memref<40xi32, #tpu.memory_space<hbm>>) dst(%arg9 : memref<40xi32, #tpu.memory_space<vmem>>)
      tpu.yield
    }) : () -> ()
    "tpu.region"() ({
      %run_scoped3A = tpu.sem_alloc : memref<!tpu.dma_semaphore, #tpu.memory_space<semaphore_mem>>
      %dma_start3A_106 = tpu.memref_slice %arg6[%mul3A_4] : memref<320000xi32, #tpu.memory_space<hbm>> -> memref<40xi32, #tpu.memory_space<hbm>>
      %dma_start3A_107 = tpu.memref_slice %arg6[%mul3A_4] : memref<320000xi32, #tpu.memory_space<hbm>> -> memref<40xi32, #tpu.memory_space<hbm>>
      tpu.enqueue_dma source(%dma_start3A_107 : memref<40xi32, #tpu.memory_space<hbm>>) target(%arg11 : memref<40xi32, #tpu.memory_space<vmem>>) target_semaphore(%run_scoped3A : memref<!tpu.dma_semaphore, #tpu.memory_space<semaphore_mem>>)
      %dma_wait3A_108 = tpu.memref_slice %arg6[%mul3A_4] : memref<320000xi32, #tpu.memory_space<hbm>> -> memref<40xi32, #tpu.memory_space<hbm>>
      %dma_wait3A_109 = tpu.memref_slice %arg6[%mul3A_4] : memref<320000xi32, #tpu.memory_space<hbm>> -> memref<40xi32, #tpu.memory_space<hbm>>
      tpu.wait_dma2 semaphore(%run_scoped3A : memref<!tpu.dma_semaphore, #tpu.memory_space<semaphore_mem>>) src(%dma_wait3A_109 : memref<40xi32, #tpu.memory_space<hbm>>) dst(%arg11 : memref<40xi32, #tpu.memory_space<vmem>>)
      tpu.yield
    }) : () -> ()
    %get3A = arith.constant 0 : index
    %get3A_5 = tpu.vector_load %arg11[%get3A] {strides = array<i32>} : memref<40xi32, #tpu.memory_space<vmem>>, vector<16xi32>,
    %get3A_6 = vector.shape_cast %get3A_5 : vector<16xi32> to vector<16xi32>
    %mul3A_7 = arith.constant 10000 : i32
    %mul3A_8 = arith.muli %arg0, %mul3A_7 : i32
    %add3A = vector.broadcast %mul3A_8 : i32 to vector<16xi32>
    %add3A_9 = arith.addi %get3A_6, %add3A : vector<16xi32>
    %swap3A = arith.constant 0 : index
    %swap3A_10 = tpu.vector_load %arg13[%swap3A] {strides = array<i32>} : memref<40xi32, #tpu.memory_space<vmem>>, vector<16xi32>,
    %swap3A_11 = vector.shape_cast %swap3A_10 : vector<16xi32> to vector<16xi32>
    %swap3A_12 = vector.shape_cast %add3A_9 : vector<16xi32> to vector<16xi32>
    tpu.vector_store %arg13[%swap3A], %swap3A_12 {strides = array<i32>} : memref<40xi32, #tpu.memory_space<vmem>>, vector<16xi32>,
    %get3A_13 = arith.constant 0 : index
    %get3A_14 = tpu.vector_load %arg9[%get3A_13] {strides = array<i32>} : memref<40xi32, #tpu.memory_space<vmem>>, vector<16xi32>,
    %get3A_15 = vector.shape_cast %get3A_14 : vector<16xi32> to vector<16xi32>
    %mul3A_16 = arith.constant 10000 : i32
    %mul3A_17 = arith.muli %arg0, %mul3A_16 : i32
    %add3A_18 = vector.broadcast %mul3A_17 : i32 to vector<16xi32>
    %add3A_19 = arith.addi %get3A_15, %add3A_18 : vector<16xi32>
    %swap3A_20 = arith.constant 0 : index
    %swap3A_21 = tpu.vector_load %arg15[%swap3A_20] {strides = array<i32>} : memref<40xi32, #tpu.memory_space<vmem>>, vector<16xi32>,
    %swap3A_22 = vector.shape_cast %swap3A_21 : vector<16xi32> to vector<16xi32>
    %swap3A_23 = vector.shape_cast %add3A_19 : vector<16xi32> to vector<16xi32>
    tpu.vector_store %arg15[%swap3A_20], %swap3A_23 {strides = array<i32>} : memref<40xi32, #tpu.memory_space<vmem>>, vector<16xi32>,
    %get3A_24 = arith.constant 16 : index
    %get3A_25 = tpu.vector_load %arg11[%get3A_24] {strides = array<i32>} : memref<40xi32, #tpu.memory_space<vmem>>, vector<16xi32>,
    %get3A_26 = vector.shape_cast %get3A_25 : vector<16xi32> to vector<16xi32>
    %mul3A_27 = arith.constant 10000 : i32
    %mul3A_28 = arith.muli %arg0, %mul3A_27 : i32
    %add3A_29 = vector.broadcast %mul3A_28 : i32 to vector<16xi32>
    %add3A_30 = arith.addi %get3A_26, %add3A_29 : vector<16xi32>
    %swap3A_31 = arith.constant 16 : index
    %swap3A_32 = tpu.vector_load %arg13[%swap3A_31] {strides = array<i32>} : memref<40xi32, #tpu.memory_space<vmem>>, vector<16xi32>,
    %swap3A_33 = vector.shape_cast %swap3A_32 : vector<16xi32> to vector<16xi32>
    %swap3A_34 = vector.shape_cast %add3A_30 : vector<16xi32> to vector<16xi32>
    tpu.vector_store %arg13[%swap3A_31], %swap3A_34 {strides = array<i32>} : memref<40xi32, #tpu.memory_space<vmem>>, vector<16xi32>,
    %get3A_35 = arith.constant 16 : index
    %get3A_36 = tpu.vector_load %arg9[%get3A_35] {strides = array<i32>} : memref<40xi32, #tpu.memory_space<vmem>>, vector<16xi32>,
    %get3A_37 = vector.shape_cast %get3A_36 : vector<16xi32> to vector<16xi32>
    %mul3A_38 = arith.constant 10000 : i32
    %mul3A_39 = arith.muli %arg0, %mul3A_38 : i32
    %add3A_40 = vector.broadcast %mul3A_39 : i32 to vector<16xi32>
    %add3A_41 = arith.addi %get3A_37, %add3A_40 : vector<16xi32>
    %swap3A_42 = arith.constant 16 : index
    %swap3A_43 = tpu.vector_load %arg15[%swap3A_42] {strides = array<i32>} : memref<40xi32, #tpu.memory_space<vmem>>, vector<16xi32>,
    %swap3A_44 = vector.shape_cast %swap3A_43 : vector<16xi32> to vector<16xi32>
    %swap3A_45 = vector.shape_cast %add3A_41 : vector<16xi32> to vector<16xi32>
    tpu.vector_store %arg15[%swap3A_42], %swap3A_45 {strides = array<i32>} : memref<40xi32, #tpu.memory_space<vmem>>, vector<16xi32>,
    %get3A_46 = arith.constant 24 : index
    %get3A_47 = tpu.vector_load %arg11[%get3A_46] {strides = array<i32>} : memref<40xi32, #tpu.memory_space<vmem>>, vector<16xi32>,
    %get3A_48 = vector.shape_cast %get3A_47 : vector<16xi32> to vector<16xi32>
    %mul3A_49 = arith.constant 10000 : i32
    %mul3A_50 = arith.muli %arg0, %mul3A_49 : i32
    %add3A_51 = vector.broadcast %mul3A_50 : i32 to vector<16xi32>
    %add3A_52 = arith.addi %get3A_48, %add3A_51 : vector<16xi32>
    %swap3A_53 = arith.constant 24 : index
    %swap3A_54 = tpu.vector_load %arg13[%swap3A_53] {strides = array<i32>} : memref<40xi32, #tpu.memory_space<vmem>>, vector<16xi32>,
    %swap3A_55 = vector.shape_cast %swap3A_54 : vector<16xi32> to vector<16xi32>
    %swap3A_56 = vector.shape_cast %add3A_52 : vector<16xi32> to vector<16xi32>
    tpu.vector_store %arg13[%swap3A_53], %swap3A_56 {strides = array<i32>} : memref<40xi32, #tpu.memory_space<vmem>>, vector<16xi32>,
    %get3A_57 = arith.constant 24 : index
    %get3A_58 = tpu.vector_load %arg9[%get3A_57] {strides = array<i32>} : memref<40xi32, #tpu.memory_space<vmem>>, vector<16xi32>,
    %get3A_59 = vector.shape_cast %get3A_58 : vector<16xi32> to vector<16xi32>
    %mul3A_60 = arith.constant 10000 : i32
    %mul3A_61 = arith.muli %arg0, %mul3A_60 : i32
    %add3A_62 = vector.broadcast %mul3A_61 : i32 to vector<16xi32>
    %add3A_63 = arith.addi %get3A_59, %add3A_62 : vector<16xi32>
    %swap3A_64 = arith.constant 24 : index
    %swap3A_65 = tpu.vector_load %arg15[%swap3A_64] {strides = array<i32>} : memref<40xi32, #tpu.memory_space<vmem>>, vector<16xi32>,
    %swap3A_66 = vector.shape_cast %swap3A_65 : vector<16xi32> to vector<16xi32>
    %swap3A_67 = vector.shape_cast %add3A_63 : vector<16xi32> to vector<16xi32>
    tpu.vector_store %arg15[%swap3A_64], %swap3A_67 {strides = array<i32>} : memref<40xi32, #tpu.memory_space<vmem>>, vector<16xi32>,
    %mul3A_68 = arith.constant 320000 : i32
    %mul3A_69 = arith.muli %arg0, %mul3A_68 : i32
    %add3A_70 = arith.addi %mul3A_69, %mul3A_4 : i32
    %add3A_71 = arith.constant 0 : i32
    %add3A_72 = arith.addi %add3A_70, %add3A_71 : i32
    %dma_start3A = arith.constant 0 : i32
    %dma_start3A_73 = arith.constant 0 : i32
    %dma_start3A_74 = tpu.memref_slice %arg2[%dma_start3A, %dma_start3A_73] : memref<20000x128xf32, #tpu.memory_space<hbm>> -> memref<20000x128xf32, #tpu.memory_space<hbm>>
    tpu.enqueue_indirect_dma source(%dma_start3A_74 : memref<20000x128xf32, #tpu.memory_space<hbm>>) target(%arg19 : memref<40x128xf32, #tpu.memory_space<vmem>>) offsets(%arg13 : memref<40xi32, #tpu.memory_space<vmem>>) semaphore(%arg28 : memref<!tpu.dma_semaphore, #tpu.memory_space<semaphore_mem>>)
    %dma_start3A_75 = arith.constant 0 : i32
    %dma_start3A_76 = arith.constant 0 : i32
    %dma_start3A_77 = tpu.memref_slice %arg3[%dma_start3A_75, %dma_start3A_76] : memref<20000x128xf32, #tpu.memory_space<hbm>> -> memref<20000x128xf32, #tpu.memory_space<hbm>>
    tpu.enqueue_indirect_dma source(%dma_start3A_77 : memref<20000x128xf32, #tpu.memory_space<hbm>>) target(%arg21 : memref<40x128xf32, #tpu.memory_space<vmem>>) offsets(%arg15 : memref<40xi32, #tpu.memory_space<vmem>>) semaphore(%arg30 : memref<!tpu.dma_semaphore, #tpu.memory_space<semaphore_mem>>)
    %dma_start3A_78 = arith.constant 0 : i32
    %dma_start3A_79 = tpu.memref_slice %arg4[%add3A_72, %dma_start3A_78] : memref<640000x128xf32, #tpu.memory_space<hbm>> -> memref<40x128xf32, #tpu.memory_space<hbm>>
    %dma_start3A_80 = arith.constant 0 : i32
    %dma_start3A_81 = tpu.memref_slice %arg4[%add3A_72, %dma_start3A_80] : memref<640000x128xf32, #tpu.memory_space<hbm>> -> memref<40x128xf32, #tpu.memory_space<hbm>>
    tpu.enqueue_dma source(%dma_start3A_81 : memref<40x128xf32, #tpu.memory_space<hbm>>) target(%arg23 : memref<40x128xf32, #tpu.memory_space<vmem>>) target_semaphore(%arg32 : memref<!tpu.dma_semaphore, #tpu.memory_space<semaphore_mem>>)
    %add3A_82 = arith.constant 40 : i32
    %add3A_83 = arith.addi %mul3A_4, %add3A_82 : i32
    %dma_start3A_84 = tpu.memref_slice %arg5[%add3A_83] : memref<320000xi32, #tpu.memory_space<hbm>> -> memref<40xi32, #tpu.memory_space<hbm>>
    %dma_start3A_85 = tpu.memref_slice %arg5[%add3A_83] : memref<320000xi32, #tpu.memory_space<hbm>> -> memref<40xi32, #tpu.memory_space<hbm>>
    tpu.enqueue_dma source(%dma_start3A_85 : memref<40xi32, #tpu.memory_space<hbm>>) target(%arg10 : memref<40xi32, #tpu.memory_space<vmem>>) target_semaphore(%arg37 : memref<!tpu.dma_semaphore, #tpu.memory_space<semaphore_mem>>)
    %dma_start3A_86 = tpu.memref_slice %arg6[%add3A_83] : memref<320000xi32, #tpu.memory_space<hbm>> -> memref<40xi32, #tpu.memory_space<hbm>>
    %dma_start3A_87 = tpu.memref_slice %arg6[%add3A_83] : memref<320000xi32, #tpu.memory_space<hbm>> -> memref<40xi32, #tpu.memory_space<hbm>>
    tpu.enqueue_dma source(%dma_start3A_87 : memref<40xi32, #tpu.memory_space<hbm>>) target(%arg12 : memref<40xi32, #tpu.memory_space<vmem>>) target_semaphore(%arg39 : memref<!tpu.dma_semaphore, #tpu.memory_space<semaphore_mem>>)
    %scan3A = arith.constant 0 : i32
    %scan3A_88 = arith.constant 250 : i32
    %scan3A_89 = arith.addi %scan3A, %scan3A_88 : i32
    %scan3A_90 = arith.constant 1 : i32
    scf.for %scan3A_106 = %scan3A to %scan3A_89 step %scan3A_90  : i32 {
      %mul3A_107 = arith.constant 2 : i32
      %mul3A_108 = arith.muli %scan3A_106, %mul3A_107 : i32
      %add3A_109 = arith.constant 0 : i32
      %add3A_110 = arith.addi %add3A_109, %mul3A_108 : i32
      %add3A_111 = arith.constant 0 : i32
      %add3A_112 = arith.addi %add3A_110, %add3A_111 : i32
      %dma_wait3A_113 = arith.constant 0 : i32
      %dma_wait3A_114 = arith.constant 0 : i32
      %dma_wait3A_115 = tpu.memref_slice %arg2[%dma_wait3A_113, %dma_wait3A_114] : memref<20000x128xf32, #tpu.memory_space<hbm>> -> memref<20000x128xf32, #tpu.memory_space<hbm>>
      tpu.wait_indirect_dma semaphore(%arg28 : memref<!tpu.dma_semaphore, #tpu.memory_space<semaphore_mem>>) src(%dma_wait3A_115 : memref<20000x128xf32, #tpu.memory_space<hbm>>) dst(%arg19 : memref<40x128xf32, #tpu.memory_space<vmem>>)
      %dma_wait3A_116 = arith.constant 0 : i32
      %dma_wait3A_117 = arith.constant 0 : i32
      %dma_wait3A_118 = tpu.memref_slice %arg3[%dma_wait3A_116, %dma_wait3A_117] : memref<20000x128xf32, #tpu.memory_space<hbm>> -> memref<20000x128xf32, #tpu.memory_space<hbm>>
      tpu.wait_indirect_dma semaphore(%arg30 : memref<!tpu.dma_semaphore, #tpu.memory_space<semaphore_mem>>) src(%dma_wait3A_118 : memref<20000x128xf32, #tpu.memory_space<hbm>>) dst(%arg21 : memref<40x128xf32, #tpu.memory_space<vmem>>)
      %dma_wait3A_119 = arith.constant 0 : i32
      %dma_wait3A_120 = arith.constant 0 : i32
      %dma_wait3A_121 = tpu.memref_slice %arg4[%dma_wait3A_119, %dma_wait3A_120] : memref<640000x128xf32, #tpu.memory_space<hbm>> -> memref<40x128xf32, #tpu.memory_space<hbm>>
      %dma_wait3A_122 = arith.constant 0 : i32
      %dma_wait3A_123 = arith.constant 0 : i32
      %dma_wait3A_124 = tpu.memref_slice %arg4[%dma_wait3A_122, %dma_wait3A_123] : memref<640000x128xf32, #tpu.memory_space<hbm>> -> memref<40x128xf32, #tpu.memory_space<hbm>>
      tpu.wait_dma2 semaphore(%arg32 : memref<!tpu.dma_semaphore, #tpu.memory_space<semaphore_mem>>) src(%dma_wait3A_124 : memref<40x128xf32, #tpu.memory_space<hbm>>) dst(%arg23 : memref<40x128xf32, #tpu.memory_space<vmem>>)
      %add3A_125 = arith.constant 1 : i32
      %add3A_126 = arith.addi %add3A_112, %add3A_125 : i32
      %lt3A = arith.constant 500 : i32
      %lt3A_127 = arith.cmpi slt, %add3A_126, %lt3A : i32
      %convert_element_type3A_128 = arith.extui %lt3A_127 : i1 to i32
      %cond3A_129 = arith.constant 0 : i32
      %cond3A_130 = arith.cmpi ne, %convert_element_type3A_128, %cond3A_129 : i32
      scf.if %cond3A_130 {
        %dma_wait3A_233 = arith.constant 0 : i32
        %dma_wait3A_234 = tpu.memref_slice %arg5[%dma_wait3A_233] : memref<320000xi32, #tpu.memory_space<hbm>> -> memref<40xi32, #tpu.memory_space<hbm>>
        %dma_wait3A_235 = arith.constant 0 : i32
        %dma_wait3A_236 = tpu.memref_slice %arg5[%dma_wait3A_235] : memref<320000xi32, #tpu.memory_space<hbm>> -> memref<40xi32, #tpu.memory_space<hbm>>
        tpu.wait_dma2 semaphore(%arg37 : memref<!tpu.dma_semaphore, #tpu.memory_space<semaphore_mem>>) src(%dma_wait3A_236 : memref<40xi32, #tpu.memory_space<hbm>>) dst(%arg10 : memref<40xi32, #tpu.memory_space<vmem>>)
        %dma_wait3A_237 = arith.constant 0 : i32
        %dma_wait3A_238 = tpu.memref_slice %arg6[%dma_wait3A_237] : memref<320000xi32, #tpu.memory_space<hbm>> -> memref<40xi32, #tpu.memory_space<hbm>>
        %dma_wait3A_239 = arith.constant 0 : i32
        %dma_wait3A_240 = tpu.memref_slice %arg6[%dma_wait3A_239] : memref<320000xi32, #tpu.memory_space<hbm>> -> memref<40xi32, #tpu.memory_space<hbm>>
        tpu.wait_dma2 semaphore(%arg39 : memref<!tpu.dma_semaphore, #tpu.memory_space<semaphore_mem>>) src(%dma_wait3A_240 : memref<40xi32, #tpu.memory_space<hbm>>) dst(%arg12 : memref<40xi32, #tpu.memory_space<vmem>>)
        %add3A_241 = arith.constant 1 : i32
        %add3A_242 = arith.addi %add3A_112, %add3A_241 : i32
        %get3A_243 = arith.constant 0 : index
        %get3A_244 = tpu.vector_load %arg12[%get3A_243] {strides = array<i32>} : memref<40xi32, #tpu.memory_space<vmem>>, vector<16xi32>,
        %get3A_245 = vector.shape_cast %get3A_244 : vector<16xi32> to vector<16xi32>
        %mul3A_246 = arith.constant 10000 : i32
        %mul3A_247 = arith.muli %arg0, %mul3A_246 : i32
        %add3A_248 = vector.broadcast %mul3A_247 : i32 to vector<16xi32>
        %add3A_249 = arith.addi %get3A_245, %add3A_248 : vector<16xi32>
        %swap3A_250 = arith.constant 0 : index
        %swap3A_251 = tpu.vector_load %arg14[%swap3A_250] {strides = array<i32>} : memref<40xi32, #tpu.memory_space<vmem>>, vector<16xi32>,
        %swap3A_252 = vector.shape_cast %swap3A_251 : vector<16xi32> to vector<16xi32>
        %swap3A_253 = vector.shape_cast %add3A_249 : vector<16xi32> to vector<16xi32>
        tpu.vector_store %arg14[%swap3A_250], %swap3A_253 {strides = array<i32>} : memref<40xi32, #tpu.memory_space<vmem>>, vector<16xi32>,
        %get3A_254 = arith.constant 0 : index
        %get3A_255 = tpu.vector_load %arg10[%get3A_254] {strides = array<i32>} : memref<40xi32, #tpu.memory_space<vmem>>, vector<16xi32>,
        %get3A_256 = vector.shape_cast %get3A_255 : vector<16xi32> to vector<16xi32>
        %mul3A_257 = arith.constant 10000 : i32
        %mul3A_258 = arith.muli %arg0, %mul3A_257 : i32
        %add3A_259 = vector.broadcast %mul3A_258 : i32 to vector<16xi32>
        %add3A_260 = arith.addi %get3A_256, %add3A_259 : vector<16xi32>
        %swap3A_261 = arith.constant 0 : index
        %swap3A_262 = tpu.vector_load %arg16[%swap3A_261] {strides = array<i32>} : memref<40xi32, #tpu.memory_space<vmem>>, vector<16xi32>,
        %swap3A_263 = vector.shape_cast %swap3A_262 : vector<16xi32> to vector<16xi32>
        %swap3A_264 = vector.shape_cast %add3A_260 : vector<16xi32> to vector<16xi32>
        tpu.vector_store %arg16[%swap3A_261], %swap3A_264 {strides = array<i32>} : memref<40xi32, #tpu.memory_space<vmem>>, vector<16xi32>,
        %get3A_265 = arith.constant 16 : index
        %get3A_266 = tpu.vector_load %arg12[%get3A_265] {strides = array<i32>} : memref<40xi32, #tpu.memory_space<vmem>>, vector<16xi32>,
        %get3A_267 = vector.shape_cast %get3A_266 : vector<16xi32> to vector<16xi32>
        %mul3A_268 = arith.constant 10000 : i32
        %mul3A_269 = arith.muli %arg0, %mul3A_268 : i32
        %add3A_270 = vector.broadcast %mul3A_269 : i32 to vector<16xi32>
        %add3A_271 = arith.addi %get3A_267, %add3A_270 : vector<16xi32>
        %swap3A_272 = arith.constant 16 : index
        %swap3A_273 = tpu.vector_load %arg14[%swap3A_272] {strides = array<i32>} : memref<40xi32, #tpu.memory_space<vmem>>, vector<16xi32>,
        %swap3A_274 = vector.shape_cast %swap3A_273 : vector<16xi32> to vector<16xi32>
        %swap3A_275 = vector.shape_cast %add3A_271 : vector<16xi32> to vector<16xi32>
        tpu.vector_store %arg14[%swap3A_272], %swap3A_275 {strides = array<i32>} : memref<40xi32, #tpu.memory_space<vmem>>, vector<16xi32>,
        %get3A_276 = arith.constant 16 : index
        %get3A_277 = tpu.vector_load %arg10[%get3A_276] {strides = array<i32>} : memref<40xi32, #tpu.memory_space<vmem>>, vector<16xi32>,
        %get3A_278 = vector.shape_cast %get3A_277 : vector<16xi32> to vector<16xi32>
        %mul3A_279 = arith.constant 10000 : i32
        %mul3A_280 = arith.muli %arg0, %mul3A_279 : i32
        %add3A_281 = vector.broadcast %mul3A_280 : i32 to vector<16xi32>
        %add3A_282 = arith.addi %get3A_278, %add3A_281 : vector<16xi32>
        %swap3A_283 = arith.constant 16 : index
        %swap3A_284 = tpu.vector_load %arg16[%swap3A_283] {strides = array<i32>} : memref<40xi32, #tpu.memory_space<vmem>>, vector<16xi32>,
        %swap3A_285 = vector.shape_cast %swap3A_284 : vector<16xi32> to vector<16xi32>
        %swap3A_286 = vector.shape_cast %add3A_282 : vector<16xi32> to vector<16xi32>
        tpu.vector_store %arg16[%swap3A_283], %swap3A_286 {strides = array<i32>} : memref<40xi32, #tpu.memory_space<vmem>>, vector<16xi32>,
        %get3A_287 = arith.constant 24 : index
        %get3A_288 = tpu.vector_load %arg12[%get3A_287] {strides = array<i32>} : memref<40xi32, #tpu.memory_space<vmem>>, vector<16xi32>,
        %get3A_289 = vector.shape_cast %get3A_288 : vector<16xi32> to vector<16xi32>
        %mul3A_290 = arith.constant 10000 : i32
        %mul3A_291 = arith.muli %arg0, %mul3A_290 : i32
        %add3A_292 = vector.broadcast %mul3A_291 : i32 to vector<16xi32>
        %add3A_293 = arith.addi %get3A_289, %add3A_292 : vector<16xi32>
        %swap3A_294 = arith.constant 24 : index
        %swap3A_295 = tpu.vector_load %arg14[%swap3A_294] {strides = array<i32>} : memref<40xi32, #tpu.memory_space<vmem>>, vector<16xi32>,
        %swap3A_296 = vector.shape_cast %swap3A_295 : vector<16xi32> to vector<16xi32>
        %swap3A_297 = vector.shape_cast %add3A_293 : vector<16xi32> to vector<16xi32>
        tpu.vector_store %arg14[%swap3A_294], %swap3A_297 {strides = array<i32>} : memref<40xi32, #tpu.memory_space<vmem>>, vector<16xi32>,
        %get3A_298 = arith.constant 24 : index
        %get3A_299 = tpu.vector_load %arg10[%get3A_298] {strides = array<i32>} : memref<40xi32, #tpu.memory_space<vmem>>, vector<16xi32>,
        %get3A_300 = vector.shape_cast %get3A_299 : vector<16xi32> to vector<16xi32>
        %mul3A_301 = arith.constant 10000 : i32
        %mul3A_302 = arith.muli %arg0, %mul3A_301 : i32
        %add3A_303 = vector.broadcast %mul3A_302 : i32 to vector<16xi32>
        %add3A_304 = arith.addi %get3A_300, %add3A_303 : vector<16xi32>
        %swap3A_305 = arith.constant 24 : index
        %swap3A_306 = tpu.vector_load %arg16[%swap3A_305] {strides = array<i32>} : memref<40xi32, #tpu.memory_space<vmem>>, vector<16xi32>,
        %swap3A_307 = vector.shape_cast %swap3A_306 : vector<16xi32> to vector<16xi32>
        %swap3A_308 = vector.shape_cast %add3A_304 : vector<16xi32> to vector<16xi32>
        tpu.vector_store %arg16[%swap3A_305], %swap3A_308 {strides = array<i32>} : memref<40xi32, #tpu.memory_space<vmem>>, vector<16xi32>,
        %mul3A_309 = arith.constant 320000 : i32
        %mul3A_310 = arith.muli %arg0, %mul3A_309 : i32
        %add3A_311 = arith.addi %mul3A_310, %mul3A_4 : i32
        %mul3A_312 = arith.constant 40 : i32
        %mul3A_313 = arith.muli %add3A_242, %mul3A_312 : i32
        %add3A_314 = arith.addi %add3A_311, %mul3A_313 : i32
        %dma_start3A_315 = arith.constant 0 : i32
        %dma_start3A_316 = arith.constant 0 : i32
        %dma_start3A_317 = tpu.memref_slice %arg2[%dma_start3A_315, %dma_start3A_316] : memref<20000x128xf32, #tpu.memory_space<hbm>> -> memref<20000x128xf32, #tpu.memory_space<hbm>>
        tpu.enqueue_indirect_dma source(%dma_start3A_317 : memref<20000x128xf32, #tpu.memory_space<hbm>>) target(%arg20 : memref<40x128xf32, #tpu.memory_space<vmem>>) offsets(%arg14 : memref<40xi32, #tpu.memory_space<vmem>>) semaphore(%arg29 : memref<!tpu.dma_semaphore, #tpu.memory_space<semaphore_mem>>)
        %dma_start3A_318 = arith.constant 0 : i32
        %dma_start3A_319 = arith.constant 0 : i32
        %dma_start3A_320 = tpu.memref_slice %arg3[%dma_start3A_318, %dma_start3A_319] : memref<20000x128xf32, #tpu.memory_space<hbm>> -> memref<20000x128xf32, #tpu.memory_space<hbm>>
        tpu.enqueue_indirect_dma source(%dma_start3A_320 : memref<20000x128xf32, #tpu.memory_space<hbm>>) target(%arg22 : memref<40x128xf32, #tpu.memory_space<vmem>>) offsets(%arg16 : memref<40xi32, #tpu.memory_space<vmem>>) semaphore(%arg31 : memref<!tpu.dma_semaphore, #tpu.memory_space<semaphore_mem>>)
        %dma_start3A_321 = arith.constant 0 : i32
        %dma_start3A_322 = tpu.memref_slice %arg4[%add3A_314, %dma_start3A_321] : memref<640000x128xf32, #tpu.memory_space<hbm>> -> memref<40x128xf32, #tpu.memory_space<hbm>>
        %dma_start3A_323 = arith.constant 0 : i32
        %dma_start3A_324 = tpu.memref_slice %arg4[%add3A_314, %dma_start3A_323] : memref<640000x128xf32, #tpu.memory_space<hbm>> -> memref<40x128xf32, #tpu.memory_space<hbm>>
        tpu.enqueue_dma source(%dma_start3A_324 : memref<40x128xf32, #tpu.memory_space<hbm>>) target(%arg24 : memref<40x128xf32, #tpu.memory_space<vmem>>) target_semaphore(%arg33 : memref<!tpu.dma_semaphore, #tpu.memory_space<semaphore_mem>>)
      } else {
      }
      %ge3A = arith.constant 2 : i32
      %ge3A_131 = arith.cmpi sge, %add3A_112, %ge3A : i32
      %convert_element_type3A_132 = arith.extui %ge3A_131 : i1 to i32
      %cond3A_133 = arith.constant 0 : i32
      %cond3A_134 = arith.cmpi ne, %convert_element_type3A_132, %cond3A_133 : i32
      scf.if %cond3A_134 {
        %dma_wait3A_233 = arith.constant 0 : i32
        %dma_wait3A_234 = arith.constant 0 : i32
        %dma_wait3A_235 = tpu.memref_slice %arg27[%dma_wait3A_233, %dma_wait3A_234] : memref<10000x128xf32, #tpu.memory_space<vmem_shared>> -> memref<10000x128xf32, #tpu.memory_space<vmem_shared>>
        tpu.wait_indirect_dma semaphore(%arg34 : memref<!tpu.dma_semaphore, #tpu.memory_space<semaphore_mem>>) src(%arg25 : memref<40x128xf32, #tpu.memory_space<vmem>>) dst(%dma_wait3A_235 : memref<10000x128xf32, #tpu.memory_space<vmem_shared>>)
      } else {
      }
      %get3A_135 = arith.constant 0 : index
      %get3A_136 = tpu.vector_load %arg11[%get3A_135] {strides = array<i32>} : memref<40xi32, #tpu.memory_space<vmem>>, vector<16xi32>,
      %get3A_137 = vector.shape_cast %get3A_136 : vector<16xi32> to vector<16xi32>
      %swap3A_138 = arith.constant 0 : index
      %swap3A_139 = tpu.vector_load %arg17[%swap3A_138] {strides = array<i32>} : memref<40xi32, #tpu.memory_space<vmem>>, vector<16xi32>,
      %swap3A_140 = vector.shape_cast %swap3A_139 : vector<16xi32> to vector<16xi32>
      %swap3A_141 = vector.shape_cast %get3A_137 : vector<16xi32> to vector<16xi32>
      tpu.vector_store %arg17[%swap3A_138], %swap3A_141 {strides = array<i32>} : memref<40xi32, #tpu.memory_space<vmem>>, vector<16xi32>,
      %get3A_142 = arith.constant 16 : index
      %get3A_143 = tpu.vector_load %arg11[%get3A_142] {strides = array<i32>} : memref<40xi32, #tpu.memory_space<vmem>>, vector<16xi32>,
      %get3A_144 = vector.shape_cast %get3A_143 : vector<16xi32> to vector<16xi32>
      %swap3A_145 = arith.constant 16 : index
      %swap3A_146 = tpu.vector_load %arg17[%swap3A_145] {strides = array<i32>} : memref<40xi32, #tpu.memory_space<vmem>>, vector<16xi32>,
      %swap3A_147 = vector.shape_cast %swap3A_146 : vector<16xi32> to vector<16xi32>
      %swap3A_148 = vector.shape_cast %get3A_144 : vector<16xi32> to vector<16xi32>
      tpu.vector_store %arg17[%swap3A_145], %swap3A_148 {strides = array<i32>} : memref<40xi32, #tpu.memory_space<vmem>>, vector<16xi32>,
      %get3A_149 = arith.constant 24 : index
      %get3A_150 = tpu.vector_load %arg11[%get3A_149] {strides = array<i32>} : memref<40xi32, #tpu.memory_space<vmem>>, vector<16xi32>,
      %get3A_151 = vector.shape_cast %get3A_150 : vector<16xi32> to vector<16xi32>
      %swap3A_152 = arith.constant 24 : index
      %swap3A_153 = tpu.vector_load %arg17[%swap3A_152] {strides = array<i32>} : memref<40xi32, #tpu.memory_space<vmem>>, vector<16xi32>,
      %swap3A_154 = vector.shape_cast %swap3A_153 : vector<16xi32> to vector<16xi32>
      %swap3A_155 = vector.shape_cast %get3A_151 : vector<16xi32> to vector<16xi32>
      tpu.vector_store %arg17[%swap3A_152], %swap3A_155 {strides = array<i32>} : memref<40xi32, #tpu.memory_space<vmem>>, vector<16xi32>,
      %scan3A_156 = arith.constant 0 : i32
      %scan3A_157 = arith.constant 40 : i32
      %scan3A_158 = arith.addi %scan3A_156, %scan3A_157 : i32
      %scan3A_159 = arith.constant 1 : i32
      scf.for %scan3A_233 = %scan3A_156 to %scan3A_158 step %scan3A_159  : i32 {
        %mul3A_234 = arith.constant 1 : i32
        %mul3A_235 = arith.muli %scan3A_233, %mul3A_234 : i32
        %add3A_236 = arith.constant 0 : i32
        %add3A_237 = arith.addi %add3A_236, %mul3A_235 : i32
        %get3A_238 = arith.index_cast %add3A_237 : i32 to index
        %get3A_239 = arith.constant 0 : index
        %get3A_240 = tpu.vector_load %arg19[%get3A_238, %get3A_239] {strides = array<i32>} : memref<40x128xf32, #tpu.memory_space<vmem>>, vector<1x16xf32>,
        %get3A_241 = vector.shape_cast %get3A_240 : vector<1x16xf32> to vector<16xf32>
        %get3A_242 = arith.index_cast %add3A_237 : i32 to index
        %get3A_243 = arith.constant 0 : index
        %get3A_244 = tpu.vector_load %arg21[%get3A_242, %get3A_243] {strides = array<i32>} : memref<40x128xf32, #tpu.memory_space<vmem>>, vector<1x16xf32>,
        %get3A_245 = vector.shape_cast %get3A_244 : vector<1x16xf32> to vector<16xf32>
        %add3A_246 = arith.addf %get3A_241, %get3A_245 : vector<16xf32>
        %get3A_247 = arith.index_cast %add3A_237 : i32 to index
        %get3A_248 = arith.constant 0 : index
        %get3A_249 = tpu.vector_load %arg23[%get3A_247, %get3A_248] {strides = array<i32>} : memref<40x128xf32, #tpu.memory_space<vmem>>, vector<1x16xf32>,
        %get3A_250 = vector.shape_cast %get3A_249 : vector<1x16xf32> to vector<16xf32>
        %add3A_251 = arith.addf %add3A_246, %get3A_250 : vector<16xf32>
        %max3A = arith.constant 0.000000e+00 : f32
        %max3A_252 = vector.broadcast %max3A : f32 to vector<16xf32>
        %max3A_253 = arith.maximumf %add3A_251, %max3A_252 : vector<16xf32>
        %swap3A_254 = arith.index_cast %add3A_237 : i32 to index
        %swap3A_255 = arith.constant 0 : index
        %swap3A_256 = tpu.vector_load %arg25[%swap3A_254, %swap3A_255] {strides = array<i32>} : memref<40x128xf32, #tpu.memory_space<vmem>>, vector<1x16xf32>,
        %swap3A_257 = vector.shape_cast %swap3A_256 : vector<1x16xf32> to vector<16xf32>
        %swap3A_258 = vector.shape_cast %max3A_253 : vector<16xf32> to vector<1x16xf32>
        tpu.vector_store %arg25[%swap3A_254, %swap3A_255], %swap3A_258 {strides = array<i32>} : memref<40x128xf32, #tpu.memory_space<vmem>>, vector<1x16xf32>,
        %get3A_259 = arith.index_cast %add3A_237 : i32 to index
        %get3A_260 = arith.constant 16 : index
        %get3A_261 = tpu.vector_load %arg19[%get3A_259, %get3A_260] {strides = array<i32>} : memref<40x128xf32, #tpu.memory_space<vmem>>, vector<1x16xf32>,
        %get3A_262 = vector.shape_cast %get3A_261 : vector<1x16xf32> to vector<16xf32>
        %get3A_263 = arith.index_cast %add3A_237 : i32 to index
        %get3A_264 = arith.constant 16 : index
        %get3A_265 = tpu.vector_load %arg21[%get3A_263, %get3A_264] {strides = array<i32>} : memref<40x128xf32, #tpu.memory_space<vmem>>, vector<1x16xf32>,
        %get3A_266 = vector.shape_cast %get3A_265 : vector<1x16xf32> to vector<16xf32>
        %add3A_267 = arith.addf %get3A_262, %get3A_266 : vector<16xf32>
        %get3A_268 = arith.index_cast %add3A_237 : i32 to index
        %get3A_269 = arith.constant 16 : index
        %get3A_270 = tpu.vector_load %arg23[%get3A_268, %get3A_269] {strides = array<i32>} : memref<40x128xf32, #tpu.memory_space<vmem>>, vector<1x16xf32>,
        %get3A_271 = vector.shape_cast %get3A_270 : vector<1x16xf32> to vector<16xf32>
        %add3A_272 = arith.addf %add3A_267, %get3A_271 : vector<16xf32>
        %max3A_273 = arith.constant 0.000000e+00 : f32
        %max3A_274 = vector.broadcast %max3A_273 : f32 to vector<16xf32>
        %max3A_275 = arith.maximumf %add3A_272, %max3A_274 : vector<16xf32>
        %swap3A_276 = arith.index_cast %add3A_237 : i32 to index
        %swap3A_277 = arith.constant 16 : index
        %swap3A_278 = tpu.vector_load %arg25[%swap3A_276, %swap3A_277] {strides = array<i32>} : memref<40x128xf32, #tpu.memory_space<vmem>>, vector<1x16xf32>,
        %swap3A_279 = vector.shape_cast %swap3A_278 : vector<1x16xf32> to vector<16xf32>
        %swap3A_280 = vector.shape_cast %max3A_275 : vector<16xf32> to vector<1x16xf32>
        tpu.vector_store %arg25[%swap3A_276, %swap3A_277], %swap3A_280 {strides = array<i32>} : memref<40x128xf32, #tpu.memory_space<vmem>>, vector<1x16xf32>,
        %get3A_281 = arith.index_cast %add3A_237 : i32 to index
        %get3A_282 = arith.constant 32 : index
        %get3A_283 = tpu.vector_load %arg19[%get3A_281, %get3A_282] {strides = array<i32>} : memref<40x128xf32, #tpu.memory_space<vmem>>, vector<1x16xf32>,
        %get3A_284 = vector.shape_cast %get3A_283 : vector<1x16xf32> to vector<16xf32>
        %get3A_285 = arith.index_cast %add3A_237 : i32 to index
        %get3A_286 = arith.constant 32 : index
        %get3A_287 = tpu.vector_load %arg21[%get3A_285, %get3A_286] {strides = array<i32>} : memref<40x128xf32, #tpu.memory_space<vmem>>, vector<1x16xf32>,
        %get3A_288 = vector.shape_cast %get3A_287 : vector<1x16xf32> to vector<16xf32>
        %add3A_289 = arith.addf %get3A_284, %get3A_288 : vector<16xf32>
        %get3A_290 = arith.index_cast %add3A_237 : i32 to index
        %get3A_291 = arith.constant 32 : index
        %get3A_292 = tpu.vector_load %arg23[%get3A_290, %get3A_291] {strides = array<i32>} : memref<40x128xf32, #tpu.memory_space<vmem>>, vector<1x16xf32>,
        %get3A_293 = vector.shape_cast %get3A_292 : vector<1x16xf32> to vector<16xf32>
        %add3A_294 = arith.addf %add3A_289, %get3A_293 : vector<16xf32>
        %max3A_295 = arith.constant 0.000000e+00 : f32
        %max3A_296 = vector.broadcast %max3A_295 : f32 to vector<16xf32>
        %max3A_297 = arith.maximumf %add3A_294, %max3A_296 : vector<16xf32>
        %swap3A_298 = arith.index_cast %add3A_237 : i32 to index
        %swap3A_299 = arith.constant 32 : index
        %swap3A_300 = tpu.vector_load %arg25[%swap3A_298, %swap3A_299] {strides = array<i32>} : memref<40x128xf32, #tpu.memory_space<vmem>>, vector<1x16xf32>,
        %swap3A_301 = vector.shape_cast %swap3A_300 : vector<1x16xf32> to vector<16xf32>
        %swap3A_302 = vector.shape_cast %max3A_297 : vector<16xf32> to vector<1x16xf32>
        tpu.vector_store %arg25[%swap3A_298, %swap3A_299], %swap3A_302 {strides = array<i32>} : memref<40x128xf32, #tpu.memory_space<vmem>>, vector<1x16xf32>,
        %get3A_303 = arith.index_cast %add3A_237 : i32 to index
        %get3A_304 = arith.constant 48 : index
        %get3A_305 = tpu.vector_load %arg19[%get3A_303, %get3A_304] {strides = array<i32>} : memref<40x128xf32, #tpu.memory_space<vmem>>, vector<1x16xf32>,
        %get3A_306 = vector.shape_cast %get3A_305 : vector<1x16xf32> to vector<16xf32>
        %get3A_307 = arith.index_cast %add3A_237 : i32 to index
        %get3A_308 = arith.constant 48 : index
        %get3A_309 = tpu.vector_load %arg21[%get3A_307, %get3A_308] {strides = array<i32>} : memref<40x128xf32, #tpu.memory_space<vmem>>, vector<1x16xf32>,
        %get3A_310 = vector.shape_cast %get3A_309 : vector<1x16xf32> to vector<16xf32>
        %add3A_311 = arith.addf %get3A_306, %get3A_310 : vector<16xf32>
        %get3A_312 = arith.index_cast %add3A_237 : i32 to index
        %get3A_313 = arith.constant 48 : index
        %get3A_314 = tpu.vector_load %arg23[%get3A_312, %get3A_313] {strides = array<i32>} : memref<40x128xf32, #tpu.memory_space<vmem>>, vector<1x16xf32>,
        %get3A_315 = vector.shape_cast %get3A_314 : vector<1x16xf32> to vector<16xf32>
        %add3A_316 = arith.addf %add3A_311, %get3A_315 : vector<16xf32>
        %max3A_317 = arith.constant 0.000000e+00 : f32
        %max3A_318 = vector.broadcast %max3A_317 : f32 to vector<16xf32>
        %max3A_319 = arith.maximumf %add3A_316, %max3A_318 : vector<16xf32>
        %swap3A_320 = arith.index_cast %add3A_237 : i32 to index
        %swap3A_321 = arith.constant 48 : index
        %swap3A_322 = tpu.vector_load %arg25[%swap3A_320, %swap3A_321] {strides = array<i32>} : memref<40x128xf32, #tpu.memory_space<vmem>>, vector<1x16xf32>,
        %swap3A_323 = vector.shape_cast %swap3A_322 : vector<1x16xf32> to vector<16xf32>
        %swap3A_324 = vector.shape_cast %max3A_319 : vector<16xf32> to vector<1x16xf32>
        tpu.vector_store %arg25[%swap3A_320, %swap3A_321], %swap3A_324 {strides = array<i32>} : memref<40x128xf32, #tpu.memory_space<vmem>>, vector<1x16xf32>,
        %get3A_325 = arith.index_cast %add3A_237 : i32 to index
        %get3A_326 = arith.constant 64 : index
        %get3A_327 = tpu.vector_load %arg19[%get3A_325, %get3A_326] {strides = array<i32>} : memref<40x128xf32, #tpu.memory_space<vmem>>, vector<1x16xf32>,
        %get3A_328 = vector.shape_cast %get3A_327 : vector<1x16xf32> to vector<16xf32>
        %get3A_329 = arith.index_cast %add3A_237 : i32 to index
        %get3A_330 = arith.constant 64 : index
        %get3A_331 = tpu.vector_load %arg21[%get3A_329, %get3A_330] {strides = array<i32>} : memref<40x128xf32, #tpu.memory_space<vmem>>, vector<1x16xf32>,
        %get3A_332 = vector.shape_cast %get3A_331 : vector<1x16xf32> to vector<16xf32>
        %add3A_333 = arith.addf %get3A_328, %get3A_332 : vector<16xf32>
        %get3A_334 = arith.index_cast %add3A_237 : i32 to index
        %get3A_335 = arith.constant 64 : index
        %get3A_336 = tpu.vector_load %arg23[%get3A_334, %get3A_335] {strides = array<i32>} : memref<40x128xf32, #tpu.memory_space<vmem>>, vector<1x16xf32>,
        %get3A_337 = vector.shape_cast %get3A_336 : vector<1x16xf32> to vector<16xf32>
        %add3A_338 = arith.addf %add3A_333, %get3A_337 : vector<16xf32>
        %max3A_339 = arith.constant 0.000000e+00 : f32
        %max3A_340 = vector.broadcast %max3A_339 : f32 to vector<16xf32>
        %max3A_341 = arith.maximumf %add3A_338, %max3A_340 : vector<16xf32>
        %swap3A_342 = arith.index_cast %add3A_237 : i32 to index
        %swap3A_343 = arith.constant 64 : index
        %swap3A_344 = tpu.vector_load %arg25[%swap3A_342, %swap3A_343] {strides = array<i32>} : memref<40x128xf32, #tpu.memory_space<vmem>>, vector<1x16xf32>,
        %swap3A_345 = vector.shape_cast %swap3A_344 : vector<1x16xf32> to vector<16xf32>
        %swap3A_346 = vector.shape_cast %max3A_341 : vector<16xf32> to vector<1x16xf32>
        tpu.vector_store %arg25[%swap3A_342, %swap3A_343], %swap3A_346 {strides = array<i32>} : memref<40x128xf32, #tpu.memory_space<vmem>>, vector<1x16xf32>,
        %get3A_347 = arith.index_cast %add3A_237 : i32 to index
        %get3A_348 = arith.constant 80 : index
        %get3A_349 = tpu.vector_load %arg19[%get3A_347, %get3A_348] {strides = array<i32>} : memref<40x128xf32, #tpu.memory_space<vmem>>, vector<1x16xf32>,
        %get3A_350 = vector.shape_cast %get3A_349 : vector<1x16xf32> to vector<16xf32>
        %get3A_351 = arith.index_cast %add3A_237 : i32 to index
        %get3A_352 = arith.constant 80 : index
        %get3A_353 = tpu.vector_load %arg21[%get3A_351, %get3A_352] {strides = array<i32>} : memref<40x128xf32, #tpu.memory_space<vmem>>, vector<1x16xf32>,
        %get3A_354 = vector.shape_cast %get3A_353 : vector<1x16xf32> to vector<16xf32>
        %add3A_355 = arith.addf %get3A_350, %get3A_354 : vector<16xf32>
        %get3A_356 = arith.index_cast %add3A_237 : i32 to index
        %get3A_357 = arith.constant 80 : index
        %get3A_358 = tpu.vector_load %arg23[%get3A_356, %get3A_357] {strides = array<i32>} : memref<40x128xf32, #tpu.memory_space<vmem>>, vector<1x16xf32>,
        %get3A_359 = vector.shape_cast %get3A_358 : vector<1x16xf32> to vector<16xf32>
        %add3A_360 = arith.addf %add3A_355, %get3A_359 : vector<16xf32>
        %max3A_361 = arith.constant 0.000000e+00 : f32
        %max3A_362 = vector.broadcast %max3A_361 : f32 to vector<16xf32>
        %max3A_363 = arith.maximumf %add3A_360, %max3A_362 : vector<16xf32>
        %swap3A_364 = arith.index_cast %add3A_237 : i32 to index
        %swap3A_365 = arith.constant 80 : index
        %swap3A_366 = tpu.vector_load %arg25[%swap3A_364, %swap3A_365] {strides = array<i32>} : memref<40x128xf32, #tpu.memory_space<vmem>>, vector<1x16xf32>,
        %swap3A_367 = vector.shape_cast %swap3A_366 : vector<1x16xf32> to vector<16xf32>
        %swap3A_368 = vector.shape_cast %max3A_363 : vector<16xf32> to vector<1x16xf32>
        tpu.vector_store %arg25[%swap3A_364, %swap3A_365], %swap3A_368 {strides = array<i32>} : memref<40x128xf32, #tpu.memory_space<vmem>>, vector<1x16xf32>,
        %get3A_369 = arith.index_cast %add3A_237 : i32 to index
        %get3A_370 = arith.constant 96 : index
        %get3A_371 = tpu.vector_load %arg19[%get3A_369, %get3A_370] {strides = array<i32>} : memref<40x128xf32, #tpu.memory_space<vmem>>, vector<1x16xf32>,
        %get3A_372 = vector.shape_cast %get3A_371 : vector<1x16xf32> to vector<16xf32>
        %get3A_373 = arith.index_cast %add3A_237 : i32 to index
        %get3A_374 = arith.constant 96 : index
        %get3A_375 = tpu.vector_load %arg21[%get3A_373, %get3A_374] {strides = array<i32>} : memref<40x128xf32, #tpu.memory_space<vmem>>, vector<1x16xf32>,
        %get3A_376 = vector.shape_cast %get3A_375 : vector<1x16xf32> to vector<16xf32>
        %add3A_377 = arith.addf %get3A_372, %get3A_376 : vector<16xf32>
        %get3A_378 = arith.index_cast %add3A_237 : i32 to index
        %get3A_379 = arith.constant 96 : index
        %get3A_380 = tpu.vector_load %arg23[%get3A_378, %get3A_379] {strides = array<i32>} : memref<40x128xf32, #tpu.memory_space<vmem>>, vector<1x16xf32>,
        %get3A_381 = vector.shape_cast %get3A_380 : vector<1x16xf32> to vector<16xf32>
        %add3A_382 = arith.addf %add3A_377, %get3A_381 : vector<16xf32>
        %max3A_383 = arith.constant 0.000000e+00 : f32
        %max3A_384 = vector.broadcast %max3A_383 : f32 to vector<16xf32>
        %max3A_385 = arith.maximumf %add3A_382, %max3A_384 : vector<16xf32>
        %swap3A_386 = arith.index_cast %add3A_237 : i32 to index
        %swap3A_387 = arith.constant 96 : index
        %swap3A_388 = tpu.vector_load %arg25[%swap3A_386, %swap3A_387] {strides = array<i32>} : memref<40x128xf32, #tpu.memory_space<vmem>>, vector<1x16xf32>,
        %swap3A_389 = vector.shape_cast %swap3A_388 : vector<1x16xf32> to vector<16xf32>
        %swap3A_390 = vector.shape_cast %max3A_385 : vector<16xf32> to vector<1x16xf32>
        tpu.vector_store %arg25[%swap3A_386, %swap3A_387], %swap3A_390 {strides = array<i32>} : memref<40x128xf32, #tpu.memory_space<vmem>>, vector<1x16xf32>,
        %get3A_391 = arith.index_cast %add3A_237 : i32 to index
        %get3A_392 = arith.constant 112 : index
        %get3A_393 = tpu.vector_load %arg19[%get3A_391, %get3A_392] {strides = array<i32>} : memref<40x128xf32, #tpu.memory_space<vmem>>, vector<1x16xf32>,
        %get3A_394 = vector.shape_cast %get3A_393 : vector<1x16xf32> to vector<16xf32>
        %get3A_395 = arith.index_cast %add3A_237 : i32 to index
        %get3A_396 = arith.constant 112 : index
        %get3A_397 = tpu.vector_load %arg21[%get3A_395, %get3A_396] {strides = array<i32>} : memref<40x128xf32, #tpu.memory_space<vmem>>, vector<1x16xf32>,
        %get3A_398 = vector.shape_cast %get3A_397 : vector<1x16xf32> to vector<16xf32>
        %add3A_399 = arith.addf %get3A_394, %get3A_398 : vector<16xf32>
        %get3A_400 = arith.index_cast %add3A_237 : i32 to index
        %get3A_401 = arith.constant 112 : index
        %get3A_402 = tpu.vector_load %arg23[%get3A_400, %get3A_401] {strides = array<i32>} : memref<40x128xf32, #tpu.memory_space<vmem>>, vector<1x16xf32>,
        %get3A_403 = vector.shape_cast %get3A_402 : vector<1x16xf32> to vector<16xf32>
        %add3A_404 = arith.addf %add3A_399, %get3A_403 : vector<16xf32>
        %max3A_405 = arith.constant 0.000000e+00 : f32
        %max3A_406 = vector.broadcast %max3A_405 : f32 to vector<16xf32>
        %max3A_407 = arith.maximumf %add3A_404, %max3A_406 : vector<16xf32>
        %swap3A_408 = arith.index_cast %add3A_237 : i32 to index
        %swap3A_409 = arith.constant 112 : index
        %swap3A_410 = tpu.vector_load %arg25[%swap3A_408, %swap3A_409] {strides = array<i32>} : memref<40x128xf32, #tpu.memory_space<vmem>>, vector<1x16xf32>,
        %swap3A_411 = vector.shape_cast %swap3A_410 : vector<1x16xf32> to vector<16xf32>
        %swap3A_412 = vector.shape_cast %max3A_407 : vector<16xf32> to vector<1x16xf32>
        tpu.vector_store %arg25[%swap3A_408, %swap3A_409], %swap3A_412 {strides = array<i32>} : memref<40x128xf32, #tpu.memory_space<vmem>>, vector<1x16xf32>,
      }
      %scan3A_160 = arith.constant 40 : i32
      %add3A_161 = arith.constant 2 : i32
      %add3A_162 = arith.addi %add3A_112, %add3A_161 : i32
      %lt3A_163 = arith.constant 500 : i32
      %lt3A_164 = arith.cmpi slt, %add3A_162, %lt3A_163 : i32
      %convert_element_type3A_165 = arith.extui %lt3A_164 : i1 to i32
      %cond3A_166 = arith.constant 0 : i32
      %cond3A_167 = arith.cmpi ne, %convert_element_type3A_165, %cond3A_166 : i32
      scf.if %cond3A_167 {
        %add3A_233 = arith.constant 2 : i32
        %add3A_234 = arith.addi %add3A_112, %add3A_233 : i32
        %mul3A_235 = arith.constant 40 : i32
        %mul3A_236 = arith.muli %add3A_234, %mul3A_235 : i32
        %add3A_237 = arith.addi %mul3A_4, %mul3A_236 : i32
        %dma_start3A_238 = tpu.memref_slice %arg5[%add3A_237] : memref<320000xi32, #tpu.memory_space<hbm>> -> memref<40xi32, #tpu.memory_space<hbm>>
        %dma_start3A_239 = tpu.memref_slice %arg5[%add3A_237] : memref<320000xi32, #tpu.memory_space<hbm>> -> memref<40xi32, #tpu.memory_space<hbm>>
        tpu.enqueue_dma source(%dma_start3A_239 : memref<40xi32, #tpu.memory_space<hbm>>) target(%arg9 : memref<40xi32, #tpu.memory_space<vmem>>) target_semaphore(%arg36 : memref<!tpu.dma_semaphore, #tpu.memory_space<semaphore_mem>>)
        %dma_start3A_240 = tpu.memref_slice %arg6[%add3A_237] : memref<320000xi32, #tpu.memory_space<hbm>> -> memref<40xi32, #tpu.memory_space<hbm>>
        %dma_start3A_241 = tpu.memref_slice %arg6[%add3A_237] : memref<320000xi32, #tpu.memory_space<hbm>> -> memref<40xi32, #tpu.memory_space<hbm>>
        tpu.enqueue_dma source(%dma_start3A_241 : memref<40xi32, #tpu.memory_space<hbm>>) target(%arg11 : memref<40xi32, #tpu.memory_space<vmem>>) target_semaphore(%arg38 : memref<!tpu.dma_semaphore, #tpu.memory_space<semaphore_mem>>)
      } else {
      }
      %dma_start3A_168 = arith.constant 0 : i32
      %dma_start3A_169 = arith.constant 0 : i32
      %dma_start3A_170 = tpu.memref_slice %arg27[%dma_start3A_168, %dma_start3A_169] : memref<10000x128xf32, #tpu.memory_space<vmem_shared>> -> memref<10000x128xf32, #tpu.memory_space<vmem_shared>>
      tpu.enqueue_indirect_dma source(%arg25 : memref<40x128xf32, #tpu.memory_space<vmem>>) target(%dma_start3A_170 : memref<10000x128xf32, #tpu.memory_space<vmem_shared>>) offsets(%arg17 : memref<40xi32, #tpu.memory_space<vmem>>) semaphore(%arg34 : memref<!tpu.dma_semaphore, #tpu.memory_space<semaphore_mem>>) {add = true}
      %add3A_171 = arith.constant 1 : i32
      %add3A_172 = arith.addi %add3A_110, %add3A_171 : i32
      %dma_wait3A_173 = arith.constant 0 : i32
      %dma_wait3A_174 = arith.constant 0 : i32
      %dma_wait3A_175 = tpu.memref_slice %arg2[%dma_wait3A_173, %dma_wait3A_174] : memref<20000x128xf32, #tpu.memory_space<hbm>> -> memref<20000x128xf32, #tpu.memory_space<hbm>>
      tpu.wait_indirect_dma semaphore(%arg29 : memref<!tpu.dma_semaphore, #tpu.memory_space<semaphore_mem>>) src(%dma_wait3A_175 : memref<20000x128xf32, #tpu.memory_space<hbm>>) dst(%arg20 : memref<40x128xf32, #tpu.memory_space<vmem>>)
      %dma_wait3A_176 = arith.constant 0 : i32
      %dma_wait3A_177 = arith.constant 0 : i32
      %dma_wait3A_178 = tpu.memref_slice %arg3[%dma_wait3A_176, %dma_wait3A_177] : memref<20000x128xf32, #tpu.memory_space<hbm>> -> memref<20000x128xf32, #tpu.memory_space<hbm>>
      tpu.wait_indirect_dma semaphore(%arg31 : memref<!tpu.dma_semaphore, #tpu.memory_space<semaphore_mem>>) src(%dma_wait3A_178 : memref<20000x128xf32, #tpu.memory_space<hbm>>) dst(%arg22 : memref<40x128xf32, #tpu.memory_space<vmem>>)
      %dma_wait3A_179 = arith.constant 0 : i32
      %dma_wait3A_180 = arith.constant 0 : i32
      %dma_wait3A_181 = tpu.memref_slice %arg4[%dma_wait3A_179, %dma_wait3A_180] : memref<640000x128xf32, #tpu.memory_space<hbm>> -> memref<40x128xf32, #tpu.memory_space<hbm>>
      %dma_wait3A_182 = arith.constant 0 : i32
      %dma_wait3A_183 = arith.constant 0 : i32
      %dma_wait3A_184 = tpu.memref_slice %arg4[%dma_wait3A_182, %dma_wait3A_183] : memref<640000x128xf32, #tpu.memory_space<hbm>> -> memref<40x128xf32, #tpu.memory_space<hbm>>
      tpu.wait_dma2 semaphore(%arg33 : memref<!tpu.dma_semaphore, #tpu.memory_space<semaphore_mem>>) src(%dma_wait3A_184 : memref<40x128xf32, #tpu.memory_space<hbm>>) dst(%arg24 : memref<40x128xf32, #tpu.memory_space<vmem>>)
      %add3A_185 = arith.constant 1 : i32
      %add3A_186 = arith.addi %add3A_172, %add3A_185 : i32
      %lt3A_187 = arith.constant 500 : i32
      %lt3A_188 = arith.cmpi slt, %add3A_186, %lt3A_187 : i32
      %convert_element_type3A_189 = arith.extui %lt3A_188 : i1 to i32
      %cond3A_190 = arith.constant 0 : i32
      %cond3A_191 = arith.cmpi ne, %convert_element_type3A_189, %cond3A_190 : i32
      scf.if %cond3A_191 {
        %dma_wait3A_233 = arith.constant 0 : i32
        %dma_wait3A_234 = tpu.memref_slice %arg5[%dma_wait3A_233] : memref<320000xi32, #tpu.memory_space<hbm>> -> memref<40xi32, #tpu.memory_space<hbm>>
        %dma_wait3A_235 = arith.constant 0 : i32
        %dma_wait3A_236 = tpu.memref_slice %arg5[%dma_wait3A_235] : memref<320000xi32, #tpu.memory_space<hbm>> -> memref<40xi32, #tpu.memory_space<hbm>>
        tpu.wait_dma2 semaphore(%arg36 : memref<!tpu.dma_semaphore, #tpu.memory_space<semaphore_mem>>) src(%dma_wait3A_236 : memref<40xi32, #tpu.memory_space<hbm>>) dst(%arg9 : memref<40xi32, #tpu.memory_space<vmem>>)
        %dma_wait3A_237 = arith.constant 0 : i32
        %dma_wait3A_238 = tpu.memref_slice %arg6[%dma_wait3A_237] : memref<320000xi32, #tpu.memory_space<hbm>> -> memref<40xi32, #tpu.memory_space<hbm>>
        %dma_wait3A_239 = arith.constant 0 : i32
        %dma_wait3A_240 = tpu.memref_slice %arg6[%dma_wait3A_239] : memref<320000xi32, #tpu.memory_space<hbm>> -> memref<40xi32, #tpu.memory_space<hbm>>
        tpu.wait_dma2 semaphore(%arg38 : memref<!tpu.dma_semaphore, #tpu.memory_space<semaphore_mem>>) src(%dma_wait3A_240 : memref<40xi32, #tpu.memory_space<hbm>>) dst(%arg11 : memref<40xi32, #tpu.memory_space<vmem>>)
        %add3A_241 = arith.constant 1 : i32
        %add3A_242 = arith.addi %add3A_172, %add3A_241 : i32
        %get3A_243 = arith.constant 0 : index
        %get3A_244 = tpu.vector_load %arg11[%get3A_243] {strides = array<i32>} : memref<40xi32, #tpu.memory_space<vmem>>, vector<16xi32>,
        %get3A_245 = vector.shape_cast %get3A_244 : vector<16xi32> to vector<16xi32>
        %mul3A_246 = arith.constant 10000 : i32
        %mul3A_247 = arith.muli %arg0, %mul3A_246 : i32
        %add3A_248 = vector.broadcast %mul3A_247 : i32 to vector<16xi32>
        %add3A_249 = arith.addi %get3A_245, %add3A_248 : vector<16xi32>
        %swap3A_250 = arith.constant 0 : index
        %swap3A_251 = tpu.vector_load %arg13[%swap3A_250] {strides = array<i32>} : memref<40xi32, #tpu.memory_space<vmem>>, vector<16xi32>,
        %swap3A_252 = vector.shape_cast %swap3A_251 : vector<16xi32> to vector<16xi32>
        %swap3A_253 = vector.shape_cast %add3A_249 : vector<16xi32> to vector<16xi32>
        tpu.vector_store %arg13[%swap3A_250], %swap3A_253 {strides = array<i32>} : memref<40xi32, #tpu.memory_space<vmem>>, vector<16xi32>,
        %get3A_254 = arith.constant 0 : index
        %get3A_255 = tpu.vector_load %arg9[%get3A_254] {strides = array<i32>} : memref<40xi32, #tpu.memory_space<vmem>>, vector<16xi32>,
        %get3A_256 = vector.shape_cast %get3A_255 : vector<16xi32> to vector<16xi32>
        %mul3A_257 = arith.constant 10000 : i32
        %mul3A_258 = arith.muli %arg0, %mul3A_257 : i32
        %add3A_259 = vector.broadcast %mul3A_258 : i32 to vector<16xi32>
        %add3A_260 = arith.addi %get3A_256, %add3A_259 : vector<16xi32>
        %swap3A_261 = arith.constant 0 : index
        %swap3A_262 = tpu.vector_load %arg15[%swap3A_261] {strides = array<i32>} : memref<40xi32, #tpu.memory_space<vmem>>, vector<16xi32>,
        %swap3A_263 = vector.shape_cast %swap3A_262 : vector<16xi32> to vector<16xi32>
        %swap3A_264 = vector.shape_cast %add3A_260 : vector<16xi32> to vector<16xi32>
        tpu.vector_store %arg15[%swap3A_261], %swap3A_264 {strides = array<i32>} : memref<40xi32, #tpu.memory_space<vmem>>, vector<16xi32>,
        %get3A_265 = arith.constant 16 : index
        %get3A_266 = tpu.vector_load %arg11[%get3A_265] {strides = array<i32>} : memref<40xi32, #tpu.memory_space<vmem>>, vector<16xi32>,
        %get3A_267 = vector.shape_cast %get3A_266 : vector<16xi32> to vector<16xi32>
        %mul3A_268 = arith.constant 10000 : i32
        %mul3A_269 = arith.muli %arg0, %mul3A_268 : i32
        %add3A_270 = vector.broadcast %mul3A_269 : i32 to vector<16xi32>
        %add3A_271 = arith.addi %get3A_267, %add3A_270 : vector<16xi32>
        %swap3A_272 = arith.constant 16 : index
        %swap3A_273 = tpu.vector_load %arg13[%swap3A_272] {strides = array<i32>} : memref<40xi32, #tpu.memory_space<vmem>>, vector<16xi32>,
        %swap3A_274 = vector.shape_cast %swap3A_273 : vector<16xi32> to vector<16xi32>
        %swap3A_275 = vector.shape_cast %add3A_271 : vector<16xi32> to vector<16xi32>
        tpu.vector_store %arg13[%swap3A_272], %swap3A_275 {strides = array<i32>} : memref<40xi32, #tpu.memory_space<vmem>>, vector<16xi32>,
        %get3A_276 = arith.constant 16 : index
        %get3A_277 = tpu.vector_load %arg9[%get3A_276] {strides = array<i32>} : memref<40xi32, #tpu.memory_space<vmem>>, vector<16xi32>,
        %get3A_278 = vector.shape_cast %get3A_277 : vector<16xi32> to vector<16xi32>
        %mul3A_279 = arith.constant 10000 : i32
        %mul3A_280 = arith.muli %arg0, %mul3A_279 : i32
        %add3A_281 = vector.broadcast %mul3A_280 : i32 to vector<16xi32>
        %add3A_282 = arith.addi %get3A_278, %add3A_281 : vector<16xi32>
        %swap3A_283 = arith.constant 16 : index
        %swap3A_284 = tpu.vector_load %arg15[%swap3A_283] {strides = array<i32>} : memref<40xi32, #tpu.memory_space<vmem>>, vector<16xi32>,
        %swap3A_285 = vector.shape_cast %swap3A_284 : vector<16xi32> to vector<16xi32>
        %swap3A_286 = vector.shape_cast %add3A_282 : vector<16xi32> to vector<16xi32>
        tpu.vector_store %arg15[%swap3A_283], %swap3A_286 {strides = array<i32>} : memref<40xi32, #tpu.memory_space<vmem>>, vector<16xi32>,
        %get3A_287 = arith.constant 24 : index
        %get3A_288 = tpu.vector_load %arg11[%get3A_287] {strides = array<i32>} : memref<40xi32, #tpu.memory_space<vmem>>, vector<16xi32>,
        %get3A_289 = vector.shape_cast %get3A_288 : vector<16xi32> to vector<16xi32>
        %mul3A_290 = arith.constant 10000 : i32
        %mul3A_291 = arith.muli %arg0, %mul3A_290 : i32
        %add3A_292 = vector.broadcast %mul3A_291 : i32 to vector<16xi32>
        %add3A_293 = arith.addi %get3A_289, %add3A_292 : vector<16xi32>
        %swap3A_294 = arith.constant 24 : index
        %swap3A_295 = tpu.vector_load %arg13[%swap3A_294] {strides = array<i32>} : memref<40xi32, #tpu.memory_space<vmem>>, vector<16xi32>,
        %swap3A_296 = vector.shape_cast %swap3A_295 : vector<16xi32> to vector<16xi32>
        %swap3A_297 = vector.shape_cast %add3A_293 : vector<16xi32> to vector<16xi32>
        tpu.vector_store %arg13[%swap3A_294], %swap3A_297 {strides = array<i32>} : memref<40xi32, #tpu.memory_space<vmem>>, vector<16xi32>,
        %get3A_298 = arith.constant 24 : index
        %get3A_299 = tpu.vector_load %arg9[%get3A_298] {strides = array<i32>} : memref<40xi32, #tpu.memory_space<vmem>>, vector<16xi32>,
        %get3A_300 = vector.shape_cast %get3A_299 : vector<16xi32> to vector<16xi32>
        %mul3A_301 = arith.constant 10000 : i32
        %mul3A_302 = arith.muli %arg0, %mul3A_301 : i32
        %add3A_303 = vector.broadcast %mul3A_302 : i32 to vector<16xi32>
        %add3A_304 = arith.addi %get3A_300, %add3A_303 : vector<16xi32>
        %swap3A_305 = arith.constant 24 : index
        %swap3A_306 = tpu.vector_load %arg15[%swap3A_305] {strides = array<i32>} : memref<40xi32, #tpu.memory_space<vmem>>, vector<16xi32>,
        %swap3A_307 = vector.shape_cast %swap3A_306 : vector<16xi32> to vector<16xi32>
        %swap3A_308 = vector.shape_cast %add3A_304 : vector<16xi32> to vector<16xi32>
        tpu.vector_store %arg15[%swap3A_305], %swap3A_308 {strides = array<i32>} : memref<40xi32, #tpu.memory_space<vmem>>, vector<16xi32>,
        %mul3A_309 = arith.constant 320000 : i32
        %mul3A_310 = arith.muli %arg0, %mul3A_309 : i32
        %add3A_311 = arith.addi %mul3A_310, %mul3A_4 : i32
        %mul3A_312 = arith.constant 40 : i32
        %mul3A_313 = arith.muli %add3A_242, %mul3A_312 : i32
        %add3A_314 = arith.addi %add3A_311, %mul3A_313 : i32
        %dma_start3A_315 = arith.constant 0 : i32
        %dma_start3A_316 = arith.constant 0 : i32
        %dma_start3A_317 = tpu.memref_slice %arg2[%dma_start3A_315, %dma_start3A_316] : memref<20000x128xf32, #tpu.memory_space<hbm>> -> memref<20000x128xf32, #tpu.memory_space<hbm>>
        tpu.enqueue_indirect_dma source(%dma_start3A_317 : memref<20000x128xf32, #tpu.memory_space<hbm>>) target(%arg19 : memref<40x128xf32, #tpu.memory_space<vmem>>) offsets(%arg13 : memref<40xi32, #tpu.memory_space<vmem>>) semaphore(%arg28 : memref<!tpu.dma_semaphore, #tpu.memory_space<semaphore_mem>>)
        %dma_start3A_318 = arith.constant 0 : i32
        %dma_start3A_319 = arith.constant 0 : i32
        %dma_start3A_320 = tpu.memref_slice %arg3[%dma_start3A_318, %dma_start3A_319] : memref<20000x128xf32, #tpu.memory_space<hbm>> -> memref<20000x128xf32, #tpu.memory_space<hbm>>
        tpu.enqueue_indirect_dma source(%dma_start3A_320 : memref<20000x128xf32, #tpu.memory_space<hbm>>) target(%arg21 : memref<40x128xf32, #tpu.memory_space<vmem>>) offsets(%arg15 : memref<40xi32, #tpu.memory_space<vmem>>) semaphore(%arg30 : memref<!tpu.dma_semaphore, #tpu.memory_space<semaphore_mem>>)
        %dma_start3A_321 = arith.constant 0 : i32
        %dma_start3A_322 = tpu.memref_slice %arg4[%add3A_314, %dma_start3A_321] : memref<640000x128xf32, #tpu.memory_space<hbm>> -> memref<40x128xf32, #tpu.memory_space<hbm>>
        %dma_start3A_323 = arith.constant 0 : i32
        %dma_start3A_324 = tpu.memref_slice %arg4[%add3A_314, %dma_start3A_323] : memref<640000x128xf32, #tpu.memory_space<hbm>> -> memref<40x128xf32, #tpu.memory_space<hbm>>
        tpu.enqueue_dma source(%dma_start3A_324 : memref<40x128xf32, #tpu.memory_space<hbm>>) target(%arg23 : memref<40x128xf32, #tpu.memory_space<vmem>>) target_semaphore(%arg32 : memref<!tpu.dma_semaphore, #tpu.memory_space<semaphore_mem>>)
      } else {
      }
      %ge3A_192 = arith.constant 2 : i32
      %ge3A_193 = arith.cmpi sge, %add3A_172, %ge3A_192 : i32
      %convert_element_type3A_194 = arith.extui %ge3A_193 : i1 to i32
      %cond3A_195 = arith.constant 0 : i32
      %cond3A_196 = arith.cmpi ne, %convert_element_type3A_194, %cond3A_195 : i32
      scf.if %cond3A_196 {
        %dma_wait3A_233 = arith.constant 0 : i32
        %dma_wait3A_234 = arith.constant 0 : i32
        %dma_wait3A_235 = tpu.memref_slice %arg27[%dma_wait3A_233, %dma_wait3A_234] : memref<10000x128xf32, #tpu.memory_space<vmem_shared>> -> memref<10000x128xf32, #tpu.memory_space<vmem_shared>>
        tpu.wait_indirect_dma semaphore(%arg35 : memref<!tpu.dma_semaphore, #tpu.memory_space<semaphore_mem>>) src(%arg26 : memref<40x128xf32, #tpu.memory_space<vmem>>) dst(%dma_wait3A_235 : memref<10000x128xf32, #tpu.memory_space<vmem_shared>>)
      } else {
      }
      %get3A_197 = arith.constant 0 : index
      %get3A_198 = tpu.vector_load %arg12[%get3A_197] {strides = array<i32>} : memref<40xi32, #tpu.memory_space<vmem>>, vector<16xi32>,
      %get3A_199 = vector.shape_cast %get3A_198 : vector<16xi32> to vector<16xi32>
      %swap3A_200 = arith.constant 0 : index
      %swap3A_201 = tpu.vector_load %arg18[%swap3A_200] {strides = array<i32>} : memref<40xi32, #tpu.memory_space<vmem>>, vector<16xi32>,
      %swap3A_202 = vector.shape_cast %swap3A_201 : vector<16xi32> to vector<16xi32>
      %swap3A_203 = vector.shape_cast %get3A_199 : vector<16xi32> to vector<16xi32>
      tpu.vector_store %arg18[%swap3A_200], %swap3A_203 {strides = array<i32>} : memref<40xi32, #tpu.memory_space<vmem>>, vector<16xi32>,
      %get3A_204 = arith.constant 16 : index
      %get3A_205 = tpu.vector_load %arg12[%get3A_204] {strides = array<i32>} : memref<40xi32, #tpu.memory_space<vmem>>, vector<16xi32>,
      %get3A_206 = vector.shape_cast %get3A_205 : vector<16xi32> to vector<16xi32>
      %swap3A_207 = arith.constant 16 : index
      %swap3A_208 = tpu.vector_load %arg18[%swap3A_207] {strides = array<i32>} : memref<40xi32, #tpu.memory_space<vmem>>, vector<16xi32>,
      %swap3A_209 = vector.shape_cast %swap3A_208 : vector<16xi32> to vector<16xi32>
      %swap3A_210 = vector.shape_cast %get3A_206 : vector<16xi32> to vector<16xi32>
      tpu.vector_store %arg18[%swap3A_207], %swap3A_210 {strides = array<i32>} : memref<40xi32, #tpu.memory_space<vmem>>, vector<16xi32>,
      %get3A_211 = arith.constant 24 : index
      %get3A_212 = tpu.vector_load %arg12[%get3A_211] {strides = array<i32>} : memref<40xi32, #tpu.memory_space<vmem>>, vector<16xi32>,
      %get3A_213 = vector.shape_cast %get3A_212 : vector<16xi32> to vector<16xi32>
      %swap3A_214 = arith.constant 24 : index
      %swap3A_215 = tpu.vector_load %arg18[%swap3A_214] {strides = array<i32>} : memref<40xi32, #tpu.memory_space<vmem>>, vector<16xi32>,
      %swap3A_216 = vector.shape_cast %swap3A_215 : vector<16xi32> to vector<16xi32>
      %swap3A_217 = vector.shape_cast %get3A_213 : vector<16xi32> to vector<16xi32>
      tpu.vector_store %arg18[%swap3A_214], %swap3A_217 {strides = array<i32>} : memref<40xi32, #tpu.memory_space<vmem>>, vector<16xi32>,
      %scan3A_218 = arith.constant 0 : i32
      %scan3A_219 = arith.constant 40 : i32
      %scan3A_220 = arith.addi %scan3A_218, %scan3A_219 : i32
      %scan3A_221 = arith.constant 1 : i32
      scf.for %scan3A_233 = %scan3A_218 to %scan3A_220 step %scan3A_221  : i32 {
        %mul3A_234 = arith.constant 1 : i32
        %mul3A_235 = arith.muli %scan3A_233, %mul3A_234 : i32
        %add3A_236 = arith.constant 0 : i32
        %add3A_237 = arith.addi %add3A_236, %mul3A_235 : i32
        %get3A_238 = arith.index_cast %add3A_237 : i32 to index
        %get3A_239 = arith.constant 0 : index
        %get3A_240 = tpu.vector_load %arg20[%get3A_238, %get3A_239] {strides = array<i32>} : memref<40x128xf32, #tpu.memory_space<vmem>>, vector<1x16xf32>,
        %get3A_241 = vector.shape_cast %get3A_240 : vector<1x16xf32> to vector<16xf32>
        %get3A_242 = arith.index_cast %add3A_237 : i32 to index
        %get3A_243 = arith.constant 0 : index
        %get3A_244 = tpu.vector_load %arg22[%get3A_242, %get3A_243] {strides = array<i32>} : memref<40x128xf32, #tpu.memory_space<vmem>>, vector<1x16xf32>,
        %get3A_245 = vector.shape_cast %get3A_244 : vector<1x16xf32> to vector<16xf32>
        %add3A_246 = arith.addf %get3A_241, %get3A_245 : vector<16xf32>
        %get3A_247 = arith.index_cast %add3A_237 : i32 to index
        %get3A_248 = arith.constant 0 : index
        %get3A_249 = tpu.vector_load %arg24[%get3A_247, %get3A_248] {strides = array<i32>} : memref<40x128xf32, #tpu.memory_space<vmem>>, vector<1x16xf32>,
        %get3A_250 = vector.shape_cast %get3A_249 : vector<1x16xf32> to vector<16xf32>
        %add3A_251 = arith.addf %add3A_246, %get3A_250 : vector<16xf32>
        %max3A = arith.constant 0.000000e+00 : f32
        %max3A_252 = vector.broadcast %max3A : f32 to vector<16xf32>
        %max3A_253 = arith.maximumf %add3A_251, %max3A_252 : vector<16xf32>
        %swap3A_254 = arith.index_cast %add3A_237 : i32 to index
        %swap3A_255 = arith.constant 0 : index
        %swap3A_256 = tpu.vector_load %arg26[%swap3A_254, %swap3A_255] {strides = array<i32>} : memref<40x128xf32, #tpu.memory_space<vmem>>, vector<1x16xf32>,
        %swap3A_257 = vector.shape_cast %swap3A_256 : vector<1x16xf32> to vector<16xf32>
        %swap3A_258 = vector.shape_cast %max3A_253 : vector<16xf32> to vector<1x16xf32>
        tpu.vector_store %arg26[%swap3A_254, %swap3A_255], %swap3A_258 {strides = array<i32>} : memref<40x128xf32, #tpu.memory_space<vmem>>, vector<1x16xf32>,
        %get3A_259 = arith.index_cast %add3A_237 : i32 to index
        %get3A_260 = arith.constant 16 : index
        %get3A_261 = tpu.vector_load %arg20[%get3A_259, %get3A_260] {strides = array<i32>} : memref<40x128xf32, #tpu.memory_space<vmem>>, vector<1x16xf32>,
        %get3A_262 = vector.shape_cast %get3A_261 : vector<1x16xf32> to vector<16xf32>
        %get3A_263 = arith.index_cast %add3A_237 : i32 to index
        %get3A_264 = arith.constant 16 : index
        %get3A_265 = tpu.vector_load %arg22[%get3A_263, %get3A_264] {strides = array<i32>} : memref<40x128xf32, #tpu.memory_space<vmem>>, vector<1x16xf32>,
        %get3A_266 = vector.shape_cast %get3A_265 : vector<1x16xf32> to vector<16xf32>
        %add3A_267 = arith.addf %get3A_262, %get3A_266 : vector<16xf32>
        %get3A_268 = arith.index_cast %add3A_237 : i32 to index
        %get3A_269 = arith.constant 16 : index
        %get3A_270 = tpu.vector_load %arg24[%get3A_268, %get3A_269] {strides = array<i32>} : memref<40x128xf32, #tpu.memory_space<vmem>>, vector<1x16xf32>,
        %get3A_271 = vector.shape_cast %get3A_270 : vector<1x16xf32> to vector<16xf32>
        %add3A_272 = arith.addf %add3A_267, %get3A_271 : vector<16xf32>
        %max3A_273 = arith.constant 0.000000e+00 : f32
        %max3A_274 = vector.broadcast %max3A_273 : f32 to vector<16xf32>
        %max3A_275 = arith.maximumf %add3A_272, %max3A_274 : vector<16xf32>
        %swap3A_276 = arith.index_cast %add3A_237 : i32 to index
        %swap3A_277 = arith.constant 16 : index
        %swap3A_278 = tpu.vector_load %arg26[%swap3A_276, %swap3A_277] {strides = array<i32>} : memref<40x128xf32, #tpu.memory_space<vmem>>, vector<1x16xf32>,
        %swap3A_279 = vector.shape_cast %swap3A_278 : vector<1x16xf32> to vector<16xf32>
        %swap3A_280 = vector.shape_cast %max3A_275 : vector<16xf32> to vector<1x16xf32>
        tpu.vector_store %arg26[%swap3A_276, %swap3A_277], %swap3A_280 {strides = array<i32>} : memref<40x128xf32, #tpu.memory_space<vmem>>, vector<1x16xf32>,
        %get3A_281 = arith.index_cast %add3A_237 : i32 to index
        %get3A_282 = arith.constant 32 : index
        %get3A_283 = tpu.vector_load %arg20[%get3A_281, %get3A_282] {strides = array<i32>} : memref<40x128xf32, #tpu.memory_space<vmem>>, vector<1x16xf32>,
        %get3A_284 = vector.shape_cast %get3A_283 : vector<1x16xf32> to vector<16xf32>
        %get3A_285 = arith.index_cast %add3A_237 : i32 to index
        %get3A_286 = arith.constant 32 : index
        %get3A_287 = tpu.vector_load %arg22[%get3A_285, %get3A_286] {strides = array<i32>} : memref<40x128xf32, #tpu.memory_space<vmem>>, vector<1x16xf32>,
        %get3A_288 = vector.shape_cast %get3A_287 : vector<1x16xf32> to vector<16xf32>
        %add3A_289 = arith.addf %get3A_284, %get3A_288 : vector<16xf32>
        %get3A_290 = arith.index_cast %add3A_237 : i32 to index
        %get3A_291 = arith.constant 32 : index
        %get3A_292 = tpu.vector_load %arg24[%get3A_290, %get3A_291] {strides = array<i32>} : memref<40x128xf32, #tpu.memory_space<vmem>>, vector<1x16xf32>,
        %get3A_293 = vector.shape_cast %get3A_292 : vector<1x16xf32> to vector<16xf32>
        %add3A_294 = arith.addf %add3A_289, %get3A_293 : vector<16xf32>
        %max3A_295 = arith.constant 0.000000e+00 : f32
        %max3A_296 = vector.broadcast %max3A_295 : f32 to vector<16xf32>
        %max3A_297 = arith.maximumf %add3A_294, %max3A_296 : vector<16xf32>
        %swap3A_298 = arith.index_cast %add3A_237 : i32 to index
        %swap3A_299 = arith.constant 32 : index
        %swap3A_300 = tpu.vector_load %arg26[%swap3A_298, %swap3A_299] {strides = array<i32>} : memref<40x128xf32, #tpu.memory_space<vmem>>, vector<1x16xf32>,
        %swap3A_301 = vector.shape_cast %swap3A_300 : vector<1x16xf32> to vector<16xf32>
        %swap3A_302 = vector.shape_cast %max3A_297 : vector<16xf32> to vector<1x16xf32>
        tpu.vector_store %arg26[%swap3A_298, %swap3A_299], %swap3A_302 {strides = array<i32>} : memref<40x128xf32, #tpu.memory_space<vmem>>, vector<1x16xf32>,
        %get3A_303 = arith.index_cast %add3A_237 : i32 to index
        %get3A_304 = arith.constant 48 : index
        %get3A_305 = tpu.vector_load %arg20[%get3A_303, %get3A_304] {strides = array<i32>} : memref<40x128xf32, #tpu.memory_space<vmem>>, vector<1x16xf32>,
        %get3A_306 = vector.shape_cast %get3A_305 : vector<1x16xf32> to vector<16xf32>
        %get3A_307 = arith.index_cast %add3A_237 : i32 to index
        %get3A_308 = arith.constant 48 : index
        %get3A_309 = tpu.vector_load %arg22[%get3A_307, %get3A_308] {strides = array<i32>} : memref<40x128xf32, #tpu.memory_space<vmem>>, vector<1x16xf32>,
        %get3A_310 = vector.shape_cast %get3A_309 : vector<1x16xf32> to vector<16xf32>
        %add3A_311 = arith.addf %get3A_306, %get3A_310 : vector<16xf32>
        %get3A_312 = arith.index_cast %add3A_237 : i32 to index
        %get3A_313 = arith.constant 48 : index
        %get3A_314 = tpu.vector_load %arg24[%get3A_312, %get3A_313] {strides = array<i32>} : memref<40x128xf32, #tpu.memory_space<vmem>>, vector<1x16xf32>,
        %get3A_315 = vector.shape_cast %get3A_314 : vector<1x16xf32> to vector<16xf32>
        %add3A_316 = arith.addf %add3A_311, %get3A_315 : vector<16xf32>
        %max3A_317 = arith.constant 0.000000e+00 : f32
        %max3A_318 = vector.broadcast %max3A_317 : f32 to vector<16xf32>
        %max3A_319 = arith.maximumf %add3A_316, %max3A_318 : vector<16xf32>
        %swap3A_320 = arith.index_cast %add3A_237 : i32 to index
        %swap3A_321 = arith.constant 48 : index
        %swap3A_322 = tpu.vector_load %arg26[%swap3A_320, %swap3A_321] {strides = array<i32>} : memref<40x128xf32, #tpu.memory_space<vmem>>, vector<1x16xf32>,
        %swap3A_323 = vector.shape_cast %swap3A_322 : vector<1x16xf32> to vector<16xf32>
        %swap3A_324 = vector.shape_cast %max3A_319 : vector<16xf32> to vector<1x16xf32>
        tpu.vector_store %arg26[%swap3A_320, %swap3A_321], %swap3A_324 {strides = array<i32>} : memref<40x128xf32, #tpu.memory_space<vmem>>, vector<1x16xf32>,
        %get3A_325 = arith.index_cast %add3A_237 : i32 to index
        %get3A_326 = arith.constant 64 : index
        %get3A_327 = tpu.vector_load %arg20[%get3A_325, %get3A_326] {strides = array<i32>} : memref<40x128xf32, #tpu.memory_space<vmem>>, vector<1x16xf32>,
        %get3A_328 = vector.shape_cast %get3A_327 : vector<1x16xf32> to vector<16xf32>
        %get3A_329 = arith.index_cast %add3A_237 : i32 to index
        %get3A_330 = arith.constant 64 : index
        %get3A_331 = tpu.vector_load %arg22[%get3A_329, %get3A_330] {strides = array<i32>} : memref<40x128xf32, #tpu.memory_space<vmem>>, vector<1x16xf32>,
        %get3A_332 = vector.shape_cast %get3A_331 : vector<1x16xf32> to vector<16xf32>
        %add3A_333 = arith.addf %get3A_328, %get3A_332 : vector<16xf32>
        %get3A_334 = arith.index_cast %add3A_237 : i32 to index
        %get3A_335 = arith.constant 64 : index
        %get3A_336 = tpu.vector_load %arg24[%get3A_334, %get3A_335] {strides = array<i32>} : memref<40x128xf32, #tpu.memory_space<vmem>>, vector<1x16xf32>,
        %get3A_337 = vector.shape_cast %get3A_336 : vector<1x16xf32> to vector<16xf32>
        %add3A_338 = arith.addf %add3A_333, %get3A_337 : vector<16xf32>
        %max3A_339 = arith.constant 0.000000e+00 : f32
        %max3A_340 = vector.broadcast %max3A_339 : f32 to vector<16xf32>
        %max3A_341 = arith.maximumf %add3A_338, %max3A_340 : vector<16xf32>
        %swap3A_342 = arith.index_cast %add3A_237 : i32 to index
        %swap3A_343 = arith.constant 64 : index
        %swap3A_344 = tpu.vector_load %arg26[%swap3A_342, %swap3A_343] {strides = array<i32>} : memref<40x128xf32, #tpu.memory_space<vmem>>, vector<1x16xf32>,
        %swap3A_345 = vector.shape_cast %swap3A_344 : vector<1x16xf32> to vector<16xf32>
        %swap3A_346 = vector.shape_cast %max3A_341 : vector<16xf32> to vector<1x16xf32>
        tpu.vector_store %arg26[%swap3A_342, %swap3A_343], %swap3A_346 {strides = array<i32>} : memref<40x128xf32, #tpu.memory_space<vmem>>, vector<1x16xf32>,
        %get3A_347 = arith.index_cast %add3A_237 : i32 to index
        %get3A_348 = arith.constant 80 : index
        %get3A_349 = tpu.vector_load %arg20[%get3A_347, %get3A_348] {strides = array<i32>} : memref<40x128xf32, #tpu.memory_space<vmem>>, vector<1x16xf32>,
        %get3A_350 = vector.shape_cast %get3A_349 : vector<1x16xf32> to vector<16xf32>
        %get3A_351 = arith.index_cast %add3A_237 : i32 to index
        %get3A_352 = arith.constant 80 : index
        %get3A_353 = tpu.vector_load %arg22[%get3A_351, %get3A_352] {strides = array<i32>} : memref<40x128xf32, #tpu.memory_space<vmem>>, vector<1x16xf32>,
        %get3A_354 = vector.shape_cast %get3A_353 : vector<1x16xf32> to vector<16xf32>
        %add3A_355 = arith.addf %get3A_350, %get3A_354 : vector<16xf32>
        %get3A_356 = arith.index_cast %add3A_237 : i32 to index
        %get3A_357 = arith.constant 80 : index
        %get3A_358 = tpu.vector_load %arg24[%get3A_356, %get3A_357] {strides = array<i32>} : memref<40x128xf32, #tpu.memory_space<vmem>>, vector<1x16xf32>,
        %get3A_359 = vector.shape_cast %get3A_358 : vector<1x16xf32> to vector<16xf32>
        %add3A_360 = arith.addf %add3A_355, %get3A_359 : vector<16xf32>
        %max3A_361 = arith.constant 0.000000e+00 : f32
        %max3A_362 = vector.broadcast %max3A_361 : f32 to vector<16xf32>
        %max3A_363 = arith.maximumf %add3A_360, %max3A_362 : vector<16xf32>
        %swap3A_364 = arith.index_cast %add3A_237 : i32 to index
        %swap3A_365 = arith.constant 80 : index
        %swap3A_366 = tpu.vector_load %arg26[%swap3A_364, %swap3A_365] {strides = array<i32>} : memref<40x128xf32, #tpu.memory_space<vmem>>, vector<1x16xf32>,
        %swap3A_367 = vector.shape_cast %swap3A_366 : vector<1x16xf32> to vector<16xf32>
        %swap3A_368 = vector.shape_cast %max3A_363 : vector<16xf32> to vector<1x16xf32>
        tpu.vector_store %arg26[%swap3A_364, %swap3A_365], %swap3A_368 {strides = array<i32>} : memref<40x128xf32, #tpu.memory_space<vmem>>, vector<1x16xf32>,
        %get3A_369 = arith.index_cast %add3A_237 : i32 to index
        %get3A_370 = arith.constant 96 : index
        %get3A_371 = tpu.vector_load %arg20[%get3A_369, %get3A_370] {strides = array<i32>} : memref<40x128xf32, #tpu.memory_space<vmem>>, vector<1x16xf32>,
        %get3A_372 = vector.shape_cast %get3A_371 : vector<1x16xf32> to vector<16xf32>
        %get3A_373 = arith.index_cast %add3A_237 : i32 to index
        %get3A_374 = arith.constant 96 : index
        %get3A_375 = tpu.vector_load %arg22[%get3A_373, %get3A_374] {strides = array<i32>} : memref<40x128xf32, #tpu.memory_space<vmem>>, vector<1x16xf32>,
        %get3A_376 = vector.shape_cast %get3A_375 : vector<1x16xf32> to vector<16xf32>
        %add3A_377 = arith.addf %get3A_372, %get3A_376 : vector<16xf32>
        %get3A_378 = arith.index_cast %add3A_237 : i32 to index
        %get3A_379 = arith.constant 96 : index
        %get3A_380 = tpu.vector_load %arg24[%get3A_378, %get3A_379] {strides = array<i32>} : memref<40x128xf32, #tpu.memory_space<vmem>>, vector<1x16xf32>,
        %get3A_381 = vector.shape_cast %get3A_380 : vector<1x16xf32> to vector<16xf32>
        %add3A_382 = arith.addf %add3A_377, %get3A_381 : vector<16xf32>
        %max3A_383 = arith.constant 0.000000e+00 : f32
        %max3A_384 = vector.broadcast %max3A_383 : f32 to vector<16xf32>
        %max3A_385 = arith.maximumf %add3A_382, %max3A_384 : vector<16xf32>
        %swap3A_386 = arith.index_cast %add3A_237 : i32 to index
        %swap3A_387 = arith.constant 96 : index
        %swap3A_388 = tpu.vector_load %arg26[%swap3A_386, %swap3A_387] {strides = array<i32>} : memref<40x128xf32, #tpu.memory_space<vmem>>, vector<1x16xf32>,
        %swap3A_389 = vector.shape_cast %swap3A_388 : vector<1x16xf32> to vector<16xf32>
        %swap3A_390 = vector.shape_cast %max3A_385 : vector<16xf32> to vector<1x16xf32>
        tpu.vector_store %arg26[%swap3A_386, %swap3A_387], %swap3A_390 {strides = array<i32>} : memref<40x128xf32, #tpu.memory_space<vmem>>, vector<1x16xf32>,
        %get3A_391 = arith.index_cast %add3A_237 : i32 to index
        %get3A_392 = arith.constant 112 : index
        %get3A_393 = tpu.vector_load %arg20[%get3A_391, %get3A_392] {strides = array<i32>} : memref<40x128xf32, #tpu.memory_space<vmem>>, vector<1x16xf32>,
        %get3A_394 = vector.shape_cast %get3A_393 : vector<1x16xf32> to vector<16xf32>
        %get3A_395 = arith.index_cast %add3A_237 : i32 to index
        %get3A_396 = arith.constant 112 : index
        %get3A_397 = tpu.vector_load %arg22[%get3A_395, %get3A_396] {strides = array<i32>} : memref<40x128xf32, #tpu.memory_space<vmem>>, vector<1x16xf32>,
        %get3A_398 = vector.shape_cast %get3A_397 : vector<1x16xf32> to vector<16xf32>
        %add3A_399 = arith.addf %get3A_394, %get3A_398 : vector<16xf32>
        %get3A_400 = arith.index_cast %add3A_237 : i32 to index
        %get3A_401 = arith.constant 112 : index
        %get3A_402 = tpu.vector_load %arg24[%get3A_400, %get3A_401] {strides = array<i32>} : memref<40x128xf32, #tpu.memory_space<vmem>>, vector<1x16xf32>,
        %get3A_403 = vector.shape_cast %get3A_402 : vector<1x16xf32> to vector<16xf32>
        %add3A_404 = arith.addf %add3A_399, %get3A_403 : vector<16xf32>
        %max3A_405 = arith.constant 0.000000e+00 : f32
        %max3A_406 = vector.broadcast %max3A_405 : f32 to vector<16xf32>
        %max3A_407 = arith.maximumf %add3A_404, %max3A_406 : vector<16xf32>
        %swap3A_408 = arith.index_cast %add3A_237 : i32 to index
        %swap3A_409 = arith.constant 112 : index
        %swap3A_410 = tpu.vector_load %arg26[%swap3A_408, %swap3A_409] {strides = array<i32>} : memref<40x128xf32, #tpu.memory_space<vmem>>, vector<1x16xf32>,
        %swap3A_411 = vector.shape_cast %swap3A_410 : vector<1x16xf32> to vector<16xf32>
        %swap3A_412 = vector.shape_cast %max3A_407 : vector<16xf32> to vector<1x16xf32>
        tpu.vector_store %arg26[%swap3A_408, %swap3A_409], %swap3A_412 {strides = array<i32>} : memref<40x128xf32, #tpu.memory_space<vmem>>, vector<1x16xf32>,
      }
      %scan3A_222 = arith.constant 40 : i32
      %add3A_223 = arith.constant 2 : i32
      %add3A_224 = arith.addi %add3A_172, %add3A_223 : i32
      %lt3A_225 = arith.constant 500 : i32
      %lt3A_226 = arith.cmpi slt, %add3A_224, %lt3A_225 : i32
      %convert_element_type3A_227 = arith.extui %lt3A_226 : i1 to i32
      %cond3A_228 = arith.constant 0 : i32
      %cond3A_229 = arith.cmpi ne, %convert_element_type3A_227, %cond3A_228 : i32
      scf.if %cond3A_229 {
        %add3A_233 = arith.constant 2 : i32
        %add3A_234 = arith.addi %add3A_172, %add3A_233 : i32
        %mul3A_235 = arith.constant 40 : i32
        %mul3A_236 = arith.muli %add3A_234, %mul3A_235 : i32
        %add3A_237 = arith.addi %mul3A_4, %mul3A_236 : i32
        %dma_start3A_238 = tpu.memref_slice %arg5[%add3A_237] : memref<320000xi32, #tpu.memory_space<hbm>> -> memref<40xi32, #tpu.memory_space<hbm>>
        %dma_start3A_239 = tpu.memref_slice %arg5[%add3A_237] : memref<320000xi32, #tpu.memory_space<hbm>> -> memref<40xi32, #tpu.memory_space<hbm>>
        tpu.enqueue_dma source(%dma_start3A_239 : memref<40xi32, #tpu.memory_space<hbm>>) target(%arg10 : memref<40xi32, #tpu.memory_space<vmem>>) target_semaphore(%arg37 : memref<!tpu.dma_semaphore, #tpu.memory_space<semaphore_mem>>)
        %dma_start3A_240 = tpu.memref_slice %arg6[%add3A_237] : memref<320000xi32, #tpu.memory_space<hbm>> -> memref<40xi32, #tpu.memory_space<hbm>>
        %dma_start3A_241 = tpu.memref_slice %arg6[%add3A_237] : memref<320000xi32, #tpu.memory_space<hbm>> -> memref<40xi32, #tpu.memory_space<hbm>>
        tpu.enqueue_dma source(%dma_start3A_241 : memref<40xi32, #tpu.memory_space<hbm>>) target(%arg12 : memref<40xi32, #tpu.memory_space<vmem>>) target_semaphore(%arg39 : memref<!tpu.dma_semaphore, #tpu.memory_space<semaphore_mem>>)
      } else {
      }
      %dma_start3A_230 = arith.constant 0 : i32
      %dma_start3A_231 = arith.constant 0 : i32
      %dma_start3A_232 = tpu.memref_slice %arg27[%dma_start3A_230, %dma_start3A_231] : memref<10000x128xf32, #tpu.memory_space<vmem_shared>> -> memref<10000x128xf32, #tpu.memory_space<vmem_shared>>
      tpu.enqueue_indirect_dma source(%arg26 : memref<40x128xf32, #tpu.memory_space<vmem>>) target(%dma_start3A_232 : memref<10000x128xf32, #tpu.memory_space<vmem_shared>>) offsets(%arg18 : memref<40xi32, #tpu.memory_space<vmem>>) semaphore(%arg35 : memref<!tpu.dma_semaphore, #tpu.memory_space<semaphore_mem>>) {add = true}
    }
    %scan3A_91 = arith.constant 250 : i32
    %dma_wait3A = arith.constant 0 : i32
    %dma_wait3A_92 = arith.constant 0 : i32
    %dma_wait3A_93 = tpu.memref_slice %arg27[%dma_wait3A, %dma_wait3A_92] : memref<10000x128xf32, #tpu.memory_space<vmem_shared>> -> memref<10000x128xf32, #tpu.memory_space<vmem_shared>>
    tpu.wait_indirect_dma semaphore(%arg34 : memref<!tpu.dma_semaphore, #tpu.memory_space<semaphore_mem>>) src(%arg25 : memref<40x128xf32, #tpu.memory_space<vmem>>) dst(%dma_wait3A_93 : memref<10000x128xf32, #tpu.memory_space<vmem_shared>>)
    %dma_wait3A_94 = arith.constant 0 : i32
    %dma_wait3A_95 = arith.constant 0 : i32
    %dma_wait3A_96 = tpu.memref_slice %arg27[%dma_wait3A_94, %dma_wait3A_95] : memref<10000x128xf32, #tpu.memory_space<vmem_shared>> -> memref<10000x128xf32, #tpu.memory_space<vmem_shared>>
    tpu.wait_indirect_dma semaphore(%arg35 : memref<!tpu.dma_semaphore, #tpu.memory_space<semaphore_mem>>) src(%arg26 : memref<40x128xf32, #tpu.memory_space<vmem>>) dst(%dma_wait3A_96 : memref<10000x128xf32, #tpu.memory_space<vmem_shared>>)
    %barrier3A_97 = arith.constant 0 : index
    tpu.barrier barrier_id(%barrier3A_97)
    %mul3A_98 = arith.constant 10000 : i32
    %mul3A_99 = arith.muli %arg0, %mul3A_98 : i32
    %add3A_100 = arith.addi %mul3A_99, %mul3A_0 : i32
    "tpu.region"() ({
      %run_scoped3A = tpu.sem_alloc : memref<!tpu.dma_semaphore, #tpu.memory_space<semaphore_mem>>
      %dma_start3A_106 = arith.constant 0 : i32
      %dma_start3A_107 = tpu.memref_slice %arg8[%add3A_100, %dma_start3A_106] : memref<20000x128xf32, #tpu.memory_space<hbm>> -> memref<624x128xf32, #tpu.memory_space<hbm>>
      %dma_start3A_108 = arith.constant 0 : i32
      %dma_start3A_109 = tpu.memref_slice %arg27[%mul3A_0, %dma_start3A_108] : memref<10000x128xf32, #tpu.memory_space<vmem_shared>> -> memref<624x128xf32, #tpu.memory_space<vmem_shared>>
      tpu.enqueue_dma source(%dma_start3A_109 : memref<624x128xf32, #tpu.memory_space<vmem_shared>>) target(%dma_start3A_107 : memref<624x128xf32, #tpu.memory_space<hbm>>) target_semaphore(%run_scoped3A : memref<!tpu.dma_semaphore, #tpu.memory_space<semaphore_mem>>)
      %dma_wait3A_110 = arith.constant 0 : i32
      %dma_wait3A_111 = tpu.memref_slice %arg8[%add3A_100, %dma_wait3A_110] : memref<20000x128xf32, #tpu.memory_space<hbm>> -> memref<624x128xf32, #tpu.memory_space<hbm>>
      %dma_wait3A_112 = arith.constant 0 : i32
      %dma_wait3A_113 = tpu.memref_slice %arg27[%mul3A_0, %dma_wait3A_112] : memref<10000x128xf32, #tpu.memory_space<vmem_shared>> -> memref<624x128xf32, #tpu.memory_space<vmem_shared>>
      tpu.wait_dma2 semaphore(%run_scoped3A : memref<!tpu.dma_semaphore, #tpu.memory_space<semaphore_mem>>) src(%dma_wait3A_113 : memref<624x128xf32, #tpu.memory_space<vmem_shared>>) dst(%dma_wait3A_111 : memref<624x128xf32, #tpu.memory_space<hbm>>)
      tpu.yield
    }) : () -> ()
    %eq3A_101 = arith.constant 15 : i32
    %eq3A_102 = arith.cmpi eq, %arg1, %eq3A_101 : i32
    %convert_element_type3A_103 = arith.extui %eq3A_102 : i1 to i32
    %cond3A_104 = arith.constant 0 : i32
    %cond3A_105 = arith.cmpi ne, %convert_element_type3A_103, %cond3A_104 : i32
    scf.if %cond3A_105 {
      %mul3A_106 = arith.constant 10000 : i32
      %mul3A_107 = arith.muli %arg0, %mul3A_106 : i32
      %add3A_108 = arith.constant 9984 : i32
      %add3A_109 = arith.addi %mul3A_107, %add3A_108 : i32
      "tpu.region"() ({
        %run_scoped3A = tpu.sem_alloc : memref<!tpu.dma_semaphore, #tpu.memory_space<semaphore_mem>>
        %dma_start3A_110 = arith.constant 0 : i32
        %dma_start3A_111 = tpu.memref_slice %arg8[%add3A_109, %dma_start3A_110] : memref<20000x128xf32, #tpu.memory_space<hbm>> -> memref<16x128xf32, #tpu.memory_space<hbm>>
        %dma_start3A_112 = arith.constant 9984 : i32
        %dma_start3A_113 = arith.constant 0 : i32
        %dma_start3A_114 = tpu.memref_slice %arg27[%dma_start3A_112, %dma_start3A_113] : memref<10000x128xf32, #tpu.memory_space<vmem_shared>> -> memref<16x128xf32, #tpu.memory_space<vmem_shared>>
        tpu.enqueue_dma source(%dma_start3A_114 : memref<16x128xf32, #tpu.memory_space<vmem_shared>>) target(%dma_start3A_111 : memref<16x128xf32, #tpu.memory_space<hbm>>) target_semaphore(%run_scoped3A : memref<!tpu.dma_semaphore, #tpu.memory_space<semaphore_mem>>)
        %dma_wait3A_115 = arith.constant 0 : i32
        %dma_wait3A_116 = tpu.memref_slice %arg8[%add3A_109, %dma_wait3A_115] : memref<20000x128xf32, #tpu.memory_space<hbm>> -> memref<16x128xf32, #tpu.memory_space<hbm>>
        %dma_wait3A_117 = arith.constant 9984 : i32
        %dma_wait3A_118 = arith.constant 0 : i32
        %dma_wait3A_119 = tpu.memref_slice %arg27[%dma_wait3A_117, %dma_wait3A_118] : memref<10000x128xf32, #tpu.memory_space<vmem_shared>> -> memref<16x128xf32, #tpu.memory_space<vmem_shared>>
        tpu.wait_dma2 semaphore(%run_scoped3A : memref<!tpu.dma_semaphore, #tpu.memory_space<semaphore_mem>>) src(%dma_wait3A_119 : memref<16x128xf32, #tpu.memory_space<vmem_shared>>) dst(%dma_wait3A_116 : memref<16x128xf32, #tpu.memory_space<hbm>>)
        tpu.yield
      }) : () -> ()
    } else {
    }
    return
  }
}

#map = affine_map<(d0, d1) -> (0)>
#map1 = affine_map<(d0, d1) -> (0, 0)>
module attributes {stable_mosaic.version = 14 : i64} {
  func.func @body(%arg0: i32, %arg1: i32, %arg2: memref<320000xi32, #tpu.memory_space<hbm>>, %arg3: memref<10000x16xf32, #tpu.memory_space<hbm>>, %arg4: memref<80x16xf32, #tpu.memory_space<hbm>>, %arg5: memref<20000x16xf32, #tpu.memory_space<hbm>>, %arg6: memref<80xi32, #tpu.memory_space<vmem>>, %arg7: memref<80x16xf32, #tpu.memory_space<vmem>>, %arg8: memref<10000x16xf32, #tpu.memory_space<vmem_shared>>) attributes {dimension_semantics = [#tpu.dimension_semantics<core_parallel>, #tpu.dimension_semantics<subcore_parallel>], iteration_bounds = array<i64: 2, 16>, scalar_prefetch = 0 : i64, scratch_operands = 3 : i64, tpu.core_type = #tpu.core_type<sc_vector_subcore>, window_params = [{transform_indices = #map}, {transform_indices = #map1}, {transform_indices = #map1}, {transform_indices = #map1}]} {
    %mul3A = arith.constant 624 : i32
    %mul3A_0 = arith.muli %arg1, %mul3A : i32
    "tpu.region"() ({
      %run_scoped3A = tpu.sem_alloc : memref<!tpu.dma_semaphore, #tpu.memory_space<semaphore_mem>>
      tpu.enqueue_dma source(%arg4 : memref<80x16xf32, #tpu.memory_space<hbm>>) target(%arg7 : memref<80x16xf32, #tpu.memory_space<vmem>>) target_semaphore(%run_scoped3A : memref<!tpu.dma_semaphore, #tpu.memory_space<semaphore_mem>>)
      tpu.wait_dma2 semaphore(%run_scoped3A : memref<!tpu.dma_semaphore, #tpu.memory_space<semaphore_mem>>) src(%arg4 : memref<80x16xf32, #tpu.memory_space<hbm>>) dst(%arg7 : memref<80x16xf32, #tpu.memory_space<vmem>>)
      tpu.yield
    }) : () -> ()
    "tpu.region"() ({
      %run_scoped3A = tpu.sem_alloc : memref<!tpu.dma_semaphore, #tpu.memory_space<semaphore_mem>>
      %dma_start3A = arith.constant 0 : i32
      %dma_start3A_20 = tpu.memref_slice %arg8[%mul3A_0, %dma_start3A] : memref<10000x16xf32, #tpu.memory_space<vmem_shared>> -> memref<624x16xf32, #tpu.memory_space<vmem_shared>>
      %dma_start3A_21 = arith.constant 0 : i32
      %dma_start3A_22 = tpu.memref_slice %arg3[%mul3A_0, %dma_start3A_21] : memref<10000x16xf32, #tpu.memory_space<hbm>> -> memref<624x16xf32, #tpu.memory_space<hbm>>
      tpu.enqueue_dma source(%dma_start3A_22 : memref<624x16xf32, #tpu.memory_space<hbm>>) target(%dma_start3A_20 : memref<624x16xf32, #tpu.memory_space<vmem_shared>>) target_semaphore(%run_scoped3A : memref<!tpu.dma_semaphore, #tpu.memory_space<semaphore_mem>>)
      %dma_wait3A = arith.constant 0 : i32
      %dma_wait3A_23 = tpu.memref_slice %arg8[%mul3A_0, %dma_wait3A] : memref<10000x16xf32, #tpu.memory_space<vmem_shared>> -> memref<624x16xf32, #tpu.memory_space<vmem_shared>>
      %dma_wait3A_24 = arith.constant 0 : i32
      %dma_wait3A_25 = tpu.memref_slice %arg3[%mul3A_0, %dma_wait3A_24] : memref<10000x16xf32, #tpu.memory_space<hbm>> -> memref<624x16xf32, #tpu.memory_space<hbm>>
      tpu.wait_dma2 semaphore(%run_scoped3A : memref<!tpu.dma_semaphore, #tpu.memory_space<semaphore_mem>>) src(%dma_wait3A_25 : memref<624x16xf32, #tpu.memory_space<hbm>>) dst(%dma_wait3A_23 : memref<624x16xf32, #tpu.memory_space<vmem_shared>>)
      tpu.yield
    }) : () -> ()
    %eq3A = arith.constant 15 : i32
    %eq3A_1 = arith.cmpi eq, %arg1, %eq3A : i32
    %convert_element_type3A = arith.extui %eq3A_1 : i1 to i32
    %cond3A = arith.constant 0 : i32
    %cond3A_2 = arith.cmpi ne, %convert_element_type3A, %cond3A : i32
    scf.if %cond3A_2 {
      "tpu.region"() ({
        %run_scoped3A = tpu.sem_alloc : memref<!tpu.dma_semaphore, #tpu.memory_space<semaphore_mem>>
        %dma_start3A = arith.constant 9984 : i32
        %dma_start3A_20 = arith.constant 0 : i32
        %dma_start3A_21 = tpu.memref_slice %arg8[%dma_start3A, %dma_start3A_20] : memref<10000x16xf32, #tpu.memory_space<vmem_shared>> -> memref<16x16xf32, #tpu.memory_space<vmem_shared>>
        %dma_start3A_22 = arith.constant 9984 : i32
        %dma_start3A_23 = arith.constant 0 : i32
        %dma_start3A_24 = tpu.memref_slice %arg3[%dma_start3A_22, %dma_start3A_23] : memref<10000x16xf32, #tpu.memory_space<hbm>> -> memref<16x16xf32, #tpu.memory_space<hbm>>
        tpu.enqueue_dma source(%dma_start3A_24 : memref<16x16xf32, #tpu.memory_space<hbm>>) target(%dma_start3A_21 : memref<16x16xf32, #tpu.memory_space<vmem_shared>>) target_semaphore(%run_scoped3A : memref<!tpu.dma_semaphore, #tpu.memory_space<semaphore_mem>>)
        %dma_wait3A = arith.constant 9984 : i32
        %dma_wait3A_25 = arith.constant 0 : i32
        %dma_wait3A_26 = tpu.memref_slice %arg8[%dma_wait3A, %dma_wait3A_25] : memref<10000x16xf32, #tpu.memory_space<vmem_shared>> -> memref<16x16xf32, #tpu.memory_space<vmem_shared>>
        %dma_wait3A_27 = arith.constant 9984 : i32
        %dma_wait3A_28 = arith.constant 0 : i32
        %dma_wait3A_29 = tpu.memref_slice %arg3[%dma_wait3A_27, %dma_wait3A_28] : memref<10000x16xf32, #tpu.memory_space<hbm>> -> memref<16x16xf32, #tpu.memory_space<hbm>>
        tpu.wait_dma2 semaphore(%run_scoped3A : memref<!tpu.dma_semaphore, #tpu.memory_space<semaphore_mem>>) src(%dma_wait3A_29 : memref<16x16xf32, #tpu.memory_space<hbm>>) dst(%dma_wait3A_26 : memref<16x16xf32, #tpu.memory_space<vmem_shared>>)
        tpu.yield
      }) : () -> ()
    } else {
    }
    %barrier3A = arith.constant 0 : index
    tpu.barrier barrier_id(%barrier3A)
    %mul3A_3 = arith.constant 2 : i32
    %mul3A_4 = arith.muli %arg1, %mul3A_3 : i32
    %add3A = arith.addi %mul3A_4, %arg0 : i32
    %mul3A_5 = arith.constant 10000 : i32
    %mul3A_6 = arith.muli %add3A, %mul3A_5 : i32
    %scan3A = arith.constant 0 : i32
    %scan3A_7 = arith.constant 125 : i32
    %scan3A_8 = arith.addi %scan3A, %scan3A_7 : i32
    %scan3A_9 = arith.constant 1 : i32
    scf.for %scan3A_20 = %scan3A to %scan3A_8 step %scan3A_9  : i32 {
      %mul3A_21 = arith.constant 1 : i32
      %mul3A_22 = arith.muli %scan3A_20, %mul3A_21 : i32
      %add3A_23 = arith.constant 0 : i32
      %add3A_24 = arith.addi %add3A_23, %mul3A_22 : i32
      %mul3A_25 = arith.constant 80 : i32
      %mul3A_26 = arith.muli %add3A_24, %mul3A_25 : i32
      %add3A_27 = arith.addi %mul3A_6, %mul3A_26 : i32
      "tpu.region"() ({
        %run_scoped3A = tpu.sem_alloc : memref<!tpu.dma_semaphore, #tpu.memory_space<semaphore_mem>>
        %dma_start3A = tpu.memref_slice %arg2[%add3A_27] : memref<320000xi32, #tpu.memory_space<hbm>> -> memref<80xi32, #tpu.memory_space<hbm>>
        %dma_start3A_28 = tpu.memref_slice %arg2[%add3A_27] : memref<320000xi32, #tpu.memory_space<hbm>> -> memref<80xi32, #tpu.memory_space<hbm>>
        tpu.enqueue_dma source(%dma_start3A_28 : memref<80xi32, #tpu.memory_space<hbm>>) target(%arg6 : memref<80xi32, #tpu.memory_space<vmem>>) target_semaphore(%run_scoped3A : memref<!tpu.dma_semaphore, #tpu.memory_space<semaphore_mem>>)
        %dma_wait3A = tpu.memref_slice %arg2[%add3A_27] : memref<320000xi32, #tpu.memory_space<hbm>> -> memref<80xi32, #tpu.memory_space<hbm>>
        %dma_wait3A_29 = tpu.memref_slice %arg2[%add3A_27] : memref<320000xi32, #tpu.memory_space<hbm>> -> memref<80xi32, #tpu.memory_space<hbm>>
        tpu.wait_dma2 semaphore(%run_scoped3A : memref<!tpu.dma_semaphore, #tpu.memory_space<semaphore_mem>>) src(%dma_wait3A_29 : memref<80xi32, #tpu.memory_space<hbm>>) dst(%arg6 : memref<80xi32, #tpu.memory_space<vmem>>)
        tpu.yield
      }) : () -> ()
      "tpu.region"() ({
        %run_scoped3A = tpu.sem_alloc : memref<!tpu.dma_semaphore, #tpu.memory_space<semaphore_mem>>
        %dma_start3A = arith.constant 0 : i32
        %dma_start3A_28 = arith.constant 0 : i32
        %dma_start3A_29 = tpu.memref_slice %arg8[%dma_start3A, %dma_start3A_28] : memref<10000x16xf32, #tpu.memory_space<vmem_shared>> -> memref<10000x16xf32, #tpu.memory_space<vmem_shared>>
        tpu.enqueue_indirect_dma source(%arg7 : memref<80x16xf32, #tpu.memory_space<vmem>>) target(%dma_start3A_29 : memref<10000x16xf32, #tpu.memory_space<vmem_shared>>) offsets(%arg6 : memref<80xi32, #tpu.memory_space<vmem>>) semaphore(%run_scoped3A : memref<!tpu.dma_semaphore, #tpu.memory_space<semaphore_mem>>) {add = true}
        %dma_wait3A = arith.constant 0 : i32
        %dma_wait3A_30 = arith.constant 0 : i32
        %dma_wait3A_31 = tpu.memref_slice %arg8[%dma_wait3A, %dma_wait3A_30] : memref<10000x16xf32, #tpu.memory_space<vmem_shared>> -> memref<10000x16xf32, #tpu.memory_space<vmem_shared>>
        tpu.wait_indirect_dma semaphore(%run_scoped3A : memref<!tpu.dma_semaphore, #tpu.memory_space<semaphore_mem>>) src(%arg7 : memref<80x16xf32, #tpu.memory_space<vmem>>) dst(%dma_wait3A_31 : memref<10000x16xf32, #tpu.memory_space<vmem_shared>>)
        tpu.yield
      }) : () -> ()
    }
    %scan3A_10 = arith.constant 125 : i32
    %barrier3A_11 = arith.constant 0 : index
    tpu.barrier barrier_id(%barrier3A_11)
    %mul3A_12 = arith.constant 10000 : i32
    %mul3A_13 = arith.muli %arg0, %mul3A_12 : i32
    %add3A_14 = arith.addi %mul3A_13, %mul3A_0 : i32
    "tpu.region"() ({
      %run_scoped3A = tpu.sem_alloc : memref<!tpu.dma_semaphore, #tpu.memory_space<semaphore_mem>>
      %dma_start3A = arith.constant 0 : i32
      %dma_start3A_20 = tpu.memref_slice %arg5[%add3A_14, %dma_start3A] : memref<20000x16xf32, #tpu.memory_space<hbm>> -> memref<624x16xf32, #tpu.memory_space<hbm>>
      %dma_start3A_21 = arith.constant 0 : i32
      %dma_start3A_22 = tpu.memref_slice %arg8[%mul3A_0, %dma_start3A_21] : memref<10000x16xf32, #tpu.memory_space<vmem_shared>> -> memref<624x16xf32, #tpu.memory_space<vmem_shared>>
      tpu.enqueue_dma source(%dma_start3A_22 : memref<624x16xf32, #tpu.memory_space<vmem_shared>>) target(%dma_start3A_20 : memref<624x16xf32, #tpu.memory_space<hbm>>) target_semaphore(%run_scoped3A : memref<!tpu.dma_semaphore, #tpu.memory_space<semaphore_mem>>)
      %dma_wait3A = arith.constant 0 : i32
      %dma_wait3A_23 = tpu.memref_slice %arg5[%add3A_14, %dma_wait3A] : memref<20000x16xf32, #tpu.memory_space<hbm>> -> memref<624x16xf32, #tpu.memory_space<hbm>>
      %dma_wait3A_24 = arith.constant 0 : i32
      %dma_wait3A_25 = tpu.memref_slice %arg8[%mul3A_0, %dma_wait3A_24] : memref<10000x16xf32, #tpu.memory_space<vmem_shared>> -> memref<624x16xf32, #tpu.memory_space<vmem_shared>>
      tpu.wait_dma2 semaphore(%run_scoped3A : memref<!tpu.dma_semaphore, #tpu.memory_space<semaphore_mem>>) src(%dma_wait3A_25 : memref<624x16xf32, #tpu.memory_space<vmem_shared>>) dst(%dma_wait3A_23 : memref<624x16xf32, #tpu.memory_space<hbm>>)
      tpu.yield
    }) : () -> ()
    %eq3A_15 = arith.constant 15 : i32
    %eq3A_16 = arith.cmpi eq, %arg1, %eq3A_15 : i32
    %convert_element_type3A_17 = arith.extui %eq3A_16 : i1 to i32
    %cond3A_18 = arith.constant 0 : i32
    %cond3A_19 = arith.cmpi ne, %convert_element_type3A_17, %cond3A_18 : i32
    scf.if %cond3A_19 {
      %mul3A_20 = arith.constant 10000 : i32
      %mul3A_21 = arith.muli %arg0, %mul3A_20 : i32
      %add3A_22 = arith.constant 9984 : i32
      %add3A_23 = arith.addi %mul3A_21, %add3A_22 : i32
      "tpu.region"() ({
        %run_scoped3A = tpu.sem_alloc : memref<!tpu.dma_semaphore, #tpu.memory_space<semaphore_mem>>
        %dma_start3A = arith.constant 0 : i32
        %dma_start3A_24 = tpu.memref_slice %arg5[%add3A_23, %dma_start3A] : memref<20000x16xf32, #tpu.memory_space<hbm>> -> memref<16x16xf32, #tpu.memory_space<hbm>>
        %dma_start3A_25 = arith.constant 9984 : i32
        %dma_start3A_26 = arith.constant 0 : i32
        %dma_start3A_27 = tpu.memref_slice %arg8[%dma_start3A_25, %dma_start3A_26] : memref<10000x16xf32, #tpu.memory_space<vmem_shared>> -> memref<16x16xf32, #tpu.memory_space<vmem_shared>>
        tpu.enqueue_dma source(%dma_start3A_27 : memref<16x16xf32, #tpu.memory_space<vmem_shared>>) target(%dma_start3A_24 : memref<16x16xf32, #tpu.memory_space<hbm>>) target_semaphore(%run_scoped3A : memref<!tpu.dma_semaphore, #tpu.memory_space<semaphore_mem>>)
        %dma_wait3A = arith.constant 0 : i32
        %dma_wait3A_28 = tpu.memref_slice %arg5[%add3A_23, %dma_wait3A] : memref<20000x16xf32, #tpu.memory_space<hbm>> -> memref<16x16xf32, #tpu.memory_space<hbm>>
        %dma_wait3A_29 = arith.constant 9984 : i32
        %dma_wait3A_30 = arith.constant 0 : i32
        %dma_wait3A_31 = tpu.memref_slice %arg8[%dma_wait3A_29, %dma_wait3A_30] : memref<10000x16xf32, #tpu.memory_space<vmem_shared>> -> memref<16x16xf32, #tpu.memory_space<vmem_shared>>
        tpu.wait_dma2 semaphore(%run_scoped3A : memref<!tpu.dma_semaphore, #tpu.memory_space<semaphore_mem>>) src(%dma_wait3A_31 : memref<16x16xf32, #tpu.memory_space<vmem_shared>>) dst(%dma_wait3A_28 : memref<16x16xf32, #tpu.memory_space<hbm>>)
        tpu.yield
      }) : () -> ()
    } else {
    }
    return
  }
}

module attributes {stable_mosaic.version = 14 : i64} {
  func.func @_proj_body(%arg0: i32, %arg1: i32, %arg2: memref<2000x128xf32, #tpu.memory_space<vmem>>, %arg3: memref<1x128x128xf32, #tpu.memory_space<vmem>>, %arg4: memref<1x1x128xf32, #tpu.memory_space<vmem>>, %arg5: memref<1x2000x128xf32, #tpu.memory_space<vmem>>) attributes {dimension_semantics = [#tpu.dimension_semantics<arbitrary>, #tpu.dimension_semantics<arbitrary>], iteration_bounds = array<i64: 4, 5>, scalar_prefetch = 0 : i64, scratch_operands = 0 : i64, tpu.core_type = #tpu.core_type<tc>, window_params = [{transform_indices = @transform_0, window_bounds = array<i64: 2000, 128>}, {transform_indices = @transform_1, window_bounds = array<i64: 1, 128, 128>}, {transform_indices = @transform_2, window_bounds = array<i64: 1, 1, 128>}, {transform_indices = @transform_3, window_bounds = array<i64: 1, 2000, 128>}]} {
    %get3A = arith.constant 0 : index
    %get3A_0 = arith.constant 0 : index
    %get3A_1 = vector.load %arg2[%get3A, %get3A_0] : memref<2000x128xf32, #tpu.memory_space<vmem>>, vector<2000x128xf32>
    %get3A_2 = arith.constant 0 : index
    %get3A_3 = arith.constant 0 : index
    %get3A_4 = arith.constant 0 : index
    %get3A_5 = vector.load %arg3[%get3A_2, %get3A_3, %get3A_4] : memref<1x128x128xf32, #tpu.memory_space<vmem>>, vector<1x128x128xf32>
    %get3A_6 = vector.shape_cast %get3A_5 : vector<1x128x128xf32> to vector<128x128xf32>
    %dot_general3A = arith.constant dense<0.000000e+00> : vector<2000x128xf32>
    %dot_general3A_7 = tpu.matmul %get3A_1, %get3A_6, %dot_general3A {dimension_numbers = #tpu.dot_dimension_numbers<[1], [0], [0], [1], [0, 0, 1, 1], [], []>, transpose_lhs_hint = false} : vector<2000x128xf32>, vector<128x128xf32>, vector<2000x128xf32> -> vector<2000x128xf32>
    %get3A_8 = arith.constant 0 : index
    %get3A_9 = arith.constant 0 : index
    %get3A_10 = arith.constant 0 : index
    %get3A_11 = vector.load %arg4[%get3A_8, %get3A_9, %get3A_10] : memref<1x1x128xf32, #tpu.memory_space<vmem>>, vector<1x1x128xf32>
    %get3A_12 = vector.shape_cast %get3A_11 : vector<1x1x128xf32> to vector<1x128xf32>
    %add3A = vector.broadcast %get3A_12 : vector<1x128xf32> to vector<2000x128xf32>
    %add3A_13 = arith.addf %dot_general3A_7, %add3A : vector<2000x128xf32>
    %swap3A = arith.constant 0 : index
    %swap3A_14 = arith.constant 0 : index
    %swap3A_15 = arith.constant 0 : index
    %swap3A_16 = vector.load %arg5[%swap3A, %swap3A_14, %swap3A_15] : memref<1x2000x128xf32, #tpu.memory_space<vmem>>, vector<1x2000x128xf32>
    %swap3A_17 = vector.shape_cast %swap3A_16 : vector<1x2000x128xf32> to vector<2000x128xf32>
    %swap3A_18 = vector.shape_cast %add3A_13 : vector<2000x128xf32> to vector<1x2000x128xf32>
    tpu.vector_store %arg5[%swap3A, %swap3A_14, %swap3A_15], %swap3A_18 {strides = array<i32>} : memref<1x2000x128xf32, #tpu.memory_space<vmem>>, vector<1x2000x128xf32>,
    return
  }
  func.func @transform_0(%arg0: i32, %arg1: i32) -> (i32, i32) {
    %c0_i32 = arith.constant 0 : i32
    %c0_i32_0 = arith.constant 0 : i32
    return %arg1, %c0_i32 : i32, i32
  }
  func.func @transform_1(%arg0: i32, %arg1: i32) -> (i32, i32, i32) {
    %c0_i32 = arith.constant 0 : i32
    %c0_i32_0 = arith.constant 0 : i32
    %c0_i32_1 = arith.constant 0 : i32
    return %arg0, %c0_i32, %c0_i32_0 : i32, i32, i32
  }
  func.func @transform_2(%arg0: i32, %arg1: i32) -> (i32, i32, i32) {
    %c0_i32 = arith.constant 0 : i32
    %c0_i32_0 = arith.constant 0 : i32
    %c0_i32_1 = arith.constant 0 : i32
    return %arg0, %c0_i32, %c0_i32_0 : i32, i32, i32
  }
  func.func @transform_3(%arg0: i32, %arg1: i32) -> (i32, i32, i32) {
    %c0_i32 = arith.constant 0 : i32
    %c0_i32_0 = arith.constant 0 : i32
    return %arg0, %arg1, %c0_i32 : i32, i32, i32
  }
}

module attributes {stable_mosaic.version = 14 : i64} {
  func.func @_proj_body(%arg0: i32, %arg1: i32, %arg2: memref<8000x16xf32, #tpu.memory_space<vmem>>, %arg3: memref<1x16x128xf32, #tpu.memory_space<vmem>>, %arg4: memref<1x1x128xf32, #tpu.memory_space<vmem>>, %arg5: memref<1x8000x128xf32, #tpu.memory_space<vmem>>) attributes {dimension_semantics = [#tpu.dimension_semantics<arbitrary>, #tpu.dimension_semantics<arbitrary>], iteration_bounds = array<i64: 4, 40>, scalar_prefetch = 0 : i64, scratch_operands = 0 : i64, tpu.core_type = #tpu.core_type<tc>, window_params = [{transform_indices = @transform_0, window_bounds = array<i64: 8000, 16>}, {transform_indices = @transform_1, window_bounds = array<i64: 1, 16, 128>}, {transform_indices = @transform_2, window_bounds = array<i64: 1, 1, 128>}, {transform_indices = @transform_3, window_bounds = array<i64: 1, 8000, 128>}]} {
    %get3A = arith.constant 0 : index
    %get3A_0 = arith.constant 0 : index
    %get3A_1 = vector.load %arg2[%get3A, %get3A_0] : memref<8000x16xf32, #tpu.memory_space<vmem>>, vector<8000x16xf32>
    %get3A_2 = arith.constant 0 : index
    %get3A_3 = arith.constant 0 : index
    %get3A_4 = arith.constant 0 : index
    %get3A_5 = vector.load %arg3[%get3A_2, %get3A_3, %get3A_4] : memref<1x16x128xf32, #tpu.memory_space<vmem>>, vector<1x16x128xf32>
    %get3A_6 = vector.shape_cast %get3A_5 : vector<1x16x128xf32> to vector<16x128xf32>
    %dot_general3A = arith.constant dense<0.000000e+00> : vector<8000x128xf32>
    %dot_general3A_7 = tpu.matmul %get3A_1, %get3A_6, %dot_general3A {dimension_numbers = #tpu.dot_dimension_numbers<[1], [0], [0], [1], [0, 0, 1, 1], [], []>, transpose_lhs_hint = false} : vector<8000x16xf32>, vector<16x128xf32>, vector<8000x128xf32> -> vector<8000x128xf32>
    %get3A_8 = arith.constant 0 : index
    %get3A_9 = arith.constant 0 : index
    %get3A_10 = arith.constant 0 : index
    %get3A_11 = vector.load %arg4[%get3A_8, %get3A_9, %get3A_10] : memref<1x1x128xf32, #tpu.memory_space<vmem>>, vector<1x1x128xf32>
    %get3A_12 = vector.shape_cast %get3A_11 : vector<1x1x128xf32> to vector<1x128xf32>
    %add3A = vector.broadcast %get3A_12 : vector<1x128xf32> to vector<8000x128xf32>
    %add3A_13 = arith.addf %dot_general3A_7, %add3A : vector<8000x128xf32>
    %swap3A = arith.constant 0 : index
    %swap3A_14 = arith.constant 0 : index
    %swap3A_15 = arith.constant 0 : index
    %swap3A_16 = vector.load %arg5[%swap3A, %swap3A_14, %swap3A_15] : memref<1x8000x128xf32, #tpu.memory_space<vmem>>, vector<1x8000x128xf32>
    %swap3A_17 = vector.shape_cast %swap3A_16 : vector<1x8000x128xf32> to vector<8000x128xf32>
    %swap3A_18 = vector.shape_cast %add3A_13 : vector<8000x128xf32> to vector<1x8000x128xf32>
    tpu.vector_store %arg5[%swap3A, %swap3A_14, %swap3A_15], %swap3A_18 {strides = array<i32>} : memref<1x8000x128xf32, #tpu.memory_space<vmem>>, vector<1x8000x128xf32>,
    return
  }
  func.func @transform_0(%arg0: i32, %arg1: i32) -> (i32, i32) {
    %c0_i32 = arith.constant 0 : i32
    %c0_i32_0 = arith.constant 0 : i32
    return %arg1, %c0_i32 : i32, i32
  }
  func.func @transform_1(%arg0: i32, %arg1: i32) -> (i32, i32, i32) {
    %c0_i32 = arith.constant 0 : i32
    %c0_i32_0 = arith.constant 0 : i32
    %c0_i32_1 = arith.constant 0 : i32
    return %arg0, %c0_i32, %c0_i32_0 : i32, i32, i32
  }
  func.func @transform_2(%arg0: i32, %arg1: i32) -> (i32, i32, i32) {
    %c0_i32 = arith.constant 0 : i32
    %c0_i32_0 = arith.constant 0 : i32
    %c0_i32_1 = arith.constant 0 : i32
    return %arg0, %c0_i32, %c0_i32_0 : i32, i32, i32
  }
  func.func @transform_3(%arg0: i32, %arg1: i32) -> (i32, i32, i32) {
    %c0_i32 = arith.constant 0 : i32
    %c0_i32_0 = arith.constant 0 : i32
    return %arg0, %arg1, %c0_i32 : i32, i32, i32
  }
}

module attributes {stable_mosaic.version = 14 : i64} {
  func.func @_lambda_(%arg0: i32, %arg1: memref<2x2000x128xf32, #tpu.memory_space<vmem>>, %arg2: memref<2x2000x16xf32, #tpu.memory_space<vmem>>, %arg3: memref<256x256xf32, #tpu.memory_space<vmem>>, %arg4: memref<1x256xf32, #tpu.memory_space<vmem>>, %arg5: memref<1x256xf32, #tpu.memory_space<vmem>>, %arg6: memref<1x256xf32, #tpu.memory_space<vmem>>, %arg7: memref<2x256x128xf32, #tpu.memory_space<vmem>>, %arg8: memref<2x1x128xf32, #tpu.memory_space<vmem>>, %arg9: memref<2x2000x128xf32, #tpu.memory_space<vmem>>) attributes {dimension_semantics = [#tpu.dimension_semantics<arbitrary>], iteration_bounds = array<i64: 5>, scalar_prefetch = 0 : i64, scratch_operands = 0 : i64, tpu.core_type = #tpu.core_type<tc>, window_params = [{transform_indices = @transform_0, window_bounds = array<i64: 2, 2000, 128>}, {transform_indices = @transform_1, window_bounds = array<i64: 2, 2000, 16>}, {pipeline_mode = #tpu.pipeline_mode<synchronous>, transform_indices = @transform_2, window_bounds = array<i64: 256, 256>}, {pipeline_mode = #tpu.pipeline_mode<synchronous>, transform_indices = @transform_3, window_bounds = array<i64: 1, 256>}, {pipeline_mode = #tpu.pipeline_mode<synchronous>, transform_indices = @transform_4, window_bounds = array<i64: 1, 256>}, {pipeline_mode = #tpu.pipeline_mode<synchronous>, transform_indices = @transform_5, window_bounds = array<i64: 1, 256>}, {pipeline_mode = #tpu.pipeline_mode<synchronous>, transform_indices = @transform_6, window_bounds = array<i64: 2, 256, 128>}, {pipeline_mode = #tpu.pipeline_mode<synchronous>, transform_indices = @transform_7, window_bounds = array<i64: 2, 1, 128>}, {transform_indices = @transform_8, window_bounds = array<i64: 2, 2000, 128>}]} {
    %get3A = arith.constant 0 : index
    %get3A_0 = arith.constant 0 : index
    %get3A_1 = arith.constant 0 : index
    %get3A_2 = vector.load %arg1[%get3A, %get3A_0, %get3A_1] : memref<2x2000x128xf32, #tpu.memory_space<vmem>>, vector<1x2000x128xf32>
    %get3A_3 = vector.shape_cast %get3A_2 : vector<1x2000x128xf32> to vector<2000x128xf32>
    %get3A_4 = arith.constant 1 : index
    %get3A_5 = arith.constant 0 : index
    %get3A_6 = arith.constant 0 : index
    %get3A_7 = vector.load %arg1[%get3A_4, %get3A_5, %get3A_6] : memref<2x2000x128xf32, #tpu.memory_space<vmem>>, vector<1x2000x128xf32>
    %get3A_8 = vector.shape_cast %get3A_7 : vector<1x2000x128xf32> to vector<2000x128xf32>
    %concatenate3A = tpu.concatenate %get3A_3, %get3A_8 in 1 : vector<2000x128xf32>, vector<2000x128xf32> -> vector<2000x256xf32>
    %get3A_9 = arith.constant 0 : index
    %get3A_10 = arith.constant 0 : index
    %get3A_11 = arith.constant 0 : index
    %get3A_12 = vector.load %arg2[%get3A_9, %get3A_10, %get3A_11] : memref<2x2000x16xf32, #tpu.memory_space<vmem>>, vector<1x2000x1xf32>
    %get3A_13 = vector.shape_cast %get3A_12 : vector<1x2000x1xf32> to vector<2000x1xf32>
    %get3A_14 = arith.constant 1 : index
    %get3A_15 = arith.constant 0 : index
    %get3A_16 = arith.constant 0 : index
    %get3A_17 = vector.load %arg2[%get3A_14, %get3A_15, %get3A_16] : memref<2x2000x16xf32, #tpu.memory_space<vmem>>, vector<1x2000x1xf32>
    %get3A_18 = vector.shape_cast %get3A_17 : vector<1x2000x1xf32> to vector<2000x1xf32>
    %add3A = arith.addf %get3A_13, %get3A_18 : vector<2000x1xf32>
    %get3A_19 = arith.constant 0 : index
    %get3A_20 = arith.constant 0 : index
    %get3A_21 = vector.load %arg3[%get3A_19, %get3A_20] : memref<256x256xf32, #tpu.memory_space<vmem>>, vector<256x256xf32>
    %dot_general3A = arith.constant dense<0.000000e+00> : vector<2000x256xf32>
    %dot_general3A_22 = tpu.matmul %concatenate3A, %get3A_21, %dot_general3A {dimension_numbers = #tpu.dot_dimension_numbers<[1], [0], [0], [1], [0, 0, 1, 1], [], []>, transpose_lhs_hint = false} : vector<2000x256xf32>, vector<256x256xf32>, vector<2000x256xf32> -> vector<2000x256xf32>
    %get3A_23 = arith.constant 0 : index
    %get3A_24 = arith.constant 0 : index
    %get3A_25 = vector.load %arg4[%get3A_23, %get3A_24] : memref<1x256xf32, #tpu.memory_space<vmem>>, vector<1x256xf32>
    %get3A_26 = vector.shape_cast %get3A_25 : vector<1x256xf32> to vector<256xf32>
    %broadcast_in_dim3A = vector.shape_cast %get3A_26 : vector<256xf32> to vector<1x256xf32>
    %mul3A = vector.broadcast %add3A : vector<2000x1xf32> to vector<2000x256xf32>
    %mul3A_27 = vector.broadcast %broadcast_in_dim3A : vector<1x256xf32> to vector<2000x256xf32>
    %mul3A_28 = arith.mulf %mul3A, %mul3A_27 : vector<2000x256xf32>
    %add3A_29 = arith.addf %dot_general3A_22, %mul3A_28 : vector<2000x256xf32>
    %max3A = arith.constant 0.000000e+00 : f32
    %max3A_30 = vector.broadcast %max3A : f32 to vector<2000x256xf32>
    %max3A_31 = arith.maximumf %add3A_29, %max3A_30 : vector<2000x256xf32>
    %reduce_sum3A = arith.constant dense<0.000000e+00> : vector<2000xf32>
    %reduce_sum3A_32 = vector.multi_reduction <add>, %max3A_31, %reduce_sum3A [1] : vector<2000x256xf32> to vector<2000xf32>
    %broadcast_in_dim3A_33 = vector.shape_cast %reduce_sum3A_32 : vector<2000xf32> to vector<2000x1xf32>
    %div3A = arith.constant 2.560000e+02 : f32
    %div3A_34 = vector.broadcast %div3A : f32 to vector<2000x1xf32>
    %div3A_35 = arith.divf %broadcast_in_dim3A_33, %div3A_34 : vector<2000x1xf32>
    %sub3A = vector.broadcast %div3A_35 : vector<2000x1xf32> to vector<2000x256xf32>
    %sub3A_36 = arith.subf %max3A_31, %sub3A : vector<2000x256xf32>
    %integer_pow3A = arith.mulf %sub3A_36, %sub3A_36 : vector<2000x256xf32>
    %reduce_sum3A_37 = arith.constant dense<0.000000e+00> : vector<2000xf32>
    %reduce_sum3A_38 = vector.multi_reduction <add>, %integer_pow3A, %reduce_sum3A_37 [1] : vector<2000x256xf32> to vector<2000xf32>
    %broadcast_in_dim3A_39 = vector.shape_cast %reduce_sum3A_38 : vector<2000xf32> to vector<2000x1xf32>
    %div3A_40 = arith.constant 2.560000e+02 : f32
    %div3A_41 = vector.broadcast %div3A_40 : f32 to vector<2000x1xf32>
    %div3A_42 = arith.divf %broadcast_in_dim3A_39, %div3A_41 : vector<2000x1xf32>
    %sub3A_43 = vector.broadcast %div3A_35 : vector<2000x1xf32> to vector<2000x256xf32>
    %sub3A_44 = arith.subf %max3A_31, %sub3A_43 : vector<2000x256xf32>
    %add3A_45 = arith.constant 9.99999974E-6 : f32
    %add3A_46 = vector.broadcast %add3A_45 : f32 to vector<2000x1xf32>
    %add3A_47 = arith.addf %div3A_42, %add3A_46 : vector<2000x1xf32>
    %sqrt3A = math.sqrt %add3A_47 : vector<2000x1xf32>
    %div3A_48 = vector.broadcast %sqrt3A : vector<2000x1xf32> to vector<2000x256xf32>
    %div3A_49 = arith.divf %sub3A_44, %div3A_48 : vector<2000x256xf32>
    %get3A_50 = arith.constant 0 : index
    %get3A_51 = arith.constant 0 : index
    %get3A_52 = vector.load %arg5[%get3A_50, %get3A_51] : memref<1x256xf32, #tpu.memory_space<vmem>>, vector<1x256xf32>
    %get3A_53 = vector.shape_cast %get3A_52 : vector<1x256xf32> to vector<256xf32>
    %broadcast_in_dim3A_54 = vector.shape_cast %get3A_53 : vector<256xf32> to vector<1x256xf32>
    %mul3A_55 = vector.broadcast %broadcast_in_dim3A_54 : vector<1x256xf32> to vector<2000x256xf32>
    %mul3A_56 = arith.mulf %div3A_49, %mul3A_55 : vector<2000x256xf32>
    %get3A_57 = arith.constant 0 : index
    %get3A_58 = arith.constant 0 : index
    %get3A_59 = vector.load %arg6[%get3A_57, %get3A_58] : memref<1x256xf32, #tpu.memory_space<vmem>>, vector<1x256xf32>
    %get3A_60 = vector.shape_cast %get3A_59 : vector<1x256xf32> to vector<256xf32>
    %broadcast_in_dim3A_61 = vector.shape_cast %get3A_60 : vector<256xf32> to vector<1x256xf32>
    %add3A_62 = vector.broadcast %broadcast_in_dim3A_61 : vector<1x256xf32> to vector<2000x256xf32>
    %add3A_63 = arith.addf %mul3A_56, %add3A_62 : vector<2000x256xf32>
    %get3A_64 = arith.constant 0 : index
    %get3A_65 = arith.constant 0 : index
    %get3A_66 = arith.constant 0 : index
    %get3A_67 = vector.load %arg7[%get3A_64, %get3A_65, %get3A_66] : memref<2x256x128xf32, #tpu.memory_space<vmem>>, vector<1x256x128xf32>
    %get3A_68 = vector.shape_cast %get3A_67 : vector<1x256x128xf32> to vector<256x128xf32>
    %dot_general3A_69 = arith.constant dense<0.000000e+00> : vector<2000x128xf32>
    %dot_general3A_70 = tpu.matmul %add3A_63, %get3A_68, %dot_general3A_69 {dimension_numbers = #tpu.dot_dimension_numbers<[1], [0], [0], [1], [0, 0, 1, 1], [], []>, transpose_lhs_hint = false} : vector<2000x256xf32>, vector<256x128xf32>, vector<2000x128xf32> -> vector<2000x128xf32>
    %get3A_71 = arith.constant 0 : index
    %get3A_72 = arith.constant 0 : index
    %get3A_73 = arith.constant 0 : index
    %get3A_74 = vector.load %arg8[%get3A_71, %get3A_72, %get3A_73] : memref<2x1x128xf32, #tpu.memory_space<vmem>>, vector<1x1x128xf32>
    %get3A_75 = vector.shape_cast %get3A_74 : vector<1x1x128xf32> to vector<1x128xf32>
    %add3A_76 = vector.broadcast %get3A_75 : vector<1x128xf32> to vector<2000x128xf32>
    %add3A_77 = arith.addf %dot_general3A_70, %add3A_76 : vector<2000x128xf32>
    %swap3A = arith.constant 0 : index
    %swap3A_78 = arith.constant 0 : index
    %swap3A_79 = arith.constant 0 : index
    %swap3A_80 = vector.load %arg9[%swap3A, %swap3A_78, %swap3A_79] : memref<2x2000x128xf32, #tpu.memory_space<vmem>>, vector<1x2000x128xf32>
    %swap3A_81 = vector.shape_cast %swap3A_80 : vector<1x2000x128xf32> to vector<2000x128xf32>
    %swap3A_82 = vector.shape_cast %add3A_77 : vector<2000x128xf32> to vector<1x2000x128xf32>
    tpu.vector_store %arg9[%swap3A, %swap3A_78, %swap3A_79], %swap3A_82 {strides = array<i32>} : memref<2x2000x128xf32, #tpu.memory_space<vmem>>, vector<1x2000x128xf32>,
    %get3A_83 = arith.constant 1 : index
    %get3A_84 = arith.constant 0 : index
    %get3A_85 = arith.constant 0 : index
    %get3A_86 = vector.load %arg7[%get3A_83, %get3A_84, %get3A_85] : memref<2x256x128xf32, #tpu.memory_space<vmem>>, vector<1x256x128xf32>
    %get3A_87 = vector.shape_cast %get3A_86 : vector<1x256x128xf32> to vector<256x128xf32>
    %dot_general3A_88 = arith.constant dense<0.000000e+00> : vector<2000x128xf32>
    %dot_general3A_89 = tpu.matmul %add3A_63, %get3A_87, %dot_general3A_88 {dimension_numbers = #tpu.dot_dimension_numbers<[1], [0], [0], [1], [0, 0, 1, 1], [], []>, transpose_lhs_hint = false} : vector<2000x256xf32>, vector<256x128xf32>, vector<2000x128xf32> -> vector<2000x128xf32>
    %get3A_90 = arith.constant 1 : index
    %get3A_91 = arith.constant 0 : index
    %get3A_92 = arith.constant 0 : index
    %get3A_93 = vector.load %arg8[%get3A_90, %get3A_91, %get3A_92] : memref<2x1x128xf32, #tpu.memory_space<vmem>>, vector<1x1x128xf32>
    %get3A_94 = vector.shape_cast %get3A_93 : vector<1x1x128xf32> to vector<1x128xf32>
    %add3A_95 = vector.broadcast %get3A_94 : vector<1x128xf32> to vector<2000x128xf32>
    %add3A_96 = arith.addf %dot_general3A_89, %add3A_95 : vector<2000x128xf32>
    %swap3A_97 = arith.constant 1 : index
    %swap3A_98 = arith.constant 0 : index
    %swap3A_99 = arith.constant 0 : index
    %swap3A_100 = vector.load %arg9[%swap3A_97, %swap3A_98, %swap3A_99] : memref<2x2000x128xf32, #tpu.memory_space<vmem>>, vector<1x2000x128xf32>
    %swap3A_101 = vector.shape_cast %swap3A_100 : vector<1x2000x128xf32> to vector<2000x128xf32>
    %swap3A_102 = vector.shape_cast %add3A_96 : vector<2000x128xf32> to vector<1x2000x128xf32>
    tpu.vector_store %arg9[%swap3A_97, %swap3A_98, %swap3A_99], %swap3A_102 {strides = array<i32>} : memref<2x2000x128xf32, #tpu.memory_space<vmem>>, vector<1x2000x128xf32>,
    return
  }
  func.func @transform_0(%arg0: i32) -> (i32, i32, i32) {
    %c0_i32 = arith.constant 0 : i32
    %c0_i32_0 = arith.constant 0 : i32
    %c0_i32_1 = arith.constant 0 : i32
    return %c0_i32, %arg0, %c0_i32_0 : i32, i32, i32
  }
  func.func @transform_1(%arg0: i32) -> (i32, i32, i32) {
    %c0_i32 = arith.constant 0 : i32
    %c0_i32_0 = arith.constant 0 : i32
    %c0_i32_1 = arith.constant 0 : i32
    return %c0_i32, %arg0, %c0_i32_0 : i32, i32, i32
  }
  func.func @transform_2(%arg0: i32) -> (i32, i32) {
    %c0_i32 = arith.constant 0 : i32
    %c0_i32_0 = arith.constant 0 : i32
    %c0_i32_1 = arith.constant 0 : i32
    return %c0_i32, %c0_i32_0 : i32, i32
  }
  func.func @transform_3(%arg0: i32) -> (i32, i32) {
    %c0_i32 = arith.constant 0 : i32
    %c0_i32_0 = arith.constant 0 : i32
    %c0_i32_1 = arith.constant 0 : i32
    return %c0_i32, %c0_i32_0 : i32, i32
  }
  func.func @transform_4(%arg0: i32) -> (i32, i32) {
    %c0_i32 = arith.constant 0 : i32
    %c0_i32_0 = arith.constant 0 : i32
    %c0_i32_1 = arith.constant 0 : i32
    return %c0_i32, %c0_i32_0 : i32, i32
  }
  func.func @transform_5(%arg0: i32) -> (i32, i32) {
    %c0_i32 = arith.constant 0 : i32
    %c0_i32_0 = arith.constant 0 : i32
    %c0_i32_1 = arith.constant 0 : i32
    return %c0_i32, %c0_i32_0 : i32, i32
  }
  func.func @transform_6(%arg0: i32) -> (i32, i32, i32) {
    %c0_i32 = arith.constant 0 : i32
    %c0_i32_0 = arith.constant 0 : i32
    %c0_i32_1 = arith.constant 0 : i32
    %c0_i32_2 = arith.constant 0 : i32
    return %c0_i32, %c0_i32_0, %c0_i32_1 : i32, i32, i32
  }
  func.func @transform_7(%arg0: i32) -> (i32, i32, i32) {
    %c0_i32 = arith.constant 0 : i32
    %c0_i32_0 = arith.constant 0 : i32
    %c0_i32_1 = arith.constant 0 : i32
    %c0_i32_2 = arith.constant 0 : i32
    return %c0_i32, %c0_i32_0, %c0_i32_1 : i32, i32, i32
  }
  func.func @transform_8(%arg0: i32) -> (i32, i32, i32) {
    %c0_i32 = arith.constant 0 : i32
    %c0_i32_0 = arith.constant 0 : i32
    %c0_i32_1 = arith.constant 0 : i32
    return %c0_i32, %arg0, %c0_i32_0 : i32, i32, i32
  }
}

module attributes {stable_mosaic.version = 14 : i64} {
  func.func @_lambda_(%arg0: i32, %arg1: memref<2x2000x128xf32, #tpu.memory_space<vmem>>, %arg2: memref<2x2000x16xf32, #tpu.memory_space<vmem>>, %arg3: memref<128x128xf32, #tpu.memory_space<vmem>>, %arg4: memref<1x128xf32, #tpu.memory_space<vmem>>, %arg5: memref<1x128xf32, #tpu.memory_space<vmem>>, %arg6: memref<1x128xf32, #tpu.memory_space<vmem>>, %arg7: memref<2x128x128xf32, #tpu.memory_space<vmem>>, %arg8: memref<2x1x128xf32, #tpu.memory_space<vmem>>, %arg9: memref<2x2000x128xf32, #tpu.memory_space<vmem>>) attributes {dimension_semantics = [#tpu.dimension_semantics<arbitrary>], iteration_bounds = array<i64: 5>, scalar_prefetch = 0 : i64, scratch_operands = 0 : i64, tpu.core_type = #tpu.core_type<tc>, window_params = [{transform_indices = @transform_0, window_bounds = array<i64: 2, 2000, 128>}, {transform_indices = @transform_1, window_bounds = array<i64: 2, 2000, 16>}, {pipeline_mode = #tpu.pipeline_mode<synchronous>, transform_indices = @transform_2, window_bounds = array<i64: 128, 128>}, {pipeline_mode = #tpu.pipeline_mode<synchronous>, transform_indices = @transform_3, window_bounds = array<i64: 1, 128>}, {pipeline_mode = #tpu.pipeline_mode<synchronous>, transform_indices = @transform_4, window_bounds = array<i64: 1, 128>}, {pipeline_mode = #tpu.pipeline_mode<synchronous>, transform_indices = @transform_5, window_bounds = array<i64: 1, 128>}, {pipeline_mode = #tpu.pipeline_mode<synchronous>, transform_indices = @transform_6, window_bounds = array<i64: 2, 128, 128>}, {pipeline_mode = #tpu.pipeline_mode<synchronous>, transform_indices = @transform_7, window_bounds = array<i64: 2, 1, 128>}, {transform_indices = @transform_8, window_bounds = array<i64: 2, 2000, 128>}]} {
    %get3A = arith.constant 0 : index
    %get3A_0 = arith.constant 0 : index
    %get3A_1 = arith.constant 0 : index
    %get3A_2 = vector.load %arg1[%get3A, %get3A_0, %get3A_1] : memref<2x2000x128xf32, #tpu.memory_space<vmem>>, vector<1x2000x128xf32>
    %get3A_3 = vector.shape_cast %get3A_2 : vector<1x2000x128xf32> to vector<2000x128xf32>
    %get3A_4 = arith.constant 1 : index
    %get3A_5 = arith.constant 0 : index
    %get3A_6 = arith.constant 0 : index
    %get3A_7 = vector.load %arg1[%get3A_4, %get3A_5, %get3A_6] : memref<2x2000x128xf32, #tpu.memory_space<vmem>>, vector<1x2000x128xf32>
    %get3A_8 = vector.shape_cast %get3A_7 : vector<1x2000x128xf32> to vector<2000x128xf32>
    %add3A = arith.addf %get3A_3, %get3A_8 : vector<2000x128xf32>
    %get3A_9 = arith.constant 0 : index
    %get3A_10 = arith.constant 0 : index
    %get3A_11 = arith.constant 0 : index
    %get3A_12 = vector.load %arg2[%get3A_9, %get3A_10, %get3A_11] : memref<2x2000x16xf32, #tpu.memory_space<vmem>>, vector<1x2000x1xf32>
    %get3A_13 = vector.shape_cast %get3A_12 : vector<1x2000x1xf32> to vector<2000x1xf32>
    %get3A_14 = arith.constant 1 : index
    %get3A_15 = arith.constant 0 : index
    %get3A_16 = arith.constant 0 : index
    %get3A_17 = vector.load %arg2[%get3A_14, %get3A_15, %get3A_16] : memref<2x2000x16xf32, #tpu.memory_space<vmem>>, vector<1x2000x1xf32>
    %get3A_18 = vector.shape_cast %get3A_17 : vector<1x2000x1xf32> to vector<2000x1xf32>
    %add3A_19 = arith.addf %get3A_13, %get3A_18 : vector<2000x1xf32>
    %get3A_20 = arith.constant 0 : index
    %get3A_21 = arith.constant 0 : index
    %get3A_22 = vector.load %arg3[%get3A_20, %get3A_21] : memref<128x128xf32, #tpu.memory_space<vmem>>, vector<128x128xf32>
    %dot_general3A = arith.constant dense<0.000000e+00> : vector<2000x128xf32>
    %dot_general3A_23 = tpu.matmul %add3A, %get3A_22, %dot_general3A {dimension_numbers = #tpu.dot_dimension_numbers<[1], [0], [0], [1], [0, 0, 1, 1], [], []>, transpose_lhs_hint = false} : vector<2000x128xf32>, vector<128x128xf32>, vector<2000x128xf32> -> vector<2000x128xf32>
    %get3A_24 = arith.constant 0 : index
    %get3A_25 = arith.constant 0 : index
    %get3A_26 = vector.load %arg4[%get3A_24, %get3A_25] : memref<1x128xf32, #tpu.memory_space<vmem>>, vector<1x128xf32>
    %get3A_27 = vector.shape_cast %get3A_26 : vector<1x128xf32> to vector<128xf32>
    %broadcast_in_dim3A = vector.shape_cast %get3A_27 : vector<128xf32> to vector<1x128xf32>
    %mul3A = vector.broadcast %add3A_19 : vector<2000x1xf32> to vector<2000x128xf32>
    %mul3A_28 = vector.broadcast %broadcast_in_dim3A : vector<1x128xf32> to vector<2000x128xf32>
    %mul3A_29 = arith.mulf %mul3A, %mul3A_28 : vector<2000x128xf32>
    %add3A_30 = arith.addf %dot_general3A_23, %mul3A_29 : vector<2000x128xf32>
    %max3A = arith.constant 0.000000e+00 : f32
    %max3A_31 = vector.broadcast %max3A : f32 to vector<2000x128xf32>
    %max3A_32 = arith.maximumf %add3A_30, %max3A_31 : vector<2000x128xf32>
    %reduce_sum3A = arith.constant dense<0.000000e+00> : vector<2000xf32>
    %reduce_sum3A_33 = vector.multi_reduction <add>, %max3A_32, %reduce_sum3A [1] : vector<2000x128xf32> to vector<2000xf32>
    %broadcast_in_dim3A_34 = vector.shape_cast %reduce_sum3A_33 : vector<2000xf32> to vector<2000x1xf32>
    %div3A = arith.constant 1.280000e+02 : f32
    %div3A_35 = vector.broadcast %div3A : f32 to vector<2000x1xf32>
    %div3A_36 = arith.divf %broadcast_in_dim3A_34, %div3A_35 : vector<2000x1xf32>
    %sub3A = vector.broadcast %div3A_36 : vector<2000x1xf32> to vector<2000x128xf32>
    %sub3A_37 = arith.subf %max3A_32, %sub3A : vector<2000x128xf32>
    %integer_pow3A = arith.mulf %sub3A_37, %sub3A_37 : vector<2000x128xf32>
    %reduce_sum3A_38 = arith.constant dense<0.000000e+00> : vector<2000xf32>
    %reduce_sum3A_39 = vector.multi_reduction <add>, %integer_pow3A, %reduce_sum3A_38 [1] : vector<2000x128xf32> to vector<2000xf32>
    %broadcast_in_dim3A_40 = vector.shape_cast %reduce_sum3A_39 : vector<2000xf32> to vector<2000x1xf32>
    %div3A_41 = arith.constant 1.280000e+02 : f32
    %div3A_42 = vector.broadcast %div3A_41 : f32 to vector<2000x1xf32>
    %div3A_43 = arith.divf %broadcast_in_dim3A_40, %div3A_42 : vector<2000x1xf32>
    %sub3A_44 = vector.broadcast %div3A_36 : vector<2000x1xf32> to vector<2000x128xf32>
    %sub3A_45 = arith.subf %max3A_32, %sub3A_44 : vector<2000x128xf32>
    %add3A_46 = arith.constant 9.99999974E-6 : f32
    %add3A_47 = vector.broadcast %add3A_46 : f32 to vector<2000x1xf32>
    %add3A_48 = arith.addf %div3A_43, %add3A_47 : vector<2000x1xf32>
    %sqrt3A = math.sqrt %add3A_48 : vector<2000x1xf32>
    %div3A_49 = vector.broadcast %sqrt3A : vector<2000x1xf32> to vector<2000x128xf32>
    %div3A_50 = arith.divf %sub3A_45, %div3A_49 : vector<2000x128xf32>
    %get3A_51 = arith.constant 0 : index
    %get3A_52 = arith.constant 0 : index
    %get3A_53 = vector.load %arg5[%get3A_51, %get3A_52] : memref<1x128xf32, #tpu.memory_space<vmem>>, vector<1x128xf32>
    %get3A_54 = vector.shape_cast %get3A_53 : vector<1x128xf32> to vector<128xf32>
    %broadcast_in_dim3A_55 = vector.shape_cast %get3A_54 : vector<128xf32> to vector<1x128xf32>
    %mul3A_56 = vector.broadcast %broadcast_in_dim3A_55 : vector<1x128xf32> to vector<2000x128xf32>
    %mul3A_57 = arith.mulf %div3A_50, %mul3A_56 : vector<2000x128xf32>
    %get3A_58 = arith.constant 0 : index
    %get3A_59 = arith.constant 0 : index
    %get3A_60 = vector.load %arg6[%get3A_58, %get3A_59] : memref<1x128xf32, #tpu.memory_space<vmem>>, vector<1x128xf32>
    %get3A_61 = vector.shape_cast %get3A_60 : vector<1x128xf32> to vector<128xf32>
    %broadcast_in_dim3A_62 = vector.shape_cast %get3A_61 : vector<128xf32> to vector<1x128xf32>
    %add3A_63 = vector.broadcast %broadcast_in_dim3A_62 : vector<1x128xf32> to vector<2000x128xf32>
    %add3A_64 = arith.addf %mul3A_57, %add3A_63 : vector<2000x128xf32>
    %get3A_65 = arith.constant 0 : index
    %get3A_66 = arith.constant 0 : index
    %get3A_67 = arith.constant 0 : index
    %get3A_68 = vector.load %arg7[%get3A_65, %get3A_66, %get3A_67] : memref<2x128x128xf32, #tpu.memory_space<vmem>>, vector<1x128x128xf32>
    %get3A_69 = vector.shape_cast %get3A_68 : vector<1x128x128xf32> to vector<128x128xf32>
    %dot_general3A_70 = arith.constant dense<0.000000e+00> : vector<2000x128xf32>
    %dot_general3A_71 = tpu.matmul %add3A_64, %get3A_69, %dot_general3A_70 {dimension_numbers = #tpu.dot_dimension_numbers<[1], [0], [0], [1], [0, 0, 1, 1], [], []>, transpose_lhs_hint = false} : vector<2000x128xf32>, vector<128x128xf32>, vector<2000x128xf32> -> vector<2000x128xf32>
    %get3A_72 = arith.constant 0 : index
    %get3A_73 = arith.constant 0 : index
    %get3A_74 = arith.constant 0 : index
    %get3A_75 = vector.load %arg8[%get3A_72, %get3A_73, %get3A_74] : memref<2x1x128xf32, #tpu.memory_space<vmem>>, vector<1x1x128xf32>
    %get3A_76 = vector.shape_cast %get3A_75 : vector<1x1x128xf32> to vector<1x128xf32>
    %add3A_77 = vector.broadcast %get3A_76 : vector<1x128xf32> to vector<2000x128xf32>
    %add3A_78 = arith.addf %dot_general3A_71, %add3A_77 : vector<2000x128xf32>
    %swap3A = arith.constant 0 : index
    %swap3A_79 = arith.constant 0 : index
    %swap3A_80 = arith.constant 0 : index
    %swap3A_81 = vector.load %arg9[%swap3A, %swap3A_79, %swap3A_80] : memref<2x2000x128xf32, #tpu.memory_space<vmem>>, vector<1x2000x128xf32>
    %swap3A_82 = vector.shape_cast %swap3A_81 : vector<1x2000x128xf32> to vector<2000x128xf32>
    %swap3A_83 = vector.shape_cast %add3A_78 : vector<2000x128xf32> to vector<1x2000x128xf32>
    tpu.vector_store %arg9[%swap3A, %swap3A_79, %swap3A_80], %swap3A_83 {strides = array<i32>} : memref<2x2000x128xf32, #tpu.memory_space<vmem>>, vector<1x2000x128xf32>,
    %get3A_84 = arith.constant 1 : index
    %get3A_85 = arith.constant 0 : index
    %get3A_86 = arith.constant 0 : index
    %get3A_87 = vector.load %arg7[%get3A_84, %get3A_85, %get3A_86] : memref<2x128x128xf32, #tpu.memory_space<vmem>>, vector<1x128x128xf32>
    %get3A_88 = vector.shape_cast %get3A_87 : vector<1x128x128xf32> to vector<128x128xf32>
    %dot_general3A_89 = arith.constant dense<0.000000e+00> : vector<2000x128xf32>
    %dot_general3A_90 = tpu.matmul %add3A_64, %get3A_88, %dot_general3A_89 {dimension_numbers = #tpu.dot_dimension_numbers<[1], [0], [0], [1], [0, 0, 1, 1], [], []>, transpose_lhs_hint = false} : vector<2000x128xf32>, vector<128x128xf32>, vector<2000x128xf32> -> vector<2000x128xf32>
    %get3A_91 = arith.constant 1 : index
    %get3A_92 = arith.constant 0 : index
    %get3A_93 = arith.constant 0 : index
    %get3A_94 = vector.load %arg8[%get3A_91, %get3A_92, %get3A_93] : memref<2x1x128xf32, #tpu.memory_space<vmem>>, vector<1x1x128xf32>
    %get3A_95 = vector.shape_cast %get3A_94 : vector<1x1x128xf32> to vector<1x128xf32>
    %add3A_96 = vector.broadcast %get3A_95 : vector<1x128xf32> to vector<2000x128xf32>
    %add3A_97 = arith.addf %dot_general3A_90, %add3A_96 : vector<2000x128xf32>
    %swap3A_98 = arith.constant 1 : index
    %swap3A_99 = arith.constant 0 : index
    %swap3A_100 = arith.constant 0 : index
    %swap3A_101 = vector.load %arg9[%swap3A_98, %swap3A_99, %swap3A_100] : memref<2x2000x128xf32, #tpu.memory_space<vmem>>, vector<1x2000x128xf32>
    %swap3A_102 = vector.shape_cast %swap3A_101 : vector<1x2000x128xf32> to vector<2000x128xf32>
    %swap3A_103 = vector.shape_cast %add3A_97 : vector<2000x128xf32> to vector<1x2000x128xf32>
    tpu.vector_store %arg9[%swap3A_98, %swap3A_99, %swap3A_100], %swap3A_103 {strides = array<i32>} : memref<2x2000x128xf32, #tpu.memory_space<vmem>>, vector<1x2000x128xf32>,
    return
  }
  func.func @transform_0(%arg0: i32) -> (i32, i32, i32) {
    %c0_i32 = arith.constant 0 : i32
    %c0_i32_0 = arith.constant 0 : i32
    %c0_i32_1 = arith.constant 0 : i32
    return %c0_i32, %arg0, %c0_i32_0 : i32, i32, i32
  }
  func.func @transform_1(%arg0: i32) -> (i32, i32, i32) {
    %c0_i32 = arith.constant 0 : i32
    %c0_i32_0 = arith.constant 0 : i32
    %c0_i32_1 = arith.constant 0 : i32
    return %c0_i32, %arg0, %c0_i32_0 : i32, i32, i32
  }
  func.func @transform_2(%arg0: i32) -> (i32, i32) {
    %c0_i32 = arith.constant 0 : i32
    %c0_i32_0 = arith.constant 0 : i32
    %c0_i32_1 = arith.constant 0 : i32
    return %c0_i32, %c0_i32_0 : i32, i32
  }
  func.func @transform_3(%arg0: i32) -> (i32, i32) {
    %c0_i32 = arith.constant 0 : i32
    %c0_i32_0 = arith.constant 0 : i32
    %c0_i32_1 = arith.constant 0 : i32
    return %c0_i32, %c0_i32_0 : i32, i32
  }
  func.func @transform_4(%arg0: i32) -> (i32, i32) {
    %c0_i32 = arith.constant 0 : i32
    %c0_i32_0 = arith.constant 0 : i32
    %c0_i32_1 = arith.constant 0 : i32
    return %c0_i32, %c0_i32_0 : i32, i32
  }
  func.func @transform_5(%arg0: i32) -> (i32, i32) {
    %c0_i32 = arith.constant 0 : i32
    %c0_i32_0 = arith.constant 0 : i32
    %c0_i32_1 = arith.constant 0 : i32
    return %c0_i32, %c0_i32_0 : i32, i32
  }
  func.func @transform_6(%arg0: i32) -> (i32, i32, i32) {
    %c0_i32 = arith.constant 0 : i32
    %c0_i32_0 = arith.constant 0 : i32
    %c0_i32_1 = arith.constant 0 : i32
    %c0_i32_2 = arith.constant 0 : i32
    return %c0_i32, %c0_i32_0, %c0_i32_1 : i32, i32, i32
  }
  func.func @transform_7(%arg0: i32) -> (i32, i32, i32) {
    %c0_i32 = arith.constant 0 : i32
    %c0_i32_0 = arith.constant 0 : i32
    %c0_i32_1 = arith.constant 0 : i32
    %c0_i32_2 = arith.constant 0 : i32
    return %c0_i32, %c0_i32_0, %c0_i32_1 : i32, i32, i32
  }
  func.func @transform_8(%arg0: i32) -> (i32, i32, i32) {
    %c0_i32 = arith.constant 0 : i32
    %c0_i32_0 = arith.constant 0 : i32
    %c0_i32_1 = arith.constant 0 : i32
    return %c0_i32, %arg0, %c0_i32_0 : i32, i32, i32
  }
}

module attributes {stable_mosaic.version = 14 : i64} {
  func.func @_post_body(%arg0: i32, %arg1: memref<2x2000x128xf32, #tpu.memory_space<vmem>>, %arg2: memref<2x2000x16xf32, #tpu.memory_space<vmem>>, %arg3: memref<128x128xf32, #tpu.memory_space<vmem>>, %arg4: memref<1x128xf32, #tpu.memory_space<vmem>>, %arg5: memref<1x128xf32, #tpu.memory_space<vmem>>, %arg6: memref<1x128xf32, #tpu.memory_space<vmem>>, %arg7: memref<2000x128xf32, #tpu.memory_space<vmem>>, %arg8: memref<128x256xf32, #tpu.memory_space<vmem>>, %arg9: memref<1x256xf32, #tpu.memory_space<vmem>>, %arg10: memref<256x256xf32, #tpu.memory_space<vmem>>, %arg11: memref<1x256xf32, #tpu.memory_space<vmem>>, %arg12: memref<256x128xf32, #tpu.memory_space<vmem>>, %arg13: memref<1x128xf32, #tpu.memory_space<vmem>>, %arg14: memref<128x128xf32, #tpu.memory_space<vmem>>, %arg15: memref<1x128xf32, #tpu.memory_space<vmem>>, %arg16: memref<2000x128xf32, #tpu.memory_space<vmem>>) attributes {dimension_semantics = [#tpu.dimension_semantics<arbitrary>], iteration_bounds = array<i64: 5>, scalar_prefetch = 0 : i64, scratch_operands = 0 : i64, tpu.core_type = #tpu.core_type<tc>, window_params = [{transform_indices = @transform_0, window_bounds = array<i64: 2, 2000, 128>}, {transform_indices = @transform_1, window_bounds = array<i64: 2, 2000, 16>}, {pipeline_mode = #tpu.pipeline_mode<synchronous>, transform_indices = @transform_2, window_bounds = array<i64: 128, 128>}, {pipeline_mode = #tpu.pipeline_mode<synchronous>, transform_indices = @transform_3, window_bounds = array<i64: 1, 128>}, {pipeline_mode = #tpu.pipeline_mode<synchronous>, transform_indices = @transform_4, window_bounds = array<i64: 1, 128>}, {pipeline_mode = #tpu.pipeline_mode<synchronous>, transform_indices = @transform_5, window_bounds = array<i64: 1, 128>}, {transform_indices = @transform_6, window_bounds = array<i64: 2000, 128>}, {pipeline_mode = #tpu.pipeline_mode<synchronous>, transform_indices = @transform_7, window_bounds = array<i64: 128, 256>}, {pipeline_mode = #tpu.pipeline_mode<synchronous>, transform_indices = @transform_8, window_bounds = array<i64: 1, 256>}, {pipeline_mode = #tpu.pipeline_mode<synchronous>, transform_indices = @transform_9, window_bounds = array<i64: 256, 256>}, {pipeline_mode = #tpu.pipeline_mode<synchronous>, transform_indices = @transform_10, window_bounds = array<i64: 1, 256>}, {pipeline_mode = #tpu.pipeline_mode<synchronous>, transform_indices = @transform_11, window_bounds = array<i64: 256, 128>}, {pipeline_mode = #tpu.pipeline_mode<synchronous>, transform_indices = @transform_12, window_bounds = array<i64: 1, 128>}, {pipeline_mode = #tpu.pipeline_mode<synchronous>, transform_indices = @transform_13, window_bounds = array<i64: 128, 128>}, {pipeline_mode = #tpu.pipeline_mode<synchronous>, transform_indices = @transform_14, window_bounds = array<i64: 1, 128>}, {transform_indices = @transform_15, window_bounds = array<i64: 2000, 128>}]} {
    %get3A = arith.constant 0 : index
    %get3A_0 = arith.constant 0 : index
    %get3A_1 = arith.constant 0 : index
    %get3A_2 = vector.load %arg1[%get3A, %get3A_0, %get3A_1] : memref<2x2000x128xf32, #tpu.memory_space<vmem>>, vector<1x2000x128xf32>
    %get3A_3 = vector.shape_cast %get3A_2 : vector<1x2000x128xf32> to vector<2000x128xf32>
    %get3A_4 = arith.constant 1 : index
    %get3A_5 = arith.constant 0 : index
    %get3A_6 = arith.constant 0 : index
    %get3A_7 = vector.load %arg1[%get3A_4, %get3A_5, %get3A_6] : memref<2x2000x128xf32, #tpu.memory_space<vmem>>, vector<1x2000x128xf32>
    %get3A_8 = vector.shape_cast %get3A_7 : vector<1x2000x128xf32> to vector<2000x128xf32>
    %add3A = arith.addf %get3A_3, %get3A_8 : vector<2000x128xf32>
    %get3A_9 = arith.constant 0 : index
    %get3A_10 = arith.constant 0 : index
    %get3A_11 = arith.constant 0 : index
    %get3A_12 = vector.load %arg2[%get3A_9, %get3A_10, %get3A_11] : memref<2x2000x16xf32, #tpu.memory_space<vmem>>, vector<1x2000x1xf32>
    %get3A_13 = vector.shape_cast %get3A_12 : vector<1x2000x1xf32> to vector<2000x1xf32>
    %get3A_14 = arith.constant 1 : index
    %get3A_15 = arith.constant 0 : index
    %get3A_16 = arith.constant 0 : index
    %get3A_17 = vector.load %arg2[%get3A_14, %get3A_15, %get3A_16] : memref<2x2000x16xf32, #tpu.memory_space<vmem>>, vector<1x2000x1xf32>
    %get3A_18 = vector.shape_cast %get3A_17 : vector<1x2000x1xf32> to vector<2000x1xf32>
    %add3A_19 = arith.addf %get3A_13, %get3A_18 : vector<2000x1xf32>
    %get3A_20 = arith.constant 0 : index
    %get3A_21 = arith.constant 0 : index
    %get3A_22 = vector.load %arg3[%get3A_20, %get3A_21] : memref<128x128xf32, #tpu.memory_space<vmem>>, vector<128x128xf32>
    %dot_general3A = arith.constant dense<0.000000e+00> : vector<2000x128xf32>
    %dot_general3A_23 = tpu.matmul %add3A, %get3A_22, %dot_general3A {dimension_numbers = #tpu.dot_dimension_numbers<[1], [0], [0], [1], [0, 0, 1, 1], [], []>, transpose_lhs_hint = false} : vector<2000x128xf32>, vector<128x128xf32>, vector<2000x128xf32> -> vector<2000x128xf32>
    %get3A_24 = arith.constant 0 : index
    %get3A_25 = arith.constant 0 : index
    %get3A_26 = vector.load %arg4[%get3A_24, %get3A_25] : memref<1x128xf32, #tpu.memory_space<vmem>>, vector<1x128xf32>
    %get3A_27 = vector.shape_cast %get3A_26 : vector<1x128xf32> to vector<128xf32>
    %broadcast_in_dim3A = vector.shape_cast %get3A_27 : vector<128xf32> to vector<1x128xf32>
    %mul3A = vector.broadcast %add3A_19 : vector<2000x1xf32> to vector<2000x128xf32>
    %mul3A_28 = vector.broadcast %broadcast_in_dim3A : vector<1x128xf32> to vector<2000x128xf32>
    %mul3A_29 = arith.mulf %mul3A, %mul3A_28 : vector<2000x128xf32>
    %add3A_30 = arith.addf %dot_general3A_23, %mul3A_29 : vector<2000x128xf32>
    %max3A = arith.constant 0.000000e+00 : f32
    %max3A_31 = vector.broadcast %max3A : f32 to vector<2000x128xf32>
    %max3A_32 = arith.maximumf %add3A_30, %max3A_31 : vector<2000x128xf32>
    %reduce_sum3A = arith.constant dense<0.000000e+00> : vector<2000xf32>
    %reduce_sum3A_33 = vector.multi_reduction <add>, %max3A_32, %reduce_sum3A [1] : vector<2000x128xf32> to vector<2000xf32>
    %broadcast_in_dim3A_34 = vector.shape_cast %reduce_sum3A_33 : vector<2000xf32> to vector<2000x1xf32>
    %div3A = arith.constant 1.280000e+02 : f32
    %div3A_35 = vector.broadcast %div3A : f32 to vector<2000x1xf32>
    %div3A_36 = arith.divf %broadcast_in_dim3A_34, %div3A_35 : vector<2000x1xf32>
    %sub3A = vector.broadcast %div3A_36 : vector<2000x1xf32> to vector<2000x128xf32>
    %sub3A_37 = arith.subf %max3A_32, %sub3A : vector<2000x128xf32>
    %integer_pow3A = arith.mulf %sub3A_37, %sub3A_37 : vector<2000x128xf32>
    %reduce_sum3A_38 = arith.constant dense<0.000000e+00> : vector<2000xf32>
    %reduce_sum3A_39 = vector.multi_reduction <add>, %integer_pow3A, %reduce_sum3A_38 [1] : vector<2000x128xf32> to vector<2000xf32>
    %broadcast_in_dim3A_40 = vector.shape_cast %reduce_sum3A_39 : vector<2000xf32> to vector<2000x1xf32>
    %div3A_41 = arith.constant 1.280000e+02 : f32
    %div3A_42 = vector.broadcast %div3A_41 : f32 to vector<2000x1xf32>
    %div3A_43 = arith.divf %broadcast_in_dim3A_40, %div3A_42 : vector<2000x1xf32>
    %sub3A_44 = vector.broadcast %div3A_36 : vector<2000x1xf32> to vector<2000x128xf32>
    %sub3A_45 = arith.subf %max3A_32, %sub3A_44 : vector<2000x128xf32>
    %add3A_46 = arith.constant 9.99999974E-6 : f32
    %add3A_47 = vector.broadcast %add3A_46 : f32 to vector<2000x1xf32>
    %add3A_48 = arith.addf %div3A_43, %add3A_47 : vector<2000x1xf32>
    %sqrt3A = math.sqrt %add3A_48 : vector<2000x1xf32>
    %div3A_49 = vector.broadcast %sqrt3A : vector<2000x1xf32> to vector<2000x128xf32>
    %div3A_50 = arith.divf %sub3A_45, %div3A_49 : vector<2000x128xf32>
    %get3A_51 = arith.constant 0 : index
    %get3A_52 = arith.constant 0 : index
    %get3A_53 = vector.load %arg5[%get3A_51, %get3A_52] : memref<1x128xf32, #tpu.memory_space<vmem>>, vector<1x128xf32>
    %get3A_54 = vector.shape_cast %get3A_53 : vector<1x128xf32> to vector<128xf32>
    %broadcast_in_dim3A_55 = vector.shape_cast %get3A_54 : vector<128xf32> to vector<1x128xf32>
    %mul3A_56 = vector.broadcast %broadcast_in_dim3A_55 : vector<1x128xf32> to vector<2000x128xf32>
    %mul3A_57 = arith.mulf %div3A_50, %mul3A_56 : vector<2000x128xf32>
    %get3A_58 = arith.constant 0 : index
    %get3A_59 = arith.constant 0 : index
    %get3A_60 = vector.load %arg6[%get3A_58, %get3A_59] : memref<1x128xf32, #tpu.memory_space<vmem>>, vector<1x128xf32>
    %get3A_61 = vector.shape_cast %get3A_60 : vector<1x128xf32> to vector<128xf32>
    %broadcast_in_dim3A_62 = vector.shape_cast %get3A_61 : vector<128xf32> to vector<1x128xf32>
    %add3A_63 = vector.broadcast %broadcast_in_dim3A_62 : vector<1x128xf32> to vector<2000x128xf32>
    %add3A_64 = arith.addf %mul3A_57, %add3A_63 : vector<2000x128xf32>
    %get3A_65 = arith.constant 0 : index
    %get3A_66 = arith.constant 0 : index
    %get3A_67 = vector.load %arg7[%get3A_65, %get3A_66] : memref<2000x128xf32, #tpu.memory_space<vmem>>, vector<2000x128xf32>
    %get3A_68 = arith.constant 0 : index
    %get3A_69 = arith.constant 0 : index
    %get3A_70 = vector.load %arg8[%get3A_68, %get3A_69] : memref<128x256xf32, #tpu.memory_space<vmem>>, vector<128x256xf32>
    %dot_general3A_71 = arith.constant dense<0.000000e+00> : vector<2000x256xf32>
    %dot_general3A_72 = tpu.matmul %get3A_67, %get3A_70, %dot_general3A_71 {dimension_numbers = #tpu.dot_dimension_numbers<[1], [0], [0], [1], [0, 0, 1, 1], [], []>, transpose_lhs_hint = false} : vector<2000x128xf32>, vector<128x256xf32>, vector<2000x256xf32> -> vector<2000x256xf32>
    %get3A_73 = arith.constant 0 : index
    %get3A_74 = arith.constant 0 : index
    %get3A_75 = vector.load %arg9[%get3A_73, %get3A_74] : memref<1x256xf32, #tpu.memory_space<vmem>>, vector<1x256xf32>
    %get3A_76 = vector.shape_cast %get3A_75 : vector<1x256xf32> to vector<256xf32>
    %broadcast_in_dim3A_77 = vector.shape_cast %get3A_76 : vector<256xf32> to vector<1x256xf32>
    %add3A_78 = vector.broadcast %broadcast_in_dim3A_77 : vector<1x256xf32> to vector<2000x256xf32>
    %add3A_79 = arith.addf %dot_general3A_72, %add3A_78 : vector<2000x256xf32>
    %max3A_80 = arith.constant 0.000000e+00 : f32
    %max3A_81 = vector.broadcast %max3A_80 : f32 to vector<2000x256xf32>
    %max3A_82 = arith.maximumf %add3A_79, %max3A_81 : vector<2000x256xf32>
    %get3A_83 = arith.constant 0 : index
    %get3A_84 = arith.constant 0 : index
    %get3A_85 = vector.load %arg10[%get3A_83, %get3A_84] : memref<256x256xf32, #tpu.memory_space<vmem>>, vector<256x256xf32>
    %dot_general3A_86 = arith.constant dense<0.000000e+00> : vector<2000x256xf32>
    %dot_general3A_87 = tpu.matmul %max3A_82, %get3A_85, %dot_general3A_86 {dimension_numbers = #tpu.dot_dimension_numbers<[1], [0], [0], [1], [0, 0, 1, 1], [], []>, transpose_lhs_hint = false} : vector<2000x256xf32>, vector<256x256xf32>, vector<2000x256xf32> -> vector<2000x256xf32>
    %get3A_88 = arith.constant 0 : index
    %get3A_89 = arith.constant 0 : index
    %get3A_90 = vector.load %arg11[%get3A_88, %get3A_89] : memref<1x256xf32, #tpu.memory_space<vmem>>, vector<1x256xf32>
    %get3A_91 = vector.shape_cast %get3A_90 : vector<1x256xf32> to vector<256xf32>
    %broadcast_in_dim3A_92 = vector.shape_cast %get3A_91 : vector<256xf32> to vector<1x256xf32>
    %add3A_93 = vector.broadcast %broadcast_in_dim3A_92 : vector<1x256xf32> to vector<2000x256xf32>
    %add3A_94 = arith.addf %dot_general3A_87, %add3A_93 : vector<2000x256xf32>
    %max3A_95 = arith.constant 0.000000e+00 : f32
    %max3A_96 = vector.broadcast %max3A_95 : f32 to vector<2000x256xf32>
    %max3A_97 = arith.maximumf %add3A_94, %max3A_96 : vector<2000x256xf32>
    %get3A_98 = arith.constant 0 : index
    %get3A_99 = arith.constant 0 : index
    %get3A_100 = vector.load %arg12[%get3A_98, %get3A_99] : memref<256x128xf32, #tpu.memory_space<vmem>>, vector<256x128xf32>
    %dot_general3A_101 = arith.constant dense<0.000000e+00> : vector<2000x128xf32>
    %dot_general3A_102 = tpu.matmul %max3A_97, %get3A_100, %dot_general3A_101 {dimension_numbers = #tpu.dot_dimension_numbers<[1], [0], [0], [1], [0, 0, 1, 1], [], []>, transpose_lhs_hint = false} : vector<2000x256xf32>, vector<256x128xf32>, vector<2000x128xf32> -> vector<2000x128xf32>
    %get3A_103 = arith.constant 0 : index
    %get3A_104 = arith.constant 0 : index
    %get3A_105 = vector.load %arg13[%get3A_103, %get3A_104] : memref<1x128xf32, #tpu.memory_space<vmem>>, vector<1x128xf32>
    %get3A_106 = vector.shape_cast %get3A_105 : vector<1x128xf32> to vector<128xf32>
    %broadcast_in_dim3A_107 = vector.shape_cast %get3A_106 : vector<128xf32> to vector<1x128xf32>
    %add3A_108 = vector.broadcast %broadcast_in_dim3A_107 : vector<1x128xf32> to vector<2000x128xf32>
    %add3A_109 = arith.addf %dot_general3A_102, %add3A_108 : vector<2000x128xf32>
    %max3A_110 = arith.constant 0.000000e+00 : f32
    %max3A_111 = vector.broadcast %max3A_110 : f32 to vector<2000x128xf32>
    %max3A_112 = arith.maximumf %add3A_109, %max3A_111 : vector<2000x128xf32>
    %get3A_113 = arith.constant 0 : index
    %get3A_114 = arith.constant 0 : index
    %get3A_115 = vector.load %arg14[%get3A_113, %get3A_114] : memref<128x128xf32, #tpu.memory_space<vmem>>, vector<128x128xf32>
    %dot_general3A_116 = arith.constant dense<0.000000e+00> : vector<2000x128xf32>
    %dot_general3A_117 = tpu.matmul %max3A_112, %get3A_115, %dot_general3A_116 {dimension_numbers = #tpu.dot_dimension_numbers<[1], [0], [0], [1], [0, 0, 1, 1], [], []>, transpose_lhs_hint = false} : vector<2000x128xf32>, vector<128x128xf32>, vector<2000x128xf32> -> vector<2000x128xf32>
    %get3A_118 = arith.constant 0 : index
    %get3A_119 = arith.constant 0 : index
    %get3A_120 = vector.load %arg15[%get3A_118, %get3A_119] : memref<1x128xf32, #tpu.memory_space<vmem>>, vector<1x128xf32>
    %get3A_121 = vector.shape_cast %get3A_120 : vector<1x128xf32> to vector<128xf32>
    %broadcast_in_dim3A_122 = vector.shape_cast %get3A_121 : vector<128xf32> to vector<1x128xf32>
    %add3A_123 = vector.broadcast %broadcast_in_dim3A_122 : vector<1x128xf32> to vector<2000x128xf32>
    %add3A_124 = arith.addf %dot_general3A_117, %add3A_123 : vector<2000x128xf32>
    %add3A_125 = arith.addf %add3A_64, %add3A_124 : vector<2000x128xf32>
    %mul3A_126 = arith.constant 5.000000e-01 : f32
    %mul3A_127 = vector.broadcast %mul3A_126 : f32 to vector<2000x128xf32>
    %mul3A_128 = arith.mulf %add3A_125, %mul3A_127 : vector<2000x128xf32>
    %swap3A = arith.constant 0 : index
    %swap3A_129 = arith.constant 0 : index
    %swap3A_130 = vector.load %arg16[%swap3A, %swap3A_129] : memref<2000x128xf32, #tpu.memory_space<vmem>>, vector<2000x128xf32>
    tpu.vector_store %arg16[%swap3A, %swap3A_129], %mul3A_128 {strides = array<i32>} : memref<2000x128xf32, #tpu.memory_space<vmem>>, vector<2000x128xf32>,
    return
  }
  func.func @transform_0(%arg0: i32) -> (i32, i32, i32) {
    %c0_i32 = arith.constant 0 : i32
    %c0_i32_0 = arith.constant 0 : i32
    %c0_i32_1 = arith.constant 0 : i32
    return %c0_i32, %arg0, %c0_i32_0 : i32, i32, i32
  }
  func.func @transform_1(%arg0: i32) -> (i32, i32, i32) {
    %c0_i32 = arith.constant 0 : i32
    %c0_i32_0 = arith.constant 0 : i32
    %c0_i32_1 = arith.constant 0 : i32
    return %c0_i32, %arg0, %c0_i32_0 : i32, i32, i32
  }
  func.func @transform_2(%arg0: i32) -> (i32, i32) {
    %c0_i32 = arith.constant 0 : i32
    %c0_i32_0 = arith.constant 0 : i32
    %c0_i32_1 = arith.constant 0 : i32
    return %c0_i32, %c0_i32_0 : i32, i32
  }
  func.func @transform_3(%arg0: i32) -> (i32, i32) {
    %c0_i32 = arith.constant 0 : i32
    %c0_i32_0 = arith.constant 0 : i32
    %c0_i32_1 = arith.constant 0 : i32
    return %c0_i32, %c0_i32_0 : i32, i32
  }
  func.func @transform_4(%arg0: i32) -> (i32, i32) {
    %c0_i32 = arith.constant 0 : i32
    %c0_i32_0 = arith.constant 0 : i32
    %c0_i32_1 = arith.constant 0 : i32
    return %c0_i32, %c0_i32_0 : i32, i32
  }
  func.func @transform_5(%arg0: i32) -> (i32, i32) {
    %c0_i32 = arith.constant 0 : i32
    %c0_i32_0 = arith.constant 0 : i32
    %c0_i32_1 = arith.constant 0 : i32
    return %c0_i32, %c0_i32_0 : i32, i32
  }
  func.func @transform_6(%arg0: i32) -> (i32, i32) {
    %c0_i32 = arith.constant 0 : i32
    %c0_i32_0 = arith.constant 0 : i32
    return %arg0, %c0_i32 : i32, i32
  }
  func.func @transform_7(%arg0: i32) -> (i32, i32) {
    %c0_i32 = arith.constant 0 : i32
    %c0_i32_0 = arith.constant 0 : i32
    %c0_i32_1 = arith.constant 0 : i32
    return %c0_i32, %c0_i32_0 : i32, i32
  }
  func.func @transform_8(%arg0: i32) -> (i32, i32) {
    %c0_i32 = arith.constant 0 : i32
    %c0_i32_0 = arith.constant 0 : i32
    %c0_i32_1 = arith.constant 0 : i32
    return %c0_i32, %c0_i32_0 : i32, i32
  }
  func.func @transform_9(%arg0: i32) -> (i32, i32) {
    %c0_i32 = arith.constant 0 : i32
    %c0_i32_0 = arith.constant 0 : i32
    %c0_i32_1 = arith.constant 0 : i32
    return %c0_i32, %c0_i32_0 : i32, i32
  }
  func.func @transform_10(%arg0: i32) -> (i32, i32) {
    %c0_i32 = arith.constant 0 : i32
    %c0_i32_0 = arith.constant 0 : i32
    %c0_i32_1 = arith.constant 0 : i32
    return %c0_i32, %c0_i32_0 : i32, i32
  }
  func.func @transform_11(%arg0: i32) -> (i32, i32) {
    %c0_i32 = arith.constant 0 : i32
    %c0_i32_0 = arith.constant 0 : i32
    %c0_i32_1 = arith.constant 0 : i32
    return %c0_i32, %c0_i32_0 : i32, i32
  }
  func.func @transform_12(%arg0: i32) -> (i32, i32) {
    %c0_i32 = arith.constant 0 : i32
    %c0_i32_0 = arith.constant 0 : i32
    %c0_i32_1 = arith.constant 0 : i32
    return %c0_i32, %c0_i32_0 : i32, i32
  }
  func.func @transform_13(%arg0: i32) -> (i32, i32) {
    %c0_i32 = arith.constant 0 : i32
    %c0_i32_0 = arith.constant 0 : i32
    %c0_i32_1 = arith.constant 0 : i32
    return %c0_i32, %c0_i32_0 : i32, i32
  }
  func.func @transform_14(%arg0: i32) -> (i32, i32) {
    %c0_i32 = arith.constant 0 : i32
    %c0_i32_0 = arith.constant 0 : i32
    %c0_i32_1 = arith.constant 0 : i32
    return %c0_i32, %c0_i32_0 : i32, i32
  }
  func.func @transform_15(%arg0: i32) -> (i32, i32) {
    %c0_i32 = arith.constant 0 : i32
    %c0_i32_0 = arith.constant 0 : i32
    return %arg0, %c0_i32 : i32, i32
  }
}

</mosaic_0001>

<sc_bundles>
// kernel: kernel.11.cloned.1.call-start
scs
__scs_entry_jumppad:
0x0: {  	(pc) =	sbr.rel $0x88, $3  }
0x1: {  	(tag) =	ssettag $0x0;
	lr =	simm.s32 $0x1  }
0x2: {  	[smem:$0x3F84] =	sst lr;
	_ =	strace $0xD0000000  }
0x3: {  	_ = 	snop  }
0x4: {  	_ = 	snop  }
0x5: {  	_ = 	snop  }
0x6: {  	_ = 	snop  }
0x7: {  	_ = 	snop  }
__scs_overlays_trampoline_lowered:
0x8: {  	[smem:$0x3F93] =	sst s0  }
0x9: {  	[smem:$0x3F94] =	sst s1  }
0xa: {  	[smem:$0x3F95] =	sst s2  }
0xb: {  	[smem:$0x3F96] =	sst s3  }
0xc: {  	[smem:$0x3F97] =	sst s4  }
0xd: {  	[smem:$0x3F98] =	sst s5  }
0xe: {  	[smem:$0x3F99] =	sst s6  }
0xf: {  	[smem:$0x3F9A] =	sst s7  }
0x10: {  	[smem:$0x3F9B] =	sst s8  }
0x11: {  	[smem:$0x3F9C] =	sst s9;
	s0 =	simm.s32 @!p0 $0x0  }
0x12: {  	s1 =	sld [smem:$0x3F82];
	s0 =	simm.s32 @p0 $0x1  }
0x13: {  	[smem:$0x3F9D] =	sst s0;
	s0 =	simm.s32 @!p1 $0x0  }
0x14: {  	s2 =	sld [smem:$0x3F81];
	s0 =	simm.s32 @p1 $0x1  }
0x15: {  	[smem:$0x3F9E] =	sst s0;
	s0 =	simm.s32 @!p2 $0x0  }
0x16: {  	s3 =	sld [smem:$0x3FDB];
	s0 =	simm.s32 @p2 $0x1  }
0x17: {  	s4 =	simm.s32 $0x1BF5;
	[smem:$0x3FA0] =	sst s0  }
0x18: {  	s0 =	sld [smem:$0x3F83];
	_ =	swait.ge [sflag:s4], $0x0  }
0x19: {  	s7 =	sld [smem:$0x3F84]  }
0x1a: {  	s8 =	sadd.s32 $0xFFFFE003, lr  }
0x1b: {  	s9 =	sadd.s32 $0xFFFFFEF7, lr;
	s5 =	simm.s32 $0xFFFFFFFF;
	p2 =	slt.u32 s8, $0xFFFFF086  }
0x1c: {  	p1 =	slt.u32 s9, $0xF7A;
	s5 =	simm.s32 @!p2 $0x0  }
0x1d: {  	s5 =	simm.s32 @p1 $0x1;
	p0 =	seq.s32 s7, s2  }
0x1e: {  	s7 =	smul.u32 @!p0 $0xF7A, s2;
	p2 =	seq.s32 @!p0 s5, $0x0  }
0x1f: {  	s9 =	smul.u32 $0xF7A, s1;
	s8 =	simm.s32 @!p0 $0x1BF5;
	p2 =	por !p2, p0  }
0x20: {  	[sflag:s8] =	ssyncset.s32 @!p0 $0xFFFFF086;
	s6 =	sadd.s32 @!p0 s3, s7;
	s7 =	simm.s32 @!p0 $0x108  }
0x21: {  	s3 =	sadd.s32 s3, s9;
	s6 =	sadd.s32 @!p0 $0x88, s6;
	s7 =	simm.s32 @p2 $0x1082  }
0x22: {  	[simem:s7], [sflag:s8] =	dma.local @!p0 [hbm:s6], $0xF7A  }
0x23: {  	s9 =	sor.u32 $0xD0000000, s2;
	s6 =	simm.s32 $0x108;
	_ =	swait.ge @!p0 [sflag:s8], $0x0  }
0x24: {  	s3 =	sadd.s32 $0x88, s3;
	s6 =	simm.s32 @!p1 $0x1082;
	[sflag:s4] =	ssyncset.s32 $0xFFFFF086  }
0x25: {  	[simem:s6], [sflag:s4] =	dma.local [hbm:s3], $0xF7A  }
0x26: {  	[smem:$0x3F84] =	sst s1;
	(tag) =	ssettag s2;
	_ =	strace s9  }
0x27: {  	s1 =	sld [smem:$0x3F94]  }
0x28: {  	s2 =	sld [smem:$0x3F95]  }
0x29: {  	s4 =	sld [smem:$0x3F97]  }
0x2a: {  	p0 =	seq.s32 s5, $0x0;
	s5 =	sld [smem:$0x3F98]  }
0x2b: {  	s6 =	sld [smem:$0x3F99]  }
0x2c: {  	s7 =	sld [smem:$0x3F9A]  }
0x2d: {  	s3 =	simm.s32 $0x108;
	s8 =	sld [smem:$0x3F9B]  }
0x2e: {  	s3 =	simm.s32 @!p0 $0x1082;
	s9 =	sld [smem:$0x3F9C]  }
0x2f: {  	lr =	sadd.s32 s0, s3;
	s0 =	sld [smem:$0x3F93]  }
0x30: {  	s3 =	sld [smem:$0x3F96]  }
0x31: {  	[smem:$0x3F9F] =	sst s10  }
0x32: {  	s10 =	sld [smem:$0x3F9D];
	_ =	sdelay $0x3  }
0x33: {  	p0 =	seq.s32 s10, $0x1;
	s10 =	sld [smem:$0x3F9F];
	_ =	sdelay $0x3  }
0x34: {  	[smem:$0x3F9F] =	sst s10  }
0x35: {  	s10 =	sld [smem:$0x3F9E];
	_ =	sdelay $0x3  }
0x36: {  	p1 =	seq.s32 s10, $0x1;
	s10 =	sld [smem:$0x3F9F];
	_ =	sdelay $0x3  }
0x37: {  	[smem:$0x3F9F] =	sst s10  }
0x38: {  	s10 =	sld [smem:$0x3FA0]  }
0x39: {  	_ = 	snop;
	(pc) =	sbr.ind lr, $3  }
0x3a: {  	_ = 	snop  }
0x3b: {  	_ = 	snop  }
0x3c: {  	p2 =	seq.s32 s10, $0x1;
	s10 =	sld [smem:$0x3F9F]  }
0x3d: {  	_ =	shalt  }
0x3e: {  	_ =	shalt  }
0x3f: {  	_ =	shalt  }
0x40: {  	_ =	shalt  }
0x41: {  	_ =	shalt  }
0x42: {  	_ =	shalt  }
0x43: {  	_ =	shalt  }
0x44: {  	_ =	shalt  }
0x45: {  	_ =	shalt  }
0x46: {  	_ =	shalt  }
0x47: {  	_ =	shalt  }
0x48: {  	_ =	shalt  }
0x49: {  	_ =	shalt  }
0x4a: {  	_ =	shalt  }
0x4b: {  	_ =	shalt  }
0x4c: {  	_ =	shalt  }
0x4d: {  	_ =	shalt  }
0x4e: {  	_ =	shalt  }
0x4f: {  	_ =	shalt  }
0x50: {  	_ =	shalt  }
0x51: {  	_ =	shalt  }
0x52: {  	_ =	shalt  }
0x53: {  	_ =	shalt  }
0x54: {  	_ =	shalt  }
0x55: {  	_ =	shalt  }
0x56: {  	_ =	shalt  }
0x57: {  	_ =	shalt  }
0x58: {  	_ =	shalt  }
0x59: {  	_ =	shalt  }
0x5a: {  	_ =	shalt  }
0x5b: {  	_ =	shalt  }
0x5c: {  	_ =	shalt  }
0x5d: {  	_ =	shalt  }
0x5e: {  	_ =	shalt  }
0x5f: {  	_ =	shalt  }
0x60: {  	_ =	shalt  }
0x61: {  	_ =	shalt  }
0x62: {  	_ =	shalt  }
0x63: {  	_ =	shalt  }
0x64: {  	_ =	shalt  }
0x65: {  	_ =	shalt  }
0x66: {  	_ =	shalt  }
0x67: {  	_ =	shalt  }
0x68: {  	_ =	shalt  }
0x69: {  	_ =	shalt  }
0x6a: {  	_ =	shalt  }
0x6b: {  	_ =	shalt  }
0x6c: {  	_ =	shalt  }
0x6d: {  	_ =	shalt  }
0x6e: {  	_ =	shalt  }
0x6f: {  	_ =	shalt  }
0x70: {  	_ =	shalt  }
0x71: {  	_ =	shalt  }
0x72: {  	_ =	shalt  }
0x73: {  	_ =	shalt  }
0x74: {  	_ =	shalt  }
0x75: {  	_ =	shalt  }
0x76: {  	_ =	shalt  }
0x77: {  	_ =	shalt  }
0x78: {  	_ =	shalt  }
0x79: {  	_ =	shalt  }
0x7a: {  	_ =	shalt  }
0x7b: {  	_ =	shalt  }
0x7c: {  	_ =	shalt  }
0x7d: {  	_ =	shalt  }
0x7e: {  	_ =	shalt  }
0x7f: {  	_ =	shalt  }
0x80: {  	_ =	shalt  }
0x81: {  	_ =	shalt  }
0x82: {  	_ =	shalt  }
0x83: {  	_ =	shalt  }
0x84: {  	_ =	shalt  }
0x85: {  	_ =	shalt  }
0x86: {  	_ =	shalt  }
0x87: {  	_ =	shalt  }
.Lfunc_end0:
.L_simem_size_0:
called_computation_lowered:
.L_overlay_start_0:
0x88: {  	s2 =	sld [smem:$0x3FD9]  }
0x89: {  	s3 =	sld [smem:$0x3FFE];
	_ =	sdelay $0x1  }
0x8a: {  	s1 =	srdreg.scid  }
0x8b: {  	s0 =	sand.u32 $0x1, s1  }
0x8c: {  	s17 =	sshll.u32 s0, $0xA;
	s2 =	sadd.s32 s3, s2  }
0x8d: {  	s2 =	sadd.s32 s2, s17  }
0x8e: {  	[smem:$0x3FAB] =	sst s2  }
0x8f: {  	_ = 	snop  }
0x90: {  	(tm) =	ssettm $0x1  }
0x91: {  	s18 =	sld [smem:$0x3FFB];
	_ =	sdelay $0x3  }
0x92: {  	_ =	strace s18  }
0x93: {  	s2 =	sld [smem:$0x3FFC];
	_ =	sdelay $0x3  }
0x94: {  	_ =	strace s2  }
0x95: {  	s2 =	sld [smem:$0x3FFD];
	_ =	sdelay $0x3  }
0x96: {  	_ =	strace s2  }
0x97: {  	_ =	strace $0x8FFFFFFF  }
0x98: {  	s19 =	sld [smem:$0x3FDB];
	_ =	sdelay $0x1  }
0x99: {  	s20 =	simm.s32 $_scs_section_size  }
0x9a: {  	s4 =	simm.s32 $_size__tile_overlayer_lowered;
	s5 =	simm.s32 $_tile_overlayer_lowered  }
0x9b: {  	s6 =	simm.s32 $0x1BFF;
	s21 =	sshll.u32 s5, $0x1;
	s3 =	sadd.s32 s20, s19  }
0x9c: {  	s22 =	simm.s32 $0x0;
	s4 =	sshll.u32 s4, $0x1;
	s5 =	sadd.s32 s21, s3  }
0x9d: {  	[timem:s22], [sflag:s6] =	dma.local [hbm:s5], s4  }
0x9e: {  	_ =	swait.ge [sflag:s6], s4  }
0x9f: {  	s4 =	ssub.s32 $0x0, s4;
	[sflag:s6] =	ssyncset.done $0x0  }
0xa0: {  	[sflag:s6] =	ssyncadd.s32 s4;
	_ =	sdelay $0x1  }
0xa1: {  	s23 =	simm.s32 $0x1B8B  }
0xa2: {  	_ =	swait.ge [sflag:s23], $0x1  }
0xa3: {  	[sflag:s23] =	ssyncset.done $0x0  }
0xa4: {  	[sflag:s23] =	ssyncadd.s32 $0xFFFFFFFF  }
0xa5: {  	s4 =	sld [smem:$0x0]  }
0xa6: {  	s5 =	sand.u32 $0xFFFFFFFE, s1  }
0xa7: {  	p0 =	sne.s32 s1, s5  }
0xa8: {  	s5 =	sshll.u32 @p0 s5, $0xE  }
0xa9: {  	s5 =	sadd.s32 @p0 $0x11B8D, s5;
	s6 =	sshll.u32 @p0 s4, $0x11  }
0xaa: {  	s5 =	sor.u32 @p0 s6, s5  }
0xab: {  	[sflag:s5] =	ssyncadd.remote.s32 @p0 $0x1;
	_ =	sdelay $0x1  }
0xac: {  	s5 =	simm.s32 @p0 $0x1B8D  }
0xad: {  	_ =	swait.eq @p0 [sflag:s5], $0x1  }
0xae: {  	[sflag:s5] =	ssyncadd.s32 @p0 $0xFFFFFFFF  }
0xaf: {  	s6 =	sshll.u32 @!p0 s1, $0xE  }
0xb0: {  	s6 =	sor.u32 @!p0 $0x4000, s6;
	s5 =	simm.s32 @!p0 $0x1B8D  }
0xb1: {  	s4 =	sshll.u32 @!p0 s4, $0x11;
	s6 =	sadd.s32 @!p0 $0x11B8D, s6;
	_ =	swait.eq @!p0 [sflag:s5], $0x1  }
0xb2: {  	s4 =	sor.u32 @!p0 s4, s6;
	[sflag:s5] =	ssyncadd.s32 @!p0 $0xFFFFFFFF  }
0xb3: {  	s25 =	simm.s32 $0x1B8E;
	s24 =	sld [smem:$0x3FFE];
	[sflag:s4] =	ssyncadd.remote.s32 @!p0 $0x1  }
0xb4: {  	s26 =	simm.s32 $execute0_lowered;
	[smem:$0x3FD2] =	sst s25  }
0xb5: {  	s5 =	sshll.u32 s26, $0x1;
	_ =	strace $0x80000049;
	[dreg:$0x1] =	wrdreg $0xFFFFFFFF  }
0xb6: {  	s28 =	simm.s32 $_size_execute0_lowered;
	s3 =	sadd.s32 s3, s5;
	[dreg:$0x0] =	wrdreg $0x0  }
0xb7: {  	s5 =	sshll.u32 s28, $0x1;
	[dreg:$0x2] =	wrdreg s3  }
0xb8: {  	[dreg:$0x3] =	wrdreg s5  }
0xb9: {  	[dreg:$0x4] =	wrdreg $0xC0  }
0xba: {  	_ =	task [dreg:s22], $0x5FFFF  }
0xbb: {  	[dreg:$0x1] =	wrdreg $0xFFFFFFFF  }
0xbc: {  	[dreg:$0x0] =	wrdreg $0x60  }
0xbd: {  	[dreg:$0x2] =	wrdreg s24  }
0xbe: {  	[dreg:$0x3] =	wrdreg $0x28800  }
0xbf: {  	[dreg:$0x4] =	wrdreg $0x9  }
0xc0: {  	_ =	task.clear_ibuf [dreg:s22], $0x5FFFF;
	_ =	strace $0x90000049  }
0xc1: {  	s29 =	simm.s32 $0x9;
	_ =	strace $0x8000004B  }
0xc2: {  	_ =	swait.ge [sflag:s29], $0x1  }
0xc3: {  	[sflag:s29] =	ssyncadd.s32 $0xFFFFFFFF  }
0xc4: {  	_ =	strace $0x9000004B  }
0xc5: {  	_ =	sfence  }
0xc6: {  	s30 =	sld [smem:$0x0];
	_ =	sdelay $0x2  }
0xc7: {  	s31 =	sshll.u32 s1, $0xD;
	s1 =	sshrl.u32 s1, $0x2  }
0xc8: {  	s4 =	sand.u32 $0x4000, s31;
	s1 =	sadd.s32 s1, s30  }
0xc9: {  	s0 =	sor.u32 s4, s0;
	s1 =	sshll.u32 s1, $0x11  }
0xca: {  	s0 =	sor.u32 s1, s0  }
0xcb: {  	s0 =	sadd.s32 $0x8F2B, s0  }
0xcc: {  	[sflag:s0] =	ssyncadd.remote.s32 $0x1  }
0xcd: {  	_ =	sfence.sel $0xFFFF  }
0xce: {  	[dreg:$0x0] =	wrdreg $0xFFFFFFFF;
	(pc) =	sbr.abs _section_cstart, $3  }
0xcf: {  	[dreg:$0x1] =	wrdreg $0xFFFFFFFF  }
0xd0: {  	_ =	task.clear_ibuf [dreg:s22], $0x2FFFF;
	_ =	strace $0x9FFFFFFF  }
0xd1: {  	(tm) =	ssettm $0x7FFFFFFF  }
tec
execute0_lowered:
.L_overlay_start_1:
0x0: {  	(tag) =	ssettag $0x1  }
0x1: {  	s1 =	srdreg.scid  }
0x2: {  	s0 =	stileid.u32;
	s6 =	rddreg [dreg:$0x0]  }
0x3: {  	s2 =	rddreg [dreg:$0x1];
	s3 =	simm.s32 $0x0;
	s4 =	smul.u32 $0x4E20, s0  }
0x4: {  	s5 =	sand.u32 $0x1, s1;
	s1 =	rddreg [dreg:$0x2];
	s28 =	smul.u32 $0x2700, s0  }
0x5: {  	s17 =	simm.s32 $0x0;
	[smem:$0x7FF] =	sst s3;
	s9 =	smul.u32 $0x4E000, s0  }
0x6: {  	s11 =	sadd.s32 $0x13FA00, s6;
	s16 =	sadd.s32 $0x138000, s2;
	s7 =	smul.u32 $0x2710, s5  }
0x7: {  	p0 =	sne.s32 s0, $0xF;
	s31 =	sshll.u32 s0, $0x6;
	s13 =	smul.u32 $0x27100, s5  }
0x8: {  	_ =	strace $0x8000004A;
	s12 =	ssub.s32 $0x2, s5;
	s15 =	smul.u32 $0x138800, s5  }
0x9: {  	s8 =	sadd.s32 s28, s6;
	s14 =	sshrl.u32 s12, $0x1;
	s9 =	sshrl.u32 s9, $0x2  }
0xa: {  	s4 =	sadd.s32 s7, s4;
	s12 =	ssub.s32 s12, s14;
	s29 =	sadd.s32 s9, s2  }
0xb: {  	s5 =	sadd.s32 $0x69000, s8;
	s7 =	sadd.s32 s28, s13;
	s30 =	sshrl.u32 s15, $0x3  }
0xc: {  	s13 =	sor.u32 $0x1C01, s31;
	s15 =	sshrl.u32 @!p0 s16, $0x3;
	s16 =	simm.s32 $0x50  }
0xd: {  	s4 =	sshrl.u32 s4, $0x3;
	s7 =	sadd.s32 s11, s7;
	s8 =	sadd.s32 s11, s30  }
0xe: {  	s9 =	smax.u32 s12, $0x1;
	s11 =	simm.s32 $0x80;
	s12 =	simm.s32 $0x1  }
0xf: {  	s14 =	sshrl.u32 s29, $0x3;
	s10 =	sadd.s32 s4, s6;
	s4 =	sadd.s32 $0x90200, s6  }
0x10: {  	s6 =	sadd.s32 $0x90000, s6;
	s8 =	sadd.s32 $0x27000, s8;
	s10 =	sadd.s32 $0x7200, s10  }
.LBB2_1:
0x11: {  	[tilespmem:s11], [sflag:$0x1] =	stream.linear.gather [hbm4b:s4+s3], $0x2800, $0x38;
	[tilespmem:$0x4F90] =	vst v63  }
0x12: {  	_ =	swait.ge [sflag:s12], $0x2800  }
0x13: {  	[sflag:s12] =	ssyncset.done $0x0  }
0x14: {  	[sflag:s12] =	ssyncadd.s32 $0xFFFFD800  }
0x15: {  	[spmem:s14], [sflag:s13] =	dma.local [hbm:s5], $0x2700  }
0x16: {  	_ =	swait.ge [sflag:s12], $0x2700  }
0x17: {  	[sflag:s12] =	ssyncset.done $0x0  }
0x18: {  	s18 =	simm.s32 @!p0 $0x1;
	[sflag:s12] =	ssyncadd.s32 $0xFFFFD900  }
0x19: {  	[spmem:s15], [sflag:s13] =	dma.local @!p0 [hbm:s6], $0x100  }
0x1a: {  	_ =	swait.ge @!p0 [sflag:s18], $0x100  }
0x1b: {  	[sflag:s18] =	ssyncset.done @!p0 $0x0  }
0x1c: {  	[sflag:s18] =	ssyncadd.s32 @!p0 $0xFFFFFF00  }
0x1d: {  	s31 =	sadd.s32 $0x0, s10;
	[bflag:$0x0] =	sbarrier.arrive $0xFFFF  }
0x1e: {  	[tilespmem:s3], [sflag:$0x1] =	stream.linear.gather [hbm4b:s31+s3], $0x50, $0x38;
	[tilespmem:$0x4F90] =	vst v63  }
0x1f: {  	_ =	swait.ge [sflag:s12], $0x50  }
0x20: {  	[sflag:s12] =	ssyncset.done $0x0  }
0x21: {  	[sflag:s12] =	ssyncadd.s32 $0xFFFFFFB0  }
0x22: {  	[spmem:s2] =	stream.indirect.scatter.add.f32 [tilespmem:s11], [sflag:$0x1], $0x10, s3, s16, $0xb8;
	[tilespmem:$0x4F90] =	vst v63  }
0x23: {  	_ =	swait.ge [sflag:s12], $0x500  }
0x24: {  	s19 =	simm.s32 $0x14;
	s18 =	simm.s32 $0xA;
	[sflag:s12] =	ssyncset.done $0x0  }
.LBB2_2:
0x25: {  	s20 =	sadd.s32 s18, s10  }
0x26: {  	[sflag:s12] =	ssyncadd.s32 $0xFFFFFB00;
	s18 =	smov.u32 s19;
	s21 =	sadd.s32 $0xA, s19  }
0x27: {  	[tilespmem:s3], [sflag:$0x1] =	stream.linear.gather [hbm4b:s20+s3], $0x50, $0x38;
	[tilespmem:$0x4F90] =	vst v63  }
0x28: {  	p1 =	sne.s32 s19, $0x4D8;
	_ =	swait.ge [sflag:s12], $0x50  }
.Ltmp0:
0x29: {  	[sflag:s12] =	ssyncset.done $0x0;
	(pc) =	sbr.rel @p1 .LBB2_2-.Ltmp0, $4  }
0x2a: {  	[sflag:s12] =	ssyncadd.s32 $0xFFFFFFB0  }
0x2b: {  	[spmem:s2] =	stream.indirect.scatter.add.f32 [tilespmem:s11], [sflag:$0x1], $0x10, s3, s16, $0xb8;
	[tilespmem:$0x4F90] =	vst v63  }
0x2c: {  	_ =	swait.ge [sflag:s12], $0x500  }
0x2d: {  	s19 =	smov.u32 s21;
	[sflag:s12] =	ssyncset.done $0x0  }
0x2e: {  	s18 =	sadd.s32 s18, s10;
	[sflag:s12] =	ssyncadd.s32 $0xFFFFFB00  }
0x2f: {  	[tilespmem:s3], [sflag:$0x1] =	stream.linear.gather [hbm4b:s18+s3], $0x50, $0x38;
	[tilespmem:$0x4F90] =	vst v63  }
0x30: {  	_ =	swait.ge [sflag:s12], $0x50  }
0x31: {  	[sflag:s12] =	ssyncset.done $0x0  }
0x32: {  	[sflag:s12] =	ssyncadd.s32 $0xFFFFFFB0  }
0x33: {  	[spmem:s2] =	stream.indirect.scatter.add.f32 [tilespmem:s11], [sflag:$0x1], $0x10, s3, s16, $0xb8;
	[tilespmem:$0x4F90] =	vst v63  }
0x34: {  	_ =	swait.ge [sflag:s12], $0x500  }
0x35: {  	[sflag:s12] =	ssyncset.done $0x0  }
0x36: {  	[sflag:s12] =	ssyncadd.s32 $0xFFFFFB00  }
0x37: {  	[bflag:$0x0] =	sbarrier.arrive $0xFFFF  }
0x38: {  	[hbm:s7], [sflag:s13] =	dma.local [spmem:s14], $0x2700  }
0x39: {  	s17 =	sadd.s32 $0x1, s17;
	_ =	swait.ge [sflag:s12], $0x2700  }
0x3a: {  	p1 =	sne.s32 s17, s9;
	[sflag:s12] =	ssyncset.done $0x0  }
.Ltmp1:
0x3b: {  	s18 =	simm.s32 @!p0 $0x1;
	[sflag:s12] =	ssyncadd.s32 $0xFFFFD900;
	(pc) =	sbr.rel @p1 .LBB2_1-.Ltmp1, $4  }
0x3c: {  	[hbm:s8], [sflag:s13] =	dma.local @!p0 [spmem:s15], $0x100  }
0x3d: {  	_ =	swait.ge @!p0 [sflag:s18], $0x100  }
0x3e: {  	[sflag:s18] =	ssyncset.done @!p0 $0x0  }
0x3f: {  	[sflag:s18] =	ssyncadd.s32 @!p0 $0xFFFFFF00  }
0x40: {  	_ =	sfence.sel $0x180000  }
0x41: {  	[bflag:$0x0] =	sbarrier.arrive $0xFFFF  }
0x42: {  	p0 =	sne.s32 s0, $0x0;
	_ =	strace $0x9000004A  }
0x43: {  	s0 =	sadd.s32 @!p0 $0x100000, s1;
	[bflag:$0x2] =	sbarrier.arrive $0xFFFF  }
0x44: {  	[sflag:s0] =	ssyncadd.tile.s32 @!p0 $0x1;
	_ =	shalt  }
.Lfunc_end2:
_tile_overlayer_lowered:
.L_overlay_start_2:
0x45: {  	(tag) =	ssettag $0x2  }
0x46: {  	s0 =	rddreg [dreg:$0x0];
	s2 =	stileid.u32  }
0x47: {  	s1 =	rddreg [dreg:$0x1];
	p0 =	sne.s32 s2, $0x0  }
0x48: {  	s3 =	rddreg [dreg:$0x2];
	[bflag:$0x3] =	sbarrier.arrive $0xFFFF;
	s2 =	simm.s32 @!p0 $0x1C01  }
0x49: {  	[timem:s3], [sflag:s2] =	dma.local @!p0 [hbm:s0], s1  }
0x4a: {  	s0 =	simm.s32 @!p0 $0x1  }
0x4b: {  	_ =	swait.ge @!p0 [sflag:s0], s1  }
0x4c: {  	s1 =	ssub.s32 @!p0 $0x0, s1;
	[sflag:s0] =	ssyncset.done @!p0 $0x0  }
0x4d: {  	[sflag:s0] =	ssyncadd.s32 @!p0 s1  }
0x4e: {  	[bflag:$0x3] =	sbarrier.arrive $0xFFFF  }
0x4f: {  	_ =	shalt  }

// kernel: kernel.14.cloned.1.call-start
scs
__scs_entry_jumppad:
0x0: {  	(pc) =	sbr.rel $0x88, $3  }
0x1: {  	(tag) =	ssettag $0x0;
	lr =	simm.s32 $0x1  }
0x2: {  	[smem:$0x3F84] =	sst lr;
	_ =	strace $0xD0000000  }
0x3: {  	_ = 	snop  }
0x4: {  	_ = 	snop  }
0x5: {  	_ = 	snop  }
0x6: {  	_ = 	snop  }
0x7: {  	_ = 	snop  }
__scs_overlays_trampoline_lowered:
0x8: {  	[smem:$0x3F93] =	sst s0  }
0x9: {  	[smem:$0x3F94] =	sst s1  }
0xa: {  	[smem:$0x3F95] =	sst s2  }
0xb: {  	[smem:$0x3F96] =	sst s3  }
0xc: {  	[smem:$0x3F97] =	sst s4  }
0xd: {  	[smem:$0x3F98] =	sst s5  }
0xe: {  	[smem:$0x3F99] =	sst s6  }
0xf: {  	[smem:$0x3F9A] =	sst s7  }
0x10: {  	[smem:$0x3F9B] =	sst s8  }
0x11: {  	[smem:$0x3F9C] =	sst s9;
	s0 =	simm.s32 @!p0 $0x0  }
0x12: {  	s1 =	sld [smem:$0x3F82];
	s0 =	simm.s32 @p0 $0x1  }
0x13: {  	[smem:$0x3F9D] =	sst s0;
	s0 =	simm.s32 @!p1 $0x0  }
0x14: {  	s2 =	sld [smem:$0x3F81];
	s0 =	simm.s32 @p1 $0x1  }
0x15: {  	[smem:$0x3F9E] =	sst s0;
	s0 =	simm.s32 @!p2 $0x0  }
0x16: {  	s3 =	sld [smem:$0x3FDB];
	s0 =	simm.s32 @p2 $0x1  }
0x17: {  	s4 =	simm.s32 $0x1BF5;
	[smem:$0x3FA0] =	sst s0  }
0x18: {  	s0 =	sld [smem:$0x3F83];
	_ =	swait.ge [sflag:s4], $0x0  }
0x19: {  	s7 =	sld [smem:$0x3F84]  }
0x1a: {  	s8 =	sadd.s32 $0xFFFFE003, lr  }
0x1b: {  	s9 =	sadd.s32 $0xFFFFFEF7, lr;
	s5 =	simm.s32 $0xFFFFFFFF;
	p2 =	slt.u32 s8, $0xFFFFF086  }
0x1c: {  	p1 =	slt.u32 s9, $0xF7A;
	s5 =	simm.s32 @!p2 $0x0  }
0x1d: {  	s5 =	simm.s32 @p1 $0x1;
	p0 =	seq.s32 s7, s2  }
0x1e: {  	s7 =	smul.u32 @!p0 $0xF7A, s2;
	p2 =	seq.s32 @!p0 s5, $0x0  }
0x1f: {  	s9 =	smul.u32 $0xF7A, s1;
	s8 =	simm.s32 @!p0 $0x1BF5;
	p2 =	por !p2, p0  }
0x20: {  	[sflag:s8] =	ssyncset.s32 @!p0 $0xFFFFF086;
	s6 =	sadd.s32 @!p0 s3, s7;
	s7 =	simm.s32 @!p0 $0x108  }
0x21: {  	s3 =	sadd.s32 s3, s9;
	s6 =	sadd.s32 @!p0 $0x88, s6;
	s7 =	simm.s32 @p2 $0x1082  }
0x22: {  	[simem:s7], [sflag:s8] =	dma.local @!p0 [hbm:s6], $0xF7A  }
0x23: {  	s9 =	sor.u32 $0xD0000000, s2;
	s6 =	simm.s32 $0x108;
	_ =	swait.ge @!p0 [sflag:s8], $0x0  }
0x24: {  	s3 =	sadd.s32 $0x88, s3;
	s6 =	simm.s32 @!p1 $0x1082;
	[sflag:s4] =	ssyncset.s32 $0xFFFFF086  }
0x25: {  	[simem:s6], [sflag:s4] =	dma.local [hbm:s3], $0xF7A  }
0x26: {  	[smem:$0x3F84] =	sst s1;
	(tag) =	ssettag s2;
	_ =	strace s9  }
0x27: {  	s1 =	sld [smem:$0x3F94]  }
0x28: {  	s2 =	sld [smem:$0x3F95]  }
0x29: {  	s4 =	sld [smem:$0x3F97]  }
0x2a: {  	p0 =	seq.s32 s5, $0x0;
	s5 =	sld [smem:$0x3F98]  }
0x2b: {  	s6 =	sld [smem:$0x3F99]  }
0x2c: {  	s7 =	sld [smem:$0x3F9A]  }
0x2d: {  	s3 =	simm.s32 $0x108;
	s8 =	sld [smem:$0x3F9B]  }
0x2e: {  	s3 =	simm.s32 @!p0 $0x1082;
	s9 =	sld [smem:$0x3F9C]  }
0x2f: {  	lr =	sadd.s32 s0, s3;
	s0 =	sld [smem:$0x3F93]  }
0x30: {  	s3 =	sld [smem:$0x3F96]  }
0x31: {  	[smem:$0x3F9F] =	sst s10  }
0x32: {  	s10 =	sld [smem:$0x3F9D];
	_ =	sdelay $0x3  }
0x33: {  	p0 =	seq.s32 s10, $0x1;
	s10 =	sld [smem:$0x3F9F];
	_ =	sdelay $0x3  }
0x34: {  	[smem:$0x3F9F] =	sst s10  }
0x35: {  	s10 =	sld [smem:$0x3F9E];
	_ =	sdelay $0x3  }
0x36: {  	p1 =	seq.s32 s10, $0x1;
	s10 =	sld [smem:$0x3F9F];
	_ =	sdelay $0x3  }
0x37: {  	[smem:$0x3F9F] =	sst s10  }
0x38: {  	s10 =	sld [smem:$0x3FA0]  }
0x39: {  	_ = 	snop;
	(pc) =	sbr.ind lr, $3  }
0x3a: {  	_ = 	snop  }
0x3b: {  	_ = 	snop  }
0x3c: {  	p2 =	seq.s32 s10, $0x1;
	s10 =	sld [smem:$0x3F9F]  }
0x3d: {  	_ =	shalt  }
0x3e: {  	_ =	shalt  }
0x3f: {  	_ =	shalt  }
0x40: {  	_ =	shalt  }
0x41: {  	_ =	shalt  }
0x42: {  	_ =	shalt  }
0x43: {  	_ =	shalt  }
0x44: {  	_ =	shalt  }
0x45: {  	_ =	shalt  }
0x46: {  	_ =	shalt  }
0x47: {  	_ =	shalt  }
0x48: {  	_ =	shalt  }
0x49: {  	_ =	shalt  }
0x4a: {  	_ =	shalt  }
0x4b: {  	_ =	shalt  }
0x4c: {  	_ =	shalt  }
0x4d: {  	_ =	shalt  }
0x4e: {  	_ =	shalt  }
0x4f: {  	_ =	shalt  }
0x50: {  	_ =	shalt  }
0x51: {  	_ =	shalt  }
0x52: {  	_ =	shalt  }
0x53: {  	_ =	shalt  }
0x54: {  	_ =	shalt  }
0x55: {  	_ =	shalt  }
0x56: {  	_ =	shalt  }
0x57: {  	_ =	shalt  }
0x58: {  	_ =	shalt  }
0x59: {  	_ =	shalt  }
0x5a: {  	_ =	shalt  }
0x5b: {  	_ =	shalt  }
0x5c: {  	_ =	shalt  }
0x5d: {  	_ =	shalt  }
0x5e: {  	_ =	shalt  }
0x5f: {  	_ =	shalt  }
0x60: {  	_ =	shalt  }
0x61: {  	_ =	shalt  }
0x62: {  	_ =	shalt  }
0x63: {  	_ =	shalt  }
0x64: {  	_ =	shalt  }
0x65: {  	_ =	shalt  }
0x66: {  	_ =	shalt  }
0x67: {  	_ =	shalt  }
0x68: {  	_ =	shalt  }
0x69: {  	_ =	shalt  }
0x6a: {  	_ =	shalt  }
0x6b: {  	_ =	shalt  }
0x6c: {  	_ =	shalt  }
0x6d: {  	_ =	shalt  }
0x6e: {  	_ =	shalt  }
0x6f: {  	_ =	shalt  }
0x70: {  	_ =	shalt  }
0x71: {  	_ =	shalt  }
0x72: {  	_ =	shalt  }
0x73: {  	_ =	shalt  }
0x74: {  	_ =	shalt  }
0x75: {  	_ =	shalt  }
0x76: {  	_ =	shalt  }
0x77: {  	_ =	shalt  }
0x78: {  	_ =	shalt  }
0x79: {  	_ =	shalt  }
0x7a: {  	_ =	shalt  }
0x7b: {  	_ =	shalt  }
0x7c: {  	_ =	shalt  }
0x7d: {  	_ =	shalt  }
0x7e: {  	_ =	shalt  }
0x7f: {  	_ =	shalt  }
0x80: {  	_ =	shalt  }
0x81: {  	_ =	shalt  }
0x82: {  	_ =	shalt  }
0x83: {  	_ =	shalt  }
0x84: {  	_ =	shalt  }
0x85: {  	_ =	shalt  }
0x86: {  	_ =	shalt  }
0x87: {  	_ =	shalt  }
.Lfunc_end0:
.L_simem_size_0:
called_computation.1_lowered:
.L_overlay_start_0:
0x88: {  	s2 =	sld [smem:$0x3FD9]  }
0x89: {  	s3 =	sld [smem:$0x3FFE];
	_ =	sdelay $0x1  }
0x8a: {  	s1 =	srdreg.scid  }
0x8b: {  	s0 =	sand.u32 $0x1, s1  }
0x8c: {  	s17 =	sshll.u32 s0, $0xA;
	s2 =	sadd.s32 s3, s2  }
0x8d: {  	s2 =	sadd.s32 s2, s17  }
0x8e: {  	[smem:$0x3FAB] =	sst s2  }
0x8f: {  	_ = 	snop  }
0x90: {  	s2 =	sld [smem:$0x3FD0];
	(tm) =	ssettm $0x1  }
0x91: {  	s18 =	sld [smem:$0x3FFB];
	_ =	sdelay $0x3  }
0x92: {  	_ =	strace s18  }
0x93: {  	s3 =	sld [smem:$0x3FFC];
	_ =	sdelay $0x3  }
0x94: {  	_ =	strace s3  }
0x95: {  	s3 =	sld [smem:$0x3FFD];
	_ =	sdelay $0x3  }
0x96: {  	_ =	strace s3  }
0x97: {  	_ =	strace $0x8FFFFFFF  }
0x98: {  	s19 =	sld [smem:$0x3FDB];
	_ =	sdelay $0x1  }
0x99: {  	s4 =	simm.s32 $_scs_section_size  }
0x9a: {  	s5 =	simm.s32 $_size__tile_overlayer_lowered;
	s6 =	simm.s32 $_tile_overlayer_lowered  }
0x9b: {  	s22 =	simm.s32 $0x1BFF;
	s21 =	sshll.u32 s6, $0x1;
	s3 =	sadd.s32 s4, s19  }
0x9c: {  	s7 =	simm.s32 $0x0;
	s20 =	sshll.u32 s5, $0x1;
	s5 =	sadd.s32 s21, s3  }
0x9d: {  	[timem:s7], [sflag:s22] =	dma.local [hbm:s5], s20  }
0x9e: {  	_ =	swait.ge [sflag:s22], s20  }
0x9f: {  	s4 =	ssub.s32 $0x0, s20;
	[sflag:s22] =	ssyncset.done $0x0  }
0xa0: {  	[sflag:s22] =	ssyncadd.s32 s4;
	_ =	sdelay $0x1  }
0xa1: {  	s23 =	simm.s32 $0x1B8B  }
0xa2: {  	_ =	swait.ge [sflag:s23], $0x1  }
0xa3: {  	[sflag:s23] =	ssyncset.done $0x0  }
0xa4: {  	s25 =	simm.s32 $0x1B8E;
	s24 =	sld [smem:$0x3FFE];
	[sflag:s23] =	ssyncadd.s32 $0xFFFFFFFF  }
0xa5: {  	s26 =	simm.s32 $execute0_lowered;
	[smem:$0x3FD2] =	sst s25  }
0xa6: {  	s5 =	sshll.u32 s26, $0x1;
	_ =	strace $0x80000046;
	[dreg:$0x1] =	wrdreg $0xFFFFFFFF  }
0xa7: {  	s28 =	simm.s32 $_size_execute0_lowered;
	s3 =	sadd.s32 s3, s5;
	[dreg:$0x0] =	wrdreg $0x0  }
0xa8: {  	s5 =	sshll.u32 s28, $0x1;
	[dreg:$0x2] =	wrdreg s3  }
0xa9: {  	[dreg:$0x3] =	wrdreg s5  }
0xaa: {  	[dreg:$0x4] =	wrdreg $0xC0  }
0xab: {  	_ =	task [dreg:s7], $0x5FFFF  }
0xac: {  	[dreg:$0x1] =	wrdreg $0xFFFFFFFF  }
0xad: {  	[dreg:$0x0] =	wrdreg $0x60  }
0xae: {  	[dreg:$0x2] =	wrdreg s24  }
0xaf: {  	[dreg:$0x3] =	wrdreg s2  }
0xb0: {  	[dreg:$0x4] =	wrdreg $0xA5000  }
0xb1: {  	[dreg:$0x5] =	wrdreg $0xA  }
0xb2: {  	_ =	task.clear_ibuf [dreg:s7], $0x6FFFF;
	_ =	strace $0x90000046  }
0xb3: {  	s29 =	simm.s32 $0xA;
	_ =	strace $0x80000048  }
0xb4: {  	_ =	swait.ge [sflag:s29], $0x1  }
0xb5: {  	[sflag:s29] =	ssyncadd.s32 $0xFFFFFFFF  }
0xb6: {  	_ =	strace $0x90000048  }
0xb7: {  	_ =	sfence  }
0xb8: {  	s30 =	sld [smem:$0x0];
	_ =	sdelay $0x2  }
0xb9: {  	s31 =	sshll.u32 s1, $0xD;
	s1 =	sshrl.u32 s1, $0x2  }
0xba: {  	s3 =	sand.u32 $0x4000, s31;
	s1 =	sadd.s32 s1, s30  }
0xbb: {  	s0 =	sor.u32 s3, s0;
	s1 =	sshll.u32 s1, $0x11  }
0xbc: {  	s0 =	sor.u32 s1, s0  }
0xbd: {  	s0 =	sadd.s32 $0x8F2B, s0  }
0xbe: {  	[sflag:s0] =	ssyncadd.remote.s32 $0x1  }
0xbf: {  	_ =	sfence.sel $0xFFFF  }
0xc0: {  	[dreg:$0x0] =	wrdreg $0xFFFFFFFF;
	(pc) =	sbr.abs _section_cstart, $3  }
0xc1: {  	[dreg:$0x1] =	wrdreg $0xFFFFFFFF  }
0xc2: {  	_ =	task.clear_ibuf [dreg:s7], $0x2FFFF;
	_ =	strace $0x9FFFFFFF  }
0xc3: {  	(tm) =	ssettm $0x7FFFFFFF  }
tec
execute0_lowered:
.L_overlay_start_1:
0x0: {  	(tag) =	ssettag $0x1  }
0x1: {  	s0 =	rddreg [dreg:$0x0]  }
0x2: {  	s3 =	rddreg [dreg:$0x1]  }
0x3: {  	s1 =	rddreg [dreg:$0x2]  }
0x4: {  	s2 =	simm.s32 $0x0;
	s7 =	srdreg.scid;
	s15 =	stileid.u32  }
0x5: {  	s29 =	simm.s32 $0x28;
	s28 =	simm.s32 $0x7D00;
	s30 =	simm.s32 $0x2  }
0x6: {  	s31 =	simm.s32 $0x4;
	[smem:$0x7FF] =	sst s2;
	s4 =	sadd.s32 $0xF1800, s0  }
0x7: {  	s5 =	sadd.s32 $0xA3600, s0;
	s6 =	sadd.s32 $0x19A9A00, s0;
	s11 =	smul.u32 $0x270, s15  }
0x8: {  	s9 =	sand.u32 $0x1, s7;
	s7 =	sadd.s32 $0x11000, s0;
	s13 =	smul.u32 $0x4E000, s15  }
0x9: {  	s8 =	sadd.s32 $0x7200, s0;
	s0 =	sadd.s32 $0x1AE00, s0;
	s26 =	smul.u32 $0x2700, s15  }
0xa: {  	s14 =	sshll.u32 s15, $0x6;
	s16 =	smul.u32 $0x4E20, s15;
	p0 =	sne.s32 s15, $0xF  }
0xb: {  	s15 =	simm.s32 $0x3;
	s20 =	sor.u32 $0x1C0D, s14;
	s14 =	sadd.s32 $0x138000, s1  }
0xc: {  	_ =	strace $0x80000047;
	s10 =	ssub.s32 $0x2, s9;
	[dreg:$0x8] =	wrdreg s14  }
0xd: {  	s18 =	smul.u32 $0x4E200, s9;
	s13 =	sshrl.u32 s13, $0x2;
	[dreg:$0x4] =	wrdreg s16  }
0xe: {  	s12 =	sshrl.u32 s10, $0x1;
	[dreg:$0x7] =	wrdreg s20;
	s13 =	sadd.s32 s13, s1  }
0xf: {  	s10 =	ssub.s32 s10, s12;
	s12 =	sadd.s32 s3, s26;
	[dreg:$0x5] =	wrdreg s13  }
0x10: {  	s17 =	sshrl.u32 s16, $0x3;
	s3 =	sadd.s32 $0x27000, s3;
	[dreg:$0x6] =	wrdreg s12  }
0x11: {  	s22 =	sadd.s32 $0x28, s16;
	s19 =	sadd.s32 s7, s17;
	[dreg:$0x9] =	wrdreg s3  }
0x12: {  	s21 =	sadd.s32 s8, s17;
	s17 =	smul.u32 $0x2710, s9;
	[dreg:$0xa] =	wrdreg s19  }
0x13: {  	s14 =	simm.s32 $0x1;
	s9 =	smul.u32 $0x138800, s9;
	[dreg:$0xb] =	wrdreg s21  }
0x14: {  	s13 =	sadd.s32 s16, s18;
	s3 =	sshrl.u32 s22, $0x3;
	s26 =	smax.u32 s10, $0x1  }
0x15: {  	s18 =	simm.s32 $0xA;
	s19 =	simm.s32 $0xC;
	s10 =	simm.s32 $0x480  }
0x16: {  	s23 =	sshll.u32 s13, $0x4;
	s24 =	sadd.s32 s7, s3;
	s11 =	sadd.s32 s11, s17  }
0x17: {  	s3 =	sadd.s32 s8, s3;
	s9 =	sshrl.u32 s9, $0x3;
	[dreg:$0xc] =	wrdreg s13  }
0x18: {  	s22 =	sadd.s32 $0x28, s13;
	[dreg:$0x12] =	wrdreg s26;
	s26 =	simm.s32 $0x400  }
0x19: {  	v0 =	vmov s17;
	s17 =	simm.s32 $0x9;
	s12 =	sadd.s32 s6, s23;
	[dreg:$0xe] =	wrdreg s24  }
0x1a: {  	[dreg:$0xf] =	wrdreg s3;
	s25 =	sshll.u32 s11, $0x4;
	s23 =	simm.s32 $0xD  }
.Ltmp0:
0x1b: {  	s11 =	simm.s32 $0xB;
	s24 =	simm.s32 $0x0;
	(pc) =	sbr.rel .LBB2_1-.Ltmp0, $4  }
0x1c: {  	[dreg:$0xd] =	wrdreg s12;
	s3 =	sadd.s32 s0, s25;
	s0 =	sadd.s32 s0, s9  }
0x1d: {  	s25 =	sadd.s32 $0x78, s16;
	s16 =	simm.s32 $0x5;
	s12 =	simm.s32 $0x6900  }
0x1e: {  	s9 =	simm.s32 $0x9100;
	[dreg:$0x10] =	wrdreg s3;
	s0 =	sadd.s32 $0x27000, s0  }
0x1f: {  	s3 =	simm.s32 $0x8;
	[dreg:$0x11] =	wrdreg s0;
	s0 =	simm.s32 $0x6  }
.LBB2_12:
0x20: {  	[spmem:s1] =	stream.indirect.scatter.add.f32 [tilespmem:s9], [sflag:$0x8], $0x80, s10, s29, $0xb8;
	[tilespmem:$0x1DD80] =	vst v63  }
0x21: {  	s13 =	simm.s32 $0x7  }
0x22: {  	_ =	swait.ge [sflag:s13], $0x1400  }
0x23: {  	[sflag:s13] =	ssyncset.done $0x0  }
0x24: {  	[sflag:s13] =	ssyncadd.s32 $0xFFFFEC00  }
0x25: {  	_ =	swait.ge [sflag:s3], $0x1400  }
0x26: {  	[sflag:s3] =	ssyncset.done $0x0  }
0x27: {  	[sflag:s3] =	ssyncadd.s32 $0xFFFFEC00  }
0x28: {  	[bflag:$0x0] =	sbarrier.arrive $0xFFFF  }
0x29: {  	s20 =	rddreg [dreg:$0x7]  }
0x2a: {  	s24 =	rddreg [dreg:$0x10]  }
0x2b: {  	s23 =	simm.s32 $0xD;
	s21 =	rddreg [dreg:$0x14]  }
0x2c: {  	[hbm:s24], [sflag:s20] =	dma.local [spmem:s21], $0x2700  }
0x2d: {  	_ =	swait.ge [sflag:s23], $0x2700  }
0x2e: {  	[sflag:s23] =	ssyncset.done $0x0;
	s13 =	rddreg [dreg:$0x11]  }
0x2f: {  	s21 =	rddreg [dreg:$0x15];
	[sflag:s23] =	ssyncadd.s32 $0xFFFFD900  }
0x30: {  	[hbm:s13], [sflag:s20] =	dma.local @!p0 [spmem:s21], $0x100  }
0x31: {  	s13 =	simm.s32 @!p0 $0xD  }
0x32: {  	_ =	swait.ge @!p0 [sflag:s13], $0x100  }
0x33: {  	s24 =	rddreg [dreg:$0x13]  }
0x34: {  	s21 =	rddreg [dreg:$0x12];
	s24 =	sadd.s32 $0x1, s24  }
0x35: {  	p1 =	sne.s32 s24, s21  }
.Ltmp1:
0x36: {  	_ = 	snop;
	(pc) =	sbr.rel @!p1 .LBB2_13-.Ltmp1, $3  }
0x37: {  	_ =	sdelay $0x1  }
0x38: {  	[sflag:s13] =	ssyncset.done @!p0 $0x0  }
0x39: {  	[sflag:s13] =	ssyncadd.s32 @!p0 $0xFFFFFF00  }
.LBB2_1:
0x3a: {  	[dreg:$0x13] =	wrdreg s24  }
0x3b: {  	s13 =	rddreg [dreg:$0x5]  }
0x3c: {  	s24 =	rddreg [dreg:$0x6];
	s21 =	sshrl.u32 s13, $0x3  }
0x3d: {  	[dreg:$0x14] =	wrdreg s21  }
0x3e: {  	[spmem:s21], [sflag:s20] =	dma.local [hbm:s24], $0x2700  }
0x3f: {  	_ =	swait.ge [sflag:s23], $0x2700  }
0x40: {  	s13 =	rddreg [dreg:$0x8]  }
0x41: {  	[sflag:s23] =	ssyncset.done $0x0;
	s21 =	sshrl.u32 @!p0 s13, $0x3;
	s13 =	rddreg [dreg:$0x9]  }
0x42: {  	[sflag:s23] =	ssyncadd.s32 $0xFFFFD900;
	[dreg:$0x15] =	wrdreg s21  }
0x43: {  	[spmem:s21], [sflag:s20] =	dma.local @!p0 [hbm:s13], $0x100  }
0x44: {  	s13 =	simm.s32 @!p0 $0xD  }
0x45: {  	_ =	swait.ge @!p0 [sflag:s13], $0x100  }
0x46: {  	[sflag:s13] =	ssyncset.done @!p0 $0x0  }
0x47: {  	[sflag:s13] =	ssyncadd.s32 @!p0 $0xFFFFFF00  }
0x48: {  	[bflag:$0x0] =	sbarrier.arrive $0xFFFF  }
0x49: {  	s24 =	rddreg [dreg:$0xa]  }
0x4a: {  	[tilespmem:s2], [sflag:$0xD] =	stream.linear.gather [hbm4b:s24+s2], $0x28, $0x38;
	[tilespmem:$0x1DD80] =	vst v63  }
0x4b: {  	_ =	swait.ge [sflag:s23], $0x28  }
0x4c: {  	[sflag:s23] =	ssyncset.done $0x0  }
0x4d: {  	s21 =	simm.s32 $0x100;
	s20 =	rddreg [dreg:$0xb];
	[sflag:s23] =	ssyncadd.s32 $0xFFFFFFD8  }
0x4e: {  	[tilespmem:s21], [sflag:$0xD] =	stream.linear.gather [hbm4b:s20+s2], $0x28, $0x38;
	[tilespmem:$0x1DD80] =	vst v63  }
0x4f: {  	_ =	swait.ge [sflag:s23], $0x28  }
0x50: {  	[sflag:s23] =	ssyncset.done $0x0  }
0x51: {  	[sflag:s23] =	ssyncadd.s32 $0xFFFFFFD8  }
0x52: {  	v1 =	vld [tilespmem:$0x100]  }
0x53: {  	v2 =	vld [tilespmem:$0x0]  }
0x54: {  	v3 =	vld [tilespmem:$0x110]  }
0x55: {  	v4 =	vld [tilespmem:$0x10]  }
0x56: {  	v5 =	vld [tilespmem:$0x118]  }
0x57: {  	v6 =	vld [tilespmem:$0x18];
	v1 =	vadd.s32 v0, v1  }
0x58: {  	[tilespmem:$0x200] =	vst v1;
	v1 =	vadd.s32 v0, v2  }
0x59: {  	[tilespmem:$0x300] =	vst v1;
	v1 =	vadd.s32 v0, v3  }
0x5a: {  	[tilespmem:$0x210] =	vst v1;
	v1 =	vadd.s32 v0, v4  }
0x5b: {  	[tilespmem:$0x310] =	vst v1;
	v1 =	vadd.s32 v0, v5  }
0x5c: {  	[tilespmem:$0x218] =	vst v1;
	v1 =	vadd.s32 v0, v6  }
0x5d: {  	s24 =	simm.s32 $0x500;
	s23 =	simm.s32 $0x200;
	[tilespmem:$0x318] =	vst v1  }
0x5e: {  	[tilespmem:s24], [sflag:$0x1] =	stream.indirect.gather [hbm4b:s4+s29], $0x80, s23, s29, $0xb8;
	[tilespmem:$0x1DD80] =	vst v63  }
0x5f: {  	s20 =	simm.s32 $0x300;
	s21 =	simm.s32 $0x2D00  }
0x60: {  	[tilespmem:s21], [sflag:$0x3] =	stream.indirect.gather [hbm4b:s5+s29], $0x80, s20, s29, $0xb8;
	[tilespmem:$0x1DD80] =	vst v63  }
0x61: {  	s23 =	rddreg [dreg:$0xd];
	s24 =	simm.s32 $0x5500  }
0x62: {  	[tilespmem:s24], [sflag:$0x5] =	stream.linear.gather [hbm4b:s23+s2], $0x1400, $0x38;
	[tilespmem:$0x1DD80] =	vst v63  }
0x63: {  	s20 =	rddreg [dreg:$0xe];
	s21 =	simm.s32 $0x80  }
0x64: {  	[tilespmem:s21], [sflag:$0xA] =	stream.linear.gather [hbm4b:s20+s2], $0x28, $0x38;
	[tilespmem:$0x1DD80] =	vst v63  }
0x65: {  	s13 =	simm.s32 $0x0;
	s23 =	rddreg [dreg:$0xf];
	s24 =	simm.s32 $0x180  }
0x66: {  	[tilespmem:s24], [sflag:$0xC] =	stream.linear.gather [hbm4b:s23+s2], $0x28, $0x38;
	[tilespmem:$0x1DD80] =	vst v63  }
.LBB2_2:
0x67: {  	_ =	swait.ge [sflag:s14], $0x1400  }
0x68: {  	[sflag:s14] =	ssyncset.done $0x0  }
0x69: {  	[sflag:s14] =	ssyncadd.s32 $0xFFFFEC00  }
0x6a: {  	_ =	swait.ge [sflag:s15], $0x1400  }
0x6b: {  	[sflag:s15] =	ssyncset.done $0x0  }
0x6c: {  	[sflag:s15] =	ssyncadd.s32 $0xFFFFEC00  }
0x6d: {  	_ =	swait.ge [sflag:s16], $0x1400  }
0x6e: {  	[sflag:s16] =	ssyncset.done $0x0  }
0x6f: {  	[sflag:s16] =	ssyncadd.s32 $0xFFFFEC00  }
0x70: {  	_ =	swait.ge [sflag:s18], $0x28  }
0x71: {  	[sflag:s18] =	ssyncset.done $0x0  }
0x72: {  	[sflag:s18] =	ssyncadd.s32 $0xFFFFFFD8  }
0x73: {  	_ =	swait.ge [sflag:s19], $0x28  }
0x74: {  	[sflag:s19] =	ssyncset.done $0x0  }
0x75: {  	[sflag:s19] =	ssyncadd.s32 $0xFFFFFFD8  }
0x76: {  	v1 =	vld [tilespmem:$0x180]  }
0x77: {  	v2 =	vld [tilespmem:$0x80]  }
0x78: {  	v3 =	vld [tilespmem:$0x190]  }
0x79: {  	v4 =	vld [tilespmem:$0x90]  }
0x7a: {  	v5 =	vld [tilespmem:$0x198]  }
0x7b: {  	v6 =	vld [tilespmem:$0x98];
	v1 =	vadd.s32 v0, v1  }
0x7c: {  	[tilespmem:$0x280] =	vst v1;
	v1 =	vadd.s32 v0, v2  }
0x7d: {  	[tilespmem:$0x380] =	vst v1;
	v1 =	vadd.s32 v0, v3  }
0x7e: {  	[tilespmem:$0x290] =	vst v1;
	v1 =	vadd.s32 v0, v4  }
0x7f: {  	[tilespmem:$0x390] =	vst v1;
	v1 =	vadd.s32 v0, v5  }
0x80: {  	[tilespmem:$0x298] =	vst v1;
	v1 =	vadd.s32 v0, v6  }
0x81: {  	s20 =	simm.s32 $0x280;
	s21 =	simm.s32 $0x1900;
	[tilespmem:$0x398] =	vst v1  }
0x82: {  	[tilespmem:s21], [sflag:$0x2] =	stream.indirect.gather [hbm4b:s4+s29], $0x80, s20, s29, $0xb8;
	[tilespmem:$0x1DD80] =	vst v63  }
0x83: {  	s24 =	simm.s32 $0x380;
	s23 =	simm.s32 $0x4100;
	s20 =	smul.u32 $0x50, s13  }
0x84: {  	[tilespmem:s23], [sflag:$0x4] =	stream.indirect.gather [hbm4b:s5+s29], $0x80, s24, s29, $0xb8;
	[tilespmem:$0x1DD80] =	vst v63  }
0x85: {  	s24 =	sadd.s32 s20, s22  }
0x86: {  	s21 =	sshll.u32 s24, $0x4  }
0x87: {  	p1 =	seq.s32 s13, $0x0;
	s21 =	sadd.s32 s6, s21  }
0x88: {  	[tilespmem:s12], [sflag:$0x6] =	stream.linear.gather [hbm4b:s21+s2], $0x1400, $0x38;
	[tilespmem:$0x1DD80] =	vst v63  }
0x89: {  	s21 =	simm.s32 @!p1 $0x7  }
0x8a: {  	_ =	swait.ge @!p1 [sflag:s21], $0x1400  }
0x8b: {  	[sflag:s21] =	ssyncset.done @!p1 $0x0  }
0x8c: {  	[sflag:s21] =	ssyncadd.s32 @!p1 $0xFFFFEC00  }
0x8d: {  	v1 =	vld [tilespmem:$0x100]  }
0x8e: {  	v2 =	vld [tilespmem:$0x110]  }
0x8f: {  	v3 =	vld [tilespmem:$0x118];
	_ =	sdelay $0x2  }
0x90: {  	[tilespmem:$0x400] =	vst v1  }
0x91: {  	[tilespmem:$0x410] =	vst v2  }
0x92: {  	s21 =	simm.s32 $0x0;
	[tilespmem:$0x418] =	vst v3  }
0x93: {  	v1 =	vld [tilespmem:s21+$0x570]  }
0x94: {  	v2 =	vld [tilespmem:s21+$0x2D70]  }
0x95: {  	v3 =	vld [tilespmem:s21+$0x500]  }
0x96: {  	v4 =	vld [tilespmem:s21+$0x5570]  }
0x97: {  	v5 =	vld [tilespmem:s21+$0x2D00]  }
0x98: {  	v6 =	vld [tilespmem:s21+$0x510]  }
0x99: {  	v7 =	vld [tilespmem:s21+$0x2D10]  }
0x9a: {  	v8 =	vld [tilespmem:s21+$0x2D20]  }
0x9b: {  	v10 =	vld [tilespmem:s21+$0x2D30]  }
0x9c: {  	v11 =	vld [tilespmem:s21+$0x540]  }
0x9d: {  	v12 =	vld [tilespmem:s21+$0x550]  }
0x9e: {  	v13 =	vld [tilespmem:s21+$0x2D50]  }
0x9f: {  	v14 =	vld [tilespmem:s21+$0x560];
	v1 =	vadd.f32 v2, v1  }
0xa0: {  	v15 =	vld [tilespmem:s21+$0x2D60]  }
0xa1: {  	v16 =	vld [tilespmem:s21+$0x5500];
	v1 =	vadd.f32 v4, v1  }
0xa2: {  	v2 =	vld [tilespmem:s21+$0x520]  }
0xa3: {  	v4 =	vld [tilespmem:s21+$0x530];
	v1 =	vmax.f32 v1, $0.0e+00  }
0xa4: {  	[tilespmem:s21+$0x7D70] =	vst v1;
	v1 =	vld [tilespmem:s21+$0x2D40]  }
0xa5: {  	v17 =	vld [tilespmem:s21+$0x5510]  }
0xa6: {  	v18 =	vld [tilespmem:s21+$0x5520]  }
0xa7: {  	v9 =	vld [tilespmem:s21+$0x5530];
	v3 =	vadd.f32 v5, v3;
	v19 =	vadd.f32 v7, v6  }
0xa8: {  	v20 =	vadd.f32 v8, v2;
	v8 =	vld [tilespmem:s21+$0x5540];
	v5 =	vadd.f32 v10, v4  }
0xa9: {  	v7 =	vld [tilespmem:s21+$0x5550];
	v4 =	vadd.f32 v1, v11;
	v11 =	vadd.f32 v16, v3  }
0xaa: {  	s23 =	simm.s32 $0x80;
	v6 =	vld [tilespmem:s21+$0x5560];
	v10 =	vadd.f32 v17, v19;
	v3 =	vadd.f32 v13, v12  }
0xab: {  	s24 =	simm.s32 $0x400;
	v2 =	vld [tilespmem:s23+$0x570];
	v1 =	vadd.f32 v15, v14;
	v12 =	vmax.f32 v11, $0.0e+00;
	v11 =	vadd.f32 v18, v20  }
.LBB2_3:
0xac: {  	p2 =	sne.s32 s24, $0x4E00;
	v13 =	vld [tilespmem:s23+$0x2D70];
	[tilespmem:s21+$0x7D00] =	vst v12;
	v10 =	vmax.f32 v10, $0.0e+00;
	v5 =	vadd.f32 v9, v5  }
0xad: {  	v9 =	vld [tilespmem:s23+$0x500];
	[tilespmem:s21+$0x7D10] =	vst v10;
	v10 =	vmax.f32 v11, $0.0e+00;
	v4 =	vadd.f32 v8, v4  }
0xae: {  	v8 =	vld [tilespmem:s23+$0x5570];
	[tilespmem:s21+$0x7D20] =	vst v10;
	v5 =	vmax.f32 v5, $0.0e+00;
	v3 =	vadd.f32 v7, v3  }
0xaf: {  	v7 =	vld [tilespmem:s23+$0x2D00];
	[tilespmem:s21+$0x7D30] =	vst v5;
	v4 =	vmax.f32 v4, $0.0e+00;
	v1 =	vadd.f32 v6, v1  }
0xb0: {  	v5 =	vld [tilespmem:s23+$0x510];
	[tilespmem:s21+$0x7D40] =	vst v4;
	v3 =	vmax.f32 v3, $0.0e+00  }
0xb1: {  	v4 =	vld [tilespmem:s23+$0x2D10];
	v2 =	vadd.f32 v13, v2;
	[tilespmem:s21+$0x7D50] =	vst v3;
	v1 =	vmax.f32 v1, $0.0e+00  }
0xb2: {  	v3 =	vld [tilespmem:s23+$0x520];
	[tilespmem:s21+$0x7D60] =	vst v1;
	s21 =	smov.u32 s23  }
0xb3: {  	v1 =	vld [tilespmem:s21+$0x2D20];
	v2 =	vadd.f32 v8, v2  }
0xb4: {  	v6 =	vadd.f32 v7, v9;
	v7 =	vld [tilespmem:s21+$0x530]  }
0xb5: {  	v8 =	vld [tilespmem:s21+$0x2D30];
	v2 =	vmax.f32 v2, $0.0e+00  }
0xb6: {  	v10 =	vadd.f32 v4, v5;
	v4 =	vld [tilespmem:s21+$0x540];
	[tilespmem:s21+$0x7D70] =	vst v2  }
0xb7: {  	v2 =	vld [tilespmem:s21+$0x2D40]  }
0xb8: {  	v11 =	vadd.f32 v1, v3;
	v1 =	vld [tilespmem:s21+$0x550]  }
0xb9: {  	v3 =	vld [tilespmem:s21+$0x2D50]  }
0xba: {  	v5 =	vadd.f32 v8, v7;
	v7 =	vld [tilespmem:s21+$0x560]  }
0xbb: {  	v12 =	vld [tilespmem:s21+$0x2D60]  }
0xbc: {  	v13 =	vld [tilespmem:s21+$0x5500];
	v4 =	vadd.f32 v2, v4  }
0xbd: {  	v2 =	vld [tilespmem:s21+$0x5510]  }
0xbe: {  	v14 =	vld [tilespmem:s21+$0x5520];
	v3 =	vadd.f32 v3, v1  }
.Ltmp2:
0xbf: {  	v9 =	vld [tilespmem:s21+$0x5530];
	(pc) =	sbr.rel @p2 .LBB2_3-.Ltmp2, $4  }
0xc0: {  	v8 =	vld [tilespmem:s21+$0x5540];
	v1 =	vadd.f32 v12, v7  }
0xc1: {  	v12 =	vadd.f32 v13, v6;
	v7 =	vld [tilespmem:s21+$0x5550]  }
0xc2: {  	s23 =	sshra.s32 s24, $0x2;
	v10 =	vadd.f32 v2, v10;
	v6 =	vld [tilespmem:s21+$0x5560]  }
0xc3: {  	s24 =	sadd.s32 $0x200, s24;
	v2 =	vld [tilespmem:s23+$0x570];
	v12 =	vmax.f32 v12, $0.0e+00;
	v11 =	vadd.f32 v14, v11  }
0xc4: {  	v13 =	vld [tilespmem:s23+$0x2D70];
	[tilespmem:s21+$0x7D00] =	vst v12;
	v10 =	vmax.f32 v10, $0.0e+00;
	v5 =	vadd.f32 v9, v5  }
0xc5: {  	v12 =	vld [tilespmem:s23+$0x500];
	[tilespmem:s21+$0x7D10] =	vst v10;
	v50 =	vmax.f32 v11, $0.0e+00;
	v4 =	vadd.f32 v8, v4  }
0xc6: {  	v10 =	vld [tilespmem:s23+$0x5570];
	[tilespmem:s21+$0x7D20] =	vst v50;
	v5 =	vmax.f32 v5, $0.0e+00;
	v3 =	vadd.f32 v7, v3  }
0xc7: {  	v51 =	vld [tilespmem:s23+$0x2D00];
	[tilespmem:s21+$0x7D30] =	vst v5;
	v4 =	vmax.f32 v4, $0.0e+00;
	v1 =	vadd.f32 v6, v1  }
0xc8: {  	v5 =	vld [tilespmem:s23+$0x510];
	[tilespmem:s21+$0x7D40] =	vst v4;
	v3 =	vmax.f32 v3, $0.0e+00  }
0xc9: {  	v4 =	vld [tilespmem:s23+$0x2D10];
	[tilespmem:s21+$0x7D50] =	vst v3;
	v1 =	vmax.f32 v1, $0.0e+00  }
0xca: {  	v3 =	vld [tilespmem:s23+$0x520];
	[tilespmem:s21+$0x7D60] =	vst v1  }
0xcb: {  	v1 =	vld [tilespmem:s23+$0x2D20]  }
0xcc: {  	v52 =	vld [tilespmem:s23+$0x530]  }
0xcd: {  	v53 =	vld [tilespmem:s23+$0x2D30]  }
0xce: {  	v9 =	vld [tilespmem:s23+$0x540]  }
0xcf: {  	v54 =	vld [tilespmem:s23+$0x550]  }
0xd0: {  	v55 =	vld [tilespmem:s23+$0x2D50]  }
0xd1: {  	v2 =	vadd.f32 v13, v2;
	v56 =	vld [tilespmem:s23+$0x560]  }
0xd2: {  	v14 =	vld [tilespmem:s23+$0x2D60]  }
0xd3: {  	v2 =	vadd.f32 v10, v2;
	v15 =	vld [tilespmem:s23+$0x5500]  }
0xd4: {  	v16 =	vld [tilespmem:s23+$0x5510]  }
0xd5: {  	v17 =	vld [tilespmem:s23+$0x5520];
	v2 =	vmax.f32 v2, $0.0e+00  }
0xd6: {  	[tilespmem:s23+$0x7D70] =	vst v2;
	v2 =	vld [tilespmem:s23+$0x2D40]  }
0xd7: {  	v57 =	vld [tilespmem:s23+$0x5530];
	v8 =	vadd.f32 v51, v12  }
0xd8: {  	v58 =	vld [tilespmem:s23+$0x5540];
	v4 =	vadd.f32 v4, v5  }
0xd9: {  	v59 =	vld [tilespmem:s23+$0x5550];
	v1 =	vadd.f32 v1, v3;
	v3 =	vadd.f32 v15, v8  }
0xda: {  	v60 =	vld [tilespmem:s23+$0x5560];
	v6 =	vadd.f32 v53, v52;
	v4 =	vadd.f32 v16, v4  }
0xdb: {  	v1 =	vadd.f32 v17, v1;
	v3 =	vmax.f32 v3, $0.0e+00;
	v2 =	vadd.f32 v2, v9  }
0xdc: {  	v61 =	vadd.f32 v55, v54;
	v62 =	vadd.f32 v57, v6;
	[tilespmem:s23+$0x7D00] =	vst v3;
	v3 =	vmax.f32 v4, $0.0e+00  }
0xdd: {  	p2 =	sne.s32 s13, $0xF9;
	v63 =	vadd.f32 v14, v56;
	[tilespmem:s23+$0x7D10] =	vst v3;
	v1 =	vmax.f32 v1, $0.0e+00;
	v2 =	vadd.f32 v58, v2  }
.Ltmp3:
0xde: {  	v3 =	vadd.f32 v59, v61;
	[tilespmem:s23+$0x7D20] =	vst v1;
	v1 =	vmax.f32 v62, $0.0e+00;
	(pc) =	sbr.rel @p2 .LBB2_6-.Ltmp3, $4  }
0xdf: {  	[tilespmem:s23+$0x7D30] =	vst v1;
	v1 =	vmax.f32 v2, $0.0e+00;
	v2 =	vadd.f32 v60, v63  }
0xe0: {  	[tilespmem:s23+$0x7D40] =	vst v1;
	v1 =	vmax.f32 v3, $0.0e+00  }
0xe1: {  	[tilespmem:s23+$0x7D50] =	vst v1;
	v1 =	vmax.f32 v2, $0.0e+00  }
0xe2: {  	[tilespmem:s23+$0x7D60] =	vst v1  }
0xe3: {  	[spmem:s1] =	stream.indirect.scatter.add.f32 [tilespmem:s28], [sflag:$0x7], $0x80, s26, s29, $0xb8;
	[tilespmem:$0x1DD80] =	vst v63  }
0xe4: {  	_ =	swait.ge [sflag:s30], $0x1400  }
0xe5: {  	[sflag:s30] =	ssyncset.done $0x0  }
0xe6: {  	[sflag:s30] =	ssyncadd.s32 $0xFFFFEC00  }
0xe7: {  	_ =	swait.ge [sflag:s31], $0x1400  }
.Ltmp4:
0xe8: {  	[sflag:s31] =	ssyncset.done $0x0;
	(pc) =	sbr.rel .LBB2_7-.Ltmp4, $4  }
0xe9: {  	[sflag:s31] =	ssyncadd.s32 $0xFFFFEC00  }
0xea: {  	_ =	swait.ge [sflag:s0], $0x1400  }
0xeb: {  	[sflag:s0] =	ssyncset.done $0x0  }
0xec: {  	[sflag:s0] =	ssyncadd.s32 $0xFFFFEC00  }
.LBB2_6:
0xed: {  	s21 =	sadd.s32 $0x50, s20;
	s23 =	rddreg [dreg:$0x4]  }
0xee: {  	s23 =	sadd.s32 s23, s21  }
0xef: {  	s23 =	sshrl.u32 s23, $0x3  }
0xf0: {  	s24 =	sadd.s32 s7, s23  }
0xf1: {  	[tilespmem:s2], [sflag:$0x9] =	stream.linear.gather [hbm4b:s24+s2], $0x28, $0x38;
	[tilespmem:$0x1DD80] =	vst v63  }
0xf2: {  	s23 =	sadd.s32 s8, s23;
	s24 =	simm.s32 $0x100  }
0xf3: {  	[tilespmem:s24], [sflag:$0xB] =	stream.linear.gather [hbm4b:s23+s2], $0x28, $0x38;
	[tilespmem:$0x1DD80] =	vst v63  }
0xf4: {  	_ = 	snop  }
0xf5: {  	[spmem:s1] =	stream.indirect.scatter.add.f32 [tilespmem:s28], [sflag:$0x7], $0x80, s26, s29, $0xb8;
	[tilespmem:$0x1DD80] =	vst v63  }
0xf6: {  	_ =	swait.ge [sflag:s30], $0x1400  }
0xf7: {  	[sflag:s30] =	ssyncset.done $0x0  }
0xf8: {  	[sflag:s30] =	ssyncadd.s32 $0xFFFFEC00  }
0xf9: {  	_ =	swait.ge [sflag:s31], $0x1400  }
0xfa: {  	[sflag:s31] =	ssyncset.done $0x0  }
0xfb: {  	[sflag:s31] =	ssyncadd.s32 $0xFFFFEC00  }
0xfc: {  	_ =	swait.ge [sflag:s0], $0x1400  }
0xfd: {  	[sflag:s0] =	ssyncset.done $0x0  }
0xfe: {  	[sflag:s0] =	ssyncadd.s32 $0xFFFFEC00  }
0xff: {  	_ =	swait.ge [sflag:s17], $0x28  }
0x100: {  	[sflag:s17] =	ssyncset.done $0x0  }
0x101: {  	[sflag:s17] =	ssyncadd.s32 $0xFFFFFFD8  }
0x102: {  	_ =	swait.ge [sflag:s11], $0x28  }
0x103: {  	[sflag:s11] =	ssyncset.done $0x0  }
0x104: {  	[sflag:s11] =	ssyncadd.s32 $0xFFFFFFD8  }
0x105: {  	v1 =	vld [tilespmem:$0x100]  }
0x106: {  	v2 =	vld [tilespmem:$0x0]  }
0x107: {  	v3 =	vld [tilespmem:$0x110]  }
0x108: {  	v4 =	vld [tilespmem:$0x10]  }
0x109: {  	v5 =	vld [tilespmem:$0x118]  }
0x10a: {  	v6 =	vld [tilespmem:$0x18];
	v1 =	vadd.s32 v0, v1  }
0x10b: {  	[tilespmem:$0x200] =	vst v1;
	v1 =	vadd.s32 v0, v2  }
0x10c: {  	[tilespmem:$0x300] =	vst v1;
	v1 =	vadd.s32 v0, v3  }
0x10d: {  	[tilespmem:$0x210] =	vst v1;
	v1 =	vadd.s32 v0, v4  }
0x10e: {  	[tilespmem:$0x310] =	vst v1;
	v1 =	vadd.s32 v0, v5  }
0x10f: {  	[tilespmem:$0x218] =	vst v1;
	v1 =	vadd.s32 v0, v6  }
0x110: {  	s23 =	simm.s32 $0x200;
	s24 =	simm.s32 $0x500;
	[tilespmem:$0x318] =	vst v1  }
0x111: {  	[tilespmem:s24], [sflag:$0x1] =	stream.indirect.gather [hbm4b:s4+s29], $0x80, s23, s29, $0xb8;
	[tilespmem:$0x1DD80] =	vst v63  }
0x112: {  	s23 =	simm.s32 $0x300;
	s24 =	simm.s32 $0x2D00  }
0x113: {  	[tilespmem:s24], [sflag:$0x3] =	stream.indirect.gather [hbm4b:s5+s29], $0x80, s23, s29, $0xb8;
	[tilespmem:$0x1DD80] =	vst v63  }
.Ltmp5:
0x114: {  	s24 =	rddreg [dreg:$0xc];
	(pc) =	sbr.rel @p1 .LBB2_8-.Ltmp5, $4  }
0x115: {  	s21 =	sadd.s32 s24, s21  }
0x116: {  	s21 =	sshll.u32 s21, $0x4  }
0x117: {  	s24 =	simm.s32 $0x5500;
	s21 =	sadd.s32 s6, s21  }
0x118: {  	[tilespmem:s24], [sflag:$0x5] =	stream.linear.gather [hbm4b:s21+s2], $0x1400, $0x38;
	[tilespmem:$0x1DD80] =	vst v63  }
.LBB2_7:
0x119: {  	_ =	swait.ge [sflag:s3], $0x1400  }
0x11a: {  	[sflag:s3] =	ssyncset.done $0x0  }
0x11b: {  	[sflag:s3] =	ssyncadd.s32 $0xFFFFEC00  }
.LBB2_8:
0x11c: {  	v1 =	vld [tilespmem:$0x180]  }
0x11d: {  	v2 =	vld [tilespmem:$0x190]  }
0x11e: {  	v3 =	vld [tilespmem:$0x198];
	_ =	sdelay $0x2  }
0x11f: {  	[tilespmem:$0x480] =	vst v1  }
0x120: {  	[tilespmem:$0x490] =	vst v2  }
0x121: {  	s21 =	simm.s32 $0x0;
	[tilespmem:$0x498] =	vst v3  }
0x122: {  	v1 =	vld [tilespmem:s21+$0x1970]  }
0x123: {  	v2 =	vld [tilespmem:s21+$0x4170]  }
0x124: {  	v3 =	vld [tilespmem:s21+$0x1900]  }
0x125: {  	v4 =	vld [tilespmem:s21+$0x6970]  }
0x126: {  	v5 =	vld [tilespmem:s21+$0x4100]  }
0x127: {  	v6 =	vld [tilespmem:s21+$0x1910]  }
0x128: {  	v7 =	vld [tilespmem:s21+$0x4110]  }
0x129: {  	v8 =	vld [tilespmem:s21+$0x4120]  }
0x12a: {  	v10 =	vld [tilespmem:s21+$0x4130]  }
0x12b: {  	v11 =	vld [tilespmem:s21+$0x1940]  }
0x12c: {  	v12 =	vld [tilespmem:s21+$0x1950]  }
0x12d: {  	v13 =	vld [tilespmem:s21+$0x4150]  }
0x12e: {  	v14 =	vld [tilespmem:s21+$0x1960];
	v1 =	vadd.f32 v2, v1  }
0x12f: {  	v15 =	vld [tilespmem:s21+$0x4160]  }
0x130: {  	v16 =	vld [tilespmem:s21+$0x6900];
	v1 =	vadd.f32 v4, v1  }
0x131: {  	v2 =	vld [tilespmem:s21+$0x1920]  }
0x132: {  	v4 =	vld [tilespmem:s21+$0x1930];
	v1 =	vmax.f32 v1, $0.0e+00  }
0x133: {  	[tilespmem:s21+$0x9170] =	vst v1;
	v1 =	vld [tilespmem:s21+$0x4140]  }
0x134: {  	v17 =	vld [tilespmem:s21+$0x6910]  }
0x135: {  	v18 =	vld [tilespmem:s21+$0x6920]  }
0x136: {  	v9 =	vld [tilespmem:s21+$0x6930];
	v3 =	vadd.f32 v5, v3;
	v19 =	vadd.f32 v7, v6  }
0x137: {  	v20 =	vadd.f32 v8, v2;
	v8 =	vld [tilespmem:s21+$0x6940];
	v5 =	vadd.f32 v10, v4  }
0x138: {  	v7 =	vld [tilespmem:s21+$0x6950];
	v4 =	vadd.f32 v1, v11;
	v11 =	vadd.f32 v16, v3  }
0x139: {  	s23 =	simm.s32 $0x80;
	v6 =	vld [tilespmem:s21+$0x6960];
	v10 =	vadd.f32 v17, v19;
	v3 =	vadd.f32 v13, v12  }
0x13a: {  	s24 =	simm.s32 $0x400;
	v2 =	vld [tilespmem:s23+$0x1970];
	v1 =	vadd.f32 v15, v14;
	v12 =	vmax.f32 v11, $0.0e+00;
	v11 =	vadd.f32 v18, v20  }
.LBB2_9:
0x13b: {  	p1 =	sne.s32 s24, $0x4E00;
	v13 =	vld [tilespmem:s23+$0x4170];
	[tilespmem:s21+$0x9100] =	vst v12;
	v10 =	vmax.f32 v10, $0.0e+00;
	v5 =	vadd.f32 v9, v5  }
0x13c: {  	v9 =	vld [tilespmem:s23+$0x1900];
	[tilespmem:s21+$0x9110] =	vst v10;
	v10 =	vmax.f32 v11, $0.0e+00;
	v4 =	vadd.f32 v8, v4  }
0x13d: {  	v8 =	vld [tilespmem:s23+$0x6970];
	[tilespmem:s21+$0x9120] =	vst v10;
	v5 =	vmax.f32 v5, $0.0e+00;
	v3 =	vadd.f32 v7, v3  }
0x13e: {  	v7 =	vld [tilespmem:s23+$0x4100];
	[tilespmem:s21+$0x9130] =	vst v5;
	v4 =	vmax.f32 v4, $0.0e+00;
	v1 =	vadd.f32 v6, v1  }
0x13f: {  	v5 =	vld [tilespmem:s23+$0x1910];
	[tilespmem:s21+$0x9140] =	vst v4;
	v3 =	vmax.f32 v3, $0.0e+00  }
0x140: {  	v4 =	vld [tilespmem:s23+$0x4110];
	v2 =	vadd.f32 v13, v2;
	[tilespmem:s21+$0x9150] =	vst v3;
	v1 =	vmax.f32 v1, $0.0e+00  }
0x141: {  	v3 =	vld [tilespmem:s23+$0x1920];
	[tilespmem:s21+$0x9160] =	vst v1;
	s21 =	smov.u32 s23  }
0x142: {  	v1 =	vld [tilespmem:s21+$0x4120];
	v2 =	vadd.f32 v8, v2  }
0x143: {  	v6 =	vadd.f32 v7, v9;
	v7 =	vld [tilespmem:s21+$0x1930]  }
0x144: {  	v8 =	vld [tilespmem:s21+$0x4130];
	v2 =	vmax.f32 v2, $0.0e+00  }
0x145: {  	v10 =	vadd.f32 v4, v5;
	v4 =	vld [tilespmem:s21+$0x1940];
	[tilespmem:s21+$0x9170] =	vst v2  }
0x146: {  	v2 =	vld [tilespmem:s21+$0x4140]  }
0x147: {  	v11 =	vadd.f32 v1, v3;
	v1 =	vld [tilespmem:s21+$0x1950]  }
0x148: {  	v3 =	vld [tilespmem:s21+$0x4150]  }
0x149: {  	v5 =	vadd.f32 v8, v7;
	v7 =	vld [tilespmem:s21+$0x1960]  }
0x14a: {  	v12 =	vld [tilespmem:s21+$0x4160]  }
0x14b: {  	v13 =	vld [tilespmem:s21+$0x6900];
	v4 =	vadd.f32 v2, v4  }
0x14c: {  	v2 =	vld [tilespmem:s21+$0x6910]  }
0x14d: {  	v14 =	vld [tilespmem:s21+$0x6920];
	v3 =	vadd.f32 v3, v1  }
.Ltmp6:
0x14e: {  	v9 =	vld [tilespmem:s21+$0x6930];
	(pc) =	sbr.rel @p1 .LBB2_9-.Ltmp6, $4  }
0x14f: {  	v8 =	vld [tilespmem:s21+$0x6940];
	v1 =	vadd.f32 v12, v7  }
0x150: {  	v12 =	vadd.f32 v13, v6;
	v7 =	vld [tilespmem:s21+$0x6950]  }
0x151: {  	s23 =	sshra.s32 s24, $0x2;
	v10 =	vadd.f32 v2, v10;
	v6 =	vld [tilespmem:s21+$0x6960]  }
0x152: {  	s24 =	sadd.s32 $0x200, s24;
	v2 =	vld [tilespmem:s23+$0x1970];
	v12 =	vmax.f32 v12, $0.0e+00;
	v11 =	vadd.f32 v14, v11  }
0x153: {  	v13 =	vld [tilespmem:s23+$0x4170];
	[tilespmem:s21+$0x9100] =	vst v12;
	v10 =	vmax.f32 v10, $0.0e+00;
	v5 =	vadd.f32 v9, v5  }
0x154: {  	v12 =	vld [tilespmem:s23+$0x1900];
	[tilespmem:s21+$0x9110] =	vst v10;
	v50 =	vmax.f32 v11, $0.0e+00;
	v4 =	vadd.f32 v8, v4  }
0x155: {  	v10 =	vld [tilespmem:s23+$0x6970];
	[tilespmem:s21+$0x9120] =	vst v50;
	v5 =	vmax.f32 v5, $0.0e+00;
	v3 =	vadd.f32 v7, v3  }
0x156: {  	v51 =	vld [tilespmem:s23+$0x4100];
	[tilespmem:s21+$0x9130] =	vst v5;
	v4 =	vmax.f32 v4, $0.0e+00;
	v1 =	vadd.f32 v6, v1  }
0x157: {  	v5 =	vld [tilespmem:s23+$0x1910];
	[tilespmem:s21+$0x9140] =	vst v4;
	v3 =	vmax.f32 v3, $0.0e+00  }
0x158: {  	v4 =	vld [tilespmem:s23+$0x4110];
	[tilespmem:s21+$0x9150] =	vst v3;
	v1 =	vmax.f32 v1, $0.0e+00  }
0x159: {  	v3 =	vld [tilespmem:s23+$0x1920];
	[tilespmem:s21+$0x9160] =	vst v1  }
0x15a: {  	v1 =	vld [tilespmem:s23+$0x4120]  }
0x15b: {  	v52 =	vld [tilespmem:s23+$0x1930]  }
0x15c: {  	v53 =	vld [tilespmem:s23+$0x4130]  }
0x15d: {  	v9 =	vld [tilespmem:s23+$0x1940]  }
0x15e: {  	v54 =	vld [tilespmem:s23+$0x1950]  }
0x15f: {  	v55 =	vld [tilespmem:s23+$0x4150]  }
0x160: {  	v2 =	vadd.f32 v13, v2;
	v56 =	vld [tilespmem:s23+$0x1960]  }
0x161: {  	v14 =	vld [tilespmem:s23+$0x4160]  }
0x162: {  	v2 =	vadd.f32 v10, v2;
	v15 =	vld [tilespmem:s23+$0x6900]  }
0x163: {  	v16 =	vld [tilespmem:s23+$0x6910]  }
0x164: {  	v17 =	vld [tilespmem:s23+$0x6920];
	v2 =	vmax.f32 v2, $0.0e+00  }
0x165: {  	[tilespmem:s23+$0x9170] =	vst v2;
	v2 =	vld [tilespmem:s23+$0x4140]  }
0x166: {  	v57 =	vld [tilespmem:s23+$0x6930];
	v8 =	vadd.f32 v51, v12  }
0x167: {  	v58 =	vld [tilespmem:s23+$0x6940];
	v4 =	vadd.f32 v4, v5  }
0x168: {  	v59 =	vld [tilespmem:s23+$0x6950];
	v1 =	vadd.f32 v1, v3;
	v3 =	vadd.f32 v15, v8  }
0x169: {  	v60 =	vld [tilespmem:s23+$0x6960];
	v6 =	vadd.f32 v53, v52;
	v4 =	vadd.f32 v16, v4  }
0x16a: {  	v1 =	vadd.f32 v17, v1;
	v3 =	vmax.f32 v3, $0.0e+00;
	v2 =	vadd.f32 v2, v9  }
0x16b: {  	v61 =	vadd.f32 v55, v54;
	v62 =	vadd.f32 v57, v6;
	[tilespmem:s23+$0x9100] =	vst v3;
	v3 =	vmax.f32 v4, $0.0e+00  }
0x16c: {  	p1 =	seq.s32 s13, $0xF9;
	v63 =	vadd.f32 v14, v56;
	[tilespmem:s23+$0x9110] =	vst v3;
	v1 =	vmax.f32 v1, $0.0e+00;
	v2 =	vadd.f32 v58, v2  }
.Ltmp7:
0x16d: {  	v3 =	vadd.f32 v59, v61;
	[tilespmem:s23+$0x9120] =	vst v1;
	v1 =	vmax.f32 v62, $0.0e+00;
	(pc) =	sbr.rel @p1 .LBB2_12-.Ltmp7, $4  }
0x16e: {  	[tilespmem:s23+$0x9130] =	vst v1;
	v1 =	vmax.f32 v2, $0.0e+00;
	v2 =	vadd.f32 v60, v63  }
0x16f: {  	[tilespmem:s23+$0x9140] =	vst v1;
	v1 =	vmax.f32 v3, $0.0e+00  }
0x170: {  	[tilespmem:s23+$0x9150] =	vst v1;
	v1 =	vmax.f32 v2, $0.0e+00  }
0x171: {  	[tilespmem:s23+$0x9160] =	vst v1  }
0x172: {  	s20 =	sadd.s32 s20, s25  }
0x173: {  	s20 =	sshrl.u32 s20, $0x3  }
0x174: {  	s23 =	simm.s32 $0x80;
	s21 =	sadd.s32 s7, s20  }
0x175: {  	[tilespmem:s23], [sflag:$0xA] =	stream.linear.gather [hbm4b:s21+s2], $0x28, $0x38;
	[tilespmem:$0x1DD80] =	vst v63  }
.Ltmp8:
0x176: {  	_ = 	snop;
	(pc) =	sbr.rel .LBB2_2-.Ltmp8, $4  }
0x177: {  	s24 =	simm.s32 $0x180;
	s20 =	sadd.s32 s8, s20  }
0x178: {  	[tilespmem:s24], [sflag:$0xC] =	stream.linear.gather [hbm4b:s20+s2], $0x28, $0x38;
	[tilespmem:$0x1DD80] =	vst v63  }
0x179: {  	s13 =	sadd.s32 $0x1, s13  }
0x17a: {  	[spmem:s1] =	stream.indirect.scatter.add.f32 [tilespmem:s9], [sflag:$0x8], $0x80, s10, s29, $0xb8;
	[tilespmem:$0x1DD80] =	vst v63  }
.LBB2_13:
0x17b: {  	_ =	sfence.sel $0x180000  }
0x17c: {  	[bflag:$0x0] =	sbarrier.arrive $0xFFFF  }
0x17d: {  	_ =	strace $0x90000047  }
0x17e: {  	s0 =	stileid.u32;
	[bflag:$0x2] =	sbarrier.arrive $0xFFFF  }
0x17f: {  	p0 =	sne.s32 s0, $0x0;
	s0 =	rddreg [dreg:$0x3]  }
0x180: {  	s0 =	sadd.s32 @!p0 $0x100000, s0  }
0x181: {  	[sflag:s0] =	ssyncadd.tile.s32 @!p0 $0x1;
	_ =	shalt  }
.Lfunc_end2:
_tile_overlayer_lowered:
.L_overlay_start_2:
0x182: {  	(tag) =	ssettag $0x2  }
0x183: {  	s0 =	rddreg [dreg:$0x0];
	s2 =	stileid.u32  }
0x184: {  	s1 =	rddreg [dreg:$0x1];
	p0 =	sne.s32 s2, $0x0  }
0x185: {  	s3 =	rddreg [dreg:$0x2];
	[bflag:$0x3] =	sbarrier.arrive $0xFFFF;
	s2 =	simm.s32 @!p0 $0x1C0D  }
0x186: {  	[timem:s3], [sflag:s2] =	dma.local @!p0 [hbm:s0], s1  }
0x187: {  	s0 =	simm.s32 @!p0 $0xD  }
0x188: {  	_ =	swait.ge @!p0 [sflag:s0], s1  }
0x189: {  	s1 =	ssub.s32 @!p0 $0x0, s1;
	[sflag:s0] =	ssyncset.done @!p0 $0x0  }
0x18a: {  	[sflag:s0] =	ssyncadd.s32 @!p0 s1  }
0x18b: {  	[bflag:$0x3] =	sbarrier.arrive $0xFFFF  }
0x18c: {  	_ =	shalt  }

// kernel: kernel.17.cloned.1.call-start
scs
__scs_entry_jumppad:
0x0: {  	(pc) =	sbr.rel $0x88, $3  }
0x1: {  	(tag) =	ssettag $0x0;
	lr =	simm.s32 $0x1  }
0x2: {  	[smem:$0x3F84] =	sst lr;
	_ =	strace $0xD0000000  }
0x3: {  	_ = 	snop  }
0x4: {  	_ = 	snop  }
0x5: {  	_ = 	snop  }
0x6: {  	_ = 	snop  }
0x7: {  	_ = 	snop  }
__scs_overlays_trampoline_lowered:
0x8: {  	[smem:$0x3F93] =	sst s0  }
0x9: {  	[smem:$0x3F94] =	sst s1  }
0xa: {  	[smem:$0x3F95] =	sst s2  }
0xb: {  	[smem:$0x3F96] =	sst s3  }
0xc: {  	[smem:$0x3F97] =	sst s4  }
0xd: {  	[smem:$0x3F98] =	sst s5  }
0xe: {  	[smem:$0x3F99] =	sst s6  }
0xf: {  	[smem:$0x3F9A] =	sst s7  }
0x10: {  	[smem:$0x3F9B] =	sst s8  }
0x11: {  	[smem:$0x3F9C] =	sst s9;
	s0 =	simm.s32 @!p0 $0x0  }
0x12: {  	s1 =	sld [smem:$0x3F82];
	s0 =	simm.s32 @p0 $0x1  }
0x13: {  	[smem:$0x3F9D] =	sst s0;
	s0 =	simm.s32 @!p1 $0x0  }
0x14: {  	s2 =	sld [smem:$0x3F81];
	s0 =	simm.s32 @p1 $0x1  }
0x15: {  	[smem:$0x3F9E] =	sst s0;
	s0 =	simm.s32 @!p2 $0x0  }
0x16: {  	s3 =	sld [smem:$0x3FDB];
	s0 =	simm.s32 @p2 $0x1  }
0x17: {  	s4 =	simm.s32 $0x1BF5;
	[smem:$0x3FA0] =	sst s0  }
0x18: {  	s0 =	sld [smem:$0x3F83];
	_ =	swait.ge [sflag:s4], $0x0  }
0x19: {  	s7 =	sld [smem:$0x3F84]  }
0x1a: {  	s8 =	sadd.s32 $0xFFFFE003, lr  }
0x1b: {  	s9 =	sadd.s32 $0xFFFFFEF7, lr;
	s5 =	simm.s32 $0xFFFFFFFF;
	p2 =	slt.u32 s8, $0xFFFFF086  }
0x1c: {  	p1 =	slt.u32 s9, $0xF7A;
	s5 =	simm.s32 @!p2 $0x0  }
0x1d: {  	s5 =	simm.s32 @p1 $0x1;
	p0 =	seq.s32 s7, s2  }
0x1e: {  	s7 =	smul.u32 @!p0 $0xF7A, s2;
	p2 =	seq.s32 @!p0 s5, $0x0  }
0x1f: {  	s9 =	smul.u32 $0xF7A, s1;
	s8 =	simm.s32 @!p0 $0x1BF5;
	p2 =	por !p2, p0  }
0x20: {  	[sflag:s8] =	ssyncset.s32 @!p0 $0xFFFFF086;
	s6 =	sadd.s32 @!p0 s3, s7;
	s7 =	simm.s32 @!p0 $0x108  }
0x21: {  	s3 =	sadd.s32 s3, s9;
	s6 =	sadd.s32 @!p0 $0x88, s6;
	s7 =	simm.s32 @p2 $0x1082  }
0x22: {  	[simem:s7], [sflag:s8] =	dma.local @!p0 [hbm:s6], $0xF7A  }
0x23: {  	s9 =	sor.u32 $0xD0000000, s2;
	s6 =	simm.s32 $0x108;
	_ =	swait.ge @!p0 [sflag:s8], $0x0  }
0x24: {  	s3 =	sadd.s32 $0x88, s3;
	s6 =	simm.s32 @!p1 $0x1082;
	[sflag:s4] =	ssyncset.s32 $0xFFFFF086  }
0x25: {  	[simem:s6], [sflag:s4] =	dma.local [hbm:s3], $0xF7A  }
0x26: {  	[smem:$0x3F84] =	sst s1;
	(tag) =	ssettag s2;
	_ =	strace s9  }
0x27: {  	s1 =	sld [smem:$0x3F94]  }
0x28: {  	s2 =	sld [smem:$0x3F95]  }
0x29: {  	s4 =	sld [smem:$0x3F97]  }
0x2a: {  	p0 =	seq.s32 s5, $0x0;
	s5 =	sld [smem:$0x3F98]  }
0x2b: {  	s6 =	sld [smem:$0x3F99]  }
0x2c: {  	s7 =	sld [smem:$0x3F9A]  }
0x2d: {  	s3 =	simm.s32 $0x108;
	s8 =	sld [smem:$0x3F9B]  }
0x2e: {  	s3 =	simm.s32 @!p0 $0x1082;
	s9 =	sld [smem:$0x3F9C]  }
0x2f: {  	lr =	sadd.s32 s0, s3;
	s0 =	sld [smem:$0x3F93]  }
0x30: {  	s3 =	sld [smem:$0x3F96]  }
0x31: {  	[smem:$0x3F9F] =	sst s10  }
0x32: {  	s10 =	sld [smem:$0x3F9D];
	_ =	sdelay $0x3  }
0x33: {  	p0 =	seq.s32 s10, $0x1;
	s10 =	sld [smem:$0x3F9F];
	_ =	sdelay $0x3  }
0x34: {  	[smem:$0x3F9F] =	sst s10  }
0x35: {  	s10 =	sld [smem:$0x3F9E];
	_ =	sdelay $0x3  }
0x36: {  	p1 =	seq.s32 s10, $0x1;
	s10 =	sld [smem:$0x3F9F];
	_ =	sdelay $0x3  }
0x37: {  	[smem:$0x3F9F] =	sst s10  }
0x38: {  	s10 =	sld [smem:$0x3FA0]  }
0x39: {  	_ = 	snop;
	(pc) =	sbr.ind lr, $3  }
0x3a: {  	_ = 	snop  }
0x3b: {  	_ = 	snop  }
0x3c: {  	p2 =	seq.s32 s10, $0x1;
	s10 =	sld [smem:$0x3F9F]  }
0x3d: {  	_ =	shalt  }
0x3e: {  	_ =	shalt  }
0x3f: {  	_ =	shalt  }
0x40: {  	_ =	shalt  }
0x41: {  	_ =	shalt  }
0x42: {  	_ =	shalt  }
0x43: {  	_ =	shalt  }
0x44: {  	_ =	shalt  }
0x45: {  	_ =	shalt  }
0x46: {  	_ =	shalt  }
0x47: {  	_ =	shalt  }
0x48: {  	_ =	shalt  }
0x49: {  	_ =	shalt  }
0x4a: {  	_ =	shalt  }
0x4b: {  	_ =	shalt  }
0x4c: {  	_ =	shalt  }
0x4d: {  	_ =	shalt  }
0x4e: {  	_ =	shalt  }
0x4f: {  	_ =	shalt  }
0x50: {  	_ =	shalt  }
0x51: {  	_ =	shalt  }
0x52: {  	_ =	shalt  }
0x53: {  	_ =	shalt  }
0x54: {  	_ =	shalt  }
0x55: {  	_ =	shalt  }
0x56: {  	_ =	shalt  }
0x57: {  	_ =	shalt  }
0x58: {  	_ =	shalt  }
0x59: {  	_ =	shalt  }
0x5a: {  	_ =	shalt  }
0x5b: {  	_ =	shalt  }
0x5c: {  	_ =	shalt  }
0x5d: {  	_ =	shalt  }
0x5e: {  	_ =	shalt  }
0x5f: {  	_ =	shalt  }
0x60: {  	_ =	shalt  }
0x61: {  	_ =	shalt  }
0x62: {  	_ =	shalt  }
0x63: {  	_ =	shalt  }
0x64: {  	_ =	shalt  }
0x65: {  	_ =	shalt  }
0x66: {  	_ =	shalt  }
0x67: {  	_ =	shalt  }
0x68: {  	_ =	shalt  }
0x69: {  	_ =	shalt  }
0x6a: {  	_ =	shalt  }
0x6b: {  	_ =	shalt  }
0x6c: {  	_ =	shalt  }
0x6d: {  	_ =	shalt  }
0x6e: {  	_ =	shalt  }
0x6f: {  	_ =	shalt  }
0x70: {  	_ =	shalt  }
0x71: {  	_ =	shalt  }
0x72: {  	_ =	shalt  }
0x73: {  	_ =	shalt  }
0x74: {  	_ =	shalt  }
0x75: {  	_ =	shalt  }
0x76: {  	_ =	shalt  }
0x77: {  	_ =	shalt  }
0x78: {  	_ =	shalt  }
0x79: {  	_ =	shalt  }
0x7a: {  	_ =	shalt  }
0x7b: {  	_ =	shalt  }
0x7c: {  	_ =	shalt  }
0x7d: {  	_ =	shalt  }
0x7e: {  	_ =	shalt  }
0x7f: {  	_ =	shalt  }
0x80: {  	_ =	shalt  }
0x81: {  	_ =	shalt  }
0x82: {  	_ =	shalt  }
0x83: {  	_ =	shalt  }
0x84: {  	_ =	shalt  }
0x85: {  	_ =	shalt  }
0x86: {  	_ =	shalt  }
0x87: {  	_ =	shalt  }
.Lfunc_end0:
.L_simem_size_0:
called_computation.2_lowered:
.L_overlay_start_0:
0x88: {  	s2 =	sld [smem:$0x3FD9]  }
0x89: {  	s3 =	sld [smem:$0x3FFE];
	_ =	sdelay $0x1  }
0x8a: {  	s1 =	srdreg.scid  }
0x8b: {  	s0 =	sand.u32 $0x1, s1  }
0x8c: {  	s17 =	sshll.u32 s0, $0xA;
	s2 =	sadd.s32 s3, s2  }
0x8d: {  	s2 =	sadd.s32 s2, s17  }
0x8e: {  	[smem:$0x3FAB] =	sst s2  }
0x8f: {  	_ = 	snop  }
0x90: {  	s2 =	sld [smem:$0x3FD0];
	(tm) =	ssettm $0x1  }
0x91: {  	s18 =	sld [smem:$0x3FFB];
	_ =	sdelay $0x3  }
0x92: {  	_ =	strace s18  }
0x93: {  	s3 =	sld [smem:$0x3FFC];
	_ =	sdelay $0x3  }
0x94: {  	_ =	strace s3  }
0x95: {  	s3 =	sld [smem:$0x3FFD];
	_ =	sdelay $0x3  }
0x96: {  	_ =	strace s3  }
0x97: {  	_ =	strace $0x8FFFFFFF  }
0x98: {  	s19 =	sld [smem:$0x3FDB];
	_ =	sdelay $0x1  }
0x99: {  	s4 =	simm.s32 $_scs_section_size  }
0x9a: {  	s5 =	simm.s32 $_size__tile_overlayer_lowered;
	s6 =	simm.s32 $_tile_overlayer_lowered  }
0x9b: {  	s22 =	simm.s32 $0x1BFF;
	s21 =	sshll.u32 s6, $0x1;
	s3 =	sadd.s32 s4, s19  }
0x9c: {  	s7 =	simm.s32 $0x0;
	s20 =	sshll.u32 s5, $0x1;
	s5 =	sadd.s32 s21, s3  }
0x9d: {  	[timem:s7], [sflag:s22] =	dma.local [hbm:s5], s20  }
0x9e: {  	_ =	swait.ge [sflag:s22], s20  }
0x9f: {  	s4 =	ssub.s32 $0x0, s20;
	[sflag:s22] =	ssyncset.done $0x0  }
0xa0: {  	[sflag:s22] =	ssyncadd.s32 s4;
	_ =	sdelay $0x1  }
0xa1: {  	s23 =	simm.s32 $0x1B8B  }
0xa2: {  	_ =	swait.ge [sflag:s23], $0x1  }
0xa3: {  	[sflag:s23] =	ssyncset.done $0x0  }
0xa4: {  	s25 =	simm.s32 $0x1B8E;
	s24 =	sld [smem:$0x3FFE];
	[sflag:s23] =	ssyncadd.s32 $0xFFFFFFFF  }
0xa5: {  	s26 =	simm.s32 $execute0_lowered;
	[smem:$0x3FD2] =	sst s25  }
0xa6: {  	s5 =	sshll.u32 s26, $0x1;
	_ =	strace $0x8000004C;
	[dreg:$0x1] =	wrdreg $0xFFFFFFFF  }
0xa7: {  	s28 =	simm.s32 $_size_execute0_lowered;
	s3 =	sadd.s32 s3, s5;
	[dreg:$0x0] =	wrdreg $0x0  }
0xa8: {  	s5 =	sshll.u32 s28, $0x1;
	[dreg:$0x2] =	wrdreg s3  }
0xa9: {  	[dreg:$0x3] =	wrdreg s5  }
0xaa: {  	[dreg:$0x4] =	wrdreg $0xC0  }
0xab: {  	_ =	task [dreg:s7], $0x5FFFF  }
0xac: {  	[dreg:$0x1] =	wrdreg $0xFFFFFFFF  }
0xad: {  	[dreg:$0x0] =	wrdreg $0x60  }
0xae: {  	[dreg:$0x2] =	wrdreg s24  }
0xaf: {  	[dreg:$0x3] =	wrdreg s2  }
0xb0: {  	[dreg:$0x4] =	wrdreg $0xA3000  }
0xb1: {  	[dreg:$0x5] =	wrdreg $0x9  }
0xb2: {  	_ =	task.clear_ibuf [dreg:s7], $0x6FFFF;
	_ =	strace $0x9000004C  }
0xb3: {  	s29 =	simm.s32 $0x9;
	_ =	strace $0x8000004E  }
0xb4: {  	_ =	swait.ge [sflag:s29], $0x1  }
0xb5: {  	[sflag:s29] =	ssyncadd.s32 $0xFFFFFFFF  }
0xb6: {  	_ =	strace $0x9000004E  }
0xb7: {  	_ =	sfence  }
0xb8: {  	s30 =	sld [smem:$0x0];
	_ =	sdelay $0x2  }
0xb9: {  	s31 =	sshll.u32 s1, $0xD;
	s1 =	sshrl.u32 s1, $0x2  }
0xba: {  	s3 =	sand.u32 $0x4000, s31;
	s1 =	sadd.s32 s1, s30  }
0xbb: {  	s0 =	sor.u32 s3, s0;
	s1 =	sshll.u32 s1, $0x11  }
0xbc: {  	s0 =	sor.u32 s1, s0  }
0xbd: {  	s0 =	sadd.s32 $0x8F2B, s0  }
0xbe: {  	[sflag:s0] =	ssyncadd.remote.s32 $0x1  }
0xbf: {  	_ =	sfence.sel $0xFFFF  }
0xc0: {  	[dreg:$0x0] =	wrdreg $0xFFFFFFFF;
	(pc) =	sbr.abs _section_cstart, $3  }
0xc1: {  	[dreg:$0x1] =	wrdreg $0xFFFFFFFF  }
0xc2: {  	_ =	task.clear_ibuf [dreg:s7], $0x2FFFF;
	_ =	strace $0x9FFFFFFF  }
0xc3: {  	(tm) =	ssettm $0x7FFFFFFF  }
tec
execute0_lowered:
.L_overlay_start_1:
0x0: {  	(tag) =	ssettag $0x1  }
0x1: {  	s0 =	rddreg [dreg:$0x0]  }
0x2: {  	s6 =	rddreg [dreg:$0x1]  }
0x3: {  	s1 =	rddreg [dreg:$0x2]  }
0x4: {  	s2 =	simm.s32 $0x0;
	s9 =	srdreg.scid;
	s15 =	stileid.u32  }
0x5: {  	s28 =	simm.s32 $0x28;
	s29 =	simm.s32 $0x280;
	s30 =	simm.s32 $0x8F00  }
0x6: {  	s31 =	simm.s32 $0x9;
	[smem:$0x7FF] =	sst s2;
	s3 =	sadd.s32 $0x42000, s0  }
0x7: {  	s4 =	sadd.s32 $0x1AE00, s0;
	s5 =	sadd.s32 $0x236DA00, s0;
	s7 =	sadd.s32 $0x11000, s0  }
0x8: {  	s8 =	sadd.s32 $0x7200, s0;
	s0 =	sadd.s32 $0x69200, s0;
	s11 =	smul.u32 $0x4E000, s15  }
0x9: {  	s9 =	sand.u32 $0x1, s9;
	s12 =	sshll.u32 s15, $0x1;
	s14 =	smul.u32 $0x2700, s15  }
0xa: {  	s25 =	sshll.u32 s15, $0x6;
	s26 =	sadd.s32 $0x138000, s1;
	p0 =	sne.s32 s15, $0xF  }
0xb: {  	_ =	strace $0x8000004D;
	s10 =	ssub.s32 $0x2, s9;
	s12 =	sor.u32 s9, s12  }
0xc: {  	s17 =	sor.u32 $0x1C0D, s25;
	[dreg:$0x7] =	wrdreg s26;
	s20 =	smul.u32 $0x138800, s9  }
0xd: {  	s9 =	smul.u32 $0x27100, s9;
	s13 =	sshrl.u32 s10, $0x1;
	s11 =	sshrl.u32 s11, $0x2  }
0xe: {  	s24 =	sadd.s32 s6, s14;
	s6 =	sadd.s32 $0x27000, s6;
	[dreg:$0x6] =	wrdreg s17  }
0xf: {  	s19 =	smul.u32 $0x27100, s12;
	s10 =	ssub.s32 s10, s13;
	[dreg:$0x5] =	wrdreg s24  }
0x10: {  	s13 =	smul.u32 $0x2710, s12;
	s11 =	sadd.s32 s11, s1;
	[dreg:$0x8] =	wrdreg s6  }
0x11: {  	s23 =	sshrl.u32 s20, $0x3;
	s9 =	sadd.s32 s14, s9;
	s12 =	simm.s32 $0x5  }
0x12: {  	s14 =	simm.s32 $0xC;
	s20 =	simm.s32 $0xB;
	[dreg:$0x4] =	wrdreg s11  }
0x13: {  	s6 =	sadd.s32 s5, s19;
	s26 =	smax.u32 s10, $0x1;
	s19 =	simm.s32 $0xD  }
0x14: {  	s10 =	simm.s32 $0x3;
	s16 =	sshrl.u32 s13, $0x3;
	[dreg:$0xb] =	wrdreg s6  }
0x15: {  	s24 =	sadd.s32 $0x50, s13;
	[dreg:$0x11] =	wrdreg s26;
	s26 =	simm.s32 $0x100  }
0x16: {  	s18 =	sadd.s32 s7, s16;
	s11 =	sadd.s32 s8, s16;
	[dreg:$0xe] =	wrdreg s24  }
0x17: {  	s16 =	sadd.s32 $0x28, s13;
	s24 =	simm.s32 $0x4;
	[dreg:$0x9] =	wrdreg s18  }
0x18: {  	[dreg:$0xa] =	wrdreg s11;
	s21 =	sshrl.u32 s16, $0x3;
	s11 =	simm.s32 $0x6  }
0x19: {  	s22 =	sadd.s32 s7, s21;
	s6 =	sadd.s32 s8, s21;
	s21 =	sadd.s32 $0x78, s13  }
.Ltmp0:
0x1a: {  	s13 =	simm.s32 $0xA;
	[dreg:$0xc] =	wrdreg s22;
	(pc) =	sbr.rel .LBB2_1-.Ltmp0, $4  }
0x1b: {  	[dreg:$0xd] =	wrdreg s6;
	s6 =	sadd.s32 s0, s23;
	s0 =	sadd.s32 s0, s9  }
0x1c: {  	s9 =	simm.s32 $0x1;
	s23 =	simm.s32 $0x2;
	s22 =	simm.s32 $0x0  }
0x1d: {  	[dreg:$0xf] =	wrdreg s0;
	s25 =	sadd.s32 $0x27000, s6;
	s0 =	simm.s32 $0x80  }
0x1e: {  	s6 =	simm.s32 $0x180;
	[dreg:$0x10] =	wrdreg s25;
	s25 =	simm.s32 $0x8  }
.LBB2_12:
0x1f: {  	[spmem:s1] =	stream.indirect.scatter.add.f32 [tilespmem:s30], [sflag:$0x8], $0x80, s29, s28, $0xb8;
	[tilespmem:$0x1DB80] =	vst v63  }
0x20: {  	s15 =	simm.s32 $0x7  }
0x21: {  	_ =	swait.ge [sflag:s15], $0x1400  }
0x22: {  	[sflag:s15] =	ssyncset.done $0x0  }
0x23: {  	[sflag:s15] =	ssyncadd.s32 $0xFFFFEC00  }
0x24: {  	_ =	swait.ge [sflag:s25], $0x1400  }
0x25: {  	[sflag:s25] =	ssyncset.done $0x0  }
0x26: {  	[sflag:s25] =	ssyncadd.s32 $0xFFFFEC00  }
0x27: {  	[bflag:$0x0] =	sbarrier.arrive $0xFFFF  }
0x28: {  	s17 =	rddreg [dreg:$0x6]  }
0x29: {  	s22 =	rddreg [dreg:$0xf]  }
0x2a: {  	s19 =	simm.s32 $0xD;
	s18 =	rddreg [dreg:$0x13]  }
0x2b: {  	[hbm:s22], [sflag:s17] =	dma.local [spmem:s18], $0x2700  }
0x2c: {  	_ =	swait.ge [sflag:s19], $0x2700  }
0x2d: {  	[sflag:s19] =	ssyncset.done $0x0;
	s15 =	rddreg [dreg:$0x10]  }
0x2e: {  	s18 =	rddreg [dreg:$0x14];
	[sflag:s19] =	ssyncadd.s32 $0xFFFFD900  }
0x2f: {  	[hbm:s15], [sflag:s17] =	dma.local @!p0 [spmem:s18], $0x100  }
0x30: {  	s15 =	simm.s32 @!p0 $0xD  }
0x31: {  	_ =	swait.ge @!p0 [sflag:s15], $0x100  }
0x32: {  	s22 =	rddreg [dreg:$0x12]  }
0x33: {  	s18 =	rddreg [dreg:$0x11];
	s22 =	sadd.s32 $0x1, s22  }
0x34: {  	p1 =	sne.s32 s22, s18  }
.Ltmp1:
0x35: {  	_ = 	snop;
	(pc) =	sbr.rel @!p1 .LBB2_13-.Ltmp1, $3  }
0x36: {  	_ =	sdelay $0x1  }
0x37: {  	[sflag:s15] =	ssyncset.done @!p0 $0x0  }
0x38: {  	[sflag:s15] =	ssyncadd.s32 @!p0 $0xFFFFFF00  }
.LBB2_1:
0x39: {  	[dreg:$0x12] =	wrdreg s22  }
0x3a: {  	s15 =	rddreg [dreg:$0x4]  }
0x3b: {  	s22 =	rddreg [dreg:$0x5];
	s18 =	sshrl.u32 s15, $0x3  }
0x3c: {  	[dreg:$0x13] =	wrdreg s18  }
0x3d: {  	[spmem:s18], [sflag:s17] =	dma.local [hbm:s22], $0x2700  }
0x3e: {  	_ =	swait.ge [sflag:s19], $0x2700  }
0x3f: {  	s15 =	rddreg [dreg:$0x7]  }
0x40: {  	[sflag:s19] =	ssyncset.done $0x0;
	s18 =	sshrl.u32 @!p0 s15, $0x3;
	s15 =	rddreg [dreg:$0x8]  }
0x41: {  	[sflag:s19] =	ssyncadd.s32 $0xFFFFD900;
	[dreg:$0x14] =	wrdreg s18  }
0x42: {  	[spmem:s18], [sflag:s17] =	dma.local @!p0 [hbm:s15], $0x100  }
0x43: {  	s15 =	simm.s32 @!p0 $0xD  }
0x44: {  	_ =	swait.ge @!p0 [sflag:s15], $0x100  }
0x45: {  	[sflag:s15] =	ssyncset.done @!p0 $0x0  }
0x46: {  	[sflag:s15] =	ssyncadd.s32 @!p0 $0xFFFFFF00  }
0x47: {  	[bflag:$0x0] =	sbarrier.arrive $0xFFFF  }
0x48: {  	s17 =	rddreg [dreg:$0x9]  }
0x49: {  	[tilespmem:s2], [sflag:$0xD] =	stream.linear.gather [hbm4b:s17+s2], $0x28, $0x38;
	[tilespmem:$0x1DB80] =	vst v63  }
0x4a: {  	_ =	swait.ge [sflag:s19], $0x28  }
0x4b: {  	[sflag:s19] =	ssyncset.done $0x0  }
0x4c: {  	s18 =	rddreg [dreg:$0xa];
	[sflag:s19] =	ssyncadd.s32 $0xFFFFFFD8  }
0x4d: {  	[tilespmem:s26], [sflag:$0xD] =	stream.linear.gather [hbm4b:s18+s2], $0x28, $0x38;
	[tilespmem:$0x1DB80] =	vst v63  }
0x4e: {  	_ =	swait.ge [sflag:s19], $0x28  }
0x4f: {  	[sflag:s19] =	ssyncset.done $0x0  }
0x50: {  	[sflag:s19] =	ssyncadd.s32 $0xFFFFFFD8;
	s19 =	simm.s32 $0x300  }
0x51: {  	[tilespmem:s19], [sflag:$0x1] =	stream.indirect.gather [hbm4b:s3+s28], $0x80, s26, s28, $0xb8;
	[tilespmem:$0x1DB80] =	vst v63  }
0x52: {  	s22 =	simm.s32 $0x2B00  }
0x53: {  	[tilespmem:s22], [sflag:$0x3] =	stream.indirect.gather [hbm4b:s4+s28], $0x80, s2, s28, $0xb8;
	[tilespmem:$0x1DB80] =	vst v63  }
0x54: {  	s18 =	simm.s32 $0x5300;
	s17 =	rddreg [dreg:$0xb]  }
0x55: {  	[tilespmem:s18], [sflag:$0x5] =	stream.linear.gather [hbm4b:s17+s2], $0x1400, $0x38;
	[tilespmem:$0x1DB80] =	vst v63  }
0x56: {  	s19 =	rddreg [dreg:$0xc]  }
0x57: {  	[tilespmem:s0], [sflag:$0xA] =	stream.linear.gather [hbm4b:s19+s2], $0x28, $0x38;
	[tilespmem:$0x1DB80] =	vst v63  }
0x58: {  	s15 =	simm.s32 $0x0;
	s22 =	rddreg [dreg:$0xd]  }
0x59: {  	[tilespmem:s6], [sflag:$0xC] =	stream.linear.gather [hbm4b:s22+s2], $0x28, $0x38;
	[tilespmem:$0x1DB80] =	vst v63  }
.LBB2_2:
0x5a: {  	_ =	swait.ge [sflag:s9], $0x1400  }
0x5b: {  	[sflag:s9] =	ssyncset.done $0x0  }
0x5c: {  	[sflag:s9] =	ssyncadd.s32 $0xFFFFEC00  }
0x5d: {  	_ =	swait.ge [sflag:s10], $0x1400  }
0x5e: {  	[sflag:s10] =	ssyncset.done $0x0  }
0x5f: {  	[sflag:s10] =	ssyncadd.s32 $0xFFFFEC00  }
0x60: {  	_ =	swait.ge [sflag:s12], $0x1400  }
0x61: {  	[sflag:s12] =	ssyncset.done $0x0  }
0x62: {  	[sflag:s12] =	ssyncadd.s32 $0xFFFFEC00  }
0x63: {  	_ =	swait.ge [sflag:s13], $0x28  }
0x64: {  	[sflag:s13] =	ssyncset.done $0x0  }
0x65: {  	[sflag:s13] =	ssyncadd.s32 $0xFFFFFFD8  }
0x66: {  	_ =	swait.ge [sflag:s14], $0x28  }
0x67: {  	[sflag:s14] =	ssyncset.done $0x0  }
0x68: {  	s17 =	simm.s32 $0x1700;
	[sflag:s14] =	ssyncadd.s32 $0xFFFFFFD8  }
0x69: {  	[tilespmem:s17], [sflag:$0x2] =	stream.indirect.gather [hbm4b:s3+s28], $0x80, s6, s28, $0xb8;
	[tilespmem:$0x1DB80] =	vst v63  }
0x6a: {  	s18 =	simm.s32 $0x3F00;
	s17 =	smul.u32 $0x50, s15  }
0x6b: {  	[tilespmem:s18], [sflag:$0x4] =	stream.indirect.gather [hbm4b:s4+s28], $0x80, s0, s28, $0xb8;
	[tilespmem:$0x1DB80] =	vst v63  }
0x6c: {  	s22 =	sadd.s32 s17, s16  }
0x6d: {  	s18 =	sshll.u32 s22, $0x4  }
0x6e: {  	s19 =	simm.s32 $0x6700;
	p1 =	seq.s32 s15, $0x0;
	s18 =	sadd.s32 s5, s18  }
0x6f: {  	[tilespmem:s19], [sflag:$0x6] =	stream.linear.gather [hbm4b:s18+s2], $0x1400, $0x38;
	[tilespmem:$0x1DB80] =	vst v63  }
0x70: {  	s18 =	simm.s32 @!p1 $0x7  }
0x71: {  	_ =	swait.ge @!p1 [sflag:s18], $0x1400  }
0x72: {  	[sflag:s18] =	ssyncset.done @!p1 $0x0  }
0x73: {  	[sflag:s18] =	ssyncadd.s32 @!p1 $0xFFFFEC00  }
0x74: {  	v0 =	vld [tilespmem:$0x100]  }
0x75: {  	v1 =	vld [tilespmem:$0x110]  }
0x76: {  	v2 =	vld [tilespmem:$0x118];
	_ =	sdelay $0x2  }
0x77: {  	[tilespmem:$0x200] =	vst v0  }
0x78: {  	[tilespmem:$0x210] =	vst v1  }
0x79: {  	s18 =	simm.s32 $0x0;
	[tilespmem:$0x218] =	vst v2  }
0x7a: {  	v0 =	vld [tilespmem:s18+$0x370]  }
0x7b: {  	v1 =	vld [tilespmem:s18+$0x2B70]  }
0x7c: {  	v2 =	vld [tilespmem:s18+$0x300]  }
0x7d: {  	v3 =	vld [tilespmem:s18+$0x5370]  }
0x7e: {  	v4 =	vld [tilespmem:s18+$0x2B00]  }
0x7f: {  	v5 =	vld [tilespmem:s18+$0x310]  }
0x80: {  	v6 =	vld [tilespmem:s18+$0x2B10]  }
0x81: {  	v7 =	vld [tilespmem:s18+$0x2B20]  }
0x82: {  	v9 =	vld [tilespmem:s18+$0x2B30]  }
0x83: {  	v10 =	vld [tilespmem:s18+$0x340]  }
0x84: {  	v11 =	vld [tilespmem:s18+$0x350]  }
0x85: {  	v12 =	vld [tilespmem:s18+$0x2B50]  }
0x86: {  	v13 =	vld [tilespmem:s18+$0x360];
	v0 =	vadd.f32 v1, v0  }
0x87: {  	v14 =	vld [tilespmem:s18+$0x2B60]  }
0x88: {  	v15 =	vld [tilespmem:s18+$0x5300];
	v0 =	vadd.f32 v3, v0  }
0x89: {  	v1 =	vld [tilespmem:s18+$0x320]  }
0x8a: {  	v3 =	vld [tilespmem:s18+$0x330];
	v0 =	vmax.f32 v0, $0.0e+00  }
0x8b: {  	[tilespmem:s18+$0x7B70] =	vst v0;
	v0 =	vld [tilespmem:s18+$0x2B40]  }
0x8c: {  	v16 =	vld [tilespmem:s18+$0x5310]  }
0x8d: {  	v17 =	vld [tilespmem:s18+$0x5320]  }
0x8e: {  	v8 =	vld [tilespmem:s18+$0x5330];
	v2 =	vadd.f32 v4, v2;
	v18 =	vadd.f32 v6, v5  }
0x8f: {  	v19 =	vadd.f32 v7, v1;
	v7 =	vld [tilespmem:s18+$0x5340];
	v4 =	vadd.f32 v9, v3  }
0x90: {  	v6 =	vld [tilespmem:s18+$0x5350];
	v3 =	vadd.f32 v0, v10;
	v10 =	vadd.f32 v15, v2  }
0x91: {  	s19 =	simm.s32 $0x80;
	v5 =	vld [tilespmem:s18+$0x5360];
	v9 =	vadd.f32 v16, v18;
	v2 =	vadd.f32 v12, v11  }
0x92: {  	s22 =	simm.s32 $0x400;
	v1 =	vld [tilespmem:s19+$0x370];
	v0 =	vadd.f32 v14, v13;
	v11 =	vmax.f32 v10, $0.0e+00;
	v10 =	vadd.f32 v17, v19  }
.LBB2_3:
0x93: {  	p2 =	sne.s32 s22, $0x4E00;
	v12 =	vld [tilespmem:s19+$0x2B70];
	[tilespmem:s18+$0x7B00] =	vst v11;
	v9 =	vmax.f32 v9, $0.0e+00;
	v4 =	vadd.f32 v8, v4  }
0x94: {  	v8 =	vld [tilespmem:s19+$0x300];
	[tilespmem:s18+$0x7B10] =	vst v9;
	v9 =	vmax.f32 v10, $0.0e+00;
	v3 =	vadd.f32 v7, v3  }
0x95: {  	v7 =	vld [tilespmem:s19+$0x5370];
	[tilespmem:s18+$0x7B20] =	vst v9;
	v4 =	vmax.f32 v4, $0.0e+00;
	v2 =	vadd.f32 v6, v2  }
0x96: {  	v6 =	vld [tilespmem:s19+$0x2B00];
	[tilespmem:s18+$0x7B30] =	vst v4;
	v3 =	vmax.f32 v3, $0.0e+00;
	v0 =	vadd.f32 v5, v0  }
0x97: {  	v4 =	vld [tilespmem:s19+$0x310];
	[tilespmem:s18+$0x7B40] =	vst v3;
	v2 =	vmax.f32 v2, $0.0e+00  }
0x98: {  	v3 =	vld [tilespmem:s19+$0x2B10];
	v1 =	vadd.f32 v12, v1;
	[tilespmem:s18+$0x7B50] =	vst v2;
	v0 =	vmax.f32 v0, $0.0e+00  }
0x99: {  	v2 =	vld [tilespmem:s19+$0x320];
	[tilespmem:s18+$0x7B60] =	vst v0;
	s18 =	smov.u32 s19  }
0x9a: {  	v0 =	vld [tilespmem:s18+$0x2B20];
	v1 =	vadd.f32 v7, v1  }
0x9b: {  	v5 =	vadd.f32 v6, v8;
	v6 =	vld [tilespmem:s18+$0x330]  }
0x9c: {  	v7 =	vld [tilespmem:s18+$0x2B30];
	v1 =	vmax.f32 v1, $0.0e+00  }
0x9d: {  	v9 =	vadd.f32 v3, v4;
	v3 =	vld [tilespmem:s18+$0x340];
	[tilespmem:s18+$0x7B70] =	vst v1  }
0x9e: {  	v1 =	vld [tilespmem:s18+$0x2B40]  }
0x9f: {  	v10 =	vadd.f32 v0, v2;
	v0 =	vld [tilespmem:s18+$0x350]  }
0xa0: {  	v2 =	vld [tilespmem:s18+$0x2B50]  }
0xa1: {  	v4 =	vadd.f32 v7, v6;
	v6 =	vld [tilespmem:s18+$0x360]  }
0xa2: {  	v11 =	vld [tilespmem:s18+$0x2B60]  }
0xa3: {  	v12 =	vld [tilespmem:s18+$0x5300];
	v3 =	vadd.f32 v1, v3  }
0xa4: {  	v1 =	vld [tilespmem:s18+$0x5310]  }
0xa5: {  	v13 =	vld [tilespmem:s18+$0x5320];
	v2 =	vadd.f32 v2, v0  }
.Ltmp2:
0xa6: {  	v8 =	vld [tilespmem:s18+$0x5330];
	(pc) =	sbr.rel @p2 .LBB2_3-.Ltmp2, $4  }
0xa7: {  	v7 =	vld [tilespmem:s18+$0x5340];
	v0 =	vadd.f32 v11, v6  }
0xa8: {  	v11 =	vadd.f32 v12, v5;
	v6 =	vld [tilespmem:s18+$0x5350]  }
0xa9: {  	s19 =	sshra.s32 s22, $0x2;
	v9 =	vadd.f32 v1, v9;
	v5 =	vld [tilespmem:s18+$0x5360]  }
0xaa: {  	s22 =	sadd.s32 $0x200, s22;
	v1 =	vld [tilespmem:s19+$0x370];
	v11 =	vmax.f32 v11, $0.0e+00;
	v10 =	vadd.f32 v13, v10  }
0xab: {  	v12 =	vld [tilespmem:s19+$0x2B70];
	[tilespmem:s18+$0x7B00] =	vst v11;
	v9 =	vmax.f32 v9, $0.0e+00;
	v4 =	vadd.f32 v8, v4  }
0xac: {  	v11 =	vld [tilespmem:s19+$0x300];
	[tilespmem:s18+$0x7B10] =	vst v9;
	v41 =	vmax.f32 v10, $0.0e+00;
	v3 =	vadd.f32 v7, v3  }
0xad: {  	v9 =	vld [tilespmem:s19+$0x5370];
	[tilespmem:s18+$0x7B20] =	vst v41;
	v4 =	vmax.f32 v4, $0.0e+00;
	v2 =	vadd.f32 v6, v2  }
0xae: {  	v42 =	vld [tilespmem:s19+$0x2B00];
	[tilespmem:s18+$0x7B30] =	vst v4;
	v3 =	vmax.f32 v3, $0.0e+00;
	v0 =	vadd.f32 v5, v0  }
0xaf: {  	v4 =	vld [tilespmem:s19+$0x310];
	[tilespmem:s18+$0x7B40] =	vst v3;
	v2 =	vmax.f32 v2, $0.0e+00  }
0xb0: {  	v3 =	vld [tilespmem:s19+$0x2B10];
	[tilespmem:s18+$0x7B50] =	vst v2;
	v0 =	vmax.f32 v0, $0.0e+00  }
0xb1: {  	v2 =	vld [tilespmem:s19+$0x320];
	[tilespmem:s18+$0x7B60] =	vst v0  }
0xb2: {  	v0 =	vld [tilespmem:s19+$0x2B20]  }
0xb3: {  	v43 =	vld [tilespmem:s19+$0x330]  }
0xb4: {  	v44 =	vld [tilespmem:s19+$0x2B30]  }
0xb5: {  	v8 =	vld [tilespmem:s19+$0x340]  }
0xb6: {  	v45 =	vld [tilespmem:s19+$0x2B40]  }
0xb7: {  	v46 =	vld [tilespmem:s19+$0x350]  }
0xb8: {  	v47 =	vld [tilespmem:s19+$0x2B50]  }
0xb9: {  	v48 =	vld [tilespmem:s19+$0x360]  }
0xba: {  	v13 =	vld [tilespmem:s19+$0x2B60]  }
0xbb: {  	v14 =	vld [tilespmem:s19+$0x5300]  }
0xbc: {  	v15 =	vld [tilespmem:s19+$0x5310]  }
0xbd: {  	v1 =	vadd.f32 v12, v1;
	v16 =	vld [tilespmem:s19+$0x5320]  }
0xbe: {  	v49 =	vld [tilespmem:s19+$0x5330];
	v7 =	vadd.f32 v42, v11  }
0xbf: {  	v1 =	vadd.f32 v9, v1;
	v50 =	vld [tilespmem:s19+$0x5340];
	v3 =	vadd.f32 v3, v4  }
0xc0: {  	v52 =	vld [tilespmem:s19+$0x5350];
	v0 =	vadd.f32 v0, v2;
	v51 =	vadd.f32 v14, v7  }
0xc1: {  	v53 =	vld [tilespmem:s19+$0x5360];
	v1 =	vmax.f32 v1, $0.0e+00;
	v5 =	vadd.f32 v44, v43;
	v3 =	vadd.f32 v15, v3  }
0xc2: {  	[tilespmem:s19+$0x7B70] =	vst v1;
	v1 =	vadd.f32 v45, v8;
	v0 =	vadd.f32 v16, v0;
	v2 =	vmax.f32 v51, $0.0e+00  }
0xc3: {  	v54 =	vadd.f32 v47, v46;
	v55 =	vmax.f32 v3, $0.0e+00;
	v56 =	vadd.f32 v49, v5;
	[tilespmem:s19+$0x7B00] =	vst v2  }
0xc4: {  	p2 =	sne.s32 s15, $0x7C;
	v57 =	vadd.f32 v13, v48;
	v1 =	vadd.f32 v50, v1;
	[tilespmem:s19+$0x7B10] =	vst v55;
	v0 =	vmax.f32 v0, $0.0e+00  }
.Ltmp3:
0xc5: {  	v59 =	vadd.f32 v52, v54;
	v58 =	vmax.f32 v56, $0.0e+00;
	[tilespmem:s19+$0x7B20] =	vst v0;
	(pc) =	sbr.rel @p2 .LBB2_6-.Ltmp3, $4  }
0xc6: {  	v61 =	vadd.f32 v53, v57;
	v60 =	vmax.f32 v1, $0.0e+00;
	[tilespmem:s19+$0x7B30] =	vst v58  }
0xc7: {  	v62 =	vmax.f32 v59, $0.0e+00;
	[tilespmem:s19+$0x7B40] =	vst v60  }
0xc8: {  	v63 =	vmax.f32 v61, $0.0e+00;
	[tilespmem:s19+$0x7B50] =	vst v62  }
0xc9: {  	[tilespmem:s19+$0x7B60] =	vst v63  }
0xca: {  	s18 =	simm.s32 $0x200;
	s19 =	simm.s32 $0x7B00  }
0xcb: {  	[spmem:s1] =	stream.indirect.scatter.add.f32 [tilespmem:s19], [sflag:$0x7], $0x80, s18, s28, $0xb8;
	[tilespmem:$0x1DB80] =	vst v63  }
0xcc: {  	_ =	swait.ge [sflag:s23], $0x1400  }
0xcd: {  	[sflag:s23] =	ssyncset.done $0x0  }
0xce: {  	[sflag:s23] =	ssyncadd.s32 $0xFFFFEC00  }
0xcf: {  	_ =	swait.ge [sflag:s24], $0x1400  }
.Ltmp4:
0xd0: {  	[sflag:s24] =	ssyncset.done $0x0;
	(pc) =	sbr.rel .LBB2_7-.Ltmp4, $4  }
0xd1: {  	[sflag:s24] =	ssyncadd.s32 $0xFFFFEC00  }
0xd2: {  	_ =	swait.ge [sflag:s11], $0x1400  }
0xd3: {  	[sflag:s11] =	ssyncset.done $0x0  }
0xd4: {  	[sflag:s11] =	ssyncadd.s32 $0xFFFFEC00  }
.LBB2_6:
0xd5: {  	s18 =	rddreg [dreg:$0xe]  }
0xd6: {  	s18 =	sadd.s32 s17, s18  }
0xd7: {  	s19 =	sshrl.u32 s18, $0x3  }
0xd8: {  	s22 =	sadd.s32 s7, s19  }
0xd9: {  	[tilespmem:s2], [sflag:$0x9] =	stream.linear.gather [hbm4b:s22+s2], $0x28, $0x38;
	[tilespmem:$0x1DB80] =	vst v63  }
0xda: {  	s19 =	sadd.s32 s8, s19  }
0xdb: {  	[tilespmem:s26], [sflag:$0xB] =	stream.linear.gather [hbm4b:s19+s2], $0x28, $0x38;
	[tilespmem:$0x1DB80] =	vst v63  }
0xdc: {  	s22 =	simm.s32 $0x7B00;
	s19 =	simm.s32 $0x200  }
0xdd: {  	[spmem:s1] =	stream.indirect.scatter.add.f32 [tilespmem:s22], [sflag:$0x7], $0x80, s19, s28, $0xb8;
	[tilespmem:$0x1DB80] =	vst v63  }
0xde: {  	_ =	swait.ge [sflag:s23], $0x1400  }
0xdf: {  	[sflag:s23] =	ssyncset.done $0x0  }
0xe0: {  	[sflag:s23] =	ssyncadd.s32 $0xFFFFEC00  }
0xe1: {  	_ =	swait.ge [sflag:s24], $0x1400  }
0xe2: {  	[sflag:s24] =	ssyncset.done $0x0  }
0xe3: {  	[sflag:s24] =	ssyncadd.s32 $0xFFFFEC00  }
0xe4: {  	_ =	swait.ge [sflag:s11], $0x1400  }
0xe5: {  	[sflag:s11] =	ssyncset.done $0x0  }
0xe6: {  	[sflag:s11] =	ssyncadd.s32 $0xFFFFEC00  }
0xe7: {  	_ =	swait.ge [sflag:s31], $0x28  }
0xe8: {  	[sflag:s31] =	ssyncset.done $0x0  }
0xe9: {  	[sflag:s31] =	ssyncadd.s32 $0xFFFFFFD8  }
0xea: {  	_ =	swait.ge [sflag:s20], $0x28  }
0xeb: {  	[sflag:s20] =	ssyncset.done $0x0  }
0xec: {  	s22 =	simm.s32 $0x300;
	[sflag:s20] =	ssyncadd.s32 $0xFFFFFFD8  }
0xed: {  	[tilespmem:s22], [sflag:$0x1] =	stream.indirect.gather [hbm4b:s3+s28], $0x80, s26, s28, $0xb8;
	[tilespmem:$0x1DB80] =	vst v63  }
.Ltmp5:
0xee: {  	_ = 	snop;
	(pc) =	sbr.rel @p1 .LBB2_8-.Ltmp5, $4  }
0xef: {  	s18 =	sshll.u32 s18, $0x4;
	s22 =	simm.s32 $0x2B00  }
0xf0: {  	[tilespmem:s22], [sflag:$0x3] =	stream.indirect.gather [hbm4b:s4+s28], $0x80, s2, s28, $0xb8;
	[tilespmem:$0x1DB80] =	vst v63  }
0xf1: {  	s18 =	sadd.s32 s5, s18;
	s22 =	simm.s32 $0x5300  }
0xf2: {  	[tilespmem:s22], [sflag:$0x5] =	stream.linear.gather [hbm4b:s18+s2], $0x1400, $0x38;
	[tilespmem:$0x1DB80] =	vst v63  }
.LBB2_7:
0xf3: {  	_ =	swait.ge [sflag:s25], $0x1400  }
0xf4: {  	[sflag:s25] =	ssyncset.done $0x0  }
0xf5: {  	[sflag:s25] =	ssyncadd.s32 $0xFFFFEC00  }
.LBB2_8:
0xf6: {  	v0 =	vld [tilespmem:$0x180]  }
0xf7: {  	v1 =	vld [tilespmem:$0x190]  }
0xf8: {  	v2 =	vld [tilespmem:$0x198];
	_ =	sdelay $0x2  }
0xf9: {  	[tilespmem:$0x280] =	vst v0  }
0xfa: {  	[tilespmem:$0x290] =	vst v1  }
0xfb: {  	s18 =	simm.s32 $0x0;
	[tilespmem:$0x298] =	vst v2  }
0xfc: {  	v0 =	vld [tilespmem:s18+$0x1770]  }
0xfd: {  	v1 =	vld [tilespmem:s18+$0x3F70]  }
0xfe: {  	v2 =	vld [tilespmem:s18+$0x1700]  }
0xff: {  	v3 =	vld [tilespmem:s18+$0x6770]  }
0x100: {  	v4 =	vld [tilespmem:s18+$0x3F00]  }
0x101: {  	v5 =	vld [tilespmem:s18+$0x1710]  }
0x102: {  	v6 =	vld [tilespmem:s18+$0x3F10]  }
0x103: {  	v7 =	vld [tilespmem:s18+$0x3F20]  }
0x104: {  	v9 =	vld [tilespmem:s18+$0x3F30]  }
0x105: {  	v10 =	vld [tilespmem:s18+$0x1740]  }
0x106: {  	v11 =	vld [tilespmem:s18+$0x1750]  }
0x107: {  	v12 =	vld [tilespmem:s18+$0x3F50]  }
0x108: {  	v13 =	vld [tilespmem:s18+$0x1760];
	v0 =	vadd.f32 v1, v0  }
0x109: {  	v14 =	vld [tilespmem:s18+$0x3F60]  }
0x10a: {  	v15 =	vld [tilespmem:s18+$0x6700];
	v0 =	vadd.f32 v3, v0  }
0x10b: {  	v1 =	vld [tilespmem:s18+$0x1720]  }
0x10c: {  	v3 =	vld [tilespmem:s18+$0x1730];
	v0 =	vmax.f32 v0, $0.0e+00  }
0x10d: {  	[tilespmem:s18+$0x8F70] =	vst v0;
	v0 =	vld [tilespmem:s18+$0x3F40]  }
0x10e: {  	v16 =	vld [tilespmem:s18+$0x6710]  }
0x10f: {  	v17 =	vld [tilespmem:s18+$0x6720]  }
0x110: {  	v8 =	vld [tilespmem:s18+$0x6730];
	v2 =	vadd.f32 v4, v2;
	v18 =	vadd.f32 v6, v5  }
0x111: {  	v19 =	vadd.f32 v7, v1;
	v7 =	vld [tilespmem:s18+$0x6740];
	v4 =	vadd.f32 v9, v3  }
0x112: {  	v6 =	vld [tilespmem:s18+$0x6750];
	v3 =	vadd.f32 v0, v10;
	v10 =	vadd.f32 v15, v2  }
0x113: {  	s19 =	simm.s32 $0x80;
	v5 =	vld [tilespmem:s18+$0x6760];
	v9 =	vadd.f32 v16, v18;
	v2 =	vadd.f32 v12, v11  }
0x114: {  	s22 =	simm.s32 $0x400;
	v1 =	vld [tilespmem:s19+$0x1770];
	v0 =	vadd.f32 v14, v13;
	v11 =	vmax.f32 v10, $0.0e+00;
	v10 =	vadd.f32 v17, v19  }
.LBB2_9:
0x115: {  	p1 =	sne.s32 s22, $0x4E00;
	v12 =	vld [tilespmem:s19+$0x3F70];
	[tilespmem:s18+$0x8F00] =	vst v11;
	v9 =	vmax.f32 v9, $0.0e+00;
	v4 =	vadd.f32 v8, v4  }
0x116: {  	v8 =	vld [tilespmem:s19+$0x1700];
	[tilespmem:s18+$0x8F10] =	vst v9;
	v9 =	vmax.f32 v10, $0.0e+00;
	v3 =	vadd.f32 v7, v3  }
0x117: {  	v7 =	vld [tilespmem:s19+$0x6770];
	[tilespmem:s18+$0x8F20] =	vst v9;
	v4 =	vmax.f32 v4, $0.0e+00;
	v2 =	vadd.f32 v6, v2  }
0x118: {  	v6 =	vld [tilespmem:s19+$0x3F00];
	[tilespmem:s18+$0x8F30] =	vst v4;
	v3 =	vmax.f32 v3, $0.0e+00;
	v0 =	vadd.f32 v5, v0  }
0x119: {  	v4 =	vld [tilespmem:s19+$0x1710];
	[tilespmem:s18+$0x8F40] =	vst v3;
	v2 =	vmax.f32 v2, $0.0e+00  }
0x11a: {  	v3 =	vld [tilespmem:s19+$0x3F10];
	v1 =	vadd.f32 v12, v1;
	[tilespmem:s18+$0x8F50] =	vst v2;
	v0 =	vmax.f32 v0, $0.0e+00  }
0x11b: {  	v2 =	vld [tilespmem:s19+$0x1720];
	[tilespmem:s18+$0x8F60] =	vst v0;
	s18 =	smov.u32 s19  }
0x11c: {  	v0 =	vld [tilespmem:s18+$0x3F20];
	v1 =	vadd.f32 v7, v1  }
0x11d: {  	v5 =	vadd.f32 v6, v8;
	v6 =	vld [tilespmem:s18+$0x1730]  }
0x11e: {  	v7 =	vld [tilespmem:s18+$0x3F30];
	v1 =	vmax.f32 v1, $0.0e+00  }
0x11f: {  	v9 =	vadd.f32 v3, v4;
	v3 =	vld [tilespmem:s18+$0x1740];
	[tilespmem:s18+$0x8F70] =	vst v1  }
0x120: {  	v1 =	vld [tilespmem:s18+$0x3F40]  }
0x121: {  	v10 =	vadd.f32 v0, v2;
	v0 =	vld [tilespmem:s18+$0x1750]  }
0x122: {  	v2 =	vld [tilespmem:s18+$0x3F50]  }
0x123: {  	v4 =	vadd.f32 v7, v6;
	v6 =	vld [tilespmem:s18+$0x1760]  }
0x124: {  	v11 =	vld [tilespmem:s18+$0x3F60]  }
0x125: {  	v12 =	vld [tilespmem:s18+$0x6700];
	v3 =	vadd.f32 v1, v3  }
0x126: {  	v1 =	vld [tilespmem:s18+$0x6710]  }
0x127: {  	v13 =	vld [tilespmem:s18+$0x6720];
	v2 =	vadd.f32 v2, v0  }
.Ltmp6:
0x128: {  	v8 =	vld [tilespmem:s18+$0x6730];
	(pc) =	sbr.rel @p1 .LBB2_9-.Ltmp6, $4  }
0x129: {  	v7 =	vld [tilespmem:s18+$0x6740];
	v0 =	vadd.f32 v11, v6  }
0x12a: {  	v11 =	vadd.f32 v12, v5;
	v6 =	vld [tilespmem:s18+$0x6750]  }
0x12b: {  	s19 =	sshra.s32 s22, $0x2;
	v9 =	vadd.f32 v1, v9;
	v5 =	vld [tilespmem:s18+$0x6760]  }
0x12c: {  	s22 =	sadd.s32 $0x200, s22;
	v1 =	vld [tilespmem:s19+$0x1770];
	v11 =	vmax.f32 v11, $0.0e+00;
	v10 =	vadd.f32 v13, v10  }
0x12d: {  	v12 =	vld [tilespmem:s19+$0x3F70];
	[tilespmem:s18+$0x8F00] =	vst v11;
	v9 =	vmax.f32 v9, $0.0e+00;
	v4 =	vadd.f32 v8, v4  }
0x12e: {  	v11 =	vld [tilespmem:s19+$0x1700];
	[tilespmem:s18+$0x8F10] =	vst v9;
	v41 =	vmax.f32 v10, $0.0e+00;
	v3 =	vadd.f32 v7, v3  }
0x12f: {  	v9 =	vld [tilespmem:s19+$0x6770];
	[tilespmem:s18+$0x8F20] =	vst v41;
	v4 =	vmax.f32 v4, $0.0e+00;
	v2 =	vadd.f32 v6, v2  }
0x130: {  	v42 =	vld [tilespmem:s19+$0x3F00];
	[tilespmem:s18+$0x8F30] =	vst v4;
	v3 =	vmax.f32 v3, $0.0e+00;
	v0 =	vadd.f32 v5, v0  }
0x131: {  	v4 =	vld [tilespmem:s19+$0x1710];
	[tilespmem:s18+$0x8F40] =	vst v3;
	v2 =	vmax.f32 v2, $0.0e+00  }
0x132: {  	v3 =	vld [tilespmem:s19+$0x3F10];
	[tilespmem:s18+$0x8F50] =	vst v2;
	v0 =	vmax.f32 v0, $0.0e+00  }
0x133: {  	v2 =	vld [tilespmem:s19+$0x1720];
	[tilespmem:s18+$0x8F60] =	vst v0  }
0x134: {  	v0 =	vld [tilespmem:s19+$0x3F20]  }
0x135: {  	v43 =	vld [tilespmem:s19+$0x1730]  }
0x136: {  	v44 =	vld [tilespmem:s19+$0x3F30]  }
0x137: {  	v8 =	vld [tilespmem:s19+$0x1740]  }
0x138: {  	v45 =	vld [tilespmem:s19+$0x3F40]  }
0x139: {  	v46 =	vld [tilespmem:s19+$0x1750]  }
0x13a: {  	v47 =	vld [tilespmem:s19+$0x3F50]  }
0x13b: {  	v48 =	vld [tilespmem:s19+$0x1760]  }
0x13c: {  	v13 =	vld [tilespmem:s19+$0x3F60]  }
0x13d: {  	v14 =	vld [tilespmem:s19+$0x6700]  }
0x13e: {  	v15 =	vld [tilespmem:s19+$0x6710]  }
0x13f: {  	v1 =	vadd.f32 v12, v1;
	v16 =	vld [tilespmem:s19+$0x6720]  }
0x140: {  	v49 =	vld [tilespmem:s19+$0x6730];
	v7 =	vadd.f32 v42, v11  }
0x141: {  	v1 =	vadd.f32 v9, v1;
	v50 =	vld [tilespmem:s19+$0x6740];
	v3 =	vadd.f32 v3, v4  }
0x142: {  	v52 =	vld [tilespmem:s19+$0x6750];
	v0 =	vadd.f32 v0, v2;
	v51 =	vadd.f32 v14, v7  }
0x143: {  	v53 =	vld [tilespmem:s19+$0x6760];
	v1 =	vmax.f32 v1, $0.0e+00;
	v5 =	vadd.f32 v44, v43;
	v3 =	vadd.f32 v15, v3  }
0x144: {  	[tilespmem:s19+$0x8F70] =	vst v1;
	v1 =	vadd.f32 v45, v8;
	v0 =	vadd.f32 v16, v0;
	v2 =	vmax.f32 v51, $0.0e+00  }
0x145: {  	v54 =	vadd.f32 v47, v46;
	v55 =	vmax.f32 v3, $0.0e+00;
	v56 =	vadd.f32 v49, v5;
	[tilespmem:s19+$0x8F00] =	vst v2  }
0x146: {  	p1 =	seq.s32 s15, $0x7C;
	v57 =	vadd.f32 v13, v48;
	v1 =	vadd.f32 v50, v1;
	[tilespmem:s19+$0x8F10] =	vst v55;
	v0 =	vmax.f32 v0, $0.0e+00  }
.Ltmp7:
0x147: {  	v59 =	vadd.f32 v52, v54;
	v58 =	vmax.f32 v56, $0.0e+00;
	[tilespmem:s19+$0x8F20] =	vst v0;
	(pc) =	sbr.rel @p1 .LBB2_12-.Ltmp7, $4  }
0x148: {  	v61 =	vadd.f32 v53, v57;
	v60 =	vmax.f32 v1, $0.0e+00;
	[tilespmem:s19+$0x8F30] =	vst v58  }
0x149: {  	v62 =	vmax.f32 v59, $0.0e+00;
	[tilespmem:s19+$0x8F40] =	vst v60  }
0x14a: {  	v63 =	vmax.f32 v61, $0.0e+00;
	[tilespmem:s19+$0x8F50] =	vst v62  }
0x14b: {  	[tilespmem:s19+$0x8F60] =	vst v63  }
0x14c: {  	s17 =	sadd.s32 s17, s21  }
0x14d: {  	s17 =	sshrl.u32 s17, $0x3  }
0x14e: {  	s18 =	sadd.s32 s7, s17  }
0x14f: {  	[tilespmem:s0], [sflag:$0xA] =	stream.linear.gather [hbm4b:s18+s2], $0x28, $0x38;
	[tilespmem:$0x1DB80] =	vst v63  }
.Ltmp8:
0x150: {  	_ = 	snop;
	(pc) =	sbr.rel .LBB2_2-.Ltmp8, $4  }
0x151: {  	s17 =	sadd.s32 s8, s17  }
0x152: {  	[tilespmem:s6], [sflag:$0xC] =	stream.linear.gather [hbm4b:s17+s2], $0x28, $0x38;
	[tilespmem:$0x1DB80] =	vst v63  }
0x153: {  	s15 =	sadd.s32 $0x1, s15  }
0x154: {  	[spmem:s1] =	stream.indirect.scatter.add.f32 [tilespmem:s30], [sflag:$0x8], $0x80, s29, s28, $0xb8;
	[tilespmem:$0x1DB80] =	vst v63  }
.LBB2_13:
0x155: {  	_ =	sfence.sel $0x180000  }
0x156: {  	[bflag:$0x0] =	sbarrier.arrive $0xFFFF  }
0x157: {  	_ =	strace $0x9000004D  }
0x158: {  	s0 =	stileid.u32;
	[bflag:$0x2] =	sbarrier.arrive $0xFFFF  }
0x159: {  	p0 =	sne.s32 s0, $0x0;
	s0 =	rddreg [dreg:$0x3]  }
0x15a: {  	s0 =	sadd.s32 @!p0 $0x100000, s0  }
0x15b: {  	[sflag:s0] =	ssyncadd.tile.s32 @!p0 $0x1;
	_ =	shalt  }
.Lfunc_end2:
_tile_overlayer_lowered:
.L_overlay_start_2:
0x15c: {  	(tag) =	ssettag $0x2  }
0x15d: {  	s0 =	rddreg [dreg:$0x0];
	s2 =	stileid.u32  }
0x15e: {  	s1 =	rddreg [dreg:$0x1];
	p0 =	sne.s32 s2, $0x0  }
0x15f: {  	s3 =	rddreg [dreg:$0x2];
	[bflag:$0x3] =	sbarrier.arrive $0xFFFF;
	s2 =	simm.s32 @!p0 $0x1C0D  }
0x160: {  	[timem:s3], [sflag:s2] =	dma.local @!p0 [hbm:s0], s1  }
0x161: {  	s0 =	simm.s32 @!p0 $0xD  }
0x162: {  	_ =	swait.ge @!p0 [sflag:s0], s1  }
0x163: {  	s1 =	ssub.s32 @!p0 $0x0, s1;
	[sflag:s0] =	ssyncset.done @!p0 $0x0  }
0x164: {  	[sflag:s0] =	ssyncadd.s32 @!p0 s1  }
0x165: {  	[bflag:$0x3] =	sbarrier.arrive $0xFFFF  }
0x166: {  	_ =	shalt  }

// kernel: kernel.20.cloned.1.call-start
scs
__scs_entry_jumppad:
0x0: {  	(pc) =	sbr.rel $0x88, $3  }
0x1: {  	(tag) =	ssettag $0x0;
	lr =	simm.s32 $0x1  }
0x2: {  	[smem:$0x3F84] =	sst lr;
	_ =	strace $0xD0000000  }
0x3: {  	_ = 	snop  }
0x4: {  	_ = 	snop  }
0x5: {  	_ = 	snop  }
0x6: {  	_ = 	snop  }
0x7: {  	_ = 	snop  }
__scs_overlays_trampoline_lowered:
0x8: {  	[smem:$0x3F93] =	sst s0  }
0x9: {  	[smem:$0x3F94] =	sst s1  }
0xa: {  	[smem:$0x3F95] =	sst s2  }
0xb: {  	[smem:$0x3F96] =	sst s3  }
0xc: {  	[smem:$0x3F97] =	sst s4  }
0xd: {  	[smem:$0x3F98] =	sst s5  }
0xe: {  	[smem:$0x3F99] =	sst s6  }
0xf: {  	[smem:$0x3F9A] =	sst s7  }
0x10: {  	[smem:$0x3F9B] =	sst s8  }
0x11: {  	[smem:$0x3F9C] =	sst s9;
	s0 =	simm.s32 @!p0 $0x0  }
0x12: {  	s1 =	sld [smem:$0x3F82];
	s0 =	simm.s32 @p0 $0x1  }
0x13: {  	[smem:$0x3F9D] =	sst s0;
	s0 =	simm.s32 @!p1 $0x0  }
0x14: {  	s2 =	sld [smem:$0x3F81];
	s0 =	simm.s32 @p1 $0x1  }
0x15: {  	[smem:$0x3F9E] =	sst s0;
	s0 =	simm.s32 @!p2 $0x0  }
0x16: {  	s3 =	sld [smem:$0x3FDB];
	s0 =	simm.s32 @p2 $0x1  }
0x17: {  	s4 =	simm.s32 $0x1BF5;
	[smem:$0x3FA0] =	sst s0  }
0x18: {  	s0 =	sld [smem:$0x3F83];
	_ =	swait.ge [sflag:s4], $0x0  }
0x19: {  	s7 =	sld [smem:$0x3F84]  }
0x1a: {  	s8 =	sadd.s32 $0xFFFFE003, lr  }
0x1b: {  	s9 =	sadd.s32 $0xFFFFFEF7, lr;
	s5 =	simm.s32 $0xFFFFFFFF;
	p2 =	slt.u32 s8, $0xFFFFF086  }
0x1c: {  	p1 =	slt.u32 s9, $0xF7A;
	s5 =	simm.s32 @!p2 $0x0  }
0x1d: {  	s5 =	simm.s32 @p1 $0x1;
	p0 =	seq.s32 s7, s2  }
0x1e: {  	s7 =	smul.u32 @!p0 $0xF7A, s2;
	p2 =	seq.s32 @!p0 s5, $0x0  }
0x1f: {  	s9 =	smul.u32 $0xF7A, s1;
	s8 =	simm.s32 @!p0 $0x1BF5;
	p2 =	por !p2, p0  }
0x20: {  	[sflag:s8] =	ssyncset.s32 @!p0 $0xFFFFF086;
	s6 =	sadd.s32 @!p0 s3, s7;
	s7 =	simm.s32 @!p0 $0x108  }
0x21: {  	s3 =	sadd.s32 s3, s9;
	s6 =	sadd.s32 @!p0 $0x88, s6;
	s7 =	simm.s32 @p2 $0x1082  }
0x22: {  	[simem:s7], [sflag:s8] =	dma.local @!p0 [hbm:s6], $0xF7A  }
0x23: {  	s9 =	sor.u32 $0xD0000000, s2;
	s6 =	simm.s32 $0x108;
	_ =	swait.ge @!p0 [sflag:s8], $0x0  }
0x24: {  	s3 =	sadd.s32 $0x88, s3;
	s6 =	simm.s32 @!p1 $0x1082;
	[sflag:s4] =	ssyncset.s32 $0xFFFFF086  }
0x25: {  	[simem:s6], [sflag:s4] =	dma.local [hbm:s3], $0xF7A  }
0x26: {  	[smem:$0x3F84] =	sst s1;
	(tag) =	ssettag s2;
	_ =	strace s9  }
0x27: {  	s1 =	sld [smem:$0x3F94]  }
0x28: {  	s2 =	sld [smem:$0x3F95]  }
0x29: {  	s4 =	sld [smem:$0x3F97]  }
0x2a: {  	p0 =	seq.s32 s5, $0x0;
	s5 =	sld [smem:$0x3F98]  }
0x2b: {  	s6 =	sld [smem:$0x3F99]  }
0x2c: {  	s7 =	sld [smem:$0x3F9A]  }
0x2d: {  	s3 =	simm.s32 $0x108;
	s8 =	sld [smem:$0x3F9B]  }
0x2e: {  	s3 =	simm.s32 @!p0 $0x1082;
	s9 =	sld [smem:$0x3F9C]  }
0x2f: {  	lr =	sadd.s32 s0, s3;
	s0 =	sld [smem:$0x3F93]  }
0x30: {  	s3 =	sld [smem:$0x3F96]  }
0x31: {  	[smem:$0x3F9F] =	sst s10  }
0x32: {  	s10 =	sld [smem:$0x3F9D];
	_ =	sdelay $0x3  }
0x33: {  	p0 =	seq.s32 s10, $0x1;
	s10 =	sld [smem:$0x3F9F];
	_ =	sdelay $0x3  }
0x34: {  	[smem:$0x3F9F] =	sst s10  }
0x35: {  	s10 =	sld [smem:$0x3F9E];
	_ =	sdelay $0x3  }
0x36: {  	p1 =	seq.s32 s10, $0x1;
	s10 =	sld [smem:$0x3F9F];
	_ =	sdelay $0x3  }
0x37: {  	[smem:$0x3F9F] =	sst s10  }
0x38: {  	s10 =	sld [smem:$0x3FA0]  }
0x39: {  	_ = 	snop;
	(pc) =	sbr.ind lr, $3  }
0x3a: {  	_ = 	snop  }
0x3b: {  	_ = 	snop  }
0x3c: {  	p2 =	seq.s32 s10, $0x1;
	s10 =	sld [smem:$0x3F9F]  }
0x3d: {  	_ =	shalt  }
0x3e: {  	_ =	shalt  }
0x3f: {  	_ =	shalt  }
0x40: {  	_ =	shalt  }
0x41: {  	_ =	shalt  }
0x42: {  	_ =	shalt  }
0x43: {  	_ =	shalt  }
0x44: {  	_ =	shalt  }
0x45: {  	_ =	shalt  }
0x46: {  	_ =	shalt  }
0x47: {  	_ =	shalt  }
0x48: {  	_ =	shalt  }
0x49: {  	_ =	shalt  }
0x4a: {  	_ =	shalt  }
0x4b: {  	_ =	shalt  }
0x4c: {  	_ =	shalt  }
0x4d: {  	_ =	shalt  }
0x4e: {  	_ =	shalt  }
0x4f: {  	_ =	shalt  }
0x50: {  	_ =	shalt  }
0x51: {  	_ =	shalt  }
0x52: {  	_ =	shalt  }
0x53: {  	_ =	shalt  }
0x54: {  	_ =	shalt  }
0x55: {  	_ =	shalt  }
0x56: {  	_ =	shalt  }
0x57: {  	_ =	shalt  }
0x58: {  	_ =	shalt  }
0x59: {  	_ =	shalt  }
0x5a: {  	_ =	shalt  }
0x5b: {  	_ =	shalt  }
0x5c: {  	_ =	shalt  }
0x5d: {  	_ =	shalt  }
0x5e: {  	_ =	shalt  }
0x5f: {  	_ =	shalt  }
0x60: {  	_ =	shalt  }
0x61: {  	_ =	shalt  }
0x62: {  	_ =	shalt  }
0x63: {  	_ =	shalt  }
0x64: {  	_ =	shalt  }
0x65: {  	_ =	shalt  }
0x66: {  	_ =	shalt  }
0x67: {  	_ =	shalt  }
0x68: {  	_ =	shalt  }
0x69: {  	_ =	shalt  }
0x6a: {  	_ =	shalt  }
0x6b: {  	_ =	shalt  }
0x6c: {  	_ =	shalt  }
0x6d: {  	_ =	shalt  }
0x6e: {  	_ =	shalt  }
0x6f: {  	_ =	shalt  }
0x70: {  	_ =	shalt  }
0x71: {  	_ =	shalt  }
0x72: {  	_ =	shalt  }
0x73: {  	_ =	shalt  }
0x74: {  	_ =	shalt  }
0x75: {  	_ =	shalt  }
0x76: {  	_ =	shalt  }
0x77: {  	_ =	shalt  }
0x78: {  	_ =	shalt  }
0x79: {  	_ =	shalt  }
0x7a: {  	_ =	shalt  }
0x7b: {  	_ =	shalt  }
0x7c: {  	_ =	shalt  }
0x7d: {  	_ =	shalt  }
0x7e: {  	_ =	shalt  }
0x7f: {  	_ =	shalt  }
0x80: {  	_ =	shalt  }
0x81: {  	_ =	shalt  }
0x82: {  	_ =	shalt  }
0x83: {  	_ =	shalt  }
0x84: {  	_ =	shalt  }
0x85: {  	_ =	shalt  }
0x86: {  	_ =	shalt  }
0x87: {  	_ =	shalt  }
.Lfunc_end0:
.L_simem_size_0:
called_computation.3_lowered:
.L_overlay_start_0:
0x88: {  	s2 =	sld [smem:$0x3FD9]  }
0x89: {  	s3 =	sld [smem:$0x3FFE];
	_ =	sdelay $0x1  }
0x8a: {  	s1 =	srdreg.scid  }
0x8b: {  	s0 =	sand.u32 $0x1, s1  }
0x8c: {  	s17 =	sshll.u32 s0, $0xA;
	s2 =	sadd.s32 s3, s2  }
0x8d: {  	s2 =	sadd.s32 s2, s17  }
0x8e: {  	[smem:$0x3FAB] =	sst s2  }
0x8f: {  	_ = 	snop  }
0x90: {  	s2 =	sld [smem:$0x3FD0];
	(tm) =	ssettm $0x1  }
0x91: {  	s18 =	sld [smem:$0x3FFB];
	_ =	sdelay $0x3  }
0x92: {  	_ =	strace s18  }
0x93: {  	s3 =	sld [smem:$0x3FFC];
	_ =	sdelay $0x3  }
0x94: {  	_ =	strace s3  }
0x95: {  	s3 =	sld [smem:$0x3FFD];
	_ =	sdelay $0x3  }
0x96: {  	_ =	strace s3  }
0x97: {  	_ =	strace $0x8FFFFFFF  }
0x98: {  	s19 =	sld [smem:$0x3FDB];
	_ =	sdelay $0x1  }
0x99: {  	s4 =	simm.s32 $_scs_section_size  }
0x9a: {  	s5 =	simm.s32 $_size__tile_overlayer_lowered;
	s6 =	simm.s32 $_tile_overlayer_lowered  }
0x9b: {  	s22 =	simm.s32 $0x1BFF;
	s21 =	sshll.u32 s6, $0x1;
	s3 =	sadd.s32 s4, s19  }
0x9c: {  	s7 =	simm.s32 $0x0;
	s20 =	sshll.u32 s5, $0x1;
	s5 =	sadd.s32 s21, s3  }
0x9d: {  	[timem:s7], [sflag:s22] =	dma.local [hbm:s5], s20  }
0x9e: {  	_ =	swait.ge [sflag:s22], s20  }
0x9f: {  	s4 =	ssub.s32 $0x0, s20;
	[sflag:s22] =	ssyncset.done $0x0  }
0xa0: {  	[sflag:s22] =	ssyncadd.s32 s4;
	_ =	sdelay $0x1  }
0xa1: {  	s23 =	simm.s32 $0x1B8B  }
0xa2: {  	_ =	swait.ge [sflag:s23], $0x1  }
0xa3: {  	[sflag:s23] =	ssyncset.done $0x0  }
0xa4: {  	s25 =	simm.s32 $0x1B8E;
	s24 =	sld [smem:$0x3FFE];
	[sflag:s23] =	ssyncadd.s32 $0xFFFFFFFF  }
0xa5: {  	s26 =	simm.s32 $execute0_lowered;
	[smem:$0x3FD2] =	sst s25  }
0xa6: {  	s5 =	sshll.u32 s26, $0x1;
	_ =	strace $0x8000004F;
	[dreg:$0x1] =	wrdreg $0xFFFFFFFF  }
0xa7: {  	s28 =	simm.s32 $_size_execute0_lowered;
	s3 =	sadd.s32 s3, s5;
	[dreg:$0x0] =	wrdreg $0x0  }
0xa8: {  	s5 =	sshll.u32 s28, $0x1;
	[dreg:$0x2] =	wrdreg s3  }
0xa9: {  	[dreg:$0x3] =	wrdreg s5  }
0xaa: {  	[dreg:$0x4] =	wrdreg $0xC0  }
0xab: {  	_ =	task [dreg:s7], $0x5FFFF  }
0xac: {  	[dreg:$0x1] =	wrdreg $0xFFFFFFFF  }
0xad: {  	[dreg:$0x0] =	wrdreg $0x60  }
0xae: {  	[dreg:$0x2] =	wrdreg s24  }
0xaf: {  	[dreg:$0x3] =	wrdreg s2  }
0xb0: {  	[dreg:$0x4] =	wrdreg $0xA3000  }
0xb1: {  	[dreg:$0x5] =	wrdreg $0x9  }
0xb2: {  	_ =	task.clear_ibuf [dreg:s7], $0x6FFFF;
	_ =	strace $0x9000004F  }
0xb3: {  	s29 =	simm.s32 $0x9;
	_ =	strace $0x80000051  }
0xb4: {  	_ =	swait.ge [sflag:s29], $0x1  }
0xb5: {  	[sflag:s29] =	ssyncadd.s32 $0xFFFFFFFF  }
0xb6: {  	_ =	strace $0x90000051  }
0xb7: {  	_ =	sfence  }
0xb8: {  	s30 =	sld [smem:$0x0];
	_ =	sdelay $0x2  }
0xb9: {  	s31 =	sshll.u32 s1, $0xD;
	s1 =	sshrl.u32 s1, $0x2  }
0xba: {  	s3 =	sand.u32 $0x4000, s31;
	s1 =	sadd.s32 s1, s30  }
0xbb: {  	s0 =	sor.u32 s3, s0;
	s1 =	sshll.u32 s1, $0x11  }
0xbc: {  	s0 =	sor.u32 s1, s0  }
0xbd: {  	s0 =	sadd.s32 $0x8F2B, s0  }
0xbe: {  	[sflag:s0] =	ssyncadd.remote.s32 $0x1  }
0xbf: {  	_ =	sfence.sel $0xFFFF  }
0xc0: {  	[dreg:$0x0] =	wrdreg $0xFFFFFFFF;
	(pc) =	sbr.abs _section_cstart, $3  }
0xc1: {  	[dreg:$0x1] =	wrdreg $0xFFFFFFFF  }
0xc2: {  	_ =	task.clear_ibuf [dreg:s7], $0x2FFFF;
	_ =	strace $0x9FFFFFFF  }
0xc3: {  	(tm) =	ssettm $0x7FFFFFFF  }
tec
execute0_lowered:
.L_overlay_start_1:
0x0: {  	(tag) =	ssettag $0x1  }
0x1: {  	s0 =	rddreg [dreg:$0x0]  }
0x2: {  	s6 =	rddreg [dreg:$0x1]  }
0x3: {  	s1 =	rddreg [dreg:$0x2]  }
0x4: {  	s2 =	simm.s32 $0x0;
	s9 =	srdreg.scid;
	s15 =	stileid.u32  }
0x5: {  	s28 =	simm.s32 $0x28;
	s29 =	simm.s32 $0x280;
	s30 =	simm.s32 $0x8F00  }
0x6: {  	s31 =	simm.s32 $0x9;
	[smem:$0x7FF] =	sst s2;
	s3 =	sadd.s32 $0x42000, s0  }
0x7: {  	s4 =	sadd.s32 $0x1AE00, s0;
	s5 =	sadd.s32 $0x284FA00, s0;
	s7 =	sadd.s32 $0x11000, s0  }
0x8: {  	s8 =	sadd.s32 $0x7200, s0;
	s0 =	sadd.s32 $0x69200, s0;
	s11 =	smul.u32 $0x4E000, s15  }
0x9: {  	s9 =	sand.u32 $0x1, s9;
	s12 =	sshll.u32 s15, $0x1;
	s14 =	smul.u32 $0x2700, s15  }
0xa: {  	s25 =	sshll.u32 s15, $0x6;
	s26 =	sadd.s32 $0x138000, s1;
	p0 =	sne.s32 s15, $0xF  }
0xb: {  	_ =	strace $0x80000050;
	s10 =	ssub.s32 $0x2, s9;
	s12 =	sor.u32 s9, s12  }
0xc: {  	s17 =	sor.u32 $0x1C0D, s25;
	[dreg:$0x7] =	wrdreg s26;
	s20 =	smul.u32 $0x138800, s9  }
0xd: {  	s9 =	smul.u32 $0x27100, s9;
	s13 =	sshrl.u32 s10, $0x1;
	s11 =	sshrl.u32 s11, $0x2  }
0xe: {  	s24 =	sadd.s32 s6, s14;
	s6 =	sadd.s32 $0x27000, s6;
	[dreg:$0x6] =	wrdreg s17  }
0xf: {  	s19 =	smul.u32 $0x27100, s12;
	s10 =	ssub.s32 s10, s13;
	[dreg:$0x5] =	wrdreg s24  }
0x10: {  	s13 =	smul.u32 $0x2710, s12;
	s11 =	sadd.s32 s11, s1;
	[dreg:$0x8] =	wrdreg s6  }
0x11: {  	s23 =	sshrl.u32 s20, $0x3;
	s9 =	sadd.s32 s14, s9;
	s12 =	simm.s32 $0x5  }
0x12: {  	s14 =	simm.s32 $0xC;
	s20 =	simm.s32 $0xB;
	[dreg:$0x4] =	wrdreg s11  }
0x13: {  	s6 =	sadd.s32 s5, s19;
	s26 =	smax.u32 s10, $0x1;
	s19 =	simm.s32 $0xD  }
0x14: {  	s10 =	simm.s32 $0x3;
	s16 =	sshrl.u32 s13, $0x3;
	[dreg:$0xb] =	wrdreg s6  }
0x15: {  	s24 =	sadd.s32 $0x50, s13;
	[dreg:$0x11] =	wrdreg s26;
	s26 =	simm.s32 $0x100  }
0x16: {  	s18 =	sadd.s32 s7, s16;
	s11 =	sadd.s32 s8, s16;
	[dreg:$0xe] =	wrdreg s24  }
0x17: {  	s16 =	sadd.s32 $0x28, s13;
	s24 =	simm.s32 $0x4;
	[dreg:$0x9] =	wrdreg s18  }
0x18: {  	[dreg:$0xa] =	wrdreg s11;
	s21 =	sshrl.u32 s16, $0x3;
	s11 =	simm.s32 $0x6  }
0x19: {  	s22 =	sadd.s32 s7, s21;
	s6 =	sadd.s32 s8, s21;
	s21 =	sadd.s32 $0x78, s13  }
.Ltmp0:
0x1a: {  	s13 =	simm.s32 $0xA;
	[dreg:$0xc] =	wrdreg s22;
	(pc) =	sbr.rel .LBB2_1-.Ltmp0, $4  }
0x1b: {  	[dreg:$0xd] =	wrdreg s6;
	s6 =	sadd.s32 s0, s23;
	s0 =	sadd.s32 s0, s9  }
0x1c: {  	s9 =	simm.s32 $0x1;
	s23 =	simm.s32 $0x2;
	s22 =	simm.s32 $0x0  }
0x1d: {  	[dreg:$0xf] =	wrdreg s0;
	s25 =	sadd.s32 $0x27000, s6;
	s0 =	simm.s32 $0x80  }
0x1e: {  	s6 =	simm.s32 $0x180;
	[dreg:$0x10] =	wrdreg s25;
	s25 =	simm.s32 $0x8  }
.LBB2_12:
0x1f: {  	[spmem:s1] =	stream.indirect.scatter.add.f32 [tilespmem:s30], [sflag:$0x8], $0x80, s29, s28, $0xb8;
	[tilespmem:$0x1DB80] =	vst v63  }
0x20: {  	s15 =	simm.s32 $0x7  }
0x21: {  	_ =	swait.ge [sflag:s15], $0x1400  }
0x22: {  	[sflag:s15] =	ssyncset.done $0x0  }
0x23: {  	[sflag:s15] =	ssyncadd.s32 $0xFFFFEC00  }
0x24: {  	_ =	swait.ge [sflag:s25], $0x1400  }
0x25: {  	[sflag:s25] =	ssyncset.done $0x0  }
0x26: {  	[sflag:s25] =	ssyncadd.s32 $0xFFFFEC00  }
0x27: {  	[bflag:$0x0] =	sbarrier.arrive $0xFFFF  }
0x28: {  	s17 =	rddreg [dreg:$0x6]  }
0x29: {  	s22 =	rddreg [dreg:$0xf]  }
0x2a: {  	s19 =	simm.s32 $0xD;
	s18 =	rddreg [dreg:$0x13]  }
0x2b: {  	[hbm:s22], [sflag:s17] =	dma.local [spmem:s18], $0x2700  }
0x2c: {  	_ =	swait.ge [sflag:s19], $0x2700  }
0x2d: {  	[sflag:s19] =	ssyncset.done $0x0;
	s15 =	rddreg [dreg:$0x10]  }
0x2e: {  	s18 =	rddreg [dreg:$0x14];
	[sflag:s19] =	ssyncadd.s32 $0xFFFFD900  }
0x2f: {  	[hbm:s15], [sflag:s17] =	dma.local @!p0 [spmem:s18], $0x100  }
0x30: {  	s15 =	simm.s32 @!p0 $0xD  }
0x31: {  	_ =	swait.ge @!p0 [sflag:s15], $0x100  }
0x32: {  	s22 =	rddreg [dreg:$0x12]  }
0x33: {  	s18 =	rddreg [dreg:$0x11];
	s22 =	sadd.s32 $0x1, s22  }
0x34: {  	p1 =	sne.s32 s22, s18  }
.Ltmp1:
0x35: {  	_ = 	snop;
	(pc) =	sbr.rel @!p1 .LBB2_13-.Ltmp1, $3  }
0x36: {  	_ =	sdelay $0x1  }
0x37: {  	[sflag:s15] =	ssyncset.done @!p0 $0x0  }
0x38: {  	[sflag:s15] =	ssyncadd.s32 @!p0 $0xFFFFFF00  }
.LBB2_1:
0x39: {  	[dreg:$0x12] =	wrdreg s22  }
0x3a: {  	s15 =	rddreg [dreg:$0x4]  }
0x3b: {  	s22 =	rddreg [dreg:$0x5];
	s18 =	sshrl.u32 s15, $0x3  }
0x3c: {  	[dreg:$0x13] =	wrdreg s18  }
0x3d: {  	[spmem:s18], [sflag:s17] =	dma.local [hbm:s22], $0x2700  }
0x3e: {  	_ =	swait.ge [sflag:s19], $0x2700  }
0x3f: {  	s15 =	rddreg [dreg:$0x7]  }
0x40: {  	[sflag:s19] =	ssyncset.done $0x0;
	s18 =	sshrl.u32 @!p0 s15, $0x3;
	s15 =	rddreg [dreg:$0x8]  }
0x41: {  	[sflag:s19] =	ssyncadd.s32 $0xFFFFD900;
	[dreg:$0x14] =	wrdreg s18  }
0x42: {  	[spmem:s18], [sflag:s17] =	dma.local @!p0 [hbm:s15], $0x100  }
0x43: {  	s15 =	simm.s32 @!p0 $0xD  }
0x44: {  	_ =	swait.ge @!p0 [sflag:s15], $0x100  }
0x45: {  	[sflag:s15] =	ssyncset.done @!p0 $0x0  }
0x46: {  	[sflag:s15] =	ssyncadd.s32 @!p0 $0xFFFFFF00  }
0x47: {  	[bflag:$0x0] =	sbarrier.arrive $0xFFFF  }
0x48: {  	s17 =	rddreg [dreg:$0x9]  }
0x49: {  	[tilespmem:s2], [sflag:$0xD] =	stream.linear.gather [hbm4b:s17+s2], $0x28, $0x38;
	[tilespmem:$0x1DB80] =	vst v63  }
0x4a: {  	_ =	swait.ge [sflag:s19], $0x28  }
0x4b: {  	[sflag:s19] =	ssyncset.done $0x0  }
0x4c: {  	s18 =	rddreg [dreg:$0xa];
	[sflag:s19] =	ssyncadd.s32 $0xFFFFFFD8  }
0x4d: {  	[tilespmem:s26], [sflag:$0xD] =	stream.linear.gather [hbm4b:s18+s2], $0x28, $0x38;
	[tilespmem:$0x1DB80] =	vst v63  }
0x4e: {  	_ =	swait.ge [sflag:s19], $0x28  }
0x4f: {  	[sflag:s19] =	ssyncset.done $0x0  }
0x50: {  	[sflag:s19] =	ssyncadd.s32 $0xFFFFFFD8;
	s19 =	simm.s32 $0x300  }
0x51: {  	[tilespmem:s19], [sflag:$0x1] =	stream.indirect.gather [hbm4b:s3+s28], $0x80, s26, s28, $0xb8;
	[tilespmem:$0x1DB80] =	vst v63  }
0x52: {  	s22 =	simm.s32 $0x2B00  }
0x53: {  	[tilespmem:s22], [sflag:$0x3] =	stream.indirect.gather [hbm4b:s4+s28], $0x80, s2, s28, $0xb8;
	[tilespmem:$0x1DB80] =	vst v63  }
0x54: {  	s18 =	simm.s32 $0x5300;
	s17 =	rddreg [dreg:$0xb]  }
0x55: {  	[tilespmem:s18], [sflag:$0x5] =	stream.linear.gather [hbm4b:s17+s2], $0x1400, $0x38;
	[tilespmem:$0x1DB80] =	vst v63  }
0x56: {  	s19 =	rddreg [dreg:$0xc]  }
0x57: {  	[tilespmem:s0], [sflag:$0xA] =	stream.linear.gather [hbm4b:s19+s2], $0x28, $0x38;
	[tilespmem:$0x1DB80] =	vst v63  }
0x58: {  	s15 =	simm.s32 $0x0;
	s22 =	rddreg [dreg:$0xd]  }
0x59: {  	[tilespmem:s6], [sflag:$0xC] =	stream.linear.gather [hbm4b:s22+s2], $0x28, $0x38;
	[tilespmem:$0x1DB80] =	vst v63  }
.LBB2_2:
0x5a: {  	_ =	swait.ge [sflag:s9], $0x1400  }
0x5b: {  	[sflag:s9] =	ssyncset.done $0x0  }
0x5c: {  	[sflag:s9] =	ssyncadd.s32 $0xFFFFEC00  }
0x5d: {  	_ =	swait.ge [sflag:s10], $0x1400  }
0x5e: {  	[sflag:s10] =	ssyncset.done $0x0  }
0x5f: {  	[sflag:s10] =	ssyncadd.s32 $0xFFFFEC00  }
0x60: {  	_ =	swait.ge [sflag:s12], $0x1400  }
0x61: {  	[sflag:s12] =	ssyncset.done $0x0  }
0x62: {  	[sflag:s12] =	ssyncadd.s32 $0xFFFFEC00  }
0x63: {  	_ =	swait.ge [sflag:s13], $0x28  }
0x64: {  	[sflag:s13] =	ssyncset.done $0x0  }
0x65: {  	[sflag:s13] =	ssyncadd.s32 $0xFFFFFFD8  }
0x66: {  	_ =	swait.ge [sflag:s14], $0x28  }
0x67: {  	[sflag:s14] =	ssyncset.done $0x0  }
0x68: {  	s17 =	simm.s32 $0x1700;
	[sflag:s14] =	ssyncadd.s32 $0xFFFFFFD8  }
0x69: {  	[tilespmem:s17], [sflag:$0x2] =	stream.indirect.gather [hbm4b:s3+s28], $0x80, s6, s28, $0xb8;
	[tilespmem:$0x1DB80] =	vst v63  }
0x6a: {  	s18 =	simm.s32 $0x3F00;
	s17 =	smul.u32 $0x50, s15  }
0x6b: {  	[tilespmem:s18], [sflag:$0x4] =	stream.indirect.gather [hbm4b:s4+s28], $0x80, s0, s28, $0xb8;
	[tilespmem:$0x1DB80] =	vst v63  }
0x6c: {  	s22 =	sadd.s32 s17, s16  }
0x6d: {  	s18 =	sshll.u32 s22, $0x4  }
0x6e: {  	s19 =	simm.s32 $0x6700;
	p1 =	seq.s32 s15, $0x0;
	s18 =	sadd.s32 s5, s18  }
0x6f: {  	[tilespmem:s19], [sflag:$0x6] =	stream.linear.gather [hbm4b:s18+s2], $0x1400, $0x38;
	[tilespmem:$0x1DB80] =	vst v63  }
0x70: {  	s18 =	simm.s32 @!p1 $0x7  }
0x71: {  	_ =	swait.ge @!p1 [sflag:s18], $0x1400  }
0x72: {  	[sflag:s18] =	ssyncset.done @!p1 $0x0  }
0x73: {  	[sflag:s18] =	ssyncadd.s32 @!p1 $0xFFFFEC00  }
0x74: {  	v0 =	vld [tilespmem:$0x100]  }
0x75: {  	v1 =	vld [tilespmem:$0x110]  }
0x76: {  	v2 =	vld [tilespmem:$0x118];
	_ =	sdelay $0x2  }
0x77: {  	[tilespmem:$0x200] =	vst v0  }
0x78: {  	[tilespmem:$0x210] =	vst v1  }
0x79: {  	s18 =	simm.s32 $0x0;
	[tilespmem:$0x218] =	vst v2  }
0x7a: {  	v0 =	vld [tilespmem:s18+$0x370]  }
0x7b: {  	v1 =	vld [tilespmem:s18+$0x2B70]  }
0x7c: {  	v2 =	vld [tilespmem:s18+$0x300]  }
0x7d: {  	v3 =	vld [tilespmem:s18+$0x5370]  }
0x7e: {  	v4 =	vld [tilespmem:s18+$0x2B00]  }
0x7f: {  	v5 =	vld [tilespmem:s18+$0x310]  }
0x80: {  	v6 =	vld [tilespmem:s18+$0x2B10]  }
0x81: {  	v7 =	vld [tilespmem:s18+$0x2B20]  }
0x82: {  	v9 =	vld [tilespmem:s18+$0x2B30]  }
0x83: {  	v10 =	vld [tilespmem:s18+$0x340]  }
0x84: {  	v11 =	vld [tilespmem:s18+$0x350]  }
0x85: {  	v12 =	vld [tilespmem:s18+$0x2B50]  }
0x86: {  	v13 =	vld [tilespmem:s18+$0x360];
	v0 =	vadd.f32 v1, v0  }
0x87: {  	v14 =	vld [tilespmem:s18+$0x2B60]  }
0x88: {  	v15 =	vld [tilespmem:s18+$0x5300];
	v0 =	vadd.f32 v3, v0  }
0x89: {  	v1 =	vld [tilespmem:s18+$0x320]  }
0x8a: {  	v3 =	vld [tilespmem:s18+$0x330];
	v0 =	vmax.f32 v0, $0.0e+00  }
0x8b: {  	[tilespmem:s18+$0x7B70] =	vst v0;
	v0 =	vld [tilespmem:s18+$0x2B40]  }
0x8c: {  	v16 =	vld [tilespmem:s18+$0x5310]  }
0x8d: {  	v17 =	vld [tilespmem:s18+$0x5320]  }
0x8e: {  	v8 =	vld [tilespmem:s18+$0x5330];
	v2 =	vadd.f32 v4, v2;
	v18 =	vadd.f32 v6, v5  }
0x8f: {  	v19 =	vadd.f32 v7, v1;
	v7 =	vld [tilespmem:s18+$0x5340];
	v4 =	vadd.f32 v9, v3  }
0x90: {  	v6 =	vld [tilespmem:s18+$0x5350];
	v3 =	vadd.f32 v0, v10;
	v10 =	vadd.f32 v15, v2  }
0x91: {  	s19 =	simm.s32 $0x80;
	v5 =	vld [tilespmem:s18+$0x5360];
	v9 =	vadd.f32 v16, v18;
	v2 =	vadd.f32 v12, v11  }
0x92: {  	s22 =	simm.s32 $0x400;
	v1 =	vld [tilespmem:s19+$0x370];
	v0 =	vadd.f32 v14, v13;
	v11 =	vmax.f32 v10, $0.0e+00;
	v10 =	vadd.f32 v17, v19  }
.LBB2_3:
0x93: {  	p2 =	sne.s32 s22, $0x4E00;
	v12 =	vld [tilespmem:s19+$0x2B70];
	[tilespmem:s18+$0x7B00] =	vst v11;
	v9 =	vmax.f32 v9, $0.0e+00;
	v4 =	vadd.f32 v8, v4  }
0x94: {  	v8 =	vld [tilespmem:s19+$0x300];
	[tilespmem:s18+$0x7B10] =	vst v9;
	v9 =	vmax.f32 v10, $0.0e+00;
	v3 =	vadd.f32 v7, v3  }
0x95: {  	v7 =	vld [tilespmem:s19+$0x5370];
	[tilespmem:s18+$0x7B20] =	vst v9;
	v4 =	vmax.f32 v4, $0.0e+00;
	v2 =	vadd.f32 v6, v2  }
0x96: {  	v6 =	vld [tilespmem:s19+$0x2B00];
	[tilespmem:s18+$0x7B30] =	vst v4;
	v3 =	vmax.f32 v3, $0.0e+00;
	v0 =	vadd.f32 v5, v0  }
0x97: {  	v4 =	vld [tilespmem:s19+$0x310];
	[tilespmem:s18+$0x7B40] =	vst v3;
	v2 =	vmax.f32 v2, $0.0e+00  }
0x98: {  	v3 =	vld [tilespmem:s19+$0x2B10];
	v1 =	vadd.f32 v12, v1;
	[tilespmem:s18+$0x7B50] =	vst v2;
	v0 =	vmax.f32 v0, $0.0e+00  }
0x99: {  	v2 =	vld [tilespmem:s19+$0x320];
	[tilespmem:s18+$0x7B60] =	vst v0;
	s18 =	smov.u32 s19  }
0x9a: {  	v0 =	vld [tilespmem:s18+$0x2B20];
	v1 =	vadd.f32 v7, v1  }
0x9b: {  	v5 =	vadd.f32 v6, v8;
	v6 =	vld [tilespmem:s18+$0x330]  }
0x9c: {  	v7 =	vld [tilespmem:s18+$0x2B30];
	v1 =	vmax.f32 v1, $0.0e+00  }
0x9d: {  	v9 =	vadd.f32 v3, v4;
	v3 =	vld [tilespmem:s18+$0x340];
	[tilespmem:s18+$0x7B70] =	vst v1  }
0x9e: {  	v1 =	vld [tilespmem:s18+$0x2B40]  }
0x9f: {  	v10 =	vadd.f32 v0, v2;
	v0 =	vld [tilespmem:s18+$0x350]  }
0xa0: {  	v2 =	vld [tilespmem:s18+$0x2B50]  }
0xa1: {  	v4 =	vadd.f32 v7, v6;
	v6 =	vld [tilespmem:s18+$0x360]  }
0xa2: {  	v11 =	vld [tilespmem:s18+$0x2B60]  }
0xa3: {  	v12 =	vld [tilespmem:s18+$0x5300];
	v3 =	vadd.f32 v1, v3  }
0xa4: {  	v1 =	vld [tilespmem:s18+$0x5310]  }
0xa5: {  	v13 =	vld [tilespmem:s18+$0x5320];
	v2 =	vadd.f32 v2, v0  }
.Ltmp2:
0xa6: {  	v8 =	vld [tilespmem:s18+$0x5330];
	(pc) =	sbr.rel @p2 .LBB2_3-.Ltmp2, $4  }
0xa7: {  	v7 =	vld [tilespmem:s18+$0x5340];
	v0 =	vadd.f32 v11, v6  }
0xa8: {  	v11 =	vadd.f32 v12, v5;
	v6 =	vld [tilespmem:s18+$0x5350]  }
0xa9: {  	s19 =	sshra.s32 s22, $0x2;
	v9 =	vadd.f32 v1, v9;
	v5 =	vld [tilespmem:s18+$0x5360]  }
0xaa: {  	s22 =	sadd.s32 $0x200, s22;
	v1 =	vld [tilespmem:s19+$0x370];
	v11 =	vmax.f32 v11, $0.0e+00;
	v10 =	vadd.f32 v13, v10  }
0xab: {  	v12 =	vld [tilespmem:s19+$0x2B70];
	[tilespmem:s18+$0x7B00] =	vst v11;
	v9 =	vmax.f32 v9, $0.0e+00;
	v4 =	vadd.f32 v8, v4  }
0xac: {  	v11 =	vld [tilespmem:s19+$0x300];
	[tilespmem:s18+$0x7B10] =	vst v9;
	v41 =	vmax.f32 v10, $0.0e+00;
	v3 =	vadd.f32 v7, v3  }
0xad: {  	v9 =	vld [tilespmem:s19+$0x5370];
	[tilespmem:s18+$0x7B20] =	vst v41;
	v4 =	vmax.f32 v4, $0.0e+00;
	v2 =	vadd.f32 v6, v2  }
0xae: {  	v42 =	vld [tilespmem:s19+$0x2B00];
	[tilespmem:s18+$0x7B30] =	vst v4;
	v3 =	vmax.f32 v3, $0.0e+00;
	v0 =	vadd.f32 v5, v0  }
0xaf: {  	v4 =	vld [tilespmem:s19+$0x310];
	[tilespmem:s18+$0x7B40] =	vst v3;
	v2 =	vmax.f32 v2, $0.0e+00  }
0xb0: {  	v3 =	vld [tilespmem:s19+$0x2B10];
	[tilespmem:s18+$0x7B50] =	vst v2;
	v0 =	vmax.f32 v0, $0.0e+00  }
0xb1: {  	v2 =	vld [tilespmem:s19+$0x320];
	[tilespmem:s18+$0x7B60] =	vst v0  }
0xb2: {  	v0 =	vld [tilespmem:s19+$0x2B20]  }
0xb3: {  	v43 =	vld [tilespmem:s19+$0x330]  }
0xb4: {  	v44 =	vld [tilespmem:s19+$0x2B30]  }
0xb5: {  	v8 =	vld [tilespmem:s19+$0x340]  }
0xb6: {  	v45 =	vld [tilespmem:s19+$0x2B40]  }
0xb7: {  	v46 =	vld [tilespmem:s19+$0x350]  }
0xb8: {  	v47 =	vld [tilespmem:s19+$0x2B50]  }
0xb9: {  	v48 =	vld [tilespmem:s19+$0x360]  }
0xba: {  	v13 =	vld [tilespmem:s19+$0x2B60]  }
0xbb: {  	v14 =	vld [tilespmem:s19+$0x5300]  }
0xbc: {  	v15 =	vld [tilespmem:s19+$0x5310]  }
0xbd: {  	v1 =	vadd.f32 v12, v1;
	v16 =	vld [tilespmem:s19+$0x5320]  }
0xbe: {  	v49 =	vld [tilespmem:s19+$0x5330];
	v7 =	vadd.f32 v42, v11  }
0xbf: {  	v1 =	vadd.f32 v9, v1;
	v50 =	vld [tilespmem:s19+$0x5340];
	v3 =	vadd.f32 v3, v4  }
0xc0: {  	v52 =	vld [tilespmem:s19+$0x5350];
	v0 =	vadd.f32 v0, v2;
	v51 =	vadd.f32 v14, v7  }
0xc1: {  	v53 =	vld [tilespmem:s19+$0x5360];
	v1 =	vmax.f32 v1, $0.0e+00;
	v5 =	vadd.f32 v44, v43;
	v3 =	vadd.f32 v15, v3  }
0xc2: {  	[tilespmem:s19+$0x7B70] =	vst v1;
	v1 =	vadd.f32 v45, v8;
	v0 =	vadd.f32 v16, v0;
	v2 =	vmax.f32 v51, $0.0e+00  }
0xc3: {  	v54 =	vadd.f32 v47, v46;
	v55 =	vmax.f32 v3, $0.0e+00;
	v56 =	vadd.f32 v49, v5;
	[tilespmem:s19+$0x7B00] =	vst v2  }
0xc4: {  	p2 =	sne.s32 s15, $0x7C;
	v57 =	vadd.f32 v13, v48;
	v1 =	vadd.f32 v50, v1;
	[tilespmem:s19+$0x7B10] =	vst v55;
	v0 =	vmax.f32 v0, $0.0e+00  }
.Ltmp3:
0xc5: {  	v59 =	vadd.f32 v52, v54;
	v58 =	vmax.f32 v56, $0.0e+00;
	[tilespmem:s19+$0x7B20] =	vst v0;
	(pc) =	sbr.rel @p2 .LBB2_6-.Ltmp3, $4  }
0xc6: {  	v61 =	vadd.f32 v53, v57;
	v60 =	vmax.f32 v1, $0.0e+00;
	[tilespmem:s19+$0x7B30] =	vst v58  }
0xc7: {  	v62 =	vmax.f32 v59, $0.0e+00;
	[tilespmem:s19+$0x7B40] =	vst v60  }
0xc8: {  	v63 =	vmax.f32 v61, $0.0e+00;
	[tilespmem:s19+$0x7B50] =	vst v62  }
0xc9: {  	[tilespmem:s19+$0x7B60] =	vst v63  }
0xca: {  	s18 =	simm.s32 $0x200;
	s19 =	simm.s32 $0x7B00  }
0xcb: {  	[spmem:s1] =	stream.indirect.scatter.add.f32 [tilespmem:s19], [sflag:$0x7], $0x80, s18, s28, $0xb8;
	[tilespmem:$0x1DB80] =	vst v63  }
0xcc: {  	_ =	swait.ge [sflag:s23], $0x1400  }
0xcd: {  	[sflag:s23] =	ssyncset.done $0x0  }
0xce: {  	[sflag:s23] =	ssyncadd.s32 $0xFFFFEC00  }
0xcf: {  	_ =	swait.ge [sflag:s24], $0x1400  }
.Ltmp4:
0xd0: {  	[sflag:s24] =	ssyncset.done $0x0;
	(pc) =	sbr.rel .LBB2_7-.Ltmp4, $4  }
0xd1: {  	[sflag:s24] =	ssyncadd.s32 $0xFFFFEC00  }
0xd2: {  	_ =	swait.ge [sflag:s11], $0x1400  }
0xd3: {  	[sflag:s11] =	ssyncset.done $0x0  }
0xd4: {  	[sflag:s11] =	ssyncadd.s32 $0xFFFFEC00  }
.LBB2_6:
0xd5: {  	s18 =	rddreg [dreg:$0xe]  }
0xd6: {  	s18 =	sadd.s32 s17, s18  }
0xd7: {  	s19 =	sshrl.u32 s18, $0x3  }
0xd8: {  	s22 =	sadd.s32 s7, s19  }
0xd9: {  	[tilespmem:s2], [sflag:$0x9] =	stream.linear.gather [hbm4b:s22+s2], $0x28, $0x38;
	[tilespmem:$0x1DB80] =	vst v63  }
0xda: {  	s19 =	sadd.s32 s8, s19  }
0xdb: {  	[tilespmem:s26], [sflag:$0xB] =	stream.linear.gather [hbm4b:s19+s2], $0x28, $0x38;
	[tilespmem:$0x1DB80] =	vst v63  }
0xdc: {  	s22 =	simm.s32 $0x7B00;
	s19 =	simm.s32 $0x200  }
0xdd: {  	[spmem:s1] =	stream.indirect.scatter.add.f32 [tilespmem:s22], [sflag:$0x7], $0x80, s19, s28, $0xb8;
	[tilespmem:$0x1DB80] =	vst v63  }
0xde: {  	_ =	swait.ge [sflag:s23], $0x1400  }
0xdf: {  	[sflag:s23] =	ssyncset.done $0x0  }
0xe0: {  	[sflag:s23] =	ssyncadd.s32 $0xFFFFEC00  }
0xe1: {  	_ =	swait.ge [sflag:s24], $0x1400  }
0xe2: {  	[sflag:s24] =	ssyncset.done $0x0  }
0xe3: {  	[sflag:s24] =	ssyncadd.s32 $0xFFFFEC00  }
0xe4: {  	_ =	swait.ge [sflag:s11], $0x1400  }
0xe5: {  	[sflag:s11] =	ssyncset.done $0x0  }
0xe6: {  	[sflag:s11] =	ssyncadd.s32 $0xFFFFEC00  }
0xe7: {  	_ =	swait.ge [sflag:s31], $0x28  }
0xe8: {  	[sflag:s31] =	ssyncset.done $0x0  }
0xe9: {  	[sflag:s31] =	ssyncadd.s32 $0xFFFFFFD8  }
0xea: {  	_ =	swait.ge [sflag:s20], $0x28  }
0xeb: {  	[sflag:s20] =	ssyncset.done $0x0  }
0xec: {  	s22 =	simm.s32 $0x300;
	[sflag:s20] =	ssyncadd.s32 $0xFFFFFFD8  }
0xed: {  	[tilespmem:s22], [sflag:$0x1] =	stream.indirect.gather [hbm4b:s3+s28], $0x80, s26, s28, $0xb8;
	[tilespmem:$0x1DB80] =	vst v63  }
.Ltmp5:
0xee: {  	_ = 	snop;
	(pc) =	sbr.rel @p1 .LBB2_8-.Ltmp5, $4  }
0xef: {  	s18 =	sshll.u32 s18, $0x4;
	s22 =	simm.s32 $0x2B00  }
0xf0: {  	[tilespmem:s22], [sflag:$0x3] =	stream.indirect.gather [hbm4b:s4+s28], $0x80, s2, s28, $0xb8;
	[tilespmem:$0x1DB80] =	vst v63  }
0xf1: {  	s18 =	sadd.s32 s5, s18;
	s22 =	simm.s32 $0x5300  }
0xf2: {  	[tilespmem:s22], [sflag:$0x5] =	stream.linear.gather [hbm4b:s18+s2], $0x1400, $0x38;
	[tilespmem:$0x1DB80] =	vst v63  }
.LBB2_7:
0xf3: {  	_ =	swait.ge [sflag:s25], $0x1400  }
0xf4: {  	[sflag:s25] =	ssyncset.done $0x0  }
0xf5: {  	[sflag:s25] =	ssyncadd.s32 $0xFFFFEC00  }
.LBB2_8:
0xf6: {  	v0 =	vld [tilespmem:$0x180]  }
0xf7: {  	v1 =	vld [tilespmem:$0x190]  }
0xf8: {  	v2 =	vld [tilespmem:$0x198];
	_ =	sdelay $0x2  }
0xf9: {  	[tilespmem:$0x280] =	vst v0  }
0xfa: {  	[tilespmem:$0x290] =	vst v1  }
0xfb: {  	s18 =	simm.s32 $0x0;
	[tilespmem:$0x298] =	vst v2  }
0xfc: {  	v0 =	vld [tilespmem:s18+$0x1770]  }
0xfd: {  	v1 =	vld [tilespmem:s18+$0x3F70]  }
0xfe: {  	v2 =	vld [tilespmem:s18+$0x1700]  }
0xff: {  	v3 =	vld [tilespmem:s18+$0x6770]  }
0x100: {  	v4 =	vld [tilespmem:s18+$0x3F00]  }
0x101: {  	v5 =	vld [tilespmem:s18+$0x1710]  }
0x102: {  	v6 =	vld [tilespmem:s18+$0x3F10]  }
0x103: {  	v7 =	vld [tilespmem:s18+$0x3F20]  }
0x104: {  	v9 =	vld [tilespmem:s18+$0x3F30]  }
0x105: {  	v10 =	vld [tilespmem:s18+$0x1740]  }
0x106: {  	v11 =	vld [tilespmem:s18+$0x1750]  }
0x107: {  	v12 =	vld [tilespmem:s18+$0x3F50]  }
0x108: {  	v13 =	vld [tilespmem:s18+$0x1760];
	v0 =	vadd.f32 v1, v0  }
0x109: {  	v14 =	vld [tilespmem:s18+$0x3F60]  }
0x10a: {  	v15 =	vld [tilespmem:s18+$0x6700];
	v0 =	vadd.f32 v3, v0  }
0x10b: {  	v1 =	vld [tilespmem:s18+$0x1720]  }
0x10c: {  	v3 =	vld [tilespmem:s18+$0x1730];
	v0 =	vmax.f32 v0, $0.0e+00  }
0x10d: {  	[tilespmem:s18+$0x8F70] =	vst v0;
	v0 =	vld [tilespmem:s18+$0x3F40]  }
0x10e: {  	v16 =	vld [tilespmem:s18+$0x6710]  }
0x10f: {  	v17 =	vld [tilespmem:s18+$0x6720]  }
0x110: {  	v8 =	vld [tilespmem:s18+$0x6730];
	v2 =	vadd.f32 v4, v2;
	v18 =	vadd.f32 v6, v5  }
0x111: {  	v19 =	vadd.f32 v7, v1;
	v7 =	vld [tilespmem:s18+$0x6740];
	v4 =	vadd.f32 v9, v3  }
0x112: {  	v6 =	vld [tilespmem:s18+$0x6750];
	v3 =	vadd.f32 v0, v10;
	v10 =	vadd.f32 v15, v2  }
0x113: {  	s19 =	simm.s32 $0x80;
	v5 =	vld [tilespmem:s18+$0x6760];
	v9 =	vadd.f32 v16, v18;
	v2 =	vadd.f32 v12, v11  }
0x114: {  	s22 =	simm.s32 $0x400;
	v1 =	vld [tilespmem:s19+$0x1770];
	v0 =	vadd.f32 v14, v13;
	v11 =	vmax.f32 v10, $0.0e+00;
	v10 =	vadd.f32 v17, v19  }
.LBB2_9:
0x115: {  	p1 =	sne.s32 s22, $0x4E00;
	v12 =	vld [tilespmem:s19+$0x3F70];
	[tilespmem:s18+$0x8F00] =	vst v11;
	v9 =	vmax.f32 v9, $0.0e+00;
	v4 =	vadd.f32 v8, v4  }
0x116: {  	v8 =	vld [tilespmem:s19+$0x1700];
	[tilespmem:s18+$0x8F10] =	vst v9;
	v9 =	vmax.f32 v10, $0.0e+00;
	v3 =	vadd.f32 v7, v3  }
0x117: {  	v7 =	vld [tilespmem:s19+$0x6770];
	[tilespmem:s18+$0x8F20] =	vst v9;
	v4 =	vmax.f32 v4, $0.0e+00;
	v2 =	vadd.f32 v6, v2  }
0x118: {  	v6 =	vld [tilespmem:s19+$0x3F00];
	[tilespmem:s18+$0x8F30] =	vst v4;
	v3 =	vmax.f32 v3, $0.0e+00;
	v0 =	vadd.f32 v5, v0  }
0x119: {  	v4 =	vld [tilespmem:s19+$0x1710];
	[tilespmem:s18+$0x8F40] =	vst v3;
	v2 =	vmax.f32 v2, $0.0e+00  }
0x11a: {  	v3 =	vld [tilespmem:s19+$0x3F10];
	v1 =	vadd.f32 v12, v1;
	[tilespmem:s18+$0x8F50] =	vst v2;
	v0 =	vmax.f32 v0, $0.0e+00  }
0x11b: {  	v2 =	vld [tilespmem:s19+$0x1720];
	[tilespmem:s18+$0x8F60] =	vst v0;
	s18 =	smov.u32 s19  }
0x11c: {  	v0 =	vld [tilespmem:s18+$0x3F20];
	v1 =	vadd.f32 v7, v1  }
0x11d: {  	v5 =	vadd.f32 v6, v8;
	v6 =	vld [tilespmem:s18+$0x1730]  }
0x11e: {  	v7 =	vld [tilespmem:s18+$0x3F30];
	v1 =	vmax.f32 v1, $0.0e+00  }
0x11f: {  	v9 =	vadd.f32 v3, v4;
	v3 =	vld [tilespmem:s18+$0x1740];
	[tilespmem:s18+$0x8F70] =	vst v1  }
0x120: {  	v1 =	vld [tilespmem:s18+$0x3F40]  }
0x121: {  	v10 =	vadd.f32 v0, v2;
	v0 =	vld [tilespmem:s18+$0x1750]  }
0x122: {  	v2 =	vld [tilespmem:s18+$0x3F50]  }
0x123: {  	v4 =	vadd.f32 v7, v6;
	v6 =	vld [tilespmem:s18+$0x1760]  }
0x124: {  	v11 =	vld [tilespmem:s18+$0x3F60]  }
0x125: {  	v12 =	vld [tilespmem:s18+$0x6700];
	v3 =	vadd.f32 v1, v3  }
0x126: {  	v1 =	vld [tilespmem:s18+$0x6710]  }
0x127: {  	v13 =	vld [tilespmem:s18+$0x6720];
	v2 =	vadd.f32 v2, v0  }
.Ltmp6:
0x128: {  	v8 =	vld [tilespmem:s18+$0x6730];
	(pc) =	sbr.rel @p1 .LBB2_9-.Ltmp6, $4  }
0x129: {  	v7 =	vld [tilespmem:s18+$0x6740];
	v0 =	vadd.f32 v11, v6  }
0x12a: {  	v11 =	vadd.f32 v12, v5;
	v6 =	vld [tilespmem:s18+$0x6750]  }
0x12b: {  	s19 =	sshra.s32 s22, $0x2;
	v9 =	vadd.f32 v1, v9;
	v5 =	vld [tilespmem:s18+$0x6760]  }
0x12c: {  	s22 =	sadd.s32 $0x200, s22;
	v1 =	vld [tilespmem:s19+$0x1770];
	v11 =	vmax.f32 v11, $0.0e+00;
	v10 =	vadd.f32 v13, v10  }
0x12d: {  	v12 =	vld [tilespmem:s19+$0x3F70];
	[tilespmem:s18+$0x8F00] =	vst v11;
	v9 =	vmax.f32 v9, $0.0e+00;
	v4 =	vadd.f32 v8, v4  }
0x12e: {  	v11 =	vld [tilespmem:s19+$0x1700];
	[tilespmem:s18+$0x8F10] =	vst v9;
	v41 =	vmax.f32 v10, $0.0e+00;
	v3 =	vadd.f32 v7, v3  }
0x12f: {  	v9 =	vld [tilespmem:s19+$0x6770];
	[tilespmem:s18+$0x8F20] =	vst v41;
	v4 =	vmax.f32 v4, $0.0e+00;
	v2 =	vadd.f32 v6, v2  }
0x130: {  	v42 =	vld [tilespmem:s19+$0x3F00];
	[tilespmem:s18+$0x8F30] =	vst v4;
	v3 =	vmax.f32 v3, $0.0e+00;
	v0 =	vadd.f32 v5, v0  }
0x131: {  	v4 =	vld [tilespmem:s19+$0x1710];
	[tilespmem:s18+$0x8F40] =	vst v3;
	v2 =	vmax.f32 v2, $0.0e+00  }
0x132: {  	v3 =	vld [tilespmem:s19+$0x3F10];
	[tilespmem:s18+$0x8F50] =	vst v2;
	v0 =	vmax.f32 v0, $0.0e+00  }
0x133: {  	v2 =	vld [tilespmem:s19+$0x1720];
	[tilespmem:s18+$0x8F60] =	vst v0  }
0x134: {  	v0 =	vld [tilespmem:s19+$0x3F20]  }
0x135: {  	v43 =	vld [tilespmem:s19+$0x1730]  }
0x136: {  	v44 =	vld [tilespmem:s19+$0x3F30]  }
0x137: {  	v8 =	vld [tilespmem:s19+$0x1740]  }
0x138: {  	v45 =	vld [tilespmem:s19+$0x3F40]  }
0x139: {  	v46 =	vld [tilespmem:s19+$0x1750]  }
0x13a: {  	v47 =	vld [tilespmem:s19+$0x3F50]  }
0x13b: {  	v48 =	vld [tilespmem:s19+$0x1760]  }
0x13c: {  	v13 =	vld [tilespmem:s19+$0x3F60]  }
0x13d: {  	v14 =	vld [tilespmem:s19+$0x6700]  }
0x13e: {  	v15 =	vld [tilespmem:s19+$0x6710]  }
0x13f: {  	v1 =	vadd.f32 v12, v1;
	v16 =	vld [tilespmem:s19+$0x6720]  }
0x140: {  	v49 =	vld [tilespmem:s19+$0x6730];
	v7 =	vadd.f32 v42, v11  }
0x141: {  	v1 =	vadd.f32 v9, v1;
	v50 =	vld [tilespmem:s19+$0x6740];
	v3 =	vadd.f32 v3, v4  }
0x142: {  	v52 =	vld [tilespmem:s19+$0x6750];
	v0 =	vadd.f32 v0, v2;
	v51 =	vadd.f32 v14, v7  }
0x143: {  	v53 =	vld [tilespmem:s19+$0x6760];
	v1 =	vmax.f32 v1, $0.0e+00;
	v5 =	vadd.f32 v44, v43;
	v3 =	vadd.f32 v15, v3  }
0x144: {  	[tilespmem:s19+$0x8F70] =	vst v1;
	v1 =	vadd.f32 v45, v8;
	v0 =	vadd.f32 v16, v0;
	v2 =	vmax.f32 v51, $0.0e+00  }
0x145: {  	v54 =	vadd.f32 v47, v46;
	v55 =	vmax.f32 v3, $0.0e+00;
	v56 =	vadd.f32 v49, v5;
	[tilespmem:s19+$0x8F00] =	vst v2  }
0x146: {  	p1 =	seq.s32 s15, $0x7C;
	v57 =	vadd.f32 v13, v48;
	v1 =	vadd.f32 v50, v1;
	[tilespmem:s19+$0x8F10] =	vst v55;
	v0 =	vmax.f32 v0, $0.0e+00  }
.Ltmp7:
0x147: {  	v59 =	vadd.f32 v52, v54;
	v58 =	vmax.f32 v56, $0.0e+00;
	[tilespmem:s19+$0x8F20] =	vst v0;
	(pc) =	sbr.rel @p1 .LBB2_12-.Ltmp7, $4  }
0x148: {  	v61 =	vadd.f32 v53, v57;
	v60 =	vmax.f32 v1, $0.0e+00;
	[tilespmem:s19+$0x8F30] =	vst v58  }
0x149: {  	v62 =	vmax.f32 v59, $0.0e+00;
	[tilespmem:s19+$0x8F40] =	vst v60  }
0x14a: {  	v63 =	vmax.f32 v61, $0.0e+00;
	[tilespmem:s19+$0x8F50] =	vst v62  }
0x14b: {  	[tilespmem:s19+$0x8F60] =	vst v63  }
0x14c: {  	s17 =	sadd.s32 s17, s21  }
0x14d: {  	s17 =	sshrl.u32 s17, $0x3  }
0x14e: {  	s18 =	sadd.s32 s7, s17  }
0x14f: {  	[tilespmem:s0], [sflag:$0xA] =	stream.linear.gather [hbm4b:s18+s2], $0x28, $0x38;
	[tilespmem:$0x1DB80] =	vst v63  }
.Ltmp8:
0x150: {  	_ = 	snop;
	(pc) =	sbr.rel .LBB2_2-.Ltmp8, $4  }
0x151: {  	s17 =	sadd.s32 s8, s17  }
0x152: {  	[tilespmem:s6], [sflag:$0xC] =	stream.linear.gather [hbm4b:s17+s2], $0x28, $0x38;
	[tilespmem:$0x1DB80] =	vst v63  }
0x153: {  	s15 =	sadd.s32 $0x1, s15  }
0x154: {  	[spmem:s1] =	stream.indirect.scatter.add.f32 [tilespmem:s30], [sflag:$0x8], $0x80, s29, s28, $0xb8;
	[tilespmem:$0x1DB80] =	vst v63  }
.LBB2_13:
0x155: {  	_ =	sfence.sel $0x180000  }
0x156: {  	[bflag:$0x0] =	sbarrier.arrive $0xFFFF  }
0x157: {  	_ =	strace $0x90000050  }
0x158: {  	s0 =	stileid.u32;
	[bflag:$0x2] =	sbarrier.arrive $0xFFFF  }
0x159: {  	p0 =	sne.s32 s0, $0x0;
	s0 =	rddreg [dreg:$0x3]  }
0x15a: {  	s0 =	sadd.s32 @!p0 $0x100000, s0  }
0x15b: {  	[sflag:s0] =	ssyncadd.tile.s32 @!p0 $0x1;
	_ =	shalt  }
.Lfunc_end2:
_tile_overlayer_lowered:
.L_overlay_start_2:
0x15c: {  	(tag) =	ssettag $0x2  }
0x15d: {  	s0 =	rddreg [dreg:$0x0];
	s2 =	stileid.u32  }
0x15e: {  	s1 =	rddreg [dreg:$0x1];
	p0 =	sne.s32 s2, $0x0  }
0x15f: {  	s3 =	rddreg [dreg:$0x2];
	[bflag:$0x3] =	sbarrier.arrive $0xFFFF;
	s2 =	simm.s32 @!p0 $0x1C0D  }
0x160: {  	[timem:s3], [sflag:s2] =	dma.local @!p0 [hbm:s0], s1  }
0x161: {  	s0 =	simm.s32 @!p0 $0xD  }
0x162: {  	_ =	swait.ge @!p0 [sflag:s0], s1  }
0x163: {  	s1 =	ssub.s32 @!p0 $0x0, s1;
	[sflag:s0] =	ssyncset.done @!p0 $0x0  }
0x164: {  	[sflag:s0] =	ssyncadd.s32 @!p0 s1  }
0x165: {  	[bflag:$0x3] =	sbarrier.arrive $0xFFFF  }
0x166: {  	_ =	shalt  }

</sc_bundles>
